<compile_context>
chip_gen: v7x
topology: tpu7x:2x2x1
jax: 0.10.2.dev20260603
libtpu: 0.0.44.dev20260713+nightly
codegen_flags: <defaults>
</compile_context>

<pallas_src>
import functools

import jax
import jax.numpy as jnp
from jax import lax
from jax.experimental import pallas as pl
from jax.experimental.pallas import tpu as pltpu
from jax.experimental.pallas import tpu_sc as plsc

N = 10000
E = 320000
D = 128
H = 128
C = 10
NG = 128

NC = 2
NS = 16
NW = NC * NS
EPS = 1e-5

SEGW = 320
ACC_ROWS = NW * SEGW
CAP = 12032
CH = 128
NCAP = CAP // CH
CB = 2000
NCB = E // CB
DCPT = NCB // NW
DEGR = 10016
DTRASH = N
ZROW = N
HPROWS = 11000

_mesh = plsc.VectorSubcoreMesh(
    core_axis_name="c", subcore_axis_name="s", num_cores=NC, num_subcores=NS)



@functools.partial(
    pl.kernel,
    out_type=[
        jax.ShapeDtypeStruct((NW * CAP,), jnp.int32),
        jax.ShapeDtypeStruct((NW * CAP,), jnp.int32),
        jax.ShapeDtypeStruct((NW * DEGR,), jnp.float32),
        jax.ShapeDtypeStruct((NW * 16,), jnp.int32),
    ],
    mesh=_mesh,
    compiler_params=pltpu.CompilerParams(needs_layout_passes=False),
    scratch_types=[
        pltpu.VMEM((CB,), jnp.int32),
        pltpu.VMEM((CB,), jnp.int32),
        pltpu.VMEM((CAP + 16,), jnp.int32),
        pltpu.VMEM((CAP + 16,), jnp.int32),
        pltpu.VMEM((DEGR,), jnp.float32),
        pltpu.VMEM((16,), jnp.int32),
    ],
)
def _sc_preprocess(row_hbm, col_hbm, fsrc_hbm, fdst_hbm, zdeg_hbm,
                   osrc_hbm, odst_hbm, degp_hbm, ccnt_hbm,
                   src_v, dst_v, osrc_v, odst_v, hist_v, cnt_v):
    cidx = lax.axis_index("c")
    sidx = lax.axis_index("s")
    w = sidx * NC + cidx
    lo = w * SEGW

    pltpu.sync_copy(fsrc_hbm, osrc_v)
    pltpu.sync_copy(fdst_hbm, odst_v)
    pltpu.sync_copy(zdeg_hbm, hist_v)

    ones16 = jnp.ones((16,), jnp.float32)

    def scan_chunk(ci, cnt):
        base = ci * CB
        pltpu.sync_copy(row_hbm.at[pl.ds(base, CB)], src_v)
        pltpu.sync_copy(col_hbm.at[pl.ds(base, CB)], dst_v)

        @pl.when(jnp.logical_and(ci >= w * DCPT, ci < (w + 1) * DCPT))
        def _():
            def dvec(j, carry):
                off = pl.multiple_of(j * 16, 16)
                sv = src_v[pl.ds(off, 16)]
                dv = dst_v[pl.ds(off, 16)]
                idx = jnp.where(sv != dv, sv, DTRASH)
                plsc.addupdate_scatter(hist_v, [idx],
                                       jnp.ones((16,), jnp.float32))
                return carry

            lax.fori_loop(0, CB // 16, dvec, 0)

        def cvec(j, cnt2):
            off = pl.multiple_of(j * 16, 16)
            sv = src_v[pl.ds(off, 16)]
            dv = dst_v[pl.ds(off, 16)]
            local = dv - lo
            owned = jnp.logical_and(
                sv != dv,
                jnp.logical_and(local >= 0, local < SEGW))
            plsc.store_compressed(osrc_v.at[pl.ds(cnt2, 16)], sv, mask=owned)
            plsc.store_compressed(odst_v.at[pl.ds(cnt2, 16)], local, mask=owned)
            cnt2 = cnt2 + jnp.sum(owned.astype(jnp.int32))
            return jnp.minimum(cnt2, CAP)

        return lax.fori_loop(0, CB // 16, cvec, cnt)

    total = lax.fori_loop(0, NCB, scan_chunk, jnp.int32(0))

    pltpu.sync_copy(osrc_v.at[pl.ds(0, CAP)], osrc_hbm.at[pl.ds(w * CAP, CAP)])
    pltpu.sync_copy(odst_v.at[pl.ds(0, CAP)], odst_hbm.at[pl.ds(w * CAP, CAP)])
    pltpu.sync_copy(hist_v, degp_hbm.at[pl.ds(w * DEGR, DEGR)])
    cnt_v[pl.ds(0, 16)] = jnp.full((16,), (total + CH - 1) // CH, jnp.int32)
    pltpu.sync_copy(cnt_v, ccnt_hbm.at[pl.ds(w * 16, 16)])


@functools.partial(
    pl.kernel,
    out_type=jax.ShapeDtypeStruct((ACC_ROWS, H), jnp.float32),
    mesh=_mesh,
    compiler_params=pltpu.CompilerParams(needs_layout_passes=False),
    scratch_types=[
        pltpu.VMEM((CH,), jnp.int32),
        pltpu.VMEM((CH + 16,), jnp.int32),
        pltpu.VMEM((CH, H), jnp.float32),
        pltpu.VMEM((CH,), jnp.int32),
        pltpu.VMEM((CH + 16,), jnp.int32),
        pltpu.VMEM((CH, H), jnp.float32),
        pltpu.VMEM((SEGW, H), jnp.float32),
        pltpu.VMEM((16,), jnp.int32),
        pltpu.SemaphoreType.DMA,
        pltpu.SemaphoreType.DMA,
    ],
)
def _sc_scatter(hp_hbm, osrc_hbm, odst_hbm, ccnt_hbm, zeros_hbm, acc_hbm,
                src_a, dst_a, rows_a, src_b, dst_b, rows_b, acc, cnt_v,
                sem_a, sem_b):
    cidx = lax.axis_index("c")
    sidx = lax.axis_index("s")
    w = sidx * NC + cidx
    ebase = w * CAP

    pltpu.sync_copy(zeros_hbm, acc)
    pltpu.sync_copy(ccnt_hbm.at[pl.ds(w * 16, 16)], cnt_v)
    nch = cnt_v[pl.ds(0, 16)][0]

    def issue(it, src_v, dst_v, rows_v, sem):
        base = ebase + it * CH
        pltpu.sync_copy(osrc_hbm.at[pl.ds(base, CH)], src_v)
        pltpu.sync_copy(odst_hbm.at[pl.ds(base, CH)], dst_v.at[pl.ds(0, CH)])
        return pltpu.async_copy(hp_hbm.at[src_v], rows_v, sem)

    def accumulate(dst_v, rows_v):
        def edge(e, carry2):
            r = dst_v[pl.ds(e, 16)][0]
            for j in range(H // 16):
                cs = pl.ds(j * 16, 16)
                acc[r, cs] += rows_v[e, cs]
            return carry2

        lax.fori_loop(0, CH, edge, 0)

    def pair(i2, carry):
        da = issue(i2 * 2, src_a, dst_a, rows_a, sem_a)
        db = issue(i2 * 2 + 1, src_b, dst_b, rows_b, sem_b)
        da.wait()
        accumulate(dst_a, rows_a)
        db.wait()
        accumulate(dst_b, rows_b)
        return carry

    lax.fori_loop(0, nch // 2, pair, 0)

    @pl.when(nch % 2 == 1)
    def _():
        issue(nch - 1, src_a, dst_a, rows_a, sem_a).wait()
        accumulate(dst_a, rows_a)

    pltpu.sync_copy(acc, acc_hbm.at[pl.ds(w * SEGW, SEGW)])



_RB = 1000
_NBLK = N // _RB
_HPBLK = HPROWS // _RB


def _stats_body(x_ref, g_ref, b_ref, scale_ref, shift_ref, s_acc, ss_acc):
    i = pl.program_id(0)
    xb = x_ref[...]
    ps = jnp.sum(xb, axis=0, keepdims=True)
    pss = jnp.sum(xb * xb, axis=0, keepdims=True)

    @pl.when(i == 0)
    def _():
        s_acc[...] = ps
        ss_acc[...] = pss

    @pl.when(i > 0)
    def _():
        s_acc[...] += ps
        ss_acc[...] += pss

    @pl.when(i == _NBLK - 1)
    def _():
        m = s_acc[...] * (1.0 / N)
        v = ss_acc[...] * (1.0 / N) - m * m
        sc = g_ref[...] * lax.rsqrt(v + EPS)
        scale_ref[...] = sc
        shift_ref[...] = b_ref[...] - m * sc


def _bn_stats(x, g, b):
    return pl.pallas_call(
        _stats_body,
        grid=(_NBLK,),
        in_specs=[
            pl.BlockSpec((_RB, D), lambda i: (i, 0)),
            pl.BlockSpec((1, D), lambda i: (0, 0)),
            pl.BlockSpec((1, D), lambda i: (0, 0)),
        ],
        out_specs=[
            pl.BlockSpec((1, D), lambda i: (0, 0)),
            pl.BlockSpec((1, D), lambda i: (0, 0)),
        ],
        out_shape=[
            jax.ShapeDtypeStruct((1, D), jnp.float32),
            jax.ShapeDtypeStruct((1, D), jnp.float32),
        ],
        scratch_shapes=[
            pltpu.VMEM((1, D), jnp.float32),
            pltpu.VMEM((1, D), jnp.float32),
        ],
    )(x, g.reshape(1, D), b.reshape(1, D))


def _mm_relu_body(x_ref, sc_ref, sh_ref, w_ref, o_ref):
    t = x_ref[...] * sc_ref[...] + sh_ref[...]
    t = jnp.dot(t, w_ref[...], preferred_element_type=jnp.float32)
    o_ref[...] = jnp.maximum(t, 0.0)


def _mm_dis_body(x_ref, sc_ref, sh_ref, w_ref, dis_ref, o_ref):
    i = pl.program_id(0)
    t = x_ref[...] * sc_ref[...] + sh_ref[...]
    t = jnp.dot(t, w_ref[...], preferred_element_type=jnp.float32)
    t = t * dis_ref[...]
    o_ref[...] = jnp.where(i < _NBLK, t, 0.0)


def _bn_mm_relu(x, scale, shift, w):
    return pl.pallas_call(
        _mm_relu_body,
        grid=(_NBLK,),
        in_specs=[
            pl.BlockSpec((_RB, D), lambda i: (i, 0)),
            pl.BlockSpec((1, D), lambda i: (0, 0)),
            pl.BlockSpec((1, D), lambda i: (0, 0)),
            pl.BlockSpec((D, H), lambda i: (0, 0)),
        ],
        out_specs=pl.BlockSpec((_RB, H), lambda i: (i, 0)),
        out_shape=jax.ShapeDtypeStruct((N, H), jnp.float32),
    )(x, scale, shift, w)


def _bn_mm_dis(x, scale, shift, w, dis):
    clamp = lambda i: (jnp.minimum(i, _NBLK - 1), 0)
    return pl.pallas_call(
        _mm_dis_body,
        grid=(_HPBLK,),
        in_specs=[
            pl.BlockSpec((_RB, D), clamp),
            pl.BlockSpec((1, D), lambda i: (0, 0)),
            pl.BlockSpec((1, D), lambda i: (0, 0)),
            pl.BlockSpec((D, H), lambda i: (0, 0)),
            pl.BlockSpec((_RB, 1), clamp),
        ],
        out_specs=pl.BlockSpec((_RB, H), lambda i: (i, 0)),
        out_shape=jax.ShapeDtypeStruct((HPROWS, H), jnp.float32),
    )(x, scale, shift, w, dis)


def _dis_body(degp_ref, dis_ref):
    d = degp_ref[...]
    deg = 1.0 + jnp.sum(d, axis=1, keepdims=True)
    dis_ref[...] = lax.rsqrt(deg)


def _compute_dis(degp_t):
    return pl.pallas_call(
        _dis_body,
        grid=(_NBLK,),
        in_specs=[pl.BlockSpec((_RB, NW), lambda i: (i, 0))],
        out_specs=pl.BlockSpec((_RB, 1), lambda i: (i, 0)),
        out_shape=jax.ShapeDtypeStruct((N, 1), jnp.float32),
    )(degp_t)


def _epi_body(acc_ref, hp_ref, dis_ref, b_ref, o_ref):
    t = (acc_ref[...] + hp_ref[...]) * dis_ref[...] + b_ref[...]
    o_ref[...] = jnp.maximum(t, 0.0)


def _epilogue(acc, hp, dis, b):
    return pl.pallas_call(
        _epi_body,
        grid=(_NBLK,),
        in_specs=[
            pl.BlockSpec((_RB, H), lambda i: (i, 0)),
            pl.BlockSpec((_RB, H), lambda i: (i, 0)),
            pl.BlockSpec((_RB, 1), lambda i: (i, 0)),
            pl.BlockSpec((1, H), lambda i: (0, 0)),
        ],
        out_specs=pl.BlockSpec((_RB, H), lambda i: (i, 0)),
        out_shape=jax.ShapeDtypeStruct((N, H), jnp.float32),
    )(acc, hp, dis, b.reshape(1, H))


def _pool_body(batch_ref, x_ref, o_ref):
    i = pl.program_id(0)
    b = batch_ref[...][0]
    gids = lax.broadcasted_iota(jnp.int32, (NG, 1), 0)
    onehot = (b == gids).astype(jnp.float32)
    contrib = jnp.dot(onehot, x_ref[...], preferred_element_type=jnp.float32)

    @pl.when(i == 0)
    def _():
        o_ref[...] = contrib

    @pl.when(i > 0)
    def _():
        o_ref[...] += contrib


def _pool(x, batch):
    batch3 = batch.reshape(_NBLK, 1, _RB)
    return pl.pallas_call(
        _pool_body,
        grid=(_NBLK,),
        in_specs=[
            pl.BlockSpec((1, 1, _RB), lambda i: (i, 0, 0)),
            pl.BlockSpec((_RB, H), lambda i: (i, 0)),
        ],
        out_specs=pl.BlockSpec((NG, H), lambda i: (0, 0)),
        out_shape=jax.ShapeDtypeStruct((NG, H), jnp.float32),
    )(batch3, x)


def _head_body(p_ref, g1_ref, b1_ref, wl_ref, bl_ref, g2_ref, b2_ref,
               wc_ref, bc_ref, o_ref):
    p = p_ref[...]
    m = jnp.mean(p, axis=0, keepdims=True)
    v = jnp.mean(p * p, axis=0, keepdims=True) - m * m
    t = g1_ref[...] * (p - m) * lax.rsqrt(v + EPS) + b1_ref[...]
    t = jnp.dot(t, wl_ref[...], preferred_element_type=jnp.float32)
    t = jnp.maximum(t + bl_ref[...], 0.0)
    m2 = jnp.mean(t, axis=0, keepdims=True)
    v2 = jnp.mean(t * t, axis=0, keepdims=True) - m2 * m2
    t = g2_ref[...] * (t - m2) * lax.rsqrt(v2 + EPS) + b2_ref[...]
    o_ref[...] = jnp.dot(t, wc_ref[...],
                         preferred_element_type=jnp.float32) + bc_ref[...]


def _head(pooled, p):
    wc = jnp.pad(p['W_cls'], ((0, 0), (0, H - C)))
    bc = jnp.pad(p['b_cls'], (0, H - C)).reshape(1, H)
    vec = pl.BlockSpec((1, H), lambda: (0, 0))
    mat = pl.BlockSpec((H, H), lambda: (0, 0))
    out = pl.pallas_call(
        _head_body,
        in_specs=[pl.BlockSpec((NG, H), lambda: (0, 0)),
                  vec, vec, mat, vec, vec, vec, mat, vec],
        out_specs=pl.BlockSpec((NG, H), lambda: (0, 0)),
        out_shape=jax.ShapeDtypeStruct((NG, H), jnp.float32),
    )(pooled, p['bn_fc_g'].reshape(1, H), p['bn_fc_b'].reshape(1, H),
      p['W_lin'], p['b_lin'].reshape(1, H),
      p['bn_h_g'].reshape(1, H), p['bn_h_b'].reshape(1, H), wc, bc)
    return out[:, :C]



@jax.jit
def kernel(x, edge_index, batch, params):
    p = params
    row = edge_index[0]
    col = edge_index[1]

    fsrc = jnp.full((CAP + 16,), ZROW, jnp.int32)
    fdst = jnp.zeros((CAP + 16,), jnp.int32)
    zdeg = jnp.zeros((DEGR,), jnp.float32)
    zacc = jnp.zeros((SEGW, H), jnp.float32)

    osrc, odst, degp, ccnt = _sc_preprocess(row, col, fsrc, fdst, zdeg)
    dis = _compute_dis(degp.reshape(NW, DEGR).T)

    scale, shift = _bn_stats(x, p['bn_feat_g'], p['bn_feat_b'])
    xi = _bn_mm_relu(x, scale, shift, p['W_feat'])

    for i in range(3):
        scale, shift = _bn_stats(xi, p['bn%d_g' % i], p['bn%d_b' % i])
        hp = _bn_mm_dis(xi, scale, shift, p['W%d' % i], dis)
        acc = _sc_scatter(hp, osrc, odst, ccnt, zacc)
        xi = _epilogue(acc, hp, dis, p['b%d' % i])

    pooled = _pool(xi, batch)
    return _head(pooled, params)

# --- scband reference (transcript-rebuilt; emitter-appended) ---
"""Pipeline reference for scband-gcnnet-67147518705920 (READ-ONLY COPY).

The authoritative reference and input builder live on the scoring server;
editing this copy changes nothing except your own understanding.
"""

import jax, jax.numpy as jnp
import numpy as np

N = 10000
E = 320000
D = 128
H = 128
C = 10
NG = 128


def batch_norm(x, g, b, eps=1e-5):
    m = jnp.mean(x, axis=0)
    v = jnp.var(x, axis=0)
    return g * (x - m) / jnp.sqrt(v + eps) + b


def gcn_norm(edge_index, num_nodes):
    row, col = edge_index[0], edge_index[1]
    mask = row != col
    loop = jnp.arange(num_nodes, dtype=row.dtype)
    row = jnp.concatenate([row, loop])
    col = jnp.concatenate([col, loop])
    ew = jnp.concatenate([
        mask.astype(jnp.float32),
        jnp.ones(num_nodes, dtype=jnp.float32),
    ])
    deg = jnp.zeros((num_nodes,), jnp.float32).at[row].add(ew)
    dis = deg ** -0.5
    dis = jnp.where(jnp.isinf(dis), 0.0, dis)
    norm = dis[row] * ew * dis[col]
    return row, col, norm


def setup_inputs(seed: int = 0):
    key = jax.random.key(seed)
    ks = jax.random.split(key, 16)
    x = jax.random.normal(ks[0], (N, D), dtype=jnp.float32)
    edge_index = jax.random.randint(ks[1], (2, E), 0, N, dtype=jnp.int32)
    batch = jnp.sort(jax.random.randint(ks[2], (N,), 0, NG, dtype=jnp.int32))
    s = 1.0 / np.sqrt(D)
    params = {
        'bn_feat_g': jnp.ones((D,), jnp.float32),
        'bn_feat_b': jnp.full((D,), 1e-4, jnp.float32),
        'W_feat': jax.random.normal(ks[3], (D, H), jnp.float32) * s,
    }
    for i in range(3):
        params['bn%d_g' % i] = jnp.ones((H,), jnp.float32)
        params['bn%d_b' % i] = jnp.full((H,), 1e-4, jnp.float32)
        params['W%d' % i] = jax.random.normal(ks[4 + i], (H, H), jnp.float32) * s
        params['b%d' % i] = jnp.zeros((H,), jnp.float32)
    params['bn_fc_g'] = jnp.ones((H,), jnp.float32)
    params['bn_fc_b'] = jnp.full((H,), 1e-4, jnp.float32)
    params['W_lin'] = jax.random.normal(ks[8], (H, H), jnp.float32) * s
    params['b_lin'] = jnp.zeros((H,), jnp.float32)
    params['bn_h_g'] = jnp.ones((H,), jnp.float32)
    params['bn_h_b'] = jnp.full((H,), 1e-4, jnp.float32)
    params['W_cls'] = jax.random.normal(ks[9], (H, C), jnp.float32) * s
    params['b_cls'] = jnp.zeros((C,), jnp.float32)
    return {'x': x, 'edge_index': edge_index, 'batch': batch, 'params': params}


def _forward(x, params, row, col, norm, batch, num_graphs):
    p = params
    x = batch_norm(x, p['bn_feat_g'], p['bn_feat_b'])
    x = jax.nn.relu(x @ p['W_feat'])
    for i in range(3):
        x = batch_norm(x, p['bn%d_g' % i], p['bn%d_b' % i])
        h = x @ p['W%d' % i]
        msgs = norm[:, None] * h[row]
        h = jnp.zeros_like(h).at[col].add(msgs) + p['b%d' % i]
        x = jax.nn.relu(h)
    x = jax.ops.segment_sum(x, batch, num_segments=num_graphs)
    x = batch_norm(x, p['bn_fc_g'], p['bn_fc_b'])
    x = jax.nn.relu(x @ p['W_lin'] + p['b_lin'])
    x = batch_norm(x, p['bn_h_g'], p['bn_h_b'])
    return x @ p['W_cls'] + p['b_cls']


def reference(x, edge_index, batch, params):
    row, col, norm = gcn_norm(edge_index, x.shape[0])
    num_graphs = NG
    return _forward(x, params, row, col, norm, batch, num_graphs)

if __name__ == "__main__":
    import jax
    _d = setup_inputs()
    print(jax.jit(kernel)(*tuple(_d.values())))

</pallas_src>

<mosaic_0001>
#map = affine_map<(d0, d1) -> (0)>
module attributes {stable_mosaic.version = 14 : i64} {
  func.func @_sc_preprocess(%arg0: i32, %arg1: i32, %arg2: memref<320000xi32, #tpu.memory_space<hbm>>, %arg3: memref<320000xi32, #tpu.memory_space<hbm>>, %arg4: memref<12048xi32, #tpu.memory_space<hbm>>, %arg5: memref<12048xi32, #tpu.memory_space<hbm>>, %arg6: memref<10016xf32, #tpu.memory_space<hbm>>, %arg7: memref<385024xi32, #tpu.memory_space<hbm>>, %arg8: memref<385024xi32, #tpu.memory_space<hbm>>, %arg9: memref<320512xf32, #tpu.memory_space<hbm>>, %arg10: memref<512xi32, #tpu.memory_space<hbm>>, %arg11: memref<2000xi32, #tpu.memory_space<vmem>>, %arg12: memref<2000xi32, #tpu.memory_space<vmem>>, %arg13: memref<12048xi32, #tpu.memory_space<vmem>>, %arg14: memref<12048xi32, #tpu.memory_space<vmem>>, %arg15: memref<10016xf32, #tpu.memory_space<vmem>>, %arg16: memref<16xi32, #tpu.memory_space<vmem>>) attributes {dimension_semantics = [#tpu.dimension_semantics<core_parallel>, #tpu.dimension_semantics<subcore_parallel>], iteration_bounds = array<i64: 2, 16>, scalar_prefetch = 0 : i64, scratch_operands = 6 : i64, tpu.core_type = #tpu.core_type<sc_vector_subcore>, window_params = [{transform_indices = #map}, {transform_indices = #map}, {transform_indices = #map}, {transform_indices = #map}, {transform_indices = #map}, {transform_indices = #map}, {transform_indices = #map}, {transform_indices = #map}, {transform_indices = #map}]} {
    %mul3A = arith.constant 2 : i32
    %mul3A_0 = arith.muli %arg1, %mul3A : i32
    %add3A = arith.addi %mul3A_0, %arg0 : i32
    %mul3A_1 = arith.constant 320 : i32
    %mul3A_2 = arith.muli %add3A, %mul3A_1 : i32
    "tpu.region"() ({
      %run_scoped3A = tpu.sem_alloc : memref<!tpu.dma_semaphore, #tpu.memory_space<semaphore_mem>>
      tpu.enqueue_dma source(%arg4 : memref<12048xi32, #tpu.memory_space<hbm>>) target(%arg13 : memref<12048xi32, #tpu.memory_space<vmem>>) target_semaphore(%run_scoped3A : memref<!tpu.dma_semaphore, #tpu.memory_space<semaphore_mem>>)
      tpu.wait_dma2 semaphore(%run_scoped3A : memref<!tpu.dma_semaphore, #tpu.memory_space<semaphore_mem>>) src(%arg4 : memref<12048xi32, #tpu.memory_space<hbm>>) dst(%arg13 : memref<12048xi32, #tpu.memory_space<vmem>>)
      tpu.yield
    }) : () -> ()
    "tpu.region"() ({
      %run_scoped3A = tpu.sem_alloc : memref<!tpu.dma_semaphore, #tpu.memory_space<semaphore_mem>>
      tpu.enqueue_dma source(%arg5 : memref<12048xi32, #tpu.memory_space<hbm>>) target(%arg14 : memref<12048xi32, #tpu.memory_space<vmem>>) target_semaphore(%run_scoped3A : memref<!tpu.dma_semaphore, #tpu.memory_space<semaphore_mem>>)
      tpu.wait_dma2 semaphore(%run_scoped3A : memref<!tpu.dma_semaphore, #tpu.memory_space<semaphore_mem>>) src(%arg5 : memref<12048xi32, #tpu.memory_space<hbm>>) dst(%arg14 : memref<12048xi32, #tpu.memory_space<vmem>>)
      tpu.yield
    }) : () -> ()
    "tpu.region"() ({
      %run_scoped3A = tpu.sem_alloc : memref<!tpu.dma_semaphore, #tpu.memory_space<semaphore_mem>>
      tpu.enqueue_dma source(%arg6 : memref<10016xf32, #tpu.memory_space<hbm>>) target(%arg15 : memref<10016xf32, #tpu.memory_space<vmem>>) target_semaphore(%run_scoped3A : memref<!tpu.dma_semaphore, #tpu.memory_space<semaphore_mem>>)
      tpu.wait_dma2 semaphore(%run_scoped3A : memref<!tpu.dma_semaphore, #tpu.memory_space<semaphore_mem>>) src(%arg6 : memref<10016xf32, #tpu.memory_space<hbm>>) dst(%arg15 : memref<10016xf32, #tpu.memory_space<vmem>>)
      tpu.yield
    }) : () -> ()
    %broadcast_in_dim3A = arith.constant 1.000000e+00 : f32
    %broadcast_in_dim3A_3 = vector.broadcast %broadcast_in_dim3A : f32 to vector<16xf32>
    %scan3A = arith.constant 0 : i32
    %scan3A_4 = arith.constant 0 : i32
    %scan3A_5 = arith.constant 160 : i32
    %scan3A_6 = arith.addi %scan3A_4, %scan3A_5 : i32
    %scan3A_7 = arith.constant 1 : i32
    %scan3A_8 = scf.for %scan3A_40 = %scan3A_4 to %scan3A_6 step %scan3A_7 iter_args(%scan3A_41 = %scan3A) -> (i32)  : i32 {
      %mul3A_42 = arith.constant 2000 : i32
      %mul3A_43 = arith.muli %scan3A_40, %mul3A_42 : i32
      "tpu.region"() ({
        %run_scoped3A = tpu.sem_alloc : memref<!tpu.dma_semaphore, #tpu.memory_space<semaphore_mem>>
        %dma_start3A = tpu.memref_slice %arg2[%mul3A_43] : memref<320000xi32, #tpu.memory_space<hbm>> -> memref<2000xi32, #tpu.memory_space<hbm>>
        %dma_start3A_58 = tpu.memref_slice %arg2[%mul3A_43] : memref<320000xi32, #tpu.memory_space<hbm>> -> memref<2000xi32, #tpu.memory_space<hbm>>
        tpu.enqueue_dma source(%dma_start3A_58 : memref<2000xi32, #tpu.memory_space<hbm>>) target(%arg11 : memref<2000xi32, #tpu.memory_space<vmem>>) target_semaphore(%run_scoped3A : memref<!tpu.dma_semaphore, #tpu.memory_space<semaphore_mem>>)
        %dma_wait3A = tpu.memref_slice %arg2[%mul3A_43] : memref<320000xi32, #tpu.memory_space<hbm>> -> memref<2000xi32, #tpu.memory_space<hbm>>
        %dma_wait3A_59 = tpu.memref_slice %arg2[%mul3A_43] : memref<320000xi32, #tpu.memory_space<hbm>> -> memref<2000xi32, #tpu.memory_space<hbm>>
        tpu.wait_dma2 semaphore(%run_scoped3A : memref<!tpu.dma_semaphore, #tpu.memory_space<semaphore_mem>>) src(%dma_wait3A_59 : memref<2000xi32, #tpu.memory_space<hbm>>) dst(%arg11 : memref<2000xi32, #tpu.memory_space<vmem>>)
        tpu.yield
      }) : () -> ()
      "tpu.region"() ({
        %run_scoped3A = tpu.sem_alloc : memref<!tpu.dma_semaphore, #tpu.memory_space<semaphore_mem>>
        %dma_start3A = tpu.memref_slice %arg3[%mul3A_43] : memref<320000xi32, #tpu.memory_space<hbm>> -> memref<2000xi32, #tpu.memory_space<hbm>>
        %dma_start3A_58 = tpu.memref_slice %arg3[%mul3A_43] : memref<320000xi32, #tpu.memory_space<hbm>> -> memref<2000xi32, #tpu.memory_space<hbm>>
        tpu.enqueue_dma source(%dma_start3A_58 : memref<2000xi32, #tpu.memory_space<hbm>>) target(%arg12 : memref<2000xi32, #tpu.memory_space<vmem>>) target_semaphore(%run_scoped3A : memref<!tpu.dma_semaphore, #tpu.memory_space<semaphore_mem>>)
        %dma_wait3A = tpu.memref_slice %arg3[%mul3A_43] : memref<320000xi32, #tpu.memory_space<hbm>> -> memref<2000xi32, #tpu.memory_space<hbm>>
        %dma_wait3A_59 = tpu.memref_slice %arg3[%mul3A_43] : memref<320000xi32, #tpu.memory_space<hbm>> -> memref<2000xi32, #tpu.memory_space<hbm>>
        tpu.wait_dma2 semaphore(%run_scoped3A : memref<!tpu.dma_semaphore, #tpu.memory_space<semaphore_mem>>) src(%dma_wait3A_59 : memref<2000xi32, #tpu.memory_space<hbm>>) dst(%arg12 : memref<2000xi32, #tpu.memory_space<vmem>>)
        tpu.yield
      }) : () -> ()
      %mul3A_44 = arith.constant 5 : i32
      %mul3A_45 = arith.muli %add3A, %mul3A_44 : i32
      %ge3A = arith.cmpi sge, %scan3A_40, %mul3A_45 : i32
      %add3A_46 = arith.constant 1 : i32
      %add3A_47 = arith.addi %add3A, %add3A_46 : i32
      %mul3A_48 = arith.constant 5 : i32
      %mul3A_49 = arith.muli %add3A_47, %mul3A_48 : i32
      %lt3A = arith.cmpi slt, %scan3A_40, %mul3A_49 : i32
      %and3A_50 = arith.andi %ge3A, %lt3A : i1
      %convert_element_type3A = arith.extui %and3A_50 : i1 to i32
      %cond3A = arith.constant 0 : i32
      %cond3A_51 = arith.cmpi ne, %convert_element_type3A, %cond3A : i32
      scf.if %cond3A_51 {
        %scan3A_58 = arith.constant 0 : i32
        %scan3A_59 = arith.constant 0 : i32
        %scan3A_60 = arith.constant 125 : i32
        %scan3A_61 = arith.addi %scan3A_59, %scan3A_60 : i32
        %scan3A_62 = arith.constant 1 : i32
        scf.for %scan3A_64 = %scan3A_59 to %scan3A_61 step %scan3A_62  : i32 {
          %mul3A_65 = arith.constant 16 : i32
          %mul3A_66 = arith.muli %scan3A_64, %mul3A_65 : i32
          %multiple_of3A = tpu.assume_multiple %mul3A_66, 16 : i32
          %get3A = arith.index_cast %multiple_of3A : i32 to index
          %get3A_67 = tpu.vector_load %arg11[%get3A] {strides = array<i32>} : memref<2000xi32, #tpu.memory_space<vmem>>, vector<16xi32>,
          %get3A_68 = arith.index_cast %multiple_of3A : i32 to index
          %get3A_69 = tpu.vector_load %arg12[%get3A_68] {strides = array<i32>} : memref<2000xi32, #tpu.memory_space<vmem>>, vector<16xi32>,
          %ne3A_70 = arith.cmpi ne, %get3A_67, %get3A_69 : vector<16xi32>
          %jit3A_71 = arith.constant 10000 : i32
          %broadcast_in_dim3A_72 = vector.broadcast %jit3A_71 : i32 to vector<16xi32>
          %select_n3A_73 = arith.select %ne3A_70, %get3A_67, %broadcast_in_dim3A_72 : vector<16xi1>, vector<16xi32>
          %broadcast_in_dim3A_74 = arith.constant 1.000000e+00 : f32
          %broadcast_in_dim3A_75 = vector.broadcast %broadcast_in_dim3A_74 : f32 to vector<16xf32>
          tpu.vector_store_idx %arg15[%select_n3A_73], %broadcast_in_dim3A_75 {add = true} : memref<10016xf32, #tpu.memory_space<vmem>>[vector<16xi32>], vector<16xf32>,
        }
        %scan3A_63 = arith.constant 125 : i32
      } else {
      }
      %scan3A_52 = arith.constant 0 : i32
      %scan3A_53 = arith.constant 125 : i32
      %scan3A_54 = arith.addi %scan3A_52, %scan3A_53 : i32
      %scan3A_55 = arith.constant 1 : i32
      %scan3A_56 = scf.for %scan3A_58 = %scan3A_52 to %scan3A_54 step %scan3A_55 iter_args(%scan3A_59 = %scan3A_41) -> (i32)  : i32 {
        %mul3A_60 = arith.constant 16 : i32
        %mul3A_61 = arith.muli %scan3A_58, %mul3A_60 : i32
        %multiple_of3A = tpu.assume_multiple %mul3A_61, 16 : i32
        %get3A = arith.index_cast %multiple_of3A : i32 to index
        %get3A_62 = tpu.vector_load %arg11[%get3A] {strides = array<i32>} : memref<2000xi32, #tpu.memory_space<vmem>>, vector<16xi32>,
        %get3A_63 = arith.index_cast %multiple_of3A : i32 to index
        %get3A_64 = tpu.vector_load %arg12[%get3A_63] {strides = array<i32>} : memref<2000xi32, #tpu.memory_space<vmem>>, vector<16xi32>,
        %sub3A_65 = vector.broadcast %mul3A_2 : i32 to vector<16xi32>
        %sub3A_66 = arith.subi %get3A_64, %sub3A_65 : vector<16xi32>
        %ne3A_67 = arith.cmpi ne, %get3A_62, %get3A_64 : vector<16xi32>
        %ge3A_68 = arith.constant 0 : i32
        %ge3A_69 = vector.broadcast %ge3A_68 : i32 to vector<16xi32>
        %ge3A_70 = arith.cmpi sge, %sub3A_66, %ge3A_69 : vector<16xi32>
        %lt3A_71 = arith.constant 320 : i32
        %lt3A_72 = vector.broadcast %lt3A_71 : i32 to vector<16xi32>
        %lt3A_73 = arith.cmpi slt, %sub3A_66, %lt3A_72 : vector<16xi32>
        %and3A_74 = arith.andi %ge3A_70, %lt3A_73 : vector<16xi1>
        %and3A_75 = arith.andi %ne3A_67, %and3A_74 : vector<16xi1>
        %swap3A_76 = arith.index_cast %scan3A_59 : i32 to index
        %swap3A_77 = tpu.vector_load %arg13[%swap3A_76] masked %and3A_75 {strides = array<i32>} : memref<12048xi32, #tpu.memory_space<vmem>>, vector<16xi32>, vector<16xi1>
        tpu.vector_store %arg13[%swap3A_76], %get3A_62 masked %and3A_75 {strides = array<i32>} : memref<12048xi32, #tpu.memory_space<vmem>>, vector<16xi32>, vector<16xi1>
        %swap3A_78 = arith.index_cast %scan3A_59 : i32 to index
        %swap3A_79 = tpu.vector_load %arg14[%swap3A_78] masked %and3A_75 {strides = array<i32>} : memref<12048xi32, #tpu.memory_space<vmem>>, vector<16xi32>, vector<16xi1>
        tpu.vector_store %arg14[%swap3A_78], %sub3A_66 masked %and3A_75 {strides = array<i32>} : memref<12048xi32, #tpu.memory_space<vmem>>, vector<16xi32>, vector<16xi1>
        %convert_element_type3A_80 = arith.extui %and3A_75 : vector<16xi1> to vector<16xi32>
        %reduce_sum3A = arith.constant true
        %reduce_sum3A_81 = vector.broadcast %reduce_sum3A : i1 to vector<16xi1>
        %reduce_sum3A_82 = tpu.scan <sum>, %convert_element_type3A_80 masked %reduce_sum3A_81 : vector<16xi32>, vector<16xi1> -> vector<16xi32>
        %reduce_sum3A_83 = vector.extract %reduce_sum3A_82[15] : i32 from vector<16xi32>
        %add3A_84 = arith.addi %scan3A_59, %reduce_sum3A_83 : i32
        %min3A = arith.constant 12032 : i32
        %min3A_85 = arith.minsi %add3A_84, %min3A : i32
        scf.yield %min3A_85 : i32
      }
      %scan3A_57 = arith.constant 125 : i32
      scf.yield %scan3A_56 : i32
    }
    %scan3A_9 = arith.constant 160 : i32
    %mul3A_10 = arith.constant 12032 : i32
    %mul3A_11 = arith.muli %add3A, %mul3A_10 : i32
    "tpu.region"() ({
      %run_scoped3A = tpu.sem_alloc : memref<!tpu.dma_semaphore, #tpu.memory_space<semaphore_mem>>
      %dma_start3A = arith.constant 0 : i32
      %dma_start3A_40 = tpu.memref_slice %arg13[%dma_start3A] : memref<12048xi32, #tpu.memory_space<vmem>> -> memref<12032xi32, #tpu.memory_space<vmem>>
      %dma_start3A_41 = tpu.memref_slice %arg7[%mul3A_11] : memref<385024xi32, #tpu.memory_space<hbm>> -> memref<12032xi32, #tpu.memory_space<hbm>>
      %dma_start3A_42 = tpu.memref_slice %arg7[%mul3A_11] : memref<385024xi32, #tpu.memory_space<hbm>> -> memref<12032xi32, #tpu.memory_space<hbm>>
      %dma_start3A_43 = arith.constant 0 : i32
      %dma_start3A_44 = tpu.memref_slice %arg13[%dma_start3A_43] : memref<12048xi32, #tpu.memory_space<vmem>> -> memref<12032xi32, #tpu.memory_space<vmem>>
      tpu.enqueue_dma source(%dma_start3A_44 : memref<12032xi32, #tpu.memory_space<vmem>>) target(%dma_start3A_42 : memref<12032xi32, #tpu.memory_space<hbm>>) target_semaphore(%run_scoped3A : memref<!tpu.dma_semaphore, #tpu.memory_space<semaphore_mem>>)
      %dma_wait3A = arith.constant 0 : i32
      %dma_wait3A_45 = tpu.memref_slice %arg13[%dma_wait3A] : memref<12048xi32, #tpu.memory_space<vmem>> -> memref<12032xi32, #tpu.memory_space<vmem>>
      %dma_wait3A_46 = tpu.memref_slice %arg7[%mul3A_11] : memref<385024xi32, #tpu.memory_space<hbm>> -> memref<12032xi32, #tpu.memory_space<hbm>>
      %dma_wait3A_47 = tpu.memref_slice %arg7[%mul3A_11] : memref<385024xi32, #tpu.memory_space<hbm>> -> memref<12032xi32, #tpu.memory_space<hbm>>
      %dma_wait3A_48 = arith.constant 0 : i32
      %dma_wait3A_49 = tpu.memref_slice %arg13[%dma_wait3A_48] : memref<12048xi32, #tpu.memory_space<vmem>> -> memref<12032xi32, #tpu.memory_space<vmem>>
      tpu.wait_dma2 semaphore(%run_scoped3A : memref<!tpu.dma_semaphore, #tpu.memory_space<semaphore_mem>>) src(%dma_wait3A_49 : memref<12032xi32, #tpu.memory_space<vmem>>) dst(%dma_wait3A_47 : memref<12032xi32, #tpu.memory_space<hbm>>)
      tpu.yield
    }) : () -> ()
    %mul3A_12 = arith.constant 12032 : i32
    %mul3A_13 = arith.muli %add3A, %mul3A_12 : i32
    "tpu.region"() ({
      %run_scoped3A = tpu.sem_alloc : memref<!tpu.dma_semaphore, #tpu.memory_space<semaphore_mem>>
      %dma_start3A = arith.constant 0 : i32
      %dma_start3A_40 = tpu.memref_slice %arg14[%dma_start3A] : memref<12048xi32, #tpu.memory_space<vmem>> -> memref<12032xi32, #tpu.memory_space<vmem>>
      %dma_start3A_41 = tpu.memref_slice %arg8[%mul3A_13] : memref<385024xi32, #tpu.memory_space<hbm>> -> memref<12032xi32, #tpu.memory_space<hbm>>
      %dma_start3A_42 = tpu.memref_slice %arg8[%mul3A_13] : memref<385024xi32, #tpu.memory_space<hbm>> -> memref<12032xi32, #tpu.memory_space<hbm>>
      %dma_start3A_43 = arith.constant 0 : i32
      %dma_start3A_44 = tpu.memref_slice %arg14[%dma_start3A_43] : memref<12048xi32, #tpu.memory_space<vmem>> -> memref<12032xi32, #tpu.memory_space<vmem>>
      tpu.enqueue_dma source(%dma_start3A_44 : memref<12032xi32, #tpu.memory_space<vmem>>) target(%dma_start3A_42 : memref<12032xi32, #tpu.memory_space<hbm>>) target_semaphore(%run_scoped3A : memref<!tpu.dma_semaphore, #tpu.memory_space<semaphore_mem>>)
      %dma_wait3A = arith.constant 0 : i32
      %dma_wait3A_45 = tpu.memref_slice %arg14[%dma_wait3A] : memref<12048xi32, #tpu.memory_space<vmem>> -> memref<12032xi32, #tpu.memory_space<vmem>>
      %dma_wait3A_46 = tpu.memref_slice %arg8[%mul3A_13] : memref<385024xi32, #tpu.memory_space<hbm>> -> memref<12032xi32, #tpu.memory_space<hbm>>
      %dma_wait3A_47 = tpu.memref_slice %arg8[%mul3A_13] : memref<385024xi32, #tpu.memory_space<hbm>> -> memref<12032xi32, #tpu.memory_space<hbm>>
      %dma_wait3A_48 = arith.constant 0 : i32
      %dma_wait3A_49 = tpu.memref_slice %arg14[%dma_wait3A_48] : memref<12048xi32, #tpu.memory_space<vmem>> -> memref<12032xi32, #tpu.memory_space<vmem>>
      tpu.wait_dma2 semaphore(%run_scoped3A : memref<!tpu.dma_semaphore, #tpu.memory_space<semaphore_mem>>) src(%dma_wait3A_49 : memref<12032xi32, #tpu.memory_space<vmem>>) dst(%dma_wait3A_47 : memref<12032xi32, #tpu.memory_space<hbm>>)
      tpu.yield
    }) : () -> ()
    %mul3A_14 = arith.constant 10016 : i32
    %mul3A_15 = arith.muli %add3A, %mul3A_14 : i32
    "tpu.region"() ({
      %run_scoped3A = tpu.sem_alloc : memref<!tpu.dma_semaphore, #tpu.memory_space<semaphore_mem>>
      %dma_start3A = tpu.memref_slice %arg9[%mul3A_15] : memref<320512xf32, #tpu.memory_space<hbm>> -> memref<10016xf32, #tpu.memory_space<hbm>>
      %dma_start3A_40 = tpu.memref_slice %arg9[%mul3A_15] : memref<320512xf32, #tpu.memory_space<hbm>> -> memref<10016xf32, #tpu.memory_space<hbm>>
      tpu.enqueue_dma source(%arg15 : memref<10016xf32, #tpu.memory_space<vmem>>) target(%dma_start3A_40 : memref<10016xf32, #tpu.memory_space<hbm>>) target_semaphore(%run_scoped3A : memref<!tpu.dma_semaphore, #tpu.memory_space<semaphore_mem>>)
      %dma_wait3A = tpu.memref_slice %arg9[%mul3A_15] : memref<320512xf32, #tpu.memory_space<hbm>> -> memref<10016xf32, #tpu.memory_space<hbm>>
      %dma_wait3A_41 = tpu.memref_slice %arg9[%mul3A_15] : memref<320512xf32, #tpu.memory_space<hbm>> -> memref<10016xf32, #tpu.memory_space<hbm>>
      tpu.wait_dma2 semaphore(%run_scoped3A : memref<!tpu.dma_semaphore, #tpu.memory_space<semaphore_mem>>) src(%arg15 : memref<10016xf32, #tpu.memory_space<vmem>>) dst(%dma_wait3A_41 : memref<10016xf32, #tpu.memory_space<hbm>>)
      tpu.yield
    }) : () -> ()
    %add3A_16 = arith.constant 128 : i32
    %add3A_17 = arith.addi %scan3A_8, %add3A_16 : i32
    %sub3A = arith.constant 1 : i32
    %sub3A_18 = arith.subi %add3A_17, %sub3A : i32
    %jit3A = arith.constant 128 : i32
    %div3A = arith.divsi %sub3A_18, %jit3A : i32
    %sign3A = arith.constant 0 : i32
    %sign3A_19 = arith.cmpi sgt, %sub3A_18, %sign3A : i32
    %sign3A_20 = arith.extui %sign3A_19 : i1 to i32
    %sign3A_21 = arith.constant 0 : i32
    %sign3A_22 = arith.cmpi slt, %sub3A_18, %sign3A_21 : i32
    %sign3A_23 = arith.extui %sign3A_22 : i1 to i32
    %sign3A_24 = arith.subi %sign3A_20, %sign3A_23 : i32
    %sign3A_25 = arith.constant 0 : i32
    %sign3A_26 = arith.cmpi sgt, %jit3A, %sign3A_25 : i32
    %sign3A_27 = arith.extui %sign3A_26 : i1 to i32
    %sign3A_28 = arith.constant 0 : i32
    %sign3A_29 = arith.cmpi slt, %jit3A, %sign3A_28 : i32
    %sign3A_30 = arith.extui %sign3A_29 : i1 to i32
    %sign3A_31 = arith.subi %sign3A_27, %sign3A_30 : i32
    %ne3A = arith.cmpi ne, %sign3A_24, %sign3A_31 : i32
    %rem3A = arith.remsi %sub3A_18, %jit3A : i32
    %ne3A_32 = arith.constant 0 : i32
    %ne3A_33 = arith.cmpi ne, %rem3A, %ne3A_32 : i32
    %and3A = arith.andi %ne3A, %ne3A_33 : i1
    %sub3A_34 = arith.constant 1 : i32
    %sub3A_35 = arith.subi %div3A, %sub3A_34 : i32
    %select_n3A = arith.select %and3A, %sub3A_35, %div3A : i32
    %broadcast_in_dim3A_36 = vector.broadcast %select_n3A : i32 to vector<16xi32>
    %swap3A = arith.constant 0 : index
    %swap3A_37 = tpu.vector_load %arg16[%swap3A] {strides = array<i32>} : memref<16xi32, #tpu.memory_space<vmem>>, vector<16xi32>,
    tpu.vector_store %arg16[%swap3A], %broadcast_in_dim3A_36 {strides = array<i32>} : memref<16xi32, #tpu.memory_space<vmem>>, vector<16xi32>,
    %mul3A_38 = arith.constant 16 : i32
    %mul3A_39 = arith.muli %add3A, %mul3A_38 : i32
    "tpu.region"() ({
      %run_scoped3A = tpu.sem_alloc : memref<!tpu.dma_semaphore, #tpu.memory_space<semaphore_mem>>
      %dma_start3A = tpu.memref_slice %arg10[%mul3A_39] : memref<512xi32, #tpu.memory_space<hbm>> -> memref<16xi32, #tpu.memory_space<hbm>>
      %dma_start3A_40 = tpu.memref_slice %arg10[%mul3A_39] : memref<512xi32, #tpu.memory_space<hbm>> -> memref<16xi32, #tpu.memory_space<hbm>>
      tpu.enqueue_dma source(%arg16 : memref<16xi32, #tpu.memory_space<vmem>>) target(%dma_start3A_40 : memref<16xi32, #tpu.memory_space<hbm>>) target_semaphore(%run_scoped3A : memref<!tpu.dma_semaphore, #tpu.memory_space<semaphore_mem>>)
      %dma_wait3A = tpu.memref_slice %arg10[%mul3A_39] : memref<512xi32, #tpu.memory_space<hbm>> -> memref<16xi32, #tpu.memory_space<hbm>>
      %dma_wait3A_41 = tpu.memref_slice %arg10[%mul3A_39] : memref<512xi32, #tpu.memory_space<hbm>> -> memref<16xi32, #tpu.memory_space<hbm>>
      tpu.wait_dma2 semaphore(%run_scoped3A : memref<!tpu.dma_semaphore, #tpu.memory_space<semaphore_mem>>) src(%arg16 : memref<16xi32, #tpu.memory_space<vmem>>) dst(%dma_wait3A_41 : memref<16xi32, #tpu.memory_space<hbm>>)
      tpu.yield
    }) : () -> ()
    return
  }
}

#map = affine_map<(d0, d1) -> (0, 0)>
#map1 = affine_map<(d0, d1) -> (0)>
module attributes {stable_mosaic.version = 14 : i64} {
  func.func @_sc_scatter(%arg0: i32, %arg1: i32, %arg2: memref<11000x128xf32, #tpu.memory_space<hbm>>, %arg3: memref<385024xi32, #tpu.memory_space<hbm>>, %arg4: memref<385024xi32, #tpu.memory_space<hbm>>, %arg5: memref<512xi32, #tpu.memory_space<hbm>>, %arg6: memref<320x128xf32, #tpu.memory_space<hbm>>, %arg7: memref<10240x128xf32, #tpu.memory_space<hbm>>, %arg8: memref<128xi32, #tpu.memory_space<vmem>>, %arg9: memref<144xi32, #tpu.memory_space<vmem>>, %arg10: memref<128x128xf32, #tpu.memory_space<vmem>>, %arg11: memref<128xi32, #tpu.memory_space<vmem>>, %arg12: memref<144xi32, #tpu.memory_space<vmem>>, %arg13: memref<128x128xf32, #tpu.memory_space<vmem>>, %arg14: memref<320x128xf32, #tpu.memory_space<vmem>>, %arg15: memref<16xi32, #tpu.memory_space<vmem>>, %arg16: memref<!tpu.dma_semaphore, #tpu.memory_space<semaphore_mem>>, %arg17: memref<!tpu.dma_semaphore, #tpu.memory_space<semaphore_mem>>) attributes {dimension_semantics = [#tpu.dimension_semantics<core_parallel>, #tpu.dimension_semantics<subcore_parallel>], iteration_bounds = array<i64: 2, 16>, scalar_prefetch = 0 : i64, scratch_operands = 10 : i64, tpu.core_type = #tpu.core_type<sc_vector_subcore>, window_params = [{transform_indices = #map}, {transform_indices = #map1}, {transform_indices = #map1}, {transform_indices = #map1}, {transform_indices = #map}, {transform_indices = #map}]} {
    %mul3A = arith.constant 2 : i32
    %mul3A_0 = arith.muli %arg1, %mul3A : i32
    %add3A = arith.addi %mul3A_0, %arg0 : i32
    %mul3A_1 = arith.constant 12032 : i32
    %mul3A_2 = arith.muli %add3A, %mul3A_1 : i32
    "tpu.region"() ({
      %run_scoped3A = tpu.sem_alloc : memref<!tpu.dma_semaphore, #tpu.memory_space<semaphore_mem>>
      tpu.enqueue_dma source(%arg6 : memref<320x128xf32, #tpu.memory_space<hbm>>) target(%arg14 : memref<320x128xf32, #tpu.memory_space<vmem>>) target_semaphore(%run_scoped3A : memref<!tpu.dma_semaphore, #tpu.memory_space<semaphore_mem>>)
      tpu.wait_dma2 semaphore(%run_scoped3A : memref<!tpu.dma_semaphore, #tpu.memory_space<semaphore_mem>>) src(%arg6 : memref<320x128xf32, #tpu.memory_space<hbm>>) dst(%arg14 : memref<320x128xf32, #tpu.memory_space<vmem>>)
      tpu.yield
    }) : () -> ()
    %mul3A_3 = arith.constant 16 : i32
    %mul3A_4 = arith.muli %add3A, %mul3A_3 : i32
    "tpu.region"() ({
      %run_scoped3A = tpu.sem_alloc : memref<!tpu.dma_semaphore, #tpu.memory_space<semaphore_mem>>
      %dma_start3A = tpu.memref_slice %arg5[%mul3A_4] : memref<512xi32, #tpu.memory_space<hbm>> -> memref<16xi32, #tpu.memory_space<hbm>>
      %dma_start3A_50 = tpu.memref_slice %arg5[%mul3A_4] : memref<512xi32, #tpu.memory_space<hbm>> -> memref<16xi32, #tpu.memory_space<hbm>>
      tpu.enqueue_dma source(%dma_start3A_50 : memref<16xi32, #tpu.memory_space<hbm>>) target(%arg15 : memref<16xi32, #tpu.memory_space<vmem>>) target_semaphore(%run_scoped3A : memref<!tpu.dma_semaphore, #tpu.memory_space<semaphore_mem>>)
      %dma_wait3A = tpu.memref_slice %arg5[%mul3A_4] : memref<512xi32, #tpu.memory_space<hbm>> -> memref<16xi32, #tpu.memory_space<hbm>>
      %dma_wait3A_51 = tpu.memref_slice %arg5[%mul3A_4] : memref<512xi32, #tpu.memory_space<hbm>> -> memref<16xi32, #tpu.memory_space<hbm>>
      tpu.wait_dma2 semaphore(%run_scoped3A : memref<!tpu.dma_semaphore, #tpu.memory_space<semaphore_mem>>) src(%dma_wait3A_51 : memref<16xi32, #tpu.memory_space<hbm>>) dst(%arg15 : memref<16xi32, #tpu.memory_space<vmem>>)
      tpu.yield
    }) : () -> ()
    %get3A = arith.constant 0 : index
    %get3A_5 = tpu.vector_load %arg15[%get3A] {strides = array<i32>} : memref<16xi32, #tpu.memory_space<vmem>>, vector<16xi32>,
    %slice3A = vector.extract_strided_slice %get3A_5 {offsets = [0], sizes = [1], strides = [1]} : vector<16xi32> to vector<1xi32>
    %squeeze3A = vector.extract %slice3A[0] : i32 from vector<1xi32>
    %jit3A = arith.constant 2 : i32
    %div3A = arith.divsi %squeeze3A, %jit3A : i32
    %sign3A = arith.constant 0 : i32
    %sign3A_6 = arith.cmpi sgt, %squeeze3A, %sign3A : i32
    %sign3A_7 = arith.extui %sign3A_6 : i1 to i32
    %sign3A_8 = arith.constant 0 : i32
    %sign3A_9 = arith.cmpi slt, %squeeze3A, %sign3A_8 : i32
    %sign3A_10 = arith.extui %sign3A_9 : i1 to i32
    %sign3A_11 = arith.subi %sign3A_7, %sign3A_10 : i32
    %sign3A_12 = arith.constant 0 : i32
    %sign3A_13 = arith.cmpi sgt, %jit3A, %sign3A_12 : i32
    %sign3A_14 = arith.extui %sign3A_13 : i1 to i32
    %sign3A_15 = arith.constant 0 : i32
    %sign3A_16 = arith.cmpi slt, %jit3A, %sign3A_15 : i32
    %sign3A_17 = arith.extui %sign3A_16 : i1 to i32
    %sign3A_18 = arith.subi %sign3A_14, %sign3A_17 : i32
    %ne3A = arith.cmpi ne, %sign3A_11, %sign3A_18 : i32
    %rem3A = arith.remsi %squeeze3A, %jit3A : i32
    %ne3A_19 = arith.constant 0 : i32
    %ne3A_20 = arith.cmpi ne, %rem3A, %ne3A_19 : i32
    %and3A = arith.andi %ne3A, %ne3A_20 : i1
    %sub3A = arith.constant 1 : i32
    %sub3A_21 = arith.subi %div3A, %sub3A : i32
    %select_n3A = arith.select %and3A, %sub3A_21, %div3A : i32
    %while3A = arith.constant 0 : i32
    %while3A_22 = arith.constant 0 : i32
    %while3A_23 = arith.subi %select_n3A, %while3A_22 : i32
    %while3A_24 = arith.addi %while3A_22, %while3A_23 : i32
    %while3A_25 = arith.constant 1 : i32
    %while3A_26 = arith.divsi %while3A_23, %while3A_25 : i32
    %while3A_27 = arith.muli %while3A_26, %while3A_25 : i32
    %while3A_28 = arith.addi %while3A_22, %while3A_27 : i32
    %while3A_29 = arith.constant 1 : i32
    scf.for %while3A_50 = %while3A_22 to %while3A_28 step %while3A_29  : i32 {
      %mul3A_51 = arith.constant 2 : i32
      %mul3A_52 = arith.muli %while3A_50, %mul3A_51 : i32
      %mul3A_53 = arith.constant 128 : i32
      %mul3A_54 = arith.muli %mul3A_52, %mul3A_53 : i32
      %add3A_55 = arith.addi %mul3A_2, %mul3A_54 : i32
      "tpu.region"() ({
        %run_scoped3A = tpu.sem_alloc : memref<!tpu.dma_semaphore, #tpu.memory_space<semaphore_mem>>
        %dma_start3A_84 = tpu.memref_slice %arg3[%add3A_55] : memref<385024xi32, #tpu.memory_space<hbm>> -> memref<128xi32, #tpu.memory_space<hbm>>
        %dma_start3A_85 = tpu.memref_slice %arg3[%add3A_55] : memref<385024xi32, #tpu.memory_space<hbm>> -> memref<128xi32, #tpu.memory_space<hbm>>
        tpu.enqueue_dma source(%dma_start3A_85 : memref<128xi32, #tpu.memory_space<hbm>>) target(%arg8 : memref<128xi32, #tpu.memory_space<vmem>>) target_semaphore(%run_scoped3A : memref<!tpu.dma_semaphore, #tpu.memory_space<semaphore_mem>>)
        %dma_wait3A_86 = tpu.memref_slice %arg3[%add3A_55] : memref<385024xi32, #tpu.memory_space<hbm>> -> memref<128xi32, #tpu.memory_space<hbm>>
        %dma_wait3A_87 = tpu.memref_slice %arg3[%add3A_55] : memref<385024xi32, #tpu.memory_space<hbm>> -> memref<128xi32, #tpu.memory_space<hbm>>
        tpu.wait_dma2 semaphore(%run_scoped3A : memref<!tpu.dma_semaphore, #tpu.memory_space<semaphore_mem>>) src(%dma_wait3A_87 : memref<128xi32, #tpu.memory_space<hbm>>) dst(%arg8 : memref<128xi32, #tpu.memory_space<vmem>>)
        tpu.yield
      }) : () -> ()
      "tpu.region"() ({
        %run_scoped3A = tpu.sem_alloc : memref<!tpu.dma_semaphore, #tpu.memory_space<semaphore_mem>>
        %dma_start3A_84 = arith.constant 0 : i32
        %dma_start3A_85 = tpu.memref_slice %arg9[%dma_start3A_84] : memref<144xi32, #tpu.memory_space<vmem>> -> memref<128xi32, #tpu.memory_space<vmem>>
        %dma_start3A_86 = tpu.memref_slice %arg4[%add3A_55] : memref<385024xi32, #tpu.memory_space<hbm>> -> memref<128xi32, #tpu.memory_space<hbm>>
        %dma_start3A_87 = arith.constant 0 : i32
        %dma_start3A_88 = tpu.memref_slice %arg9[%dma_start3A_87] : memref<144xi32, #tpu.memory_space<vmem>> -> memref<128xi32, #tpu.memory_space<vmem>>
        %dma_start3A_89 = tpu.memref_slice %arg4[%add3A_55] : memref<385024xi32, #tpu.memory_space<hbm>> -> memref<128xi32, #tpu.memory_space<hbm>>
        tpu.enqueue_dma source(%dma_start3A_89 : memref<128xi32, #tpu.memory_space<hbm>>) target(%dma_start3A_88 : memref<128xi32, #tpu.memory_space<vmem>>) target_semaphore(%run_scoped3A : memref<!tpu.dma_semaphore, #tpu.memory_space<semaphore_mem>>)
        %dma_wait3A_90 = arith.constant 0 : i32
        %dma_wait3A_91 = tpu.memref_slice %arg9[%dma_wait3A_90] : memref<144xi32, #tpu.memory_space<vmem>> -> memref<128xi32, #tpu.memory_space<vmem>>
        %dma_wait3A_92 = tpu.memref_slice %arg4[%add3A_55] : memref<385024xi32, #tpu.memory_space<hbm>> -> memref<128xi32, #tpu.memory_space<hbm>>
        %dma_wait3A_93 = arith.constant 0 : i32
        %dma_wait3A_94 = tpu.memref_slice %arg9[%dma_wait3A_93] : memref<144xi32, #tpu.memory_space<vmem>> -> memref<128xi32, #tpu.memory_space<vmem>>
        %dma_wait3A_95 = tpu.memref_slice %arg4[%add3A_55] : memref<385024xi32, #tpu.memory_space<hbm>> -> memref<128xi32, #tpu.memory_space<hbm>>
        tpu.wait_dma2 semaphore(%run_scoped3A : memref<!tpu.dma_semaphore, #tpu.memory_space<semaphore_mem>>) src(%dma_wait3A_95 : memref<128xi32, #tpu.memory_space<hbm>>) dst(%dma_wait3A_94 : memref<128xi32, #tpu.memory_space<vmem>>)
        tpu.yield
      }) : () -> ()
      %dma_start3A = arith.constant 0 : i32
      %dma_start3A_56 = arith.constant 0 : i32
      %dma_start3A_57 = tpu.memref_slice %arg2[%dma_start3A, %dma_start3A_56] : memref<11000x128xf32, #tpu.memory_space<hbm>> -> memref<11000x128xf32, #tpu.memory_space<hbm>>
      tpu.enqueue_indirect_dma source(%dma_start3A_57 : memref<11000x128xf32, #tpu.memory_space<hbm>>) target(%arg10 : memref<128x128xf32, #tpu.memory_space<vmem>>) offsets(%arg8 : memref<128xi32, #tpu.memory_space<vmem>>) semaphore(%arg16 : memref<!tpu.dma_semaphore, #tpu.memory_space<semaphore_mem>>)
      %mul3A_58 = arith.constant 2 : i32
      %mul3A_59 = arith.muli %while3A_50, %mul3A_58 : i32
      %add3A_60 = arith.constant 1 : i32
      %add3A_61 = arith.addi %mul3A_59, %add3A_60 : i32
      %mul3A_62 = arith.constant 128 : i32
      %mul3A_63 = arith.muli %add3A_61, %mul3A_62 : i32
      %add3A_64 = arith.addi %mul3A_2, %mul3A_63 : i32
      "tpu.region"() ({
        %run_scoped3A = tpu.sem_alloc : memref<!tpu.dma_semaphore, #tpu.memory_space<semaphore_mem>>
        %dma_start3A_84 = tpu.memref_slice %arg3[%add3A_64] : memref<385024xi32, #tpu.memory_space<hbm>> -> memref<128xi32, #tpu.memory_space<hbm>>
        %dma_start3A_85 = tpu.memref_slice %arg3[%add3A_64] : memref<385024xi32, #tpu.memory_space<hbm>> -> memref<128xi32, #tpu.memory_space<hbm>>
        tpu.enqueue_dma source(%dma_start3A_85 : memref<128xi32, #tpu.memory_space<hbm>>) target(%arg11 : memref<128xi32, #tpu.memory_space<vmem>>) target_semaphore(%run_scoped3A : memref<!tpu.dma_semaphore, #tpu.memory_space<semaphore_mem>>)
        %dma_wait3A_86 = tpu.memref_slice %arg3[%add3A_64] : memref<385024xi32, #tpu.memory_space<hbm>> -> memref<128xi32, #tpu.memory_space<hbm>>
        %dma_wait3A_87 = tpu.memref_slice %arg3[%add3A_64] : memref<385024xi32, #tpu.memory_space<hbm>> -> memref<128xi32, #tpu.memory_space<hbm>>
        tpu.wait_dma2 semaphore(%run_scoped3A : memref<!tpu.dma_semaphore, #tpu.memory_space<semaphore_mem>>) src(%dma_wait3A_87 : memref<128xi32, #tpu.memory_space<hbm>>) dst(%arg11 : memref<128xi32, #tpu.memory_space<vmem>>)
        tpu.yield
      }) : () -> ()
      "tpu.region"() ({
        %run_scoped3A = tpu.sem_alloc : memref<!tpu.dma_semaphore, #tpu.memory_space<semaphore_mem>>
        %dma_start3A_84 = arith.constant 0 : i32
        %dma_start3A_85 = tpu.memref_slice %arg12[%dma_start3A_84] : memref<144xi32, #tpu.memory_space<vmem>> -> memref<128xi32, #tpu.memory_space<vmem>>
        %dma_start3A_86 = tpu.memref_slice %arg4[%add3A_64] : memref<385024xi32, #tpu.memory_space<hbm>> -> memref<128xi32, #tpu.memory_space<hbm>>
        %dma_start3A_87 = arith.constant 0 : i32
        %dma_start3A_88 = tpu.memref_slice %arg12[%dma_start3A_87] : memref<144xi32, #tpu.memory_space<vmem>> -> memref<128xi32, #tpu.memory_space<vmem>>
        %dma_start3A_89 = tpu.memref_slice %arg4[%add3A_64] : memref<385024xi32, #tpu.memory_space<hbm>> -> memref<128xi32, #tpu.memory_space<hbm>>
        tpu.enqueue_dma source(%dma_start3A_89 : memref<128xi32, #tpu.memory_space<hbm>>) target(%dma_start3A_88 : memref<128xi32, #tpu.memory_space<vmem>>) target_semaphore(%run_scoped3A : memref<!tpu.dma_semaphore, #tpu.memory_space<semaphore_mem>>)
        %dma_wait3A_90 = arith.constant 0 : i32
        %dma_wait3A_91 = tpu.memref_slice %arg12[%dma_wait3A_90] : memref<144xi32, #tpu.memory_space<vmem>> -> memref<128xi32, #tpu.memory_space<vmem>>
        %dma_wait3A_92 = tpu.memref_slice %arg4[%add3A_64] : memref<385024xi32, #tpu.memory_space<hbm>> -> memref<128xi32, #tpu.memory_space<hbm>>
        %dma_wait3A_93 = arith.constant 0 : i32
        %dma_wait3A_94 = tpu.memref_slice %arg12[%dma_wait3A_93] : memref<144xi32, #tpu.memory_space<vmem>> -> memref<128xi32, #tpu.memory_space<vmem>>
        %dma_wait3A_95 = tpu.memref_slice %arg4[%add3A_64] : memref<385024xi32, #tpu.memory_space<hbm>> -> memref<128xi32, #tpu.memory_space<hbm>>
        tpu.wait_dma2 semaphore(%run_scoped3A : memref<!tpu.dma_semaphore, #tpu.memory_space<semaphore_mem>>) src(%dma_wait3A_95 : memref<128xi32, #tpu.memory_space<hbm>>) dst(%dma_wait3A_94 : memref<128xi32, #tpu.memory_space<vmem>>)
        tpu.yield
      }) : () -> ()
      %dma_start3A_65 = arith.constant 0 : i32
      %dma_start3A_66 = arith.constant 0 : i32
      %dma_start3A_67 = tpu.memref_slice %arg2[%dma_start3A_65, %dma_start3A_66] : memref<11000x128xf32, #tpu.memory_space<hbm>> -> memref<11000x128xf32, #tpu.memory_space<hbm>>
      tpu.enqueue_indirect_dma source(%dma_start3A_67 : memref<11000x128xf32, #tpu.memory_space<hbm>>) target(%arg13 : memref<128x128xf32, #tpu.memory_space<vmem>>) offsets(%arg11 : memref<128xi32, #tpu.memory_space<vmem>>) semaphore(%arg17 : memref<!tpu.dma_semaphore, #tpu.memory_space<semaphore_mem>>)
      %dma_wait3A = arith.constant 0 : i32
      %dma_wait3A_68 = arith.constant 0 : i32
      %dma_wait3A_69 = tpu.memref_slice %arg2[%dma_wait3A, %dma_wait3A_68] : memref<11000x128xf32, #tpu.memory_space<hbm>> -> memref<11000x128xf32, #tpu.memory_space<hbm>>
      tpu.wait_indirect_dma semaphore(%arg16 : memref<!tpu.dma_semaphore, #tpu.memory_space<semaphore_mem>>) src(%dma_wait3A_69 : memref<11000x128xf32, #tpu.memory_space<hbm>>) dst(%arg10 : memref<128x128xf32, #tpu.memory_space<vmem>>)
      %scan3A = arith.constant 0 : i32
      %scan3A_70 = arith.constant 0 : i32
      %scan3A_71 = arith.constant 128 : i32
      %scan3A_72 = arith.addi %scan3A_70, %scan3A_71 : i32
      %scan3A_73 = arith.constant 1 : i32
      scf.for %scan3A_84 = %scan3A_70 to %scan3A_72 step %scan3A_73  : i32 {
        %get3A_85 = arith.index_cast %scan3A_84 : i32 to index
        %get3A_86 = tpu.vector_load %arg9[%get3A_85] {strides = array<i32>} : memref<144xi32, #tpu.memory_space<vmem>>, vector<16xi32>,
        %slice3A_87 = vector.extract_strided_slice %get3A_86 {offsets = [0], sizes = [1], strides = [1]} : vector<16xi32> to vector<1xi32>
        %squeeze3A_88 = vector.extract %slice3A_87[0] : i32 from vector<1xi32>
        %get3A_89 = arith.index_cast %squeeze3A_88 : i32 to index
        %get3A_90 = arith.constant 0 : index
        %get3A_91 = tpu.vector_load %arg14[%get3A_89, %get3A_90] {strides = array<i32>} : memref<320x128xf32, #tpu.memory_space<vmem>>, vector<16xf32>,
        %get3A_92 = arith.index_cast %scan3A_84 : i32 to index
        %get3A_93 = arith.constant 0 : index
        %get3A_94 = tpu.vector_load %arg10[%get3A_92, %get3A_93] {strides = array<i32>} : memref<128x128xf32, #tpu.memory_space<vmem>>, vector<16xf32>,
        %add3A_95 = arith.addf %get3A_91, %get3A_94 : vector<16xf32>
        %swap3A = arith.index_cast %squeeze3A_88 : i32 to index
        %swap3A_96 = arith.constant 0 : index
        %swap3A_97 = tpu.vector_load %arg14[%swap3A, %swap3A_96] {strides = array<i32>} : memref<320x128xf32, #tpu.memory_space<vmem>>, vector<16xf32>,
        tpu.vector_store %arg14[%swap3A, %swap3A_96], %add3A_95 {strides = array<i32>} : memref<320x128xf32, #tpu.memory_space<vmem>>, vector<16xf32>,
        %get3A_98 = arith.index_cast %squeeze3A_88 : i32 to index
        %get3A_99 = arith.constant 16 : index
        %get3A_100 = tpu.vector_load %arg14[%get3A_98, %get3A_99] {strides = array<i32>} : memref<320x128xf32, #tpu.memory_space<vmem>>, vector<16xf32>,
        %get3A_101 = arith.index_cast %scan3A_84 : i32 to index
        %get3A_102 = arith.constant 16 : index
        %get3A_103 = tpu.vector_load %arg10[%get3A_101, %get3A_102] {strides = array<i32>} : memref<128x128xf32, #tpu.memory_space<vmem>>, vector<16xf32>,
        %add3A_104 = arith.addf %get3A_100, %get3A_103 : vector<16xf32>
        %swap3A_105 = arith.index_cast %squeeze3A_88 : i32 to index
        %swap3A_106 = arith.constant 16 : index
        %swap3A_107 = tpu.vector_load %arg14[%swap3A_105, %swap3A_106] {strides = array<i32>} : memref<320x128xf32, #tpu.memory_space<vmem>>, vector<16xf32>,
        tpu.vector_store %arg14[%swap3A_105, %swap3A_106], %add3A_104 {strides = array<i32>} : memref<320x128xf32, #tpu.memory_space<vmem>>, vector<16xf32>,
        %get3A_108 = arith.index_cast %squeeze3A_88 : i32 to index
        %get3A_109 = arith.constant 32 : index
        %get3A_110 = tpu.vector_load %arg14[%get3A_108, %get3A_109] {strides = array<i32>} : memref<320x128xf32, #tpu.memory_space<vmem>>, vector<16xf32>,
        %get3A_111 = arith.index_cast %scan3A_84 : i32 to index
        %get3A_112 = arith.constant 32 : index
        %get3A_113 = tpu.vector_load %arg10[%get3A_111, %get3A_112] {strides = array<i32>} : memref<128x128xf32, #tpu.memory_space<vmem>>, vector<16xf32>,
        %add3A_114 = arith.addf %get3A_110, %get3A_113 : vector<16xf32>
        %swap3A_115 = arith.index_cast %squeeze3A_88 : i32 to index
        %swap3A_116 = arith.constant 32 : index
        %swap3A_117 = tpu.vector_load %arg14[%swap3A_115, %swap3A_116] {strides = array<i32>} : memref<320x128xf32, #tpu.memory_space<vmem>>, vector<16xf32>,
        tpu.vector_store %arg14[%swap3A_115, %swap3A_116], %add3A_114 {strides = array<i32>} : memref<320x128xf32, #tpu.memory_space<vmem>>, vector<16xf32>,
        %get3A_118 = arith.index_cast %squeeze3A_88 : i32 to index
        %get3A_119 = arith.constant 48 : index
        %get3A_120 = tpu.vector_load %arg14[%get3A_118, %get3A_119] {strides = array<i32>} : memref<320x128xf32, #tpu.memory_space<vmem>>, vector<16xf32>,
        %get3A_121 = arith.index_cast %scan3A_84 : i32 to index
        %get3A_122 = arith.constant 48 : index
        %get3A_123 = tpu.vector_load %arg10[%get3A_121, %get3A_122] {strides = array<i32>} : memref<128x128xf32, #tpu.memory_space<vmem>>, vector<16xf32>,
        %add3A_124 = arith.addf %get3A_120, %get3A_123 : vector<16xf32>
        %swap3A_125 = arith.index_cast %squeeze3A_88 : i32 to index
        %swap3A_126 = arith.constant 48 : index
        %swap3A_127 = tpu.vector_load %arg14[%swap3A_125, %swap3A_126] {strides = array<i32>} : memref<320x128xf32, #tpu.memory_space<vmem>>, vector<16xf32>,
        tpu.vector_store %arg14[%swap3A_125, %swap3A_126], %add3A_124 {strides = array<i32>} : memref<320x128xf32, #tpu.memory_space<vmem>>, vector<16xf32>,
        %get3A_128 = arith.index_cast %squeeze3A_88 : i32 to index
        %get3A_129 = arith.constant 64 : index
        %get3A_130 = tpu.vector_load %arg14[%get3A_128, %get3A_129] {strides = array<i32>} : memref<320x128xf32, #tpu.memory_space<vmem>>, vector<16xf32>,
        %get3A_131 = arith.index_cast %scan3A_84 : i32 to index
        %get3A_132 = arith.constant 64 : index
        %get3A_133 = tpu.vector_load %arg10[%get3A_131, %get3A_132] {strides = array<i32>} : memref<128x128xf32, #tpu.memory_space<vmem>>, vector<16xf32>,
        %add3A_134 = arith.addf %get3A_130, %get3A_133 : vector<16xf32>
        %swap3A_135 = arith.index_cast %squeeze3A_88 : i32 to index
        %swap3A_136 = arith.constant 64 : index
        %swap3A_137 = tpu.vector_load %arg14[%swap3A_135, %swap3A_136] {strides = array<i32>} : memref<320x128xf32, #tpu.memory_space<vmem>>, vector<16xf32>,
        tpu.vector_store %arg14[%swap3A_135, %swap3A_136], %add3A_134 {strides = array<i32>} : memref<320x128xf32, #tpu.memory_space<vmem>>, vector<16xf32>,
        %get3A_138 = arith.index_cast %squeeze3A_88 : i32 to index
        %get3A_139 = arith.constant 80 : index
        %get3A_140 = tpu.vector_load %arg14[%get3A_138, %get3A_139] {strides = array<i32>} : memref<320x128xf32, #tpu.memory_space<vmem>>, vector<16xf32>,
        %get3A_141 = arith.index_cast %scan3A_84 : i32 to index
        %get3A_142 = arith.constant 80 : index
        %get3A_143 = tpu.vector_load %arg10[%get3A_141, %get3A_142] {strides = array<i32>} : memref<128x128xf32, #tpu.memory_space<vmem>>, vector<16xf32>,
        %add3A_144 = arith.addf %get3A_140, %get3A_143 : vector<16xf32>
        %swap3A_145 = arith.index_cast %squeeze3A_88 : i32 to index
        %swap3A_146 = arith.constant 80 : index
        %swap3A_147 = tpu.vector_load %arg14[%swap3A_145, %swap3A_146] {strides = array<i32>} : memref<320x128xf32, #tpu.memory_space<vmem>>, vector<16xf32>,
        tpu.vector_store %arg14[%swap3A_145, %swap3A_146], %add3A_144 {strides = array<i32>} : memref<320x128xf32, #tpu.memory_space<vmem>>, vector<16xf32>,
        %get3A_148 = arith.index_cast %squeeze3A_88 : i32 to index
        %get3A_149 = arith.constant 96 : index
        %get3A_150 = tpu.vector_load %arg14[%get3A_148, %get3A_149] {strides = array<i32>} : memref<320x128xf32, #tpu.memory_space<vmem>>, vector<16xf32>,
        %get3A_151 = arith.index_cast %scan3A_84 : i32 to index
        %get3A_152 = arith.constant 96 : index
        %get3A_153 = tpu.vector_load %arg10[%get3A_151, %get3A_152] {strides = array<i32>} : memref<128x128xf32, #tpu.memory_space<vmem>>, vector<16xf32>,
        %add3A_154 = arith.addf %get3A_150, %get3A_153 : vector<16xf32>
        %swap3A_155 = arith.index_cast %squeeze3A_88 : i32 to index
        %swap3A_156 = arith.constant 96 : index
        %swap3A_157 = tpu.vector_load %arg14[%swap3A_155, %swap3A_156] {strides = array<i32>} : memref<320x128xf32, #tpu.memory_space<vmem>>, vector<16xf32>,
        tpu.vector_store %arg14[%swap3A_155, %swap3A_156], %add3A_154 {strides = array<i32>} : memref<320x128xf32, #tpu.memory_space<vmem>>, vector<16xf32>,
        %get3A_158 = arith.index_cast %squeeze3A_88 : i32 to index
        %get3A_159 = arith.constant 112 : index
        %get3A_160 = tpu.vector_load %arg14[%get3A_158, %get3A_159] {strides = array<i32>} : memref<320x128xf32, #tpu.memory_space<vmem>>, vector<16xf32>,
        %get3A_161 = arith.index_cast %scan3A_84 : i32 to index
        %get3A_162 = arith.constant 112 : index
        %get3A_163 = tpu.vector_load %arg10[%get3A_161, %get3A_162] {strides = array<i32>} : memref<128x128xf32, #tpu.memory_space<vmem>>, vector<16xf32>,
        %add3A_164 = arith.addf %get3A_160, %get3A_163 : vector<16xf32>
        %swap3A_165 = arith.index_cast %squeeze3A_88 : i32 to index
        %swap3A_166 = arith.constant 112 : index
        %swap3A_167 = tpu.vector_load %arg14[%swap3A_165, %swap3A_166] {strides = array<i32>} : memref<320x128xf32, #tpu.memory_space<vmem>>, vector<16xf32>,
        tpu.vector_store %arg14[%swap3A_165, %swap3A_166], %add3A_164 {strides = array<i32>} : memref<320x128xf32, #tpu.memory_space<vmem>>, vector<16xf32>,
      }
      %scan3A_74 = arith.constant 128 : i32
      %dma_wait3A_75 = arith.constant 0 : i32
      %dma_wait3A_76 = arith.constant 0 : i32
      %dma_wait3A_77 = tpu.memref_slice %arg2[%dma_wait3A_75, %dma_wait3A_76] : memref<11000x128xf32, #tpu.memory_space<hbm>> -> memref<11000x128xf32, #tpu.memory_space<hbm>>
      tpu.wait_indirect_dma semaphore(%arg17 : memref<!tpu.dma_semaphore, #tpu.memory_space<semaphore_mem>>) src(%dma_wait3A_77 : memref<11000x128xf32, #tpu.memory_space<hbm>>) dst(%arg13 : memref<128x128xf32, #tpu.memory_space<vmem>>)
      %scan3A_78 = arith.constant 0 : i32
      %scan3A_79 = arith.constant 0 : i32
      %scan3A_80 = arith.constant 128 : i32
      %scan3A_81 = arith.addi %scan3A_79, %scan3A_80 : i32
      %scan3A_82 = arith.constant 1 : i32
      scf.for %scan3A_84 = %scan3A_79 to %scan3A_81 step %scan3A_82  : i32 {
        %get3A_85 = arith.index_cast %scan3A_84 : i32 to index
        %get3A_86 = tpu.vector_load %arg12[%get3A_85] {strides = array<i32>} : memref<144xi32, #tpu.memory_space<vmem>>, vector<16xi32>,
        %slice3A_87 = vector.extract_strided_slice %get3A_86 {offsets = [0], sizes = [1], strides = [1]} : vector<16xi32> to vector<1xi32>
        %squeeze3A_88 = vector.extract %slice3A_87[0] : i32 from vector<1xi32>
        %get3A_89 = arith.index_cast %squeeze3A_88 : i32 to index
        %get3A_90 = arith.constant 0 : index
        %get3A_91 = tpu.vector_load %arg14[%get3A_89, %get3A_90] {strides = array<i32>} : memref<320x128xf32, #tpu.memory_space<vmem>>, vector<16xf32>,
        %get3A_92 = arith.index_cast %scan3A_84 : i32 to index
        %get3A_93 = arith.constant 0 : index
        %get3A_94 = tpu.vector_load %arg13[%get3A_92, %get3A_93] {strides = array<i32>} : memref<128x128xf32, #tpu.memory_space<vmem>>, vector<16xf32>,
        %add3A_95 = arith.addf %get3A_91, %get3A_94 : vector<16xf32>
        %swap3A = arith.index_cast %squeeze3A_88 : i32 to index
        %swap3A_96 = arith.constant 0 : index
        %swap3A_97 = tpu.vector_load %arg14[%swap3A, %swap3A_96] {strides = array<i32>} : memref<320x128xf32, #tpu.memory_space<vmem>>, vector<16xf32>,
        tpu.vector_store %arg14[%swap3A, %swap3A_96], %add3A_95 {strides = array<i32>} : memref<320x128xf32, #tpu.memory_space<vmem>>, vector<16xf32>,
        %get3A_98 = arith.index_cast %squeeze3A_88 : i32 to index
        %get3A_99 = arith.constant 16 : index
        %get3A_100 = tpu.vector_load %arg14[%get3A_98, %get3A_99] {strides = array<i32>} : memref<320x128xf32, #tpu.memory_space<vmem>>, vector<16xf32>,
        %get3A_101 = arith.index_cast %scan3A_84 : i32 to index
        %get3A_102 = arith.constant 16 : index
        %get3A_103 = tpu.vector_load %arg13[%get3A_101, %get3A_102] {strides = array<i32>} : memref<128x128xf32, #tpu.memory_space<vmem>>, vector<16xf32>,
        %add3A_104 = arith.addf %get3A_100, %get3A_103 : vector<16xf32>
        %swap3A_105 = arith.index_cast %squeeze3A_88 : i32 to index
        %swap3A_106 = arith.constant 16 : index
        %swap3A_107 = tpu.vector_load %arg14[%swap3A_105, %swap3A_106] {strides = array<i32>} : memref<320x128xf32, #tpu.memory_space<vmem>>, vector<16xf32>,
        tpu.vector_store %arg14[%swap3A_105, %swap3A_106], %add3A_104 {strides = array<i32>} : memref<320x128xf32, #tpu.memory_space<vmem>>, vector<16xf32>,
        %get3A_108 = arith.index_cast %squeeze3A_88 : i32 to index
        %get3A_109 = arith.constant 32 : index
        %get3A_110 = tpu.vector_load %arg14[%get3A_108, %get3A_109] {strides = array<i32>} : memref<320x128xf32, #tpu.memory_space<vmem>>, vector<16xf32>,
        %get3A_111 = arith.index_cast %scan3A_84 : i32 to index
        %get3A_112 = arith.constant 32 : index
        %get3A_113 = tpu.vector_load %arg13[%get3A_111, %get3A_112] {strides = array<i32>} : memref<128x128xf32, #tpu.memory_space<vmem>>, vector<16xf32>,
        %add3A_114 = arith.addf %get3A_110, %get3A_113 : vector<16xf32>
        %swap3A_115 = arith.index_cast %squeeze3A_88 : i32 to index
        %swap3A_116 = arith.constant 32 : index
        %swap3A_117 = tpu.vector_load %arg14[%swap3A_115, %swap3A_116] {strides = array<i32>} : memref<320x128xf32, #tpu.memory_space<vmem>>, vector<16xf32>,
        tpu.vector_store %arg14[%swap3A_115, %swap3A_116], %add3A_114 {strides = array<i32>} : memref<320x128xf32, #tpu.memory_space<vmem>>, vector<16xf32>,
        %get3A_118 = arith.index_cast %squeeze3A_88 : i32 to index
        %get3A_119 = arith.constant 48 : index
        %get3A_120 = tpu.vector_load %arg14[%get3A_118, %get3A_119] {strides = array<i32>} : memref<320x128xf32, #tpu.memory_space<vmem>>, vector<16xf32>,
        %get3A_121 = arith.index_cast %scan3A_84 : i32 to index
        %get3A_122 = arith.constant 48 : index
        %get3A_123 = tpu.vector_load %arg13[%get3A_121, %get3A_122] {strides = array<i32>} : memref<128x128xf32, #tpu.memory_space<vmem>>, vector<16xf32>,
        %add3A_124 = arith.addf %get3A_120, %get3A_123 : vector<16xf32>
        %swap3A_125 = arith.index_cast %squeeze3A_88 : i32 to index
        %swap3A_126 = arith.constant 48 : index
        %swap3A_127 = tpu.vector_load %arg14[%swap3A_125, %swap3A_126] {strides = array<i32>} : memref<320x128xf32, #tpu.memory_space<vmem>>, vector<16xf32>,
        tpu.vector_store %arg14[%swap3A_125, %swap3A_126], %add3A_124 {strides = array<i32>} : memref<320x128xf32, #tpu.memory_space<vmem>>, vector<16xf32>,
        %get3A_128 = arith.index_cast %squeeze3A_88 : i32 to index
        %get3A_129 = arith.constant 64 : index
        %get3A_130 = tpu.vector_load %arg14[%get3A_128, %get3A_129] {strides = array<i32>} : memref<320x128xf32, #tpu.memory_space<vmem>>, vector<16xf32>,
        %get3A_131 = arith.index_cast %scan3A_84 : i32 to index
        %get3A_132 = arith.constant 64 : index
        %get3A_133 = tpu.vector_load %arg13[%get3A_131, %get3A_132] {strides = array<i32>} : memref<128x128xf32, #tpu.memory_space<vmem>>, vector<16xf32>,
        %add3A_134 = arith.addf %get3A_130, %get3A_133 : vector<16xf32>
        %swap3A_135 = arith.index_cast %squeeze3A_88 : i32 to index
        %swap3A_136 = arith.constant 64 : index
        %swap3A_137 = tpu.vector_load %arg14[%swap3A_135, %swap3A_136] {strides = array<i32>} : memref<320x128xf32, #tpu.memory_space<vmem>>, vector<16xf32>,
        tpu.vector_store %arg14[%swap3A_135, %swap3A_136], %add3A_134 {strides = array<i32>} : memref<320x128xf32, #tpu.memory_space<vmem>>, vector<16xf32>,
        %get3A_138 = arith.index_cast %squeeze3A_88 : i32 to index
        %get3A_139 = arith.constant 80 : index
        %get3A_140 = tpu.vector_load %arg14[%get3A_138, %get3A_139] {strides = array<i32>} : memref<320x128xf32, #tpu.memory_space<vmem>>, vector<16xf32>,
        %get3A_141 = arith.index_cast %scan3A_84 : i32 to index
        %get3A_142 = arith.constant 80 : index
        %get3A_143 = tpu.vector_load %arg13[%get3A_141, %get3A_142] {strides = array<i32>} : memref<128x128xf32, #tpu.memory_space<vmem>>, vector<16xf32>,
        %add3A_144 = arith.addf %get3A_140, %get3A_143 : vector<16xf32>
        %swap3A_145 = arith.index_cast %squeeze3A_88 : i32 to index
        %swap3A_146 = arith.constant 80 : index
        %swap3A_147 = tpu.vector_load %arg14[%swap3A_145, %swap3A_146] {strides = array<i32>} : memref<320x128xf32, #tpu.memory_space<vmem>>, vector<16xf32>,
        tpu.vector_store %arg14[%swap3A_145, %swap3A_146], %add3A_144 {strides = array<i32>} : memref<320x128xf32, #tpu.memory_space<vmem>>, vector<16xf32>,
        %get3A_148 = arith.index_cast %squeeze3A_88 : i32 to index
        %get3A_149 = arith.constant 96 : index
        %get3A_150 = tpu.vector_load %arg14[%get3A_148, %get3A_149] {strides = array<i32>} : memref<320x128xf32, #tpu.memory_space<vmem>>, vector<16xf32>,
        %get3A_151 = arith.index_cast %scan3A_84 : i32 to index
        %get3A_152 = arith.constant 96 : index
        %get3A_153 = tpu.vector_load %arg13[%get3A_151, %get3A_152] {strides = array<i32>} : memref<128x128xf32, #tpu.memory_space<vmem>>, vector<16xf32>,
        %add3A_154 = arith.addf %get3A_150, %get3A_153 : vector<16xf32>
        %swap3A_155 = arith.index_cast %squeeze3A_88 : i32 to index
        %swap3A_156 = arith.constant 96 : index
        %swap3A_157 = tpu.vector_load %arg14[%swap3A_155, %swap3A_156] {strides = array<i32>} : memref<320x128xf32, #tpu.memory_space<vmem>>, vector<16xf32>,
        tpu.vector_store %arg14[%swap3A_155, %swap3A_156], %add3A_154 {strides = array<i32>} : memref<320x128xf32, #tpu.memory_space<vmem>>, vector<16xf32>,
        %get3A_158 = arith.index_cast %squeeze3A_88 : i32 to index
        %get3A_159 = arith.constant 112 : index
        %get3A_160 = tpu.vector_load %arg14[%get3A_158, %get3A_159] {strides = array<i32>} : memref<320x128xf32, #tpu.memory_space<vmem>>, vector<16xf32>,
        %get3A_161 = arith.index_cast %scan3A_84 : i32 to index
        %get3A_162 = arith.constant 112 : index
        %get3A_163 = tpu.vector_load %arg13[%get3A_161, %get3A_162] {strides = array<i32>} : memref<128x128xf32, #tpu.memory_space<vmem>>, vector<16xf32>,
        %add3A_164 = arith.addf %get3A_160, %get3A_163 : vector<16xf32>
        %swap3A_165 = arith.index_cast %squeeze3A_88 : i32 to index
        %swap3A_166 = arith.constant 112 : index
        %swap3A_167 = tpu.vector_load %arg14[%swap3A_165, %swap3A_166] {strides = array<i32>} : memref<320x128xf32, #tpu.memory_space<vmem>>, vector<16xf32>,
        tpu.vector_store %arg14[%swap3A_165, %swap3A_166], %add3A_164 {strides = array<i32>} : memref<320x128xf32, #tpu.memory_space<vmem>>, vector<16xf32>,
      }
      %scan3A_83 = arith.constant 128 : i32
    }
    %while3A_30 = arith.constant 1 : i32
    scf.for %while3A_50 = %while3A_28 to %while3A_24 step %while3A_30  : i32 {
      %mul3A_51 = arith.constant 2 : i32
      %mul3A_52 = arith.muli %while3A_50, %mul3A_51 : i32
      %mul3A_53 = arith.constant 128 : i32
      %mul3A_54 = arith.muli %mul3A_52, %mul3A_53 : i32
      %add3A_55 = arith.addi %mul3A_2, %mul3A_54 : i32
      "tpu.region"() ({
        %run_scoped3A = tpu.sem_alloc : memref<!tpu.dma_semaphore, #tpu.memory_space<semaphore_mem>>
        %dma_start3A_84 = tpu.memref_slice %arg3[%add3A_55] : memref<385024xi32, #tpu.memory_space<hbm>> -> memref<128xi32, #tpu.memory_space<hbm>>
        %dma_start3A_85 = tpu.memref_slice %arg3[%add3A_55] : memref<385024xi32, #tpu.memory_space<hbm>> -> memref<128xi32, #tpu.memory_space<hbm>>
        tpu.enqueue_dma source(%dma_start3A_85 : memref<128xi32, #tpu.memory_space<hbm>>) target(%arg8 : memref<128xi32, #tpu.memory_space<vmem>>) target_semaphore(%run_scoped3A : memref<!tpu.dma_semaphore, #tpu.memory_space<semaphore_mem>>)
        %dma_wait3A_86 = tpu.memref_slice %arg3[%add3A_55] : memref<385024xi32, #tpu.memory_space<hbm>> -> memref<128xi32, #tpu.memory_space<hbm>>
        %dma_wait3A_87 = tpu.memref_slice %arg3[%add3A_55] : memref<385024xi32, #tpu.memory_space<hbm>> -> memref<128xi32, #tpu.memory_space<hbm>>
        tpu.wait_dma2 semaphore(%run_scoped3A : memref<!tpu.dma_semaphore, #tpu.memory_space<semaphore_mem>>) src(%dma_wait3A_87 : memref<128xi32, #tpu.memory_space<hbm>>) dst(%arg8 : memref<128xi32, #tpu.memory_space<vmem>>)
        tpu.yield
      }) : () -> ()
      "tpu.region"() ({
        %run_scoped3A = tpu.sem_alloc : memref<!tpu.dma_semaphore, #tpu.memory_space<semaphore_mem>>
        %dma_start3A_84 = arith.constant 0 : i32
        %dma_start3A_85 = tpu.memref_slice %arg9[%dma_start3A_84] : memref<144xi32, #tpu.memory_space<vmem>> -> memref<128xi32, #tpu.memory_space<vmem>>
        %dma_start3A_86 = tpu.memref_slice %arg4[%add3A_55] : memref<385024xi32, #tpu.memory_space<hbm>> -> memref<128xi32, #tpu.memory_space<hbm>>
        %dma_start3A_87 = arith.constant 0 : i32
        %dma_start3A_88 = tpu.memref_slice %arg9[%dma_start3A_87] : memref<144xi32, #tpu.memory_space<vmem>> -> memref<128xi32, #tpu.memory_space<vmem>>
        %dma_start3A_89 = tpu.memref_slice %arg4[%add3A_55] : memref<385024xi32, #tpu.memory_space<hbm>> -> memref<128xi32, #tpu.memory_space<hbm>>
        tpu.enqueue_dma source(%dma_start3A_89 : memref<128xi32, #tpu.memory_space<hbm>>) target(%dma_start3A_88 : memref<128xi32, #tpu.memory_space<vmem>>) target_semaphore(%run_scoped3A : memref<!tpu.dma_semaphore, #tpu.memory_space<semaphore_mem>>)
        %dma_wait3A_90 = arith.constant 0 : i32
        %dma_wait3A_91 = tpu.memref_slice %arg9[%dma_wait3A_90] : memref<144xi32, #tpu.memory_space<vmem>> -> memref<128xi32, #tpu.memory_space<vmem>>
        %dma_wait3A_92 = tpu.memref_slice %arg4[%add3A_55] : memref<385024xi32, #tpu.memory_space<hbm>> -> memref<128xi32, #tpu.memory_space<hbm>>
        %dma_wait3A_93 = arith.constant 0 : i32
        %dma_wait3A_94 = tpu.memref_slice %arg9[%dma_wait3A_93] : memref<144xi32, #tpu.memory_space<vmem>> -> memref<128xi32, #tpu.memory_space<vmem>>
        %dma_wait3A_95 = tpu.memref_slice %arg4[%add3A_55] : memref<385024xi32, #tpu.memory_space<hbm>> -> memref<128xi32, #tpu.memory_space<hbm>>
        tpu.wait_dma2 semaphore(%run_scoped3A : memref<!tpu.dma_semaphore, #tpu.memory_space<semaphore_mem>>) src(%dma_wait3A_95 : memref<128xi32, #tpu.memory_space<hbm>>) dst(%dma_wait3A_94 : memref<128xi32, #tpu.memory_space<vmem>>)
        tpu.yield
      }) : () -> ()
      %dma_start3A = arith.constant 0 : i32
      %dma_start3A_56 = arith.constant 0 : i32
      %dma_start3A_57 = tpu.memref_slice %arg2[%dma_start3A, %dma_start3A_56] : memref<11000x128xf32, #tpu.memory_space<hbm>> -> memref<11000x128xf32, #tpu.memory_space<hbm>>
      tpu.enqueue_indirect_dma source(%dma_start3A_57 : memref<11000x128xf32, #tpu.memory_space<hbm>>) target(%arg10 : memref<128x128xf32, #tpu.memory_space<vmem>>) offsets(%arg8 : memref<128xi32, #tpu.memory_space<vmem>>) semaphore(%arg16 : memref<!tpu.dma_semaphore, #tpu.memory_space<semaphore_mem>>)
      %mul3A_58 = arith.constant 2 : i32
      %mul3A_59 = arith.muli %while3A_50, %mul3A_58 : i32
      %add3A_60 = arith.constant 1 : i32
      %add3A_61 = arith.addi %mul3A_59, %add3A_60 : i32
      %mul3A_62 = arith.constant 128 : i32
      %mul3A_63 = arith.muli %add3A_61, %mul3A_62 : i32
      %add3A_64 = arith.addi %mul3A_2, %mul3A_63 : i32
      "tpu.region"() ({
        %run_scoped3A = tpu.sem_alloc : memref<!tpu.dma_semaphore, #tpu.memory_space<semaphore_mem>>
        %dma_start3A_84 = tpu.memref_slice %arg3[%add3A_64] : memref<385024xi32, #tpu.memory_space<hbm>> -> memref<128xi32, #tpu.memory_space<hbm>>
        %dma_start3A_85 = tpu.memref_slice %arg3[%add3A_64] : memref<385024xi32, #tpu.memory_space<hbm>> -> memref<128xi32, #tpu.memory_space<hbm>>
        tpu.enqueue_dma source(%dma_start3A_85 : memref<128xi32, #tpu.memory_space<hbm>>) target(%arg11 : memref<128xi32, #tpu.memory_space<vmem>>) target_semaphore(%run_scoped3A : memref<!tpu.dma_semaphore, #tpu.memory_space<semaphore_mem>>)
        %dma_wait3A_86 = tpu.memref_slice %arg3[%add3A_64] : memref<385024xi32, #tpu.memory_space<hbm>> -> memref<128xi32, #tpu.memory_space<hbm>>
        %dma_wait3A_87 = tpu.memref_slice %arg3[%add3A_64] : memref<385024xi32, #tpu.memory_space<hbm>> -> memref<128xi32, #tpu.memory_space<hbm>>
        tpu.wait_dma2 semaphore(%run_scoped3A : memref<!tpu.dma_semaphore, #tpu.memory_space<semaphore_mem>>) src(%dma_wait3A_87 : memref<128xi32, #tpu.memory_space<hbm>>) dst(%arg11 : memref<128xi32, #tpu.memory_space<vmem>>)
        tpu.yield
      }) : () -> ()
      "tpu.region"() ({
        %run_scoped3A = tpu.sem_alloc : memref<!tpu.dma_semaphore, #tpu.memory_space<semaphore_mem>>
        %dma_start3A_84 = arith.constant 0 : i32
        %dma_start3A_85 = tpu.memref_slice %arg12[%dma_start3A_84] : memref<144xi32, #tpu.memory_space<vmem>> -> memref<128xi32, #tpu.memory_space<vmem>>
        %dma_start3A_86 = tpu.memref_slice %arg4[%add3A_64] : memref<385024xi32, #tpu.memory_space<hbm>> -> memref<128xi32, #tpu.memory_space<hbm>>
        %dma_start3A_87 = arith.constant 0 : i32
        %dma_start3A_88 = tpu.memref_slice %arg12[%dma_start3A_87] : memref<144xi32, #tpu.memory_space<vmem>> -> memref<128xi32, #tpu.memory_space<vmem>>
        %dma_start3A_89 = tpu.memref_slice %arg4[%add3A_64] : memref<385024xi32, #tpu.memory_space<hbm>> -> memref<128xi32, #tpu.memory_space<hbm>>
        tpu.enqueue_dma source(%dma_start3A_89 : memref<128xi32, #tpu.memory_space<hbm>>) target(%dma_start3A_88 : memref<128xi32, #tpu.memory_space<vmem>>) target_semaphore(%run_scoped3A : memref<!tpu.dma_semaphore, #tpu.memory_space<semaphore_mem>>)
        %dma_wait3A_90 = arith.constant 0 : i32
        %dma_wait3A_91 = tpu.memref_slice %arg12[%dma_wait3A_90] : memref<144xi32, #tpu.memory_space<vmem>> -> memref<128xi32, #tpu.memory_space<vmem>>
        %dma_wait3A_92 = tpu.memref_slice %arg4[%add3A_64] : memref<385024xi32, #tpu.memory_space<hbm>> -> memref<128xi32, #tpu.memory_space<hbm>>
        %dma_wait3A_93 = arith.constant 0 : i32
        %dma_wait3A_94 = tpu.memref_slice %arg12[%dma_wait3A_93] : memref<144xi32, #tpu.memory_space<vmem>> -> memref<128xi32, #tpu.memory_space<vmem>>
        %dma_wait3A_95 = tpu.memref_slice %arg4[%add3A_64] : memref<385024xi32, #tpu.memory_space<hbm>> -> memref<128xi32, #tpu.memory_space<hbm>>
        tpu.wait_dma2 semaphore(%run_scoped3A : memref<!tpu.dma_semaphore, #tpu.memory_space<semaphore_mem>>) src(%dma_wait3A_95 : memref<128xi32, #tpu.memory_space<hbm>>) dst(%dma_wait3A_94 : memref<128xi32, #tpu.memory_space<vmem>>)
        tpu.yield
      }) : () -> ()
      %dma_start3A_65 = arith.constant 0 : i32
      %dma_start3A_66 = arith.constant 0 : i32
      %dma_start3A_67 = tpu.memref_slice %arg2[%dma_start3A_65, %dma_start3A_66] : memref<11000x128xf32, #tpu.memory_space<hbm>> -> memref<11000x128xf32, #tpu.memory_space<hbm>>
      tpu.enqueue_indirect_dma source(%dma_start3A_67 : memref<11000x128xf32, #tpu.memory_space<hbm>>) target(%arg13 : memref<128x128xf32, #tpu.memory_space<vmem>>) offsets(%arg11 : memref<128xi32, #tpu.memory_space<vmem>>) semaphore(%arg17 : memref<!tpu.dma_semaphore, #tpu.memory_space<semaphore_mem>>)
      %dma_wait3A = arith.constant 0 : i32
      %dma_wait3A_68 = arith.constant 0 : i32
      %dma_wait3A_69 = tpu.memref_slice %arg2[%dma_wait3A, %dma_wait3A_68] : memref<11000x128xf32, #tpu.memory_space<hbm>> -> memref<11000x128xf32, #tpu.memory_space<hbm>>
      tpu.wait_indirect_dma semaphore(%arg16 : memref<!tpu.dma_semaphore, #tpu.memory_space<semaphore_mem>>) src(%dma_wait3A_69 : memref<11000x128xf32, #tpu.memory_space<hbm>>) dst(%arg10 : memref<128x128xf32, #tpu.memory_space<vmem>>)
      %scan3A = arith.constant 0 : i32
      %scan3A_70 = arith.constant 0 : i32
      %scan3A_71 = arith.constant 128 : i32
      %scan3A_72 = arith.addi %scan3A_70, %scan3A_71 : i32
      %scan3A_73 = arith.constant 1 : i32
      scf.for %scan3A_84 = %scan3A_70 to %scan3A_72 step %scan3A_73  : i32 {
        %get3A_85 = arith.index_cast %scan3A_84 : i32 to index
        %get3A_86 = tpu.vector_load %arg9[%get3A_85] {strides = array<i32>} : memref<144xi32, #tpu.memory_space<vmem>>, vector<16xi32>,
        %slice3A_87 = vector.extract_strided_slice %get3A_86 {offsets = [0], sizes = [1], strides = [1]} : vector<16xi32> to vector<1xi32>
        %squeeze3A_88 = vector.extract %slice3A_87[0] : i32 from vector<1xi32>
        %get3A_89 = arith.index_cast %squeeze3A_88 : i32 to index
        %get3A_90 = arith.constant 0 : index
        %get3A_91 = tpu.vector_load %arg14[%get3A_89, %get3A_90] {strides = array<i32>} : memref<320x128xf32, #tpu.memory_space<vmem>>, vector<16xf32>,
        %get3A_92 = arith.index_cast %scan3A_84 : i32 to index
        %get3A_93 = arith.constant 0 : index
        %get3A_94 = tpu.vector_load %arg10[%get3A_92, %get3A_93] {strides = array<i32>} : memref<128x128xf32, #tpu.memory_space<vmem>>, vector<16xf32>,
        %add3A_95 = arith.addf %get3A_91, %get3A_94 : vector<16xf32>
        %swap3A = arith.index_cast %squeeze3A_88 : i32 to index
        %swap3A_96 = arith.constant 0 : index
        %swap3A_97 = tpu.vector_load %arg14[%swap3A, %swap3A_96] {strides = array<i32>} : memref<320x128xf32, #tpu.memory_space<vmem>>, vector<16xf32>,
        tpu.vector_store %arg14[%swap3A, %swap3A_96], %add3A_95 {strides = array<i32>} : memref<320x128xf32, #tpu.memory_space<vmem>>, vector<16xf32>,
        %get3A_98 = arith.index_cast %squeeze3A_88 : i32 to index
        %get3A_99 = arith.constant 16 : index
        %get3A_100 = tpu.vector_load %arg14[%get3A_98, %get3A_99] {strides = array<i32>} : memref<320x128xf32, #tpu.memory_space<vmem>>, vector<16xf32>,
        %get3A_101 = arith.index_cast %scan3A_84 : i32 to index
        %get3A_102 = arith.constant 16 : index
        %get3A_103 = tpu.vector_load %arg10[%get3A_101, %get3A_102] {strides = array<i32>} : memref<128x128xf32, #tpu.memory_space<vmem>>, vector<16xf32>,
        %add3A_104 = arith.addf %get3A_100, %get3A_103 : vector<16xf32>
        %swap3A_105 = arith.index_cast %squeeze3A_88 : i32 to index
        %swap3A_106 = arith.constant 16 : index
        %swap3A_107 = tpu.vector_load %arg14[%swap3A_105, %swap3A_106] {strides = array<i32>} : memref<320x128xf32, #tpu.memory_space<vmem>>, vector<16xf32>,
        tpu.vector_store %arg14[%swap3A_105, %swap3A_106], %add3A_104 {strides = array<i32>} : memref<320x128xf32, #tpu.memory_space<vmem>>, vector<16xf32>,
        %get3A_108 = arith.index_cast %squeeze3A_88 : i32 to index
        %get3A_109 = arith.constant 32 : index
        %get3A_110 = tpu.vector_load %arg14[%get3A_108, %get3A_109] {strides = array<i32>} : memref<320x128xf32, #tpu.memory_space<vmem>>, vector<16xf32>,
        %get3A_111 = arith.index_cast %scan3A_84 : i32 to index
        %get3A_112 = arith.constant 32 : index
        %get3A_113 = tpu.vector_load %arg10[%get3A_111, %get3A_112] {strides = array<i32>} : memref<128x128xf32, #tpu.memory_space<vmem>>, vector<16xf32>,
        %add3A_114 = arith.addf %get3A_110, %get3A_113 : vector<16xf32>
        %swap3A_115 = arith.index_cast %squeeze3A_88 : i32 to index
        %swap3A_116 = arith.constant 32 : index
        %swap3A_117 = tpu.vector_load %arg14[%swap3A_115, %swap3A_116] {strides = array<i32>} : memref<320x128xf32, #tpu.memory_space<vmem>>, vector<16xf32>,
        tpu.vector_store %arg14[%swap3A_115, %swap3A_116], %add3A_114 {strides = array<i32>} : memref<320x128xf32, #tpu.memory_space<vmem>>, vector<16xf32>,
        %get3A_118 = arith.index_cast %squeeze3A_88 : i32 to index
        %get3A_119 = arith.constant 48 : index
        %get3A_120 = tpu.vector_load %arg14[%get3A_118, %get3A_119] {strides = array<i32>} : memref<320x128xf32, #tpu.memory_space<vmem>>, vector<16xf32>,
        %get3A_121 = arith.index_cast %scan3A_84 : i32 to index
        %get3A_122 = arith.constant 48 : index
        %get3A_123 = tpu.vector_load %arg10[%get3A_121, %get3A_122] {strides = array<i32>} : memref<128x128xf32, #tpu.memory_space<vmem>>, vector<16xf32>,
        %add3A_124 = arith.addf %get3A_120, %get3A_123 : vector<16xf32>
        %swap3A_125 = arith.index_cast %squeeze3A_88 : i32 to index
        %swap3A_126 = arith.constant 48 : index
        %swap3A_127 = tpu.vector_load %arg14[%swap3A_125, %swap3A_126] {strides = array<i32>} : memref<320x128xf32, #tpu.memory_space<vmem>>, vector<16xf32>,
        tpu.vector_store %arg14[%swap3A_125, %swap3A_126], %add3A_124 {strides = array<i32>} : memref<320x128xf32, #tpu.memory_space<vmem>>, vector<16xf32>,
        %get3A_128 = arith.index_cast %squeeze3A_88 : i32 to index
        %get3A_129 = arith.constant 64 : index
        %get3A_130 = tpu.vector_load %arg14[%get3A_128, %get3A_129] {strides = array<i32>} : memref<320x128xf32, #tpu.memory_space<vmem>>, vector<16xf32>,
        %get3A_131 = arith.index_cast %scan3A_84 : i32 to index
        %get3A_132 = arith.constant 64 : index
        %get3A_133 = tpu.vector_load %arg10[%get3A_131, %get3A_132] {strides = array<i32>} : memref<128x128xf32, #tpu.memory_space<vmem>>, vector<16xf32>,
        %add3A_134 = arith.addf %get3A_130, %get3A_133 : vector<16xf32>
        %swap3A_135 = arith.index_cast %squeeze3A_88 : i32 to index
        %swap3A_136 = arith.constant 64 : index
        %swap3A_137 = tpu.vector_load %arg14[%swap3A_135, %swap3A_136] {strides = array<i32>} : memref<320x128xf32, #tpu.memory_space<vmem>>, vector<16xf32>,
        tpu.vector_store %arg14[%swap3A_135, %swap3A_136], %add3A_134 {strides = array<i32>} : memref<320x128xf32, #tpu.memory_space<vmem>>, vector<16xf32>,
        %get3A_138 = arith.index_cast %squeeze3A_88 : i32 to index
        %get3A_139 = arith.constant 80 : index
        %get3A_140 = tpu.vector_load %arg14[%get3A_138, %get3A_139] {strides = array<i32>} : memref<320x128xf32, #tpu.memory_space<vmem>>, vector<16xf32>,
        %get3A_141 = arith.index_cast %scan3A_84 : i32 to index
        %get3A_142 = arith.constant 80 : index
        %get3A_143 = tpu.vector_load %arg10[%get3A_141, %get3A_142] {strides = array<i32>} : memref<128x128xf32, #tpu.memory_space<vmem>>, vector<16xf32>,
        %add3A_144 = arith.addf %get3A_140, %get3A_143 : vector<16xf32>
        %swap3A_145 = arith.index_cast %squeeze3A_88 : i32 to index
        %swap3A_146 = arith.constant 80 : index
        %swap3A_147 = tpu.vector_load %arg14[%swap3A_145, %swap3A_146] {strides = array<i32>} : memref<320x128xf32, #tpu.memory_space<vmem>>, vector<16xf32>,
        tpu.vector_store %arg14[%swap3A_145, %swap3A_146], %add3A_144 {strides = array<i32>} : memref<320x128xf32, #tpu.memory_space<vmem>>, vector<16xf32>,
        %get3A_148 = arith.index_cast %squeeze3A_88 : i32 to index
        %get3A_149 = arith.constant 96 : index
        %get3A_150 = tpu.vector_load %arg14[%get3A_148, %get3A_149] {strides = array<i32>} : memref<320x128xf32, #tpu.memory_space<vmem>>, vector<16xf32>,
        %get3A_151 = arith.index_cast %scan3A_84 : i32 to index
        %get3A_152 = arith.constant 96 : index
        %get3A_153 = tpu.vector_load %arg10[%get3A_151, %get3A_152] {strides = array<i32>} : memref<128x128xf32, #tpu.memory_space<vmem>>, vector<16xf32>,
        %add3A_154 = arith.addf %get3A_150, %get3A_153 : vector<16xf32>
        %swap3A_155 = arith.index_cast %squeeze3A_88 : i32 to index
        %swap3A_156 = arith.constant 96 : index
        %swap3A_157 = tpu.vector_load %arg14[%swap3A_155, %swap3A_156] {strides = array<i32>} : memref<320x128xf32, #tpu.memory_space<vmem>>, vector<16xf32>,
        tpu.vector_store %arg14[%swap3A_155, %swap3A_156], %add3A_154 {strides = array<i32>} : memref<320x128xf32, #tpu.memory_space<vmem>>, vector<16xf32>,
        %get3A_158 = arith.index_cast %squeeze3A_88 : i32 to index
        %get3A_159 = arith.constant 112 : index
        %get3A_160 = tpu.vector_load %arg14[%get3A_158, %get3A_159] {strides = array<i32>} : memref<320x128xf32, #tpu.memory_space<vmem>>, vector<16xf32>,
        %get3A_161 = arith.index_cast %scan3A_84 : i32 to index
        %get3A_162 = arith.constant 112 : index
        %get3A_163 = tpu.vector_load %arg10[%get3A_161, %get3A_162] {strides = array<i32>} : memref<128x128xf32, #tpu.memory_space<vmem>>, vector<16xf32>,
        %add3A_164 = arith.addf %get3A_160, %get3A_163 : vector<16xf32>
        %swap3A_165 = arith.index_cast %squeeze3A_88 : i32 to index
        %swap3A_166 = arith.constant 112 : index
        %swap3A_167 = tpu.vector_load %arg14[%swap3A_165, %swap3A_166] {strides = array<i32>} : memref<320x128xf32, #tpu.memory_space<vmem>>, vector<16xf32>,
        tpu.vector_store %arg14[%swap3A_165, %swap3A_166], %add3A_164 {strides = array<i32>} : memref<320x128xf32, #tpu.memory_space<vmem>>, vector<16xf32>,
      }
      %scan3A_74 = arith.constant 128 : i32
      %dma_wait3A_75 = arith.constant 0 : i32
      %dma_wait3A_76 = arith.constant 0 : i32
      %dma_wait3A_77 = tpu.memref_slice %arg2[%dma_wait3A_75, %dma_wait3A_76] : memref<11000x128xf32, #tpu.memory_space<hbm>> -> memref<11000x128xf32, #tpu.memory_space<hbm>>
      tpu.wait_indirect_dma semaphore(%arg17 : memref<!tpu.dma_semaphore, #tpu.memory_space<semaphore_mem>>) src(%dma_wait3A_77 : memref<11000x128xf32, #tpu.memory_space<hbm>>) dst(%arg13 : memref<128x128xf32, #tpu.memory_space<vmem>>)
      %scan3A_78 = arith.constant 0 : i32
      %scan3A_79 = arith.constant 0 : i32
      %scan3A_80 = arith.constant 128 : i32
      %scan3A_81 = arith.addi %scan3A_79, %scan3A_80 : i32
      %scan3A_82 = arith.constant 1 : i32
      scf.for %scan3A_84 = %scan3A_79 to %scan3A_81 step %scan3A_82  : i32 {
        %get3A_85 = arith.index_cast %scan3A_84 : i32 to index
        %get3A_86 = tpu.vector_load %arg12[%get3A_85] {strides = array<i32>} : memref<144xi32, #tpu.memory_space<vmem>>, vector<16xi32>,
        %slice3A_87 = vector.extract_strided_slice %get3A_86 {offsets = [0], sizes = [1], strides = [1]} : vector<16xi32> to vector<1xi32>
        %squeeze3A_88 = vector.extract %slice3A_87[0] : i32 from vector<1xi32>
        %get3A_89 = arith.index_cast %squeeze3A_88 : i32 to index
        %get3A_90 = arith.constant 0 : index
        %get3A_91 = tpu.vector_load %arg14[%get3A_89, %get3A_90] {strides = array<i32>} : memref<320x128xf32, #tpu.memory_space<vmem>>, vector<16xf32>,
        %get3A_92 = arith.index_cast %scan3A_84 : i32 to index
        %get3A_93 = arith.constant 0 : index
        %get3A_94 = tpu.vector_load %arg13[%get3A_92, %get3A_93] {strides = array<i32>} : memref<128x128xf32, #tpu.memory_space<vmem>>, vector<16xf32>,
        %add3A_95 = arith.addf %get3A_91, %get3A_94 : vector<16xf32>
        %swap3A = arith.index_cast %squeeze3A_88 : i32 to index
        %swap3A_96 = arith.constant 0 : index
        %swap3A_97 = tpu.vector_load %arg14[%swap3A, %swap3A_96] {strides = array<i32>} : memref<320x128xf32, #tpu.memory_space<vmem>>, vector<16xf32>,
        tpu.vector_store %arg14[%swap3A, %swap3A_96], %add3A_95 {strides = array<i32>} : memref<320x128xf32, #tpu.memory_space<vmem>>, vector<16xf32>,
        %get3A_98 = arith.index_cast %squeeze3A_88 : i32 to index
        %get3A_99 = arith.constant 16 : index
        %get3A_100 = tpu.vector_load %arg14[%get3A_98, %get3A_99] {strides = array<i32>} : memref<320x128xf32, #tpu.memory_space<vmem>>, vector<16xf32>,
        %get3A_101 = arith.index_cast %scan3A_84 : i32 to index
        %get3A_102 = arith.constant 16 : index
        %get3A_103 = tpu.vector_load %arg13[%get3A_101, %get3A_102] {strides = array<i32>} : memref<128x128xf32, #tpu.memory_space<vmem>>, vector<16xf32>,
        %add3A_104 = arith.addf %get3A_100, %get3A_103 : vector<16xf32>
        %swap3A_105 = arith.index_cast %squeeze3A_88 : i32 to index
        %swap3A_106 = arith.constant 16 : index
        %swap3A_107 = tpu.vector_load %arg14[%swap3A_105, %swap3A_106] {strides = array<i32>} : memref<320x128xf32, #tpu.memory_space<vmem>>, vector<16xf32>,
        tpu.vector_store %arg14[%swap3A_105, %swap3A_106], %add3A_104 {strides = array<i32>} : memref<320x128xf32, #tpu.memory_space<vmem>>, vector<16xf32>,
        %get3A_108 = arith.index_cast %squeeze3A_88 : i32 to index
        %get3A_109 = arith.constant 32 : index
        %get3A_110 = tpu.vector_load %arg14[%get3A_108, %get3A_109] {strides = array<i32>} : memref<320x128xf32, #tpu.memory_space<vmem>>, vector<16xf32>,
        %get3A_111 = arith.index_cast %scan3A_84 : i32 to index
        %get3A_112 = arith.constant 32 : index
        %get3A_113 = tpu.vector_load %arg13[%get3A_111, %get3A_112] {strides = array<i32>} : memref<128x128xf32, #tpu.memory_space<vmem>>, vector<16xf32>,
        %add3A_114 = arith.addf %get3A_110, %get3A_113 : vector<16xf32>
        %swap3A_115 = arith.index_cast %squeeze3A_88 : i32 to index
        %swap3A_116 = arith.constant 32 : index
        %swap3A_117 = tpu.vector_load %arg14[%swap3A_115, %swap3A_116] {strides = array<i32>} : memref<320x128xf32, #tpu.memory_space<vmem>>, vector<16xf32>,
        tpu.vector_store %arg14[%swap3A_115, %swap3A_116], %add3A_114 {strides = array<i32>} : memref<320x128xf32, #tpu.memory_space<vmem>>, vector<16xf32>,
        %get3A_118 = arith.index_cast %squeeze3A_88 : i32 to index
        %get3A_119 = arith.constant 48 : index
        %get3A_120 = tpu.vector_load %arg14[%get3A_118, %get3A_119] {strides = array<i32>} : memref<320x128xf32, #tpu.memory_space<vmem>>, vector<16xf32>,
        %get3A_121 = arith.index_cast %scan3A_84 : i32 to index
        %get3A_122 = arith.constant 48 : index
        %get3A_123 = tpu.vector_load %arg13[%get3A_121, %get3A_122] {strides = array<i32>} : memref<128x128xf32, #tpu.memory_space<vmem>>, vector<16xf32>,
        %add3A_124 = arith.addf %get3A_120, %get3A_123 : vector<16xf32>
        %swap3A_125 = arith.index_cast %squeeze3A_88 : i32 to index
        %swap3A_126 = arith.constant 48 : index
        %swap3A_127 = tpu.vector_load %arg14[%swap3A_125, %swap3A_126] {strides = array<i32>} : memref<320x128xf32, #tpu.memory_space<vmem>>, vector<16xf32>,
        tpu.vector_store %arg14[%swap3A_125, %swap3A_126], %add3A_124 {strides = array<i32>} : memref<320x128xf32, #tpu.memory_space<vmem>>, vector<16xf32>,
        %get3A_128 = arith.index_cast %squeeze3A_88 : i32 to index
        %get3A_129 = arith.constant 64 : index
        %get3A_130 = tpu.vector_load %arg14[%get3A_128, %get3A_129] {strides = array<i32>} : memref<320x128xf32, #tpu.memory_space<vmem>>, vector<16xf32>,
        %get3A_131 = arith.index_cast %scan3A_84 : i32 to index
        %get3A_132 = arith.constant 64 : index
        %get3A_133 = tpu.vector_load %arg13[%get3A_131, %get3A_132] {strides = array<i32>} : memref<128x128xf32, #tpu.memory_space<vmem>>, vector<16xf32>,
        %add3A_134 = arith.addf %get3A_130, %get3A_133 : vector<16xf32>
        %swap3A_135 = arith.index_cast %squeeze3A_88 : i32 to index
        %swap3A_136 = arith.constant 64 : index
        %swap3A_137 = tpu.vector_load %arg14[%swap3A_135, %swap3A_136] {strides = array<i32>} : memref<320x128xf32, #tpu.memory_space<vmem>>, vector<16xf32>,
        tpu.vector_store %arg14[%swap3A_135, %swap3A_136], %add3A_134 {strides = array<i32>} : memref<320x128xf32, #tpu.memory_space<vmem>>, vector<16xf32>,
        %get3A_138 = arith.index_cast %squeeze3A_88 : i32 to index
        %get3A_139 = arith.constant 80 : index
        %get3A_140 = tpu.vector_load %arg14[%get3A_138, %get3A_139] {strides = array<i32>} : memref<320x128xf32, #tpu.memory_space<vmem>>, vector<16xf32>,
        %get3A_141 = arith.index_cast %scan3A_84 : i32 to index
        %get3A_142 = arith.constant 80 : index
        %get3A_143 = tpu.vector_load %arg13[%get3A_141, %get3A_142] {strides = array<i32>} : memref<128x128xf32, #tpu.memory_space<vmem>>, vector<16xf32>,
        %add3A_144 = arith.addf %get3A_140, %get3A_143 : vector<16xf32>
        %swap3A_145 = arith.index_cast %squeeze3A_88 : i32 to index
        %swap3A_146 = arith.constant 80 : index
        %swap3A_147 = tpu.vector_load %arg14[%swap3A_145, %swap3A_146] {strides = array<i32>} : memref<320x128xf32, #tpu.memory_space<vmem>>, vector<16xf32>,
        tpu.vector_store %arg14[%swap3A_145, %swap3A_146], %add3A_144 {strides = array<i32>} : memref<320x128xf32, #tpu.memory_space<vmem>>, vector<16xf32>,
        %get3A_148 = arith.index_cast %squeeze3A_88 : i32 to index
        %get3A_149 = arith.constant 96 : index
        %get3A_150 = tpu.vector_load %arg14[%get3A_148, %get3A_149] {strides = array<i32>} : memref<320x128xf32, #tpu.memory_space<vmem>>, vector<16xf32>,
        %get3A_151 = arith.index_cast %scan3A_84 : i32 to index
        %get3A_152 = arith.constant 96 : index
        %get3A_153 = tpu.vector_load %arg13[%get3A_151, %get3A_152] {strides = array<i32>} : memref<128x128xf32, #tpu.memory_space<vmem>>, vector<16xf32>,
        %add3A_154 = arith.addf %get3A_150, %get3A_153 : vector<16xf32>
        %swap3A_155 = arith.index_cast %squeeze3A_88 : i32 to index
        %swap3A_156 = arith.constant 96 : index
        %swap3A_157 = tpu.vector_load %arg14[%swap3A_155, %swap3A_156] {strides = array<i32>} : memref<320x128xf32, #tpu.memory_space<vmem>>, vector<16xf32>,
        tpu.vector_store %arg14[%swap3A_155, %swap3A_156], %add3A_154 {strides = array<i32>} : memref<320x128xf32, #tpu.memory_space<vmem>>, vector<16xf32>,
        %get3A_158 = arith.index_cast %squeeze3A_88 : i32 to index
        %get3A_159 = arith.constant 112 : index
        %get3A_160 = tpu.vector_load %arg14[%get3A_158, %get3A_159] {strides = array<i32>} : memref<320x128xf32, #tpu.memory_space<vmem>>, vector<16xf32>,
        %get3A_161 = arith.index_cast %scan3A_84 : i32 to index
        %get3A_162 = arith.constant 112 : index
        %get3A_163 = tpu.vector_load %arg13[%get3A_161, %get3A_162] {strides = array<i32>} : memref<128x128xf32, #tpu.memory_space<vmem>>, vector<16xf32>,
        %add3A_164 = arith.addf %get3A_160, %get3A_163 : vector<16xf32>
        %swap3A_165 = arith.index_cast %squeeze3A_88 : i32 to index
        %swap3A_166 = arith.constant 112 : index
        %swap3A_167 = tpu.vector_load %arg14[%swap3A_165, %swap3A_166] {strides = array<i32>} : memref<320x128xf32, #tpu.memory_space<vmem>>, vector<16xf32>,
        tpu.vector_store %arg14[%swap3A_165, %swap3A_166], %add3A_164 {strides = array<i32>} : memref<320x128xf32, #tpu.memory_space<vmem>>, vector<16xf32>,
      }
      %scan3A_83 = arith.constant 128 : i32
    }
    %jit3A_31 = arith.constant 2 : i32
    %eq3A = arith.constant 0 : i32
    %eq3A_32 = arith.cmpi eq, %jit3A_31, %eq3A : i32
    %jit3A_33 = arith.constant 1 : i32
    %select_n3A_34 = arith.select %eq3A_32, %jit3A_33, %jit3A_31 : i32
    %rem3A_35 = arith.remsi %squeeze3A, %select_n3A_34 : i32
    %ne3A_36 = arith.constant 0 : i32
    %ne3A_37 = arith.cmpi ne, %rem3A_35, %ne3A_36 : i32
    %lt3A = arith.constant 0 : i32
    %lt3A_38 = arith.cmpi slt, %rem3A_35, %lt3A : i32
    %lt3A_39 = arith.constant 0 : i32
    %lt3A_40 = arith.cmpi slt, %select_n3A_34, %lt3A_39 : i32
    %ne3A_41 = arith.xori %lt3A_38, %lt3A_40 : i1
    %and3A_42 = arith.andi %ne3A_41, %ne3A_37 : i1
    %add3A_43 = arith.addi %rem3A_35, %select_n3A_34 : i32
    %select_n3A_44 = arith.select %and3A_42, %add3A_43, %rem3A_35 : i32
    %eq3A_45 = arith.constant 1 : i32
    %eq3A_46 = arith.cmpi eq, %select_n3A_44, %eq3A_45 : i32
    %convert_element_type3A = arith.extui %eq3A_46 : i1 to i32
    %cond3A = arith.constant 0 : i32
    %cond3A_47 = arith.cmpi ne, %convert_element_type3A, %cond3A : i32
    scf.if %cond3A_47 {
      %sub3A_50 = arith.constant 1 : i32
      %sub3A_51 = arith.subi %squeeze3A, %sub3A_50 : i32
      %mul3A_52 = arith.constant 128 : i32
      %mul3A_53 = arith.muli %sub3A_51, %mul3A_52 : i32
      %add3A_54 = arith.addi %mul3A_2, %mul3A_53 : i32
      "tpu.region"() ({
        %run_scoped3A = tpu.sem_alloc : memref<!tpu.dma_semaphore, #tpu.memory_space<semaphore_mem>>
        %dma_start3A_64 = tpu.memref_slice %arg3[%add3A_54] : memref<385024xi32, #tpu.memory_space<hbm>> -> memref<128xi32, #tpu.memory_space<hbm>>
        %dma_start3A_65 = tpu.memref_slice %arg3[%add3A_54] : memref<385024xi32, #tpu.memory_space<hbm>> -> memref<128xi32, #tpu.memory_space<hbm>>
        tpu.enqueue_dma source(%dma_start3A_65 : memref<128xi32, #tpu.memory_space<hbm>>) target(%arg8 : memref<128xi32, #tpu.memory_space<vmem>>) target_semaphore(%run_scoped3A : memref<!tpu.dma_semaphore, #tpu.memory_space<semaphore_mem>>)
        %dma_wait3A_66 = tpu.memref_slice %arg3[%add3A_54] : memref<385024xi32, #tpu.memory_space<hbm>> -> memref<128xi32, #tpu.memory_space<hbm>>
        %dma_wait3A_67 = tpu.memref_slice %arg3[%add3A_54] : memref<385024xi32, #tpu.memory_space<hbm>> -> memref<128xi32, #tpu.memory_space<hbm>>
        tpu.wait_dma2 semaphore(%run_scoped3A : memref<!tpu.dma_semaphore, #tpu.memory_space<semaphore_mem>>) src(%dma_wait3A_67 : memref<128xi32, #tpu.memory_space<hbm>>) dst(%arg8 : memref<128xi32, #tpu.memory_space<vmem>>)
        tpu.yield
      }) : () -> ()
      "tpu.region"() ({
        %run_scoped3A = tpu.sem_alloc : memref<!tpu.dma_semaphore, #tpu.memory_space<semaphore_mem>>
        %dma_start3A_64 = arith.constant 0 : i32
        %dma_start3A_65 = tpu.memref_slice %arg9[%dma_start3A_64] : memref<144xi32, #tpu.memory_space<vmem>> -> memref<128xi32, #tpu.memory_space<vmem>>
        %dma_start3A_66 = tpu.memref_slice %arg4[%add3A_54] : memref<385024xi32, #tpu.memory_space<hbm>> -> memref<128xi32, #tpu.memory_space<hbm>>
        %dma_start3A_67 = arith.constant 0 : i32
        %dma_start3A_68 = tpu.memref_slice %arg9[%dma_start3A_67] : memref<144xi32, #tpu.memory_space<vmem>> -> memref<128xi32, #tpu.memory_space<vmem>>
        %dma_start3A_69 = tpu.memref_slice %arg4[%add3A_54] : memref<385024xi32, #tpu.memory_space<hbm>> -> memref<128xi32, #tpu.memory_space<hbm>>
        tpu.enqueue_dma source(%dma_start3A_69 : memref<128xi32, #tpu.memory_space<hbm>>) target(%dma_start3A_68 : memref<128xi32, #tpu.memory_space<vmem>>) target_semaphore(%run_scoped3A : memref<!tpu.dma_semaphore, #tpu.memory_space<semaphore_mem>>)
        %dma_wait3A_70 = arith.constant 0 : i32
        %dma_wait3A_71 = tpu.memref_slice %arg9[%dma_wait3A_70] : memref<144xi32, #tpu.memory_space<vmem>> -> memref<128xi32, #tpu.memory_space<vmem>>
        %dma_wait3A_72 = tpu.memref_slice %arg4[%add3A_54] : memref<385024xi32, #tpu.memory_space<hbm>> -> memref<128xi32, #tpu.memory_space<hbm>>
        %dma_wait3A_73 = arith.constant 0 : i32
        %dma_wait3A_74 = tpu.memref_slice %arg9[%dma_wait3A_73] : memref<144xi32, #tpu.memory_space<vmem>> -> memref<128xi32, #tpu.memory_space<vmem>>
        %dma_wait3A_75 = tpu.memref_slice %arg4[%add3A_54] : memref<385024xi32, #tpu.memory_space<hbm>> -> memref<128xi32, #tpu.memory_space<hbm>>
        tpu.wait_dma2 semaphore(%run_scoped3A : memref<!tpu.dma_semaphore, #tpu.memory_space<semaphore_mem>>) src(%dma_wait3A_75 : memref<128xi32, #tpu.memory_space<hbm>>) dst(%dma_wait3A_74 : memref<128xi32, #tpu.memory_space<vmem>>)
        tpu.yield
      }) : () -> ()
      %dma_start3A = arith.constant 0 : i32
      %dma_start3A_55 = arith.constant 0 : i32
      %dma_start3A_56 = tpu.memref_slice %arg2[%dma_start3A, %dma_start3A_55] : memref<11000x128xf32, #tpu.memory_space<hbm>> -> memref<11000x128xf32, #tpu.memory_space<hbm>>
      tpu.enqueue_indirect_dma source(%dma_start3A_56 : memref<11000x128xf32, #tpu.memory_space<hbm>>) target(%arg10 : memref<128x128xf32, #tpu.memory_space<vmem>>) offsets(%arg8 : memref<128xi32, #tpu.memory_space<vmem>>) semaphore(%arg16 : memref<!tpu.dma_semaphore, #tpu.memory_space<semaphore_mem>>)
      %dma_wait3A = arith.constant 0 : i32
      %dma_wait3A_57 = arith.constant 0 : i32
      %dma_wait3A_58 = tpu.memref_slice %arg2[%dma_wait3A, %dma_wait3A_57] : memref<11000x128xf32, #tpu.memory_space<hbm>> -> memref<11000x128xf32, #tpu.memory_space<hbm>>
      tpu.wait_indirect_dma semaphore(%arg16 : memref<!tpu.dma_semaphore, #tpu.memory_space<semaphore_mem>>) src(%dma_wait3A_58 : memref<11000x128xf32, #tpu.memory_space<hbm>>) dst(%arg10 : memref<128x128xf32, #tpu.memory_space<vmem>>)
      %scan3A = arith.constant 0 : i32
      %scan3A_59 = arith.constant 0 : i32
      %scan3A_60 = arith.constant 128 : i32
      %scan3A_61 = arith.addi %scan3A_59, %scan3A_60 : i32
      %scan3A_62 = arith.constant 1 : i32
      scf.for %scan3A_64 = %scan3A_59 to %scan3A_61 step %scan3A_62  : i32 {
        %get3A_65 = arith.index_cast %scan3A_64 : i32 to index
        %get3A_66 = tpu.vector_load %arg9[%get3A_65] {strides = array<i32>} : memref<144xi32, #tpu.memory_space<vmem>>, vector<16xi32>,
        %slice3A_67 = vector.extract_strided_slice %get3A_66 {offsets = [0], sizes = [1], strides = [1]} : vector<16xi32> to vector<1xi32>
        %squeeze3A_68 = vector.extract %slice3A_67[0] : i32 from vector<1xi32>
        %get3A_69 = arith.index_cast %squeeze3A_68 : i32 to index
        %get3A_70 = arith.constant 0 : index
        %get3A_71 = tpu.vector_load %arg14[%get3A_69, %get3A_70] {strides = array<i32>} : memref<320x128xf32, #tpu.memory_space<vmem>>, vector<16xf32>,
        %get3A_72 = arith.index_cast %scan3A_64 : i32 to index
        %get3A_73 = arith.constant 0 : index
        %get3A_74 = tpu.vector_load %arg10[%get3A_72, %get3A_73] {strides = array<i32>} : memref<128x128xf32, #tpu.memory_space<vmem>>, vector<16xf32>,
        %add3A_75 = arith.addf %get3A_71, %get3A_74 : vector<16xf32>
        %swap3A = arith.index_cast %squeeze3A_68 : i32 to index
        %swap3A_76 = arith.constant 0 : index
        %swap3A_77 = tpu.vector_load %arg14[%swap3A, %swap3A_76] {strides = array<i32>} : memref<320x128xf32, #tpu.memory_space<vmem>>, vector<16xf32>,
        tpu.vector_store %arg14[%swap3A, %swap3A_76], %add3A_75 {strides = array<i32>} : memref<320x128xf32, #tpu.memory_space<vmem>>, vector<16xf32>,
        %get3A_78 = arith.index_cast %squeeze3A_68 : i32 to index
        %get3A_79 = arith.constant 16 : index
        %get3A_80 = tpu.vector_load %arg14[%get3A_78, %get3A_79] {strides = array<i32>} : memref<320x128xf32, #tpu.memory_space<vmem>>, vector<16xf32>,
        %get3A_81 = arith.index_cast %scan3A_64 : i32 to index
        %get3A_82 = arith.constant 16 : index
        %get3A_83 = tpu.vector_load %arg10[%get3A_81, %get3A_82] {strides = array<i32>} : memref<128x128xf32, #tpu.memory_space<vmem>>, vector<16xf32>,
        %add3A_84 = arith.addf %get3A_80, %get3A_83 : vector<16xf32>
        %swap3A_85 = arith.index_cast %squeeze3A_68 : i32 to index
        %swap3A_86 = arith.constant 16 : index
        %swap3A_87 = tpu.vector_load %arg14[%swap3A_85, %swap3A_86] {strides = array<i32>} : memref<320x128xf32, #tpu.memory_space<vmem>>, vector<16xf32>,
        tpu.vector_store %arg14[%swap3A_85, %swap3A_86], %add3A_84 {strides = array<i32>} : memref<320x128xf32, #tpu.memory_space<vmem>>, vector<16xf32>,
        %get3A_88 = arith.index_cast %squeeze3A_68 : i32 to index
        %get3A_89 = arith.constant 32 : index
        %get3A_90 = tpu.vector_load %arg14[%get3A_88, %get3A_89] {strides = array<i32>} : memref<320x128xf32, #tpu.memory_space<vmem>>, vector<16xf32>,
        %get3A_91 = arith.index_cast %scan3A_64 : i32 to index
        %get3A_92 = arith.constant 32 : index
        %get3A_93 = tpu.vector_load %arg10[%get3A_91, %get3A_92] {strides = array<i32>} : memref<128x128xf32, #tpu.memory_space<vmem>>, vector<16xf32>,
        %add3A_94 = arith.addf %get3A_90, %get3A_93 : vector<16xf32>
        %swap3A_95 = arith.index_cast %squeeze3A_68 : i32 to index
        %swap3A_96 = arith.constant 32 : index
        %swap3A_97 = tpu.vector_load %arg14[%swap3A_95, %swap3A_96] {strides = array<i32>} : memref<320x128xf32, #tpu.memory_space<vmem>>, vector<16xf32>,
        tpu.vector_store %arg14[%swap3A_95, %swap3A_96], %add3A_94 {strides = array<i32>} : memref<320x128xf32, #tpu.memory_space<vmem>>, vector<16xf32>,
        %get3A_98 = arith.index_cast %squeeze3A_68 : i32 to index
        %get3A_99 = arith.constant 48 : index
        %get3A_100 = tpu.vector_load %arg14[%get3A_98, %get3A_99] {strides = array<i32>} : memref<320x128xf32, #tpu.memory_space<vmem>>, vector<16xf32>,
        %get3A_101 = arith.index_cast %scan3A_64 : i32 to index
        %get3A_102 = arith.constant 48 : index
        %get3A_103 = tpu.vector_load %arg10[%get3A_101, %get3A_102] {strides = array<i32>} : memref<128x128xf32, #tpu.memory_space<vmem>>, vector<16xf32>,
        %add3A_104 = arith.addf %get3A_100, %get3A_103 : vector<16xf32>
        %swap3A_105 = arith.index_cast %squeeze3A_68 : i32 to index
        %swap3A_106 = arith.constant 48 : index
        %swap3A_107 = tpu.vector_load %arg14[%swap3A_105, %swap3A_106] {strides = array<i32>} : memref<320x128xf32, #tpu.memory_space<vmem>>, vector<16xf32>,
        tpu.vector_store %arg14[%swap3A_105, %swap3A_106], %add3A_104 {strides = array<i32>} : memref<320x128xf32, #tpu.memory_space<vmem>>, vector<16xf32>,
        %get3A_108 = arith.index_cast %squeeze3A_68 : i32 to index
        %get3A_109 = arith.constant 64 : index
        %get3A_110 = tpu.vector_load %arg14[%get3A_108, %get3A_109] {strides = array<i32>} : memref<320x128xf32, #tpu.memory_space<vmem>>, vector<16xf32>,
        %get3A_111 = arith.index_cast %scan3A_64 : i32 to index
        %get3A_112 = arith.constant 64 : index
        %get3A_113 = tpu.vector_load %arg10[%get3A_111, %get3A_112] {strides = array<i32>} : memref<128x128xf32, #tpu.memory_space<vmem>>, vector<16xf32>,
        %add3A_114 = arith.addf %get3A_110, %get3A_113 : vector<16xf32>
        %swap3A_115 = arith.index_cast %squeeze3A_68 : i32 to index
        %swap3A_116 = arith.constant 64 : index
        %swap3A_117 = tpu.vector_load %arg14[%swap3A_115, %swap3A_116] {strides = array<i32>} : memref<320x128xf32, #tpu.memory_space<vmem>>, vector<16xf32>,
        tpu.vector_store %arg14[%swap3A_115, %swap3A_116], %add3A_114 {strides = array<i32>} : memref<320x128xf32, #tpu.memory_space<vmem>>, vector<16xf32>,
        %get3A_118 = arith.index_cast %squeeze3A_68 : i32 to index
        %get3A_119 = arith.constant 80 : index
        %get3A_120 = tpu.vector_load %arg14[%get3A_118, %get3A_119] {strides = array<i32>} : memref<320x128xf32, #tpu.memory_space<vmem>>, vector<16xf32>,
        %get3A_121 = arith.index_cast %scan3A_64 : i32 to index
        %get3A_122 = arith.constant 80 : index
        %get3A_123 = tpu.vector_load %arg10[%get3A_121, %get3A_122] {strides = array<i32>} : memref<128x128xf32, #tpu.memory_space<vmem>>, vector<16xf32>,
        %add3A_124 = arith.addf %get3A_120, %get3A_123 : vector<16xf32>
        %swap3A_125 = arith.index_cast %squeeze3A_68 : i32 to index
        %swap3A_126 = arith.constant 80 : index
        %swap3A_127 = tpu.vector_load %arg14[%swap3A_125, %swap3A_126] {strides = array<i32>} : memref<320x128xf32, #tpu.memory_space<vmem>>, vector<16xf32>,
        tpu.vector_store %arg14[%swap3A_125, %swap3A_126], %add3A_124 {strides = array<i32>} : memref<320x128xf32, #tpu.memory_space<vmem>>, vector<16xf32>,
        %get3A_128 = arith.index_cast %squeeze3A_68 : i32 to index
        %get3A_129 = arith.constant 96 : index
        %get3A_130 = tpu.vector_load %arg14[%get3A_128, %get3A_129] {strides = array<i32>} : memref<320x128xf32, #tpu.memory_space<vmem>>, vector<16xf32>,
        %get3A_131 = arith.index_cast %scan3A_64 : i32 to index
        %get3A_132 = arith.constant 96 : index
        %get3A_133 = tpu.vector_load %arg10[%get3A_131, %get3A_132] {strides = array<i32>} : memref<128x128xf32, #tpu.memory_space<vmem>>, vector<16xf32>,
        %add3A_134 = arith.addf %get3A_130, %get3A_133 : vector<16xf32>
        %swap3A_135 = arith.index_cast %squeeze3A_68 : i32 to index
        %swap3A_136 = arith.constant 96 : index
        %swap3A_137 = tpu.vector_load %arg14[%swap3A_135, %swap3A_136] {strides = array<i32>} : memref<320x128xf32, #tpu.memory_space<vmem>>, vector<16xf32>,
        tpu.vector_store %arg14[%swap3A_135, %swap3A_136], %add3A_134 {strides = array<i32>} : memref<320x128xf32, #tpu.memory_space<vmem>>, vector<16xf32>,
        %get3A_138 = arith.index_cast %squeeze3A_68 : i32 to index
        %get3A_139 = arith.constant 112 : index
        %get3A_140 = tpu.vector_load %arg14[%get3A_138, %get3A_139] {strides = array<i32>} : memref<320x128xf32, #tpu.memory_space<vmem>>, vector<16xf32>,
        %get3A_141 = arith.index_cast %scan3A_64 : i32 to index
        %get3A_142 = arith.constant 112 : index
        %get3A_143 = tpu.vector_load %arg10[%get3A_141, %get3A_142] {strides = array<i32>} : memref<128x128xf32, #tpu.memory_space<vmem>>, vector<16xf32>,
        %add3A_144 = arith.addf %get3A_140, %get3A_143 : vector<16xf32>
        %swap3A_145 = arith.index_cast %squeeze3A_68 : i32 to index
        %swap3A_146 = arith.constant 112 : index
        %swap3A_147 = tpu.vector_load %arg14[%swap3A_145, %swap3A_146] {strides = array<i32>} : memref<320x128xf32, #tpu.memory_space<vmem>>, vector<16xf32>,
        tpu.vector_store %arg14[%swap3A_145, %swap3A_146], %add3A_144 {strides = array<i32>} : memref<320x128xf32, #tpu.memory_space<vmem>>, vector<16xf32>,
      }
      %scan3A_63 = arith.constant 128 : i32
    } else {
    }
    %mul3A_48 = arith.constant 320 : i32
    %mul3A_49 = arith.muli %add3A, %mul3A_48 : i32
    "tpu.region"() ({
      %run_scoped3A = tpu.sem_alloc : memref<!tpu.dma_semaphore, #tpu.memory_space<semaphore_mem>>
      %dma_start3A = arith.constant 0 : i32
      %dma_start3A_50 = tpu.memref_slice %arg7[%mul3A_49, %dma_start3A] : memref<10240x128xf32, #tpu.memory_space<hbm>> -> memref<320x128xf32, #tpu.memory_space<hbm>>
      %dma_start3A_51 = arith.constant 0 : i32
      %dma_start3A_52 = tpu.memref_slice %arg7[%mul3A_49, %dma_start3A_51] : memref<10240x128xf32, #tpu.memory_space<hbm>> -> memref<320x128xf32, #tpu.memory_space<hbm>>
      tpu.enqueue_dma source(%arg14 : memref<320x128xf32, #tpu.memory_space<vmem>>) target(%dma_start3A_52 : memref<320x128xf32, #tpu.memory_space<hbm>>) target_semaphore(%run_scoped3A : memref<!tpu.dma_semaphore, #tpu.memory_space<semaphore_mem>>)
      %dma_wait3A = arith.constant 0 : i32
      %dma_wait3A_53 = tpu.memref_slice %arg7[%mul3A_49, %dma_wait3A] : memref<10240x128xf32, #tpu.memory_space<hbm>> -> memref<320x128xf32, #tpu.memory_space<hbm>>
      %dma_wait3A_54 = arith.constant 0 : i32
      %dma_wait3A_55 = tpu.memref_slice %arg7[%mul3A_49, %dma_wait3A_54] : memref<10240x128xf32, #tpu.memory_space<hbm>> -> memref<320x128xf32, #tpu.memory_space<hbm>>
      tpu.wait_dma2 semaphore(%run_scoped3A : memref<!tpu.dma_semaphore, #tpu.memory_space<semaphore_mem>>) src(%arg14 : memref<320x128xf32, #tpu.memory_space<vmem>>) dst(%dma_wait3A_55 : memref<320x128xf32, #tpu.memory_space<hbm>>)
      tpu.yield
    }) : () -> ()
    return
  }
}

#map = affine_map<(d0, d1) -> (0, 0)>
#map1 = affine_map<(d0, d1) -> (0)>
module attributes {stable_mosaic.version = 14 : i64} {
  func.func @_sc_scatter(%arg0: i32, %arg1: i32, %arg2: memref<11000x128xf32, #tpu.memory_space<hbm>>, %arg3: memref<385024xi32, #tpu.memory_space<hbm>>, %arg4: memref<385024xi32, #tpu.memory_space<hbm>>, %arg5: memref<512xi32, #tpu.memory_space<hbm>>, %arg6: memref<320x128xf32, #tpu.memory_space<hbm>>, %arg7: memref<10240x128xf32, #tpu.memory_space<hbm>>, %arg8: memref<128xi32, #tpu.memory_space<vmem>>, %arg9: memref<144xi32, #tpu.memory_space<vmem>>, %arg10: memref<128x128xf32, #tpu.memory_space<vmem>>, %arg11: memref<128xi32, #tpu.memory_space<vmem>>, %arg12: memref<144xi32, #tpu.memory_space<vmem>>, %arg13: memref<128x128xf32, #tpu.memory_space<vmem>>, %arg14: memref<320x128xf32, #tpu.memory_space<vmem>>, %arg15: memref<16xi32, #tpu.memory_space<vmem>>, %arg16: memref<!tpu.dma_semaphore, #tpu.memory_space<semaphore_mem>>, %arg17: memref<!tpu.dma_semaphore, #tpu.memory_space<semaphore_mem>>) attributes {dimension_semantics = [#tpu.dimension_semantics<core_parallel>, #tpu.dimension_semantics<subcore_parallel>], iteration_bounds = array<i64: 2, 16>, scalar_prefetch = 0 : i64, scratch_operands = 10 : i64, tpu.core_type = #tpu.core_type<sc_vector_subcore>, window_params = [{transform_indices = #map}, {transform_indices = #map1}, {transform_indices = #map1}, {transform_indices = #map1}, {transform_indices = #map}, {transform_indices = #map}]} {
    %mul3A = arith.constant 2 : i32
    %mul3A_0 = arith.muli %arg1, %mul3A : i32
    %add3A = arith.addi %mul3A_0, %arg0 : i32
    %mul3A_1 = arith.constant 12032 : i32
    %mul3A_2 = arith.muli %add3A, %mul3A_1 : i32
    "tpu.region"() ({
      %run_scoped3A = tpu.sem_alloc : memref<!tpu.dma_semaphore, #tpu.memory_space<semaphore_mem>>
      tpu.enqueue_dma source(%arg6 : memref<320x128xf32, #tpu.memory_space<hbm>>) target(%arg14 : memref<320x128xf32, #tpu.memory_space<vmem>>) target_semaphore(%run_scoped3A : memref<!tpu.dma_semaphore, #tpu.memory_space<semaphore_mem>>)
      tpu.wait_dma2 semaphore(%run_scoped3A : memref<!tpu.dma_semaphore, #tpu.memory_space<semaphore_mem>>) src(%arg6 : memref<320x128xf32, #tpu.memory_space<hbm>>) dst(%arg14 : memref<320x128xf32, #tpu.memory_space<vmem>>)
      tpu.yield
    }) : () -> ()
    %mul3A_3 = arith.constant 16 : i32
    %mul3A_4 = arith.muli %add3A, %mul3A_3 : i32
    "tpu.region"() ({
      %run_scoped3A = tpu.sem_alloc : memref<!tpu.dma_semaphore, #tpu.memory_space<semaphore_mem>>
      %dma_start3A = tpu.memref_slice %arg5[%mul3A_4] : memref<512xi32, #tpu.memory_space<hbm>> -> memref<16xi32, #tpu.memory_space<hbm>>
      %dma_start3A_50 = tpu.memref_slice %arg5[%mul3A_4] : memref<512xi32, #tpu.memory_space<hbm>> -> memref<16xi32, #tpu.memory_space<hbm>>
      tpu.enqueue_dma source(%dma_start3A_50 : memref<16xi32, #tpu.memory_space<hbm>>) target(%arg15 : memref<16xi32, #tpu.memory_space<vmem>>) target_semaphore(%run_scoped3A : memref<!tpu.dma_semaphore, #tpu.memory_space<semaphore_mem>>)
      %dma_wait3A = tpu.memref_slice %arg5[%mul3A_4] : memref<512xi32, #tpu.memory_space<hbm>> -> memref<16xi32, #tpu.memory_space<hbm>>
      %dma_wait3A_51 = tpu.memref_slice %arg5[%mul3A_4] : memref<512xi32, #tpu.memory_space<hbm>> -> memref<16xi32, #tpu.memory_space<hbm>>
      tpu.wait_dma2 semaphore(%run_scoped3A : memref<!tpu.dma_semaphore, #tpu.memory_space<semaphore_mem>>) src(%dma_wait3A_51 : memref<16xi32, #tpu.memory_space<hbm>>) dst(%arg15 : memref<16xi32, #tpu.memory_space<vmem>>)
      tpu.yield
    }) : () -> ()
    %get3A = arith.constant 0 : index
    %get3A_5 = tpu.vector_load %arg15[%get3A] {strides = array<i32>} : memref<16xi32, #tpu.memory_space<vmem>>, vector<16xi32>,
    %slice3A = vector.extract_strided_slice %get3A_5 {offsets = [0], sizes = [1], strides = [1]} : vector<16xi32> to vector<1xi32>
    %squeeze3A = vector.extract %slice3A[0] : i32 from vector<1xi32>
    %jit3A = arith.constant 2 : i32
    %div3A = arith.divsi %squeeze3A, %jit3A : i32
    %sign3A = arith.constant 0 : i32
    %sign3A_6 = arith.cmpi sgt, %squeeze3A, %sign3A : i32
    %sign3A_7 = arith.extui %sign3A_6 : i1 to i32
    %sign3A_8 = arith.constant 0 : i32
    %sign3A_9 = arith.cmpi slt, %squeeze3A, %sign3A_8 : i32
    %sign3A_10 = arith.extui %sign3A_9 : i1 to i32
    %sign3A_11 = arith.subi %sign3A_7, %sign3A_10 : i32
    %sign3A_12 = arith.constant 0 : i32
    %sign3A_13 = arith.cmpi sgt, %jit3A, %sign3A_12 : i32
    %sign3A_14 = arith.extui %sign3A_13 : i1 to i32
    %sign3A_15 = arith.constant 0 : i32
    %sign3A_16 = arith.cmpi slt, %jit3A, %sign3A_15 : i32
    %sign3A_17 = arith.extui %sign3A_16 : i1 to i32
    %sign3A_18 = arith.subi %sign3A_14, %sign3A_17 : i32
    %ne3A = arith.cmpi ne, %sign3A_11, %sign3A_18 : i32
    %rem3A = arith.remsi %squeeze3A, %jit3A : i32
    %ne3A_19 = arith.constant 0 : i32
    %ne3A_20 = arith.cmpi ne, %rem3A, %ne3A_19 : i32
    %and3A = arith.andi %ne3A, %ne3A_20 : i1
    %sub3A = arith.constant 1 : i32
    %sub3A_21 = arith.subi %div3A, %sub3A : i32
    %select_n3A = arith.select %and3A, %sub3A_21, %div3A : i32
    %while3A = arith.constant 0 : i32
    %while3A_22 = arith.constant 0 : i32
    %while3A_23 = arith.subi %select_n3A, %while3A_22 : i32
    %while3A_24 = arith.addi %while3A_22, %while3A_23 : i32
    %while3A_25 = arith.constant 1 : i32
    %while3A_26 = arith.divsi %while3A_23, %while3A_25 : i32
    %while3A_27 = arith.muli %while3A_26, %while3A_25 : i32
    %while3A_28 = arith.addi %while3A_22, %while3A_27 : i32
    %while3A_29 = arith.constant 1 : i32
    scf.for %while3A_50 = %while3A_22 to %while3A_28 step %while3A_29  : i32 {
      %mul3A_51 = arith.constant 2 : i32
      %mul3A_52 = arith.muli %while3A_50, %mul3A_51 : i32
      %mul3A_53 = arith.constant 128 : i32
      %mul3A_54 = arith.muli %mul3A_52, %mul3A_53 : i32
      %add3A_55 = arith.addi %mul3A_2, %mul3A_54 : i32
      "tpu.region"() ({
        %run_scoped3A = tpu.sem_alloc : memref<!tpu.dma_semaphore, #tpu.memory_space<semaphore_mem>>
        %dma_start3A_84 = tpu.memref_slice %arg3[%add3A_55] : memref<385024xi32, #tpu.memory_space<hbm>> -> memref<128xi32, #tpu.memory_space<hbm>>
        %dma_start3A_85 = tpu.memref_slice %arg3[%add3A_55] : memref<385024xi32, #tpu.memory_space<hbm>> -> memref<128xi32, #tpu.memory_space<hbm>>
        tpu.enqueue_dma source(%dma_start3A_85 : memref<128xi32, #tpu.memory_space<hbm>>) target(%arg8 : memref<128xi32, #tpu.memory_space<vmem>>) target_semaphore(%run_scoped3A : memref<!tpu.dma_semaphore, #tpu.memory_space<semaphore_mem>>)
        %dma_wait3A_86 = tpu.memref_slice %arg3[%add3A_55] : memref<385024xi32, #tpu.memory_space<hbm>> -> memref<128xi32, #tpu.memory_space<hbm>>
        %dma_wait3A_87 = tpu.memref_slice %arg3[%add3A_55] : memref<385024xi32, #tpu.memory_space<hbm>> -> memref<128xi32, #tpu.memory_space<hbm>>
        tpu.wait_dma2 semaphore(%run_scoped3A : memref<!tpu.dma_semaphore, #tpu.memory_space<semaphore_mem>>) src(%dma_wait3A_87 : memref<128xi32, #tpu.memory_space<hbm>>) dst(%arg8 : memref<128xi32, #tpu.memory_space<vmem>>)
        tpu.yield
      }) : () -> ()
      "tpu.region"() ({
        %run_scoped3A = tpu.sem_alloc : memref<!tpu.dma_semaphore, #tpu.memory_space<semaphore_mem>>
        %dma_start3A_84 = arith.constant 0 : i32
        %dma_start3A_85 = tpu.memref_slice %arg9[%dma_start3A_84] : memref<144xi32, #tpu.memory_space<vmem>> -> memref<128xi32, #tpu.memory_space<vmem>>
        %dma_start3A_86 = tpu.memref_slice %arg4[%add3A_55] : memref<385024xi32, #tpu.memory_space<hbm>> -> memref<128xi32, #tpu.memory_space<hbm>>
        %dma_start3A_87 = arith.constant 0 : i32
        %dma_start3A_88 = tpu.memref_slice %arg9[%dma_start3A_87] : memref<144xi32, #tpu.memory_space<vmem>> -> memref<128xi32, #tpu.memory_space<vmem>>
        %dma_start3A_89 = tpu.memref_slice %arg4[%add3A_55] : memref<385024xi32, #tpu.memory_space<hbm>> -> memref<128xi32, #tpu.memory_space<hbm>>
        tpu.enqueue_dma source(%dma_start3A_89 : memref<128xi32, #tpu.memory_space<hbm>>) target(%dma_start3A_88 : memref<128xi32, #tpu.memory_space<vmem>>) target_semaphore(%run_scoped3A : memref<!tpu.dma_semaphore, #tpu.memory_space<semaphore_mem>>)
        %dma_wait3A_90 = arith.constant 0 : i32
        %dma_wait3A_91 = tpu.memref_slice %arg9[%dma_wait3A_90] : memref<144xi32, #tpu.memory_space<vmem>> -> memref<128xi32, #tpu.memory_space<vmem>>
        %dma_wait3A_92 = tpu.memref_slice %arg4[%add3A_55] : memref<385024xi32, #tpu.memory_space<hbm>> -> memref<128xi32, #tpu.memory_space<hbm>>
        %dma_wait3A_93 = arith.constant 0 : i32
        %dma_wait3A_94 = tpu.memref_slice %arg9[%dma_wait3A_93] : memref<144xi32, #tpu.memory_space<vmem>> -> memref<128xi32, #tpu.memory_space<vmem>>
        %dma_wait3A_95 = tpu.memref_slice %arg4[%add3A_55] : memref<385024xi32, #tpu.memory_space<hbm>> -> memref<128xi32, #tpu.memory_space<hbm>>
        tpu.wait_dma2 semaphore(%run_scoped3A : memref<!tpu.dma_semaphore, #tpu.memory_space<semaphore_mem>>) src(%dma_wait3A_95 : memref<128xi32, #tpu.memory_space<hbm>>) dst(%dma_wait3A_94 : memref<128xi32, #tpu.memory_space<vmem>>)
        tpu.yield
      }) : () -> ()
      %dma_start3A = arith.constant 0 : i32
      %dma_start3A_56 = arith.constant 0 : i32
      %dma_start3A_57 = tpu.memref_slice %arg2[%dma_start3A, %dma_start3A_56] : memref<11000x128xf32, #tpu.memory_space<hbm>> -> memref<11000x128xf32, #tpu.memory_space<hbm>>
      tpu.enqueue_indirect_dma source(%dma_start3A_57 : memref<11000x128xf32, #tpu.memory_space<hbm>>) target(%arg10 : memref<128x128xf32, #tpu.memory_space<vmem>>) offsets(%arg8 : memref<128xi32, #tpu.memory_space<vmem>>) semaphore(%arg16 : memref<!tpu.dma_semaphore, #tpu.memory_space<semaphore_mem>>)
      %mul3A_58 = arith.constant 2 : i32
      %mul3A_59 = arith.muli %while3A_50, %mul3A_58 : i32
      %add3A_60 = arith.constant 1 : i32
      %add3A_61 = arith.addi %mul3A_59, %add3A_60 : i32
      %mul3A_62 = arith.constant 128 : i32
      %mul3A_63 = arith.muli %add3A_61, %mul3A_62 : i32
      %add3A_64 = arith.addi %mul3A_2, %mul3A_63 : i32
      "tpu.region"() ({
        %run_scoped3A = tpu.sem_alloc : memref<!tpu.dma_semaphore, #tpu.memory_space<semaphore_mem>>
        %dma_start3A_84 = tpu.memref_slice %arg3[%add3A_64] : memref<385024xi32, #tpu.memory_space<hbm>> -> memref<128xi32, #tpu.memory_space<hbm>>
        %dma_start3A_85 = tpu.memref_slice %arg3[%add3A_64] : memref<385024xi32, #tpu.memory_space<hbm>> -> memref<128xi32, #tpu.memory_space<hbm>>
        tpu.enqueue_dma source(%dma_start3A_85 : memref<128xi32, #tpu.memory_space<hbm>>) target(%arg11 : memref<128xi32, #tpu.memory_space<vmem>>) target_semaphore(%run_scoped3A : memref<!tpu.dma_semaphore, #tpu.memory_space<semaphore_mem>>)
        %dma_wait3A_86 = tpu.memref_slice %arg3[%add3A_64] : memref<385024xi32, #tpu.memory_space<hbm>> -> memref<128xi32, #tpu.memory_space<hbm>>
        %dma_wait3A_87 = tpu.memref_slice %arg3[%add3A_64] : memref<385024xi32, #tpu.memory_space<hbm>> -> memref<128xi32, #tpu.memory_space<hbm>>
        tpu.wait_dma2 semaphore(%run_scoped3A : memref<!tpu.dma_semaphore, #tpu.memory_space<semaphore_mem>>) src(%dma_wait3A_87 : memref<128xi32, #tpu.memory_space<hbm>>) dst(%arg11 : memref<128xi32, #tpu.memory_space<vmem>>)
        tpu.yield
      }) : () -> ()
      "tpu.region"() ({
        %run_scoped3A = tpu.sem_alloc : memref<!tpu.dma_semaphore, #tpu.memory_space<semaphore_mem>>
        %dma_start3A_84 = arith.constant 0 : i32
        %dma_start3A_85 = tpu.memref_slice %arg12[%dma_start3A_84] : memref<144xi32, #tpu.memory_space<vmem>> -> memref<128xi32, #tpu.memory_space<vmem>>
        %dma_start3A_86 = tpu.memref_slice %arg4[%add3A_64] : memref<385024xi32, #tpu.memory_space<hbm>> -> memref<128xi32, #tpu.memory_space<hbm>>
        %dma_start3A_87 = arith.constant 0 : i32
        %dma_start3A_88 = tpu.memref_slice %arg12[%dma_start3A_87] : memref<144xi32, #tpu.memory_space<vmem>> -> memref<128xi32, #tpu.memory_space<vmem>>
        %dma_start3A_89 = tpu.memref_slice %arg4[%add3A_64] : memref<385024xi32, #tpu.memory_space<hbm>> -> memref<128xi32, #tpu.memory_space<hbm>>
        tpu.enqueue_dma source(%dma_start3A_89 : memref<128xi32, #tpu.memory_space<hbm>>) target(%dma_start3A_88 : memref<128xi32, #tpu.memory_space<vmem>>) target_semaphore(%run_scoped3A : memref<!tpu.dma_semaphore, #tpu.memory_space<semaphore_mem>>)
        %dma_wait3A_90 = arith.constant 0 : i32
        %dma_wait3A_91 = tpu.memref_slice %arg12[%dma_wait3A_90] : memref<144xi32, #tpu.memory_space<vmem>> -> memref<128xi32, #tpu.memory_space<vmem>>
        %dma_wait3A_92 = tpu.memref_slice %arg4[%add3A_64] : memref<385024xi32, #tpu.memory_space<hbm>> -> memref<128xi32, #tpu.memory_space<hbm>>
        %dma_wait3A_93 = arith.constant 0 : i32
        %dma_wait3A_94 = tpu.memref_slice %arg12[%dma_wait3A_93] : memref<144xi32, #tpu.memory_space<vmem>> -> memref<128xi32, #tpu.memory_space<vmem>>
        %dma_wait3A_95 = tpu.memref_slice %arg4[%add3A_64] : memref<385024xi32, #tpu.memory_space<hbm>> -> memref<128xi32, #tpu.memory_space<hbm>>
        tpu.wait_dma2 semaphore(%run_scoped3A : memref<!tpu.dma_semaphore, #tpu.memory_space<semaphore_mem>>) src(%dma_wait3A_95 : memref<128xi32, #tpu.memory_space<hbm>>) dst(%dma_wait3A_94 : memref<128xi32, #tpu.memory_space<vmem>>)
        tpu.yield
      }) : () -> ()
      %dma_start3A_65 = arith.constant 0 : i32
      %dma_start3A_66 = arith.constant 0 : i32
      %dma_start3A_67 = tpu.memref_slice %arg2[%dma_start3A_65, %dma_start3A_66] : memref<11000x128xf32, #tpu.memory_space<hbm>> -> memref<11000x128xf32, #tpu.memory_space<hbm>>
      tpu.enqueue_indirect_dma source(%dma_start3A_67 : memref<11000x128xf32, #tpu.memory_space<hbm>>) target(%arg13 : memref<128x128xf32, #tpu.memory_space<vmem>>) offsets(%arg11 : memref<128xi32, #tpu.memory_space<vmem>>) semaphore(%arg17 : memref<!tpu.dma_semaphore, #tpu.memory_space<semaphore_mem>>)
      %dma_wait3A = arith.constant 0 : i32
      %dma_wait3A_68 = arith.constant 0 : i32
      %dma_wait3A_69 = tpu.memref_slice %arg2[%dma_wait3A, %dma_wait3A_68] : memref<11000x128xf32, #tpu.memory_space<hbm>> -> memref<11000x128xf32, #tpu.memory_space<hbm>>
      tpu.wait_indirect_dma semaphore(%arg16 : memref<!tpu.dma_semaphore, #tpu.memory_space<semaphore_mem>>) src(%dma_wait3A_69 : memref<11000x128xf32, #tpu.memory_space<hbm>>) dst(%arg10 : memref<128x128xf32, #tpu.memory_space<vmem>>)
      %scan3A = arith.constant 0 : i32
      %scan3A_70 = arith.constant 0 : i32
      %scan3A_71 = arith.constant 128 : i32
      %scan3A_72 = arith.addi %scan3A_70, %scan3A_71 : i32
      %scan3A_73 = arith.constant 1 : i32
      scf.for %scan3A_84 = %scan3A_70 to %scan3A_72 step %scan3A_73  : i32 {
        %get3A_85 = arith.index_cast %scan3A_84 : i32 to index
        %get3A_86 = tpu.vector_load %arg9[%get3A_85] {strides = array<i32>} : memref<144xi32, #tpu.memory_space<vmem>>, vector<16xi32>,
        %slice3A_87 = vector.extract_strided_slice %get3A_86 {offsets = [0], sizes = [1], strides = [1]} : vector<16xi32> to vector<1xi32>
        %squeeze3A_88 = vector.extract %slice3A_87[0] : i32 from vector<1xi32>
        %get3A_89 = arith.index_cast %squeeze3A_88 : i32 to index
        %get3A_90 = arith.constant 0 : index
        %get3A_91 = tpu.vector_load %arg14[%get3A_89, %get3A_90] {strides = array<i32>} : memref<320x128xf32, #tpu.memory_space<vmem>>, vector<16xf32>,
        %get3A_92 = arith.index_cast %scan3A_84 : i32 to index
        %get3A_93 = arith.constant 0 : index
        %get3A_94 = tpu.vector_load %arg10[%get3A_92, %get3A_93] {strides = array<i32>} : memref<128x128xf32, #tpu.memory_space<vmem>>, vector<16xf32>,
        %add3A_95 = arith.addf %get3A_91, %get3A_94 : vector<16xf32>
        %swap3A = arith.index_cast %squeeze3A_88 : i32 to index
        %swap3A_96 = arith.constant 0 : index
        %swap3A_97 = tpu.vector_load %arg14[%swap3A, %swap3A_96] {strides = array<i32>} : memref<320x128xf32, #tpu.memory_space<vmem>>, vector<16xf32>,
        tpu.vector_store %arg14[%swap3A, %swap3A_96], %add3A_95 {strides = array<i32>} : memref<320x128xf32, #tpu.memory_space<vmem>>, vector<16xf32>,
        %get3A_98 = arith.index_cast %squeeze3A_88 : i32 to index
        %get3A_99 = arith.constant 16 : index
        %get3A_100 = tpu.vector_load %arg14[%get3A_98, %get3A_99] {strides = array<i32>} : memref<320x128xf32, #tpu.memory_space<vmem>>, vector<16xf32>,
        %get3A_101 = arith.index_cast %scan3A_84 : i32 to index
        %get3A_102 = arith.constant 16 : index
        %get3A_103 = tpu.vector_load %arg10[%get3A_101, %get3A_102] {strides = array<i32>} : memref<128x128xf32, #tpu.memory_space<vmem>>, vector<16xf32>,
        %add3A_104 = arith.addf %get3A_100, %get3A_103 : vector<16xf32>
        %swap3A_105 = arith.index_cast %squeeze3A_88 : i32 to index
        %swap3A_106 = arith.constant 16 : index
        %swap3A_107 = tpu.vector_load %arg14[%swap3A_105, %swap3A_106] {strides = array<i32>} : memref<320x128xf32, #tpu.memory_space<vmem>>, vector<16xf32>,
        tpu.vector_store %arg14[%swap3A_105, %swap3A_106], %add3A_104 {strides = array<i32>} : memref<320x128xf32, #tpu.memory_space<vmem>>, vector<16xf32>,
        %get3A_108 = arith.index_cast %squeeze3A_88 : i32 to index
        %get3A_109 = arith.constant 32 : index
        %get3A_110 = tpu.vector_load %arg14[%get3A_108, %get3A_109] {strides = array<i32>} : memref<320x128xf32, #tpu.memory_space<vmem>>, vector<16xf32>,
        %get3A_111 = arith.index_cast %scan3A_84 : i32 to index
        %get3A_112 = arith.constant 32 : index
        %get3A_113 = tpu.vector_load %arg10[%get3A_111, %get3A_112] {strides = array<i32>} : memref<128x128xf32, #tpu.memory_space<vmem>>, vector<16xf32>,
        %add3A_114 = arith.addf %get3A_110, %get3A_113 : vector<16xf32>
        %swap3A_115 = arith.index_cast %squeeze3A_88 : i32 to index
        %swap3A_116 = arith.constant 32 : index
        %swap3A_117 = tpu.vector_load %arg14[%swap3A_115, %swap3A_116] {strides = array<i32>} : memref<320x128xf32, #tpu.memory_space<vmem>>, vector<16xf32>,
        tpu.vector_store %arg14[%swap3A_115, %swap3A_116], %add3A_114 {strides = array<i32>} : memref<320x128xf32, #tpu.memory_space<vmem>>, vector<16xf32>,
        %get3A_118 = arith.index_cast %squeeze3A_88 : i32 to index
        %get3A_119 = arith.constant 48 : index
        %get3A_120 = tpu.vector_load %arg14[%get3A_118, %get3A_119] {strides = array<i32>} : memref<320x128xf32, #tpu.memory_space<vmem>>, vector<16xf32>,
        %get3A_121 = arith.index_cast %scan3A_84 : i32 to index
        %get3A_122 = arith.constant 48 : index
        %get3A_123 = tpu.vector_load %arg10[%get3A_121, %get3A_122] {strides = array<i32>} : memref<128x128xf32, #tpu.memory_space<vmem>>, vector<16xf32>,
        %add3A_124 = arith.addf %get3A_120, %get3A_123 : vector<16xf32>
        %swap3A_125 = arith.index_cast %squeeze3A_88 : i32 to index
        %swap3A_126 = arith.constant 48 : index
        %swap3A_127 = tpu.vector_load %arg14[%swap3A_125, %swap3A_126] {strides = array<i32>} : memref<320x128xf32, #tpu.memory_space<vmem>>, vector<16xf32>,
        tpu.vector_store %arg14[%swap3A_125, %swap3A_126], %add3A_124 {strides = array<i32>} : memref<320x128xf32, #tpu.memory_space<vmem>>, vector<16xf32>,
        %get3A_128 = arith.index_cast %squeeze3A_88 : i32 to index
        %get3A_129 = arith.constant 64 : index
        %get3A_130 = tpu.vector_load %arg14[%get3A_128, %get3A_129] {strides = array<i32>} : memref<320x128xf32, #tpu.memory_space<vmem>>, vector<16xf32>,
        %get3A_131 = arith.index_cast %scan3A_84 : i32 to index
        %get3A_132 = arith.constant 64 : index
        %get3A_133 = tpu.vector_load %arg10[%get3A_131, %get3A_132] {strides = array<i32>} : memref<128x128xf32, #tpu.memory_space<vmem>>, vector<16xf32>,
        %add3A_134 = arith.addf %get3A_130, %get3A_133 : vector<16xf32>
        %swap3A_135 = arith.index_cast %squeeze3A_88 : i32 to index
        %swap3A_136 = arith.constant 64 : index
        %swap3A_137 = tpu.vector_load %arg14[%swap3A_135, %swap3A_136] {strides = array<i32>} : memref<320x128xf32, #tpu.memory_space<vmem>>, vector<16xf32>,
        tpu.vector_store %arg14[%swap3A_135, %swap3A_136], %add3A_134 {strides = array<i32>} : memref<320x128xf32, #tpu.memory_space<vmem>>, vector<16xf32>,
        %get3A_138 = arith.index_cast %squeeze3A_88 : i32 to index
        %get3A_139 = arith.constant 80 : index
        %get3A_140 = tpu.vector_load %arg14[%get3A_138, %get3A_139] {strides = array<i32>} : memref<320x128xf32, #tpu.memory_space<vmem>>, vector<16xf32>,
        %get3A_141 = arith.index_cast %scan3A_84 : i32 to index
        %get3A_142 = arith.constant 80 : index
        %get3A_143 = tpu.vector_load %arg10[%get3A_141, %get3A_142] {strides = array<i32>} : memref<128x128xf32, #tpu.memory_space<vmem>>, vector<16xf32>,
        %add3A_144 = arith.addf %get3A_140, %get3A_143 : vector<16xf32>
        %swap3A_145 = arith.index_cast %squeeze3A_88 : i32 to index
        %swap3A_146 = arith.constant 80 : index
        %swap3A_147 = tpu.vector_load %arg14[%swap3A_145, %swap3A_146] {strides = array<i32>} : memref<320x128xf32, #tpu.memory_space<vmem>>, vector<16xf32>,
        tpu.vector_store %arg14[%swap3A_145, %swap3A_146], %add3A_144 {strides = array<i32>} : memref<320x128xf32, #tpu.memory_space<vmem>>, vector<16xf32>,
        %get3A_148 = arith.index_cast %squeeze3A_88 : i32 to index
        %get3A_149 = arith.constant 96 : index
        %get3A_150 = tpu.vector_load %arg14[%get3A_148, %get3A_149] {strides = array<i32>} : memref<320x128xf32, #tpu.memory_space<vmem>>, vector<16xf32>,
        %get3A_151 = arith.index_cast %scan3A_84 : i32 to index
        %get3A_152 = arith.constant 96 : index
        %get3A_153 = tpu.vector_load %arg10[%get3A_151, %get3A_152] {strides = array<i32>} : memref<128x128xf32, #tpu.memory_space<vmem>>, vector<16xf32>,
        %add3A_154 = arith.addf %get3A_150, %get3A_153 : vector<16xf32>
        %swap3A_155 = arith.index_cast %squeeze3A_88 : i32 to index
        %swap3A_156 = arith.constant 96 : index
        %swap3A_157 = tpu.vector_load %arg14[%swap3A_155, %swap3A_156] {strides = array<i32>} : memref<320x128xf32, #tpu.memory_space<vmem>>, vector<16xf32>,
        tpu.vector_store %arg14[%swap3A_155, %swap3A_156], %add3A_154 {strides = array<i32>} : memref<320x128xf32, #tpu.memory_space<vmem>>, vector<16xf32>,
        %get3A_158 = arith.index_cast %squeeze3A_88 : i32 to index
        %get3A_159 = arith.constant 112 : index
        %get3A_160 = tpu.vector_load %arg14[%get3A_158, %get3A_159] {strides = array<i32>} : memref<320x128xf32, #tpu.memory_space<vmem>>, vector<16xf32>,
        %get3A_161 = arith.index_cast %scan3A_84 : i32 to index
        %get3A_162 = arith.constant 112 : index
        %get3A_163 = tpu.vector_load %arg10[%get3A_161, %get3A_162] {strides = array<i32>} : memref<128x128xf32, #tpu.memory_space<vmem>>, vector<16xf32>,
        %add3A_164 = arith.addf %get3A_160, %get3A_163 : vector<16xf32>
        %swap3A_165 = arith.index_cast %squeeze3A_88 : i32 to index
        %swap3A_166 = arith.constant 112 : index
        %swap3A_167 = tpu.vector_load %arg14[%swap3A_165, %swap3A_166] {strides = array<i32>} : memref<320x128xf32, #tpu.memory_space<vmem>>, vector<16xf32>,
        tpu.vector_store %arg14[%swap3A_165, %swap3A_166], %add3A_164 {strides = array<i32>} : memref<320x128xf32, #tpu.memory_space<vmem>>, vector<16xf32>,
      }
      %scan3A_74 = arith.constant 128 : i32
      %dma_wait3A_75 = arith.constant 0 : i32
      %dma_wait3A_76 = arith.constant 0 : i32
      %dma_wait3A_77 = tpu.memref_slice %arg2[%dma_wait3A_75, %dma_wait3A_76] : memref<11000x128xf32, #tpu.memory_space<hbm>> -> memref<11000x128xf32, #tpu.memory_space<hbm>>
      tpu.wait_indirect_dma semaphore(%arg17 : memref<!tpu.dma_semaphore, #tpu.memory_space<semaphore_mem>>) src(%dma_wait3A_77 : memref<11000x128xf32, #tpu.memory_space<hbm>>) dst(%arg13 : memref<128x128xf32, #tpu.memory_space<vmem>>)
      %scan3A_78 = arith.constant 0 : i32
      %scan3A_79 = arith.constant 0 : i32
      %scan3A_80 = arith.constant 128 : i32
      %scan3A_81 = arith.addi %scan3A_79, %scan3A_80 : i32
      %scan3A_82 = arith.constant 1 : i32
      scf.for %scan3A_84 = %scan3A_79 to %scan3A_81 step %scan3A_82  : i32 {
        %get3A_85 = arith.index_cast %scan3A_84 : i32 to index
        %get3A_86 = tpu.vector_load %arg12[%get3A_85] {strides = array<i32>} : memref<144xi32, #tpu.memory_space<vmem>>, vector<16xi32>,
        %slice3A_87 = vector.extract_strided_slice %get3A_86 {offsets = [0], sizes = [1], strides = [1]} : vector<16xi32> to vector<1xi32>
        %squeeze3A_88 = vector.extract %slice3A_87[0] : i32 from vector<1xi32>
        %get3A_89 = arith.index_cast %squeeze3A_88 : i32 to index
        %get3A_90 = arith.constant 0 : index
        %get3A_91 = tpu.vector_load %arg14[%get3A_89, %get3A_90] {strides = array<i32>} : memref<320x128xf32, #tpu.memory_space<vmem>>, vector<16xf32>,
        %get3A_92 = arith.index_cast %scan3A_84 : i32 to index
        %get3A_93 = arith.constant 0 : index
        %get3A_94 = tpu.vector_load %arg13[%get3A_92, %get3A_93] {strides = array<i32>} : memref<128x128xf32, #tpu.memory_space<vmem>>, vector<16xf32>,
        %add3A_95 = arith.addf %get3A_91, %get3A_94 : vector<16xf32>
        %swap3A = arith.index_cast %squeeze3A_88 : i32 to index
        %swap3A_96 = arith.constant 0 : index
        %swap3A_97 = tpu.vector_load %arg14[%swap3A, %swap3A_96] {strides = array<i32>} : memref<320x128xf32, #tpu.memory_space<vmem>>, vector<16xf32>,
        tpu.vector_store %arg14[%swap3A, %swap3A_96], %add3A_95 {strides = array<i32>} : memref<320x128xf32, #tpu.memory_space<vmem>>, vector<16xf32>,
        %get3A_98 = arith.index_cast %squeeze3A_88 : i32 to index
        %get3A_99 = arith.constant 16 : index
        %get3A_100 = tpu.vector_load %arg14[%get3A_98, %get3A_99] {strides = array<i32>} : memref<320x128xf32, #tpu.memory_space<vmem>>, vector<16xf32>,
        %get3A_101 = arith.index_cast %scan3A_84 : i32 to index
        %get3A_102 = arith.constant 16 : index
        %get3A_103 = tpu.vector_load %arg13[%get3A_101, %get3A_102] {strides = array<i32>} : memref<128x128xf32, #tpu.memory_space<vmem>>, vector<16xf32>,
        %add3A_104 = arith.addf %get3A_100, %get3A_103 : vector<16xf32>
        %swap3A_105 = arith.index_cast %squeeze3A_88 : i32 to index
        %swap3A_106 = arith.constant 16 : index
        %swap3A_107 = tpu.vector_load %arg14[%swap3A_105, %swap3A_106] {strides = array<i32>} : memref<320x128xf32, #tpu.memory_space<vmem>>, vector<16xf32>,
        tpu.vector_store %arg14[%swap3A_105, %swap3A_106], %add3A_104 {strides = array<i32>} : memref<320x128xf32, #tpu.memory_space<vmem>>, vector<16xf32>,
        %get3A_108 = arith.index_cast %squeeze3A_88 : i32 to index
        %get3A_109 = arith.constant 32 : index
        %get3A_110 = tpu.vector_load %arg14[%get3A_108, %get3A_109] {strides = array<i32>} : memref<320x128xf32, #tpu.memory_space<vmem>>, vector<16xf32>,
        %get3A_111 = arith.index_cast %scan3A_84 : i32 to index
        %get3A_112 = arith.constant 32 : index
        %get3A_113 = tpu.vector_load %arg13[%get3A_111, %get3A_112] {strides = array<i32>} : memref<128x128xf32, #tpu.memory_space<vmem>>, vector<16xf32>,
        %add3A_114 = arith.addf %get3A_110, %get3A_113 : vector<16xf32>
        %swap3A_115 = arith.index_cast %squeeze3A_88 : i32 to index
        %swap3A_116 = arith.constant 32 : index
        %swap3A_117 = tpu.vector_load %arg14[%swap3A_115, %swap3A_116] {strides = array<i32>} : memref<320x128xf32, #tpu.memory_space<vmem>>, vector<16xf32>,
        tpu.vector_store %arg14[%swap3A_115, %swap3A_116], %add3A_114 {strides = array<i32>} : memref<320x128xf32, #tpu.memory_space<vmem>>, vector<16xf32>,
        %get3A_118 = arith.index_cast %squeeze3A_88 : i32 to index
        %get3A_119 = arith.constant 48 : index
        %get3A_120 = tpu.vector_load %arg14[%get3A_118, %get3A_119] {strides = array<i32>} : memref<320x128xf32, #tpu.memory_space<vmem>>, vector<16xf32>,
        %get3A_121 = arith.index_cast %scan3A_84 : i32 to index
        %get3A_122 = arith.constant 48 : index
        %get3A_123 = tpu.vector_load %arg13[%get3A_121, %get3A_122] {strides = array<i32>} : memref<128x128xf32, #tpu.memory_space<vmem>>, vector<16xf32>,
        %add3A_124 = arith.addf %get3A_120, %get3A_123 : vector<16xf32>
        %swap3A_125 = arith.index_cast %squeeze3A_88 : i32 to index
        %swap3A_126 = arith.constant 48 : index
        %swap3A_127 = tpu.vector_load %arg14[%swap3A_125, %swap3A_126] {strides = array<i32>} : memref<320x128xf32, #tpu.memory_space<vmem>>, vector<16xf32>,
        tpu.vector_store %arg14[%swap3A_125, %swap3A_126], %add3A_124 {strides = array<i32>} : memref<320x128xf32, #tpu.memory_space<vmem>>, vector<16xf32>,
        %get3A_128 = arith.index_cast %squeeze3A_88 : i32 to index
        %get3A_129 = arith.constant 64 : index
        %get3A_130 = tpu.vector_load %arg14[%get3A_128, %get3A_129] {strides = array<i32>} : memref<320x128xf32, #tpu.memory_space<vmem>>, vector<16xf32>,
        %get3A_131 = arith.index_cast %scan3A_84 : i32 to index
        %get3A_132 = arith.constant 64 : index
        %get3A_133 = tpu.vector_load %arg13[%get3A_131, %get3A_132] {strides = array<i32>} : memref<128x128xf32, #tpu.memory_space<vmem>>, vector<16xf32>,
        %add3A_134 = arith.addf %get3A_130, %get3A_133 : vector<16xf32>
        %swap3A_135 = arith.index_cast %squeeze3A_88 : i32 to index
        %swap3A_136 = arith.constant 64 : index
        %swap3A_137 = tpu.vector_load %arg14[%swap3A_135, %swap3A_136] {strides = array<i32>} : memref<320x128xf32, #tpu.memory_space<vmem>>, vector<16xf32>,
        tpu.vector_store %arg14[%swap3A_135, %swap3A_136], %add3A_134 {strides = array<i32>} : memref<320x128xf32, #tpu.memory_space<vmem>>, vector<16xf32>,
        %get3A_138 = arith.index_cast %squeeze3A_88 : i32 to index
        %get3A_139 = arith.constant 80 : index
        %get3A_140 = tpu.vector_load %arg14[%get3A_138, %get3A_139] {strides = array<i32>} : memref<320x128xf32, #tpu.memory_space<vmem>>, vector<16xf32>,
        %get3A_141 = arith.index_cast %scan3A_84 : i32 to index
        %get3A_142 = arith.constant 80 : index
        %get3A_143 = tpu.vector_load %arg13[%get3A_141, %get3A_142] {strides = array<i32>} : memref<128x128xf32, #tpu.memory_space<vmem>>, vector<16xf32>,
        %add3A_144 = arith.addf %get3A_140, %get3A_143 : vector<16xf32>
        %swap3A_145 = arith.index_cast %squeeze3A_88 : i32 to index
        %swap3A_146 = arith.constant 80 : index
        %swap3A_147 = tpu.vector_load %arg14[%swap3A_145, %swap3A_146] {strides = array<i32>} : memref<320x128xf32, #tpu.memory_space<vmem>>, vector<16xf32>,
        tpu.vector_store %arg14[%swap3A_145, %swap3A_146], %add3A_144 {strides = array<i32>} : memref<320x128xf32, #tpu.memory_space<vmem>>, vector<16xf32>,
        %get3A_148 = arith.index_cast %squeeze3A_88 : i32 to index
        %get3A_149 = arith.constant 96 : index
        %get3A_150 = tpu.vector_load %arg14[%get3A_148, %get3A_149] {strides = array<i32>} : memref<320x128xf32, #tpu.memory_space<vmem>>, vector<16xf32>,
        %get3A_151 = arith.index_cast %scan3A_84 : i32 to index
        %get3A_152 = arith.constant 96 : index
        %get3A_153 = tpu.vector_load %arg13[%get3A_151, %get3A_152] {strides = array<i32>} : memref<128x128xf32, #tpu.memory_space<vmem>>, vector<16xf32>,
        %add3A_154 = arith.addf %get3A_150, %get3A_153 : vector<16xf32>
        %swap3A_155 = arith.index_cast %squeeze3A_88 : i32 to index
        %swap3A_156 = arith.constant 96 : index
        %swap3A_157 = tpu.vector_load %arg14[%swap3A_155, %swap3A_156] {strides = array<i32>} : memref<320x128xf32, #tpu.memory_space<vmem>>, vector<16xf32>,
        tpu.vector_store %arg14[%swap3A_155, %swap3A_156], %add3A_154 {strides = array<i32>} : memref<320x128xf32, #tpu.memory_space<vmem>>, vector<16xf32>,
        %get3A_158 = arith.index_cast %squeeze3A_88 : i32 to index
        %get3A_159 = arith.constant 112 : index
        %get3A_160 = tpu.vector_load %arg14[%get3A_158, %get3A_159] {strides = array<i32>} : memref<320x128xf32, #tpu.memory_space<vmem>>, vector<16xf32>,
        %get3A_161 = arith.index_cast %scan3A_84 : i32 to index
        %get3A_162 = arith.constant 112 : index
        %get3A_163 = tpu.vector_load %arg13[%get3A_161, %get3A_162] {strides = array<i32>} : memref<128x128xf32, #tpu.memory_space<vmem>>, vector<16xf32>,
        %add3A_164 = arith.addf %get3A_160, %get3A_163 : vector<16xf32>
        %swap3A_165 = arith.index_cast %squeeze3A_88 : i32 to index
        %swap3A_166 = arith.constant 112 : index
        %swap3A_167 = tpu.vector_load %arg14[%swap3A_165, %swap3A_166] {strides = array<i32>} : memref<320x128xf32, #tpu.memory_space<vmem>>, vector<16xf32>,
        tpu.vector_store %arg14[%swap3A_165, %swap3A_166], %add3A_164 {strides = array<i32>} : memref<320x128xf32, #tpu.memory_space<vmem>>, vector<16xf32>,
      }
      %scan3A_83 = arith.constant 128 : i32
    }
    %while3A_30 = arith.constant 1 : i32
    scf.for %while3A_50 = %while3A_28 to %while3A_24 step %while3A_30  : i32 {
      %mul3A_51 = arith.constant 2 : i32
      %mul3A_52 = arith.muli %while3A_50, %mul3A_51 : i32
      %mul3A_53 = arith.constant 128 : i32
      %mul3A_54 = arith.muli %mul3A_52, %mul3A_53 : i32
      %add3A_55 = arith.addi %mul3A_2, %mul3A_54 : i32
      "tpu.region"() ({
        %run_scoped3A = tpu.sem_alloc : memref<!tpu.dma_semaphore, #tpu.memory_space<semaphore_mem>>
        %dma_start3A_84 = tpu.memref_slice %arg3[%add3A_55] : memref<385024xi32, #tpu.memory_space<hbm>> -> memref<128xi32, #tpu.memory_space<hbm>>
        %dma_start3A_85 = tpu.memref_slice %arg3[%add3A_55] : memref<385024xi32, #tpu.memory_space<hbm>> -> memref<128xi32, #tpu.memory_space<hbm>>
        tpu.enqueue_dma source(%dma_start3A_85 : memref<128xi32, #tpu.memory_space<hbm>>) target(%arg8 : memref<128xi32, #tpu.memory_space<vmem>>) target_semaphore(%run_scoped3A : memref<!tpu.dma_semaphore, #tpu.memory_space<semaphore_mem>>)
        %dma_wait3A_86 = tpu.memref_slice %arg3[%add3A_55] : memref<385024xi32, #tpu.memory_space<hbm>> -> memref<128xi32, #tpu.memory_space<hbm>>
        %dma_wait3A_87 = tpu.memref_slice %arg3[%add3A_55] : memref<385024xi32, #tpu.memory_space<hbm>> -> memref<128xi32, #tpu.memory_space<hbm>>
        tpu.wait_dma2 semaphore(%run_scoped3A : memref<!tpu.dma_semaphore, #tpu.memory_space<semaphore_mem>>) src(%dma_wait3A_87 : memref<128xi32, #tpu.memory_space<hbm>>) dst(%arg8 : memref<128xi32, #tpu.memory_space<vmem>>)
        tpu.yield
      }) : () -> ()
      "tpu.region"() ({
        %run_scoped3A = tpu.sem_alloc : memref<!tpu.dma_semaphore, #tpu.memory_space<semaphore_mem>>
        %dma_start3A_84 = arith.constant 0 : i32
        %dma_start3A_85 = tpu.memref_slice %arg9[%dma_start3A_84] : memref<144xi32, #tpu.memory_space<vmem>> -> memref<128xi32, #tpu.memory_space<vmem>>
        %dma_start3A_86 = tpu.memref_slice %arg4[%add3A_55] : memref<385024xi32, #tpu.memory_space<hbm>> -> memref<128xi32, #tpu.memory_space<hbm>>
        %dma_start3A_87 = arith.constant 0 : i32
        %dma_start3A_88 = tpu.memref_slice %arg9[%dma_start3A_87] : memref<144xi32, #tpu.memory_space<vmem>> -> memref<128xi32, #tpu.memory_space<vmem>>
        %dma_start3A_89 = tpu.memref_slice %arg4[%add3A_55] : memref<385024xi32, #tpu.memory_space<hbm>> -> memref<128xi32, #tpu.memory_space<hbm>>
        tpu.enqueue_dma source(%dma_start3A_89 : memref<128xi32, #tpu.memory_space<hbm>>) target(%dma_start3A_88 : memref<128xi32, #tpu.memory_space<vmem>>) target_semaphore(%run_scoped3A : memref<!tpu.dma_semaphore, #tpu.memory_space<semaphore_mem>>)
        %dma_wait3A_90 = arith.constant 0 : i32
        %dma_wait3A_91 = tpu.memref_slice %arg9[%dma_wait3A_90] : memref<144xi32, #tpu.memory_space<vmem>> -> memref<128xi32, #tpu.memory_space<vmem>>
        %dma_wait3A_92 = tpu.memref_slice %arg4[%add3A_55] : memref<385024xi32, #tpu.memory_space<hbm>> -> memref<128xi32, #tpu.memory_space<hbm>>
        %dma_wait3A_93 = arith.constant 0 : i32
        %dma_wait3A_94 = tpu.memref_slice %arg9[%dma_wait3A_93] : memref<144xi32, #tpu.memory_space<vmem>> -> memref<128xi32, #tpu.memory_space<vmem>>
        %dma_wait3A_95 = tpu.memref_slice %arg4[%add3A_55] : memref<385024xi32, #tpu.memory_space<hbm>> -> memref<128xi32, #tpu.memory_space<hbm>>
        tpu.wait_dma2 semaphore(%run_scoped3A : memref<!tpu.dma_semaphore, #tpu.memory_space<semaphore_mem>>) src(%dma_wait3A_95 : memref<128xi32, #tpu.memory_space<hbm>>) dst(%dma_wait3A_94 : memref<128xi32, #tpu.memory_space<vmem>>)
        tpu.yield
      }) : () -> ()
      %dma_start3A = arith.constant 0 : i32
      %dma_start3A_56 = arith.constant 0 : i32
      %dma_start3A_57 = tpu.memref_slice %arg2[%dma_start3A, %dma_start3A_56] : memref<11000x128xf32, #tpu.memory_space<hbm>> -> memref<11000x128xf32, #tpu.memory_space<hbm>>
      tpu.enqueue_indirect_dma source(%dma_start3A_57 : memref<11000x128xf32, #tpu.memory_space<hbm>>) target(%arg10 : memref<128x128xf32, #tpu.memory_space<vmem>>) offsets(%arg8 : memref<128xi32, #tpu.memory_space<vmem>>) semaphore(%arg16 : memref<!tpu.dma_semaphore, #tpu.memory_space<semaphore_mem>>)
      %mul3A_58 = arith.constant 2 : i32
      %mul3A_59 = arith.muli %while3A_50, %mul3A_58 : i32
      %add3A_60 = arith.constant 1 : i32
      %add3A_61 = arith.addi %mul3A_59, %add3A_60 : i32
      %mul3A_62 = arith.constant 128 : i32
      %mul3A_63 = arith.muli %add3A_61, %mul3A_62 : i32
      %add3A_64 = arith.addi %mul3A_2, %mul3A_63 : i32
      "tpu.region"() ({
        %run_scoped3A = tpu.sem_alloc : memref<!tpu.dma_semaphore, #tpu.memory_space<semaphore_mem>>
        %dma_start3A_84 = tpu.memref_slice %arg3[%add3A_64] : memref<385024xi32, #tpu.memory_space<hbm>> -> memref<128xi32, #tpu.memory_space<hbm>>
        %dma_start3A_85 = tpu.memref_slice %arg3[%add3A_64] : memref<385024xi32, #tpu.memory_space<hbm>> -> memref<128xi32, #tpu.memory_space<hbm>>
        tpu.enqueue_dma source(%dma_start3A_85 : memref<128xi32, #tpu.memory_space<hbm>>) target(%arg11 : memref<128xi32, #tpu.memory_space<vmem>>) target_semaphore(%run_scoped3A : memref<!tpu.dma_semaphore, #tpu.memory_space<semaphore_mem>>)
        %dma_wait3A_86 = tpu.memref_slice %arg3[%add3A_64] : memref<385024xi32, #tpu.memory_space<hbm>> -> memref<128xi32, #tpu.memory_space<hbm>>
        %dma_wait3A_87 = tpu.memref_slice %arg3[%add3A_64] : memref<385024xi32, #tpu.memory_space<hbm>> -> memref<128xi32, #tpu.memory_space<hbm>>
        tpu.wait_dma2 semaphore(%run_scoped3A : memref<!tpu.dma_semaphore, #tpu.memory_space<semaphore_mem>>) src(%dma_wait3A_87 : memref<128xi32, #tpu.memory_space<hbm>>) dst(%arg11 : memref<128xi32, #tpu.memory_space<vmem>>)
        tpu.yield
      }) : () -> ()
      "tpu.region"() ({
        %run_scoped3A = tpu.sem_alloc : memref<!tpu.dma_semaphore, #tpu.memory_space<semaphore_mem>>
        %dma_start3A_84 = arith.constant 0 : i32
        %dma_start3A_85 = tpu.memref_slice %arg12[%dma_start3A_84] : memref<144xi32, #tpu.memory_space<vmem>> -> memref<128xi32, #tpu.memory_space<vmem>>
        %dma_start3A_86 = tpu.memref_slice %arg4[%add3A_64] : memref<385024xi32, #tpu.memory_space<hbm>> -> memref<128xi32, #tpu.memory_space<hbm>>
        %dma_start3A_87 = arith.constant 0 : i32
        %dma_start3A_88 = tpu.memref_slice %arg12[%dma_start3A_87] : memref<144xi32, #tpu.memory_space<vmem>> -> memref<128xi32, #tpu.memory_space<vmem>>
        %dma_start3A_89 = tpu.memref_slice %arg4[%add3A_64] : memref<385024xi32, #tpu.memory_space<hbm>> -> memref<128xi32, #tpu.memory_space<hbm>>
        tpu.enqueue_dma source(%dma_start3A_89 : memref<128xi32, #tpu.memory_space<hbm>>) target(%dma_start3A_88 : memref<128xi32, #tpu.memory_space<vmem>>) target_semaphore(%run_scoped3A : memref<!tpu.dma_semaphore, #tpu.memory_space<semaphore_mem>>)
        %dma_wait3A_90 = arith.constant 0 : i32
        %dma_wait3A_91 = tpu.memref_slice %arg12[%dma_wait3A_90] : memref<144xi32, #tpu.memory_space<vmem>> -> memref<128xi32, #tpu.memory_space<vmem>>
        %dma_wait3A_92 = tpu.memref_slice %arg4[%add3A_64] : memref<385024xi32, #tpu.memory_space<hbm>> -> memref<128xi32, #tpu.memory_space<hbm>>
        %dma_wait3A_93 = arith.constant 0 : i32
        %dma_wait3A_94 = tpu.memref_slice %arg12[%dma_wait3A_93] : memref<144xi32, #tpu.memory_space<vmem>> -> memref<128xi32, #tpu.memory_space<vmem>>
        %dma_wait3A_95 = tpu.memref_slice %arg4[%add3A_64] : memref<385024xi32, #tpu.memory_space<hbm>> -> memref<128xi32, #tpu.memory_space<hbm>>
        tpu.wait_dma2 semaphore(%run_scoped3A : memref<!tpu.dma_semaphore, #tpu.memory_space<semaphore_mem>>) src(%dma_wait3A_95 : memref<128xi32, #tpu.memory_space<hbm>>) dst(%dma_wait3A_94 : memref<128xi32, #tpu.memory_space<vmem>>)
        tpu.yield
      }) : () -> ()
      %dma_start3A_65 = arith.constant 0 : i32
      %dma_start3A_66 = arith.constant 0 : i32
      %dma_start3A_67 = tpu.memref_slice %arg2[%dma_start3A_65, %dma_start3A_66] : memref<11000x128xf32, #tpu.memory_space<hbm>> -> memref<11000x128xf32, #tpu.memory_space<hbm>>
      tpu.enqueue_indirect_dma source(%dma_start3A_67 : memref<11000x128xf32, #tpu.memory_space<hbm>>) target(%arg13 : memref<128x128xf32, #tpu.memory_space<vmem>>) offsets(%arg11 : memref<128xi32, #tpu.memory_space<vmem>>) semaphore(%arg17 : memref<!tpu.dma_semaphore, #tpu.memory_space<semaphore_mem>>)
      %dma_wait3A = arith.constant 0 : i32
      %dma_wait3A_68 = arith.constant 0 : i32
      %dma_wait3A_69 = tpu.memref_slice %arg2[%dma_wait3A, %dma_wait3A_68] : memref<11000x128xf32, #tpu.memory_space<hbm>> -> memref<11000x128xf32, #tpu.memory_space<hbm>>
      tpu.wait_indirect_dma semaphore(%arg16 : memref<!tpu.dma_semaphore, #tpu.memory_space<semaphore_mem>>) src(%dma_wait3A_69 : memref<11000x128xf32, #tpu.memory_space<hbm>>) dst(%arg10 : memref<128x128xf32, #tpu.memory_space<vmem>>)
      %scan3A = arith.constant 0 : i32
      %scan3A_70 = arith.constant 0 : i32
      %scan3A_71 = arith.constant 128 : i32
      %scan3A_72 = arith.addi %scan3A_70, %scan3A_71 : i32
      %scan3A_73 = arith.constant 1 : i32
      scf.for %scan3A_84 = %scan3A_70 to %scan3A_72 step %scan3A_73  : i32 {
        %get3A_85 = arith.index_cast %scan3A_84 : i32 to index
        %get3A_86 = tpu.vector_load %arg9[%get3A_85] {strides = array<i32>} : memref<144xi32, #tpu.memory_space<vmem>>, vector<16xi32>,
        %slice3A_87 = vector.extract_strided_slice %get3A_86 {offsets = [0], sizes = [1], strides = [1]} : vector<16xi32> to vector<1xi32>
        %squeeze3A_88 = vector.extract %slice3A_87[0] : i32 from vector<1xi32>
        %get3A_89 = arith.index_cast %squeeze3A_88 : i32 to index
        %get3A_90 = arith.constant 0 : index
        %get3A_91 = tpu.vector_load %arg14[%get3A_89, %get3A_90] {strides = array<i32>} : memref<320x128xf32, #tpu.memory_space<vmem>>, vector<16xf32>,
        %get3A_92 = arith.index_cast %scan3A_84 : i32 to index
        %get3A_93 = arith.constant 0 : index
        %get3A_94 = tpu.vector_load %arg10[%get3A_92, %get3A_93] {strides = array<i32>} : memref<128x128xf32, #tpu.memory_space<vmem>>, vector<16xf32>,
        %add3A_95 = arith.addf %get3A_91, %get3A_94 : vector<16xf32>
        %swap3A = arith.index_cast %squeeze3A_88 : i32 to index
        %swap3A_96 = arith.constant 0 : index
        %swap3A_97 = tpu.vector_load %arg14[%swap3A, %swap3A_96] {strides = array<i32>} : memref<320x128xf32, #tpu.memory_space<vmem>>, vector<16xf32>,
        tpu.vector_store %arg14[%swap3A, %swap3A_96], %add3A_95 {strides = array<i32>} : memref<320x128xf32, #tpu.memory_space<vmem>>, vector<16xf32>,
        %get3A_98 = arith.index_cast %squeeze3A_88 : i32 to index
        %get3A_99 = arith.constant 16 : index
        %get3A_100 = tpu.vector_load %arg14[%get3A_98, %get3A_99] {strides = array<i32>} : memref<320x128xf32, #tpu.memory_space<vmem>>, vector<16xf32>,
        %get3A_101 = arith.index_cast %scan3A_84 : i32 to index
        %get3A_102 = arith.constant 16 : index
        %get3A_103 = tpu.vector_load %arg10[%get3A_101, %get3A_102] {strides = array<i32>} : memref<128x128xf32, #tpu.memory_space<vmem>>, vector<16xf32>,
        %add3A_104 = arith.addf %get3A_100, %get3A_103 : vector<16xf32>
        %swap3A_105 = arith.index_cast %squeeze3A_88 : i32 to index
        %swap3A_106 = arith.constant 16 : index
        %swap3A_107 = tpu.vector_load %arg14[%swap3A_105, %swap3A_106] {strides = array<i32>} : memref<320x128xf32, #tpu.memory_space<vmem>>, vector<16xf32>,
        tpu.vector_store %arg14[%swap3A_105, %swap3A_106], %add3A_104 {strides = array<i32>} : memref<320x128xf32, #tpu.memory_space<vmem>>, vector<16xf32>,
        %get3A_108 = arith.index_cast %squeeze3A_88 : i32 to index
        %get3A_109 = arith.constant 32 : index
        %get3A_110 = tpu.vector_load %arg14[%get3A_108, %get3A_109] {strides = array<i32>} : memref<320x128xf32, #tpu.memory_space<vmem>>, vector<16xf32>,
        %get3A_111 = arith.index_cast %scan3A_84 : i32 to index
        %get3A_112 = arith.constant 32 : index
        %get3A_113 = tpu.vector_load %arg10[%get3A_111, %get3A_112] {strides = array<i32>} : memref<128x128xf32, #tpu.memory_space<vmem>>, vector<16xf32>,
        %add3A_114 = arith.addf %get3A_110, %get3A_113 : vector<16xf32>
        %swap3A_115 = arith.index_cast %squeeze3A_88 : i32 to index
        %swap3A_116 = arith.constant 32 : index
        %swap3A_117 = tpu.vector_load %arg14[%swap3A_115, %swap3A_116] {strides = array<i32>} : memref<320x128xf32, #tpu.memory_space<vmem>>, vector<16xf32>,
        tpu.vector_store %arg14[%swap3A_115, %swap3A_116], %add3A_114 {strides = array<i32>} : memref<320x128xf32, #tpu.memory_space<vmem>>, vector<16xf32>,
        %get3A_118 = arith.index_cast %squeeze3A_88 : i32 to index
        %get3A_119 = arith.constant 48 : index
        %get3A_120 = tpu.vector_load %arg14[%get3A_118, %get3A_119] {strides = array<i32>} : memref<320x128xf32, #tpu.memory_space<vmem>>, vector<16xf32>,
        %get3A_121 = arith.index_cast %scan3A_84 : i32 to index
        %get3A_122 = arith.constant 48 : index
        %get3A_123 = tpu.vector_load %arg10[%get3A_121, %get3A_122] {strides = array<i32>} : memref<128x128xf32, #tpu.memory_space<vmem>>, vector<16xf32>,
        %add3A_124 = arith.addf %get3A_120, %get3A_123 : vector<16xf32>
        %swap3A_125 = arith.index_cast %squeeze3A_88 : i32 to index
        %swap3A_126 = arith.constant 48 : index
        %swap3A_127 = tpu.vector_load %arg14[%swap3A_125, %swap3A_126] {strides = array<i32>} : memref<320x128xf32, #tpu.memory_space<vmem>>, vector<16xf32>,
        tpu.vector_store %arg14[%swap3A_125, %swap3A_126], %add3A_124 {strides = array<i32>} : memref<320x128xf32, #tpu.memory_space<vmem>>, vector<16xf32>,
        %get3A_128 = arith.index_cast %squeeze3A_88 : i32 to index
        %get3A_129 = arith.constant 64 : index
        %get3A_130 = tpu.vector_load %arg14[%get3A_128, %get3A_129] {strides = array<i32>} : memref<320x128xf32, #tpu.memory_space<vmem>>, vector<16xf32>,
        %get3A_131 = arith.index_cast %scan3A_84 : i32 to index
        %get3A_132 = arith.constant 64 : index
        %get3A_133 = tpu.vector_load %arg10[%get3A_131, %get3A_132] {strides = array<i32>} : memref<128x128xf32, #tpu.memory_space<vmem>>, vector<16xf32>,
        %add3A_134 = arith.addf %get3A_130, %get3A_133 : vector<16xf32>
        %swap3A_135 = arith.index_cast %squeeze3A_88 : i32 to index
        %swap3A_136 = arith.constant 64 : index
        %swap3A_137 = tpu.vector_load %arg14[%swap3A_135, %swap3A_136] {strides = array<i32>} : memref<320x128xf32, #tpu.memory_space<vmem>>, vector<16xf32>,
        tpu.vector_store %arg14[%swap3A_135, %swap3A_136], %add3A_134 {strides = array<i32>} : memref<320x128xf32, #tpu.memory_space<vmem>>, vector<16xf32>,
        %get3A_138 = arith.index_cast %squeeze3A_88 : i32 to index
        %get3A_139 = arith.constant 80 : index
        %get3A_140 = tpu.vector_load %arg14[%get3A_138, %get3A_139] {strides = array<i32>} : memref<320x128xf32, #tpu.memory_space<vmem>>, vector<16xf32>,
        %get3A_141 = arith.index_cast %scan3A_84 : i32 to index
        %get3A_142 = arith.constant 80 : index
        %get3A_143 = tpu.vector_load %arg10[%get3A_141, %get3A_142] {strides = array<i32>} : memref<128x128xf32, #tpu.memory_space<vmem>>, vector<16xf32>,
        %add3A_144 = arith.addf %get3A_140, %get3A_143 : vector<16xf32>
        %swap3A_145 = arith.index_cast %squeeze3A_88 : i32 to index
        %swap3A_146 = arith.constant 80 : index
        %swap3A_147 = tpu.vector_load %arg14[%swap3A_145, %swap3A_146] {strides = array<i32>} : memref<320x128xf32, #tpu.memory_space<vmem>>, vector<16xf32>,
        tpu.vector_store %arg14[%swap3A_145, %swap3A_146], %add3A_144 {strides = array<i32>} : memref<320x128xf32, #tpu.memory_space<vmem>>, vector<16xf32>,
        %get3A_148 = arith.index_cast %squeeze3A_88 : i32 to index
        %get3A_149 = arith.constant 96 : index
        %get3A_150 = tpu.vector_load %arg14[%get3A_148, %get3A_149] {strides = array<i32>} : memref<320x128xf32, #tpu.memory_space<vmem>>, vector<16xf32>,
        %get3A_151 = arith.index_cast %scan3A_84 : i32 to index
        %get3A_152 = arith.constant 96 : index
        %get3A_153 = tpu.vector_load %arg10[%get3A_151, %get3A_152] {strides = array<i32>} : memref<128x128xf32, #tpu.memory_space<vmem>>, vector<16xf32>,
        %add3A_154 = arith.addf %get3A_150, %get3A_153 : vector<16xf32>
        %swap3A_155 = arith.index_cast %squeeze3A_88 : i32 to index
        %swap3A_156 = arith.constant 96 : index
        %swap3A_157 = tpu.vector_load %arg14[%swap3A_155, %swap3A_156] {strides = array<i32>} : memref<320x128xf32, #tpu.memory_space<vmem>>, vector<16xf32>,
        tpu.vector_store %arg14[%swap3A_155, %swap3A_156], %add3A_154 {strides = array<i32>} : memref<320x128xf32, #tpu.memory_space<vmem>>, vector<16xf32>,
        %get3A_158 = arith.index_cast %squeeze3A_88 : i32 to index
        %get3A_159 = arith.constant 112 : index
        %get3A_160 = tpu.vector_load %arg14[%get3A_158, %get3A_159] {strides = array<i32>} : memref<320x128xf32, #tpu.memory_space<vmem>>, vector<16xf32>,
        %get3A_161 = arith.index_cast %scan3A_84 : i32 to index
        %get3A_162 = arith.constant 112 : index
        %get3A_163 = tpu.vector_load %arg10[%get3A_161, %get3A_162] {strides = array<i32>} : memref<128x128xf32, #tpu.memory_space<vmem>>, vector<16xf32>,
        %add3A_164 = arith.addf %get3A_160, %get3A_163 : vector<16xf32>
        %swap3A_165 = arith.index_cast %squeeze3A_88 : i32 to index
        %swap3A_166 = arith.constant 112 : index
        %swap3A_167 = tpu.vector_load %arg14[%swap3A_165, %swap3A_166] {strides = array<i32>} : memref<320x128xf32, #tpu.memory_space<vmem>>, vector<16xf32>,
        tpu.vector_store %arg14[%swap3A_165, %swap3A_166], %add3A_164 {strides = array<i32>} : memref<320x128xf32, #tpu.memory_space<vmem>>, vector<16xf32>,
      }
      %scan3A_74 = arith.constant 128 : i32
      %dma_wait3A_75 = arith.constant 0 : i32
      %dma_wait3A_76 = arith.constant 0 : i32
      %dma_wait3A_77 = tpu.memref_slice %arg2[%dma_wait3A_75, %dma_wait3A_76] : memref<11000x128xf32, #tpu.memory_space<hbm>> -> memref<11000x128xf32, #tpu.memory_space<hbm>>
      tpu.wait_indirect_dma semaphore(%arg17 : memref<!tpu.dma_semaphore, #tpu.memory_space<semaphore_mem>>) src(%dma_wait3A_77 : memref<11000x128xf32, #tpu.memory_space<hbm>>) dst(%arg13 : memref<128x128xf32, #tpu.memory_space<vmem>>)
      %scan3A_78 = arith.constant 0 : i32
      %scan3A_79 = arith.constant 0 : i32
      %scan3A_80 = arith.constant 128 : i32
      %scan3A_81 = arith.addi %scan3A_79, %scan3A_80 : i32
      %scan3A_82 = arith.constant 1 : i32
      scf.for %scan3A_84 = %scan3A_79 to %scan3A_81 step %scan3A_82  : i32 {
        %get3A_85 = arith.index_cast %scan3A_84 : i32 to index
        %get3A_86 = tpu.vector_load %arg12[%get3A_85] {strides = array<i32>} : memref<144xi32, #tpu.memory_space<vmem>>, vector<16xi32>,
        %slice3A_87 = vector.extract_strided_slice %get3A_86 {offsets = [0], sizes = [1], strides = [1]} : vector<16xi32> to vector<1xi32>
        %squeeze3A_88 = vector.extract %slice3A_87[0] : i32 from vector<1xi32>
        %get3A_89 = arith.index_cast %squeeze3A_88 : i32 to index
        %get3A_90 = arith.constant 0 : index
        %get3A_91 = tpu.vector_load %arg14[%get3A_89, %get3A_90] {strides = array<i32>} : memref<320x128xf32, #tpu.memory_space<vmem>>, vector<16xf32>,
        %get3A_92 = arith.index_cast %scan3A_84 : i32 to index
        %get3A_93 = arith.constant 0 : index
        %get3A_94 = tpu.vector_load %arg13[%get3A_92, %get3A_93] {strides = array<i32>} : memref<128x128xf32, #tpu.memory_space<vmem>>, vector<16xf32>,
        %add3A_95 = arith.addf %get3A_91, %get3A_94 : vector<16xf32>
        %swap3A = arith.index_cast %squeeze3A_88 : i32 to index
        %swap3A_96 = arith.constant 0 : index
        %swap3A_97 = tpu.vector_load %arg14[%swap3A, %swap3A_96] {strides = array<i32>} : memref<320x128xf32, #tpu.memory_space<vmem>>, vector<16xf32>,
        tpu.vector_store %arg14[%swap3A, %swap3A_96], %add3A_95 {strides = array<i32>} : memref<320x128xf32, #tpu.memory_space<vmem>>, vector<16xf32>,
        %get3A_98 = arith.index_cast %squeeze3A_88 : i32 to index
        %get3A_99 = arith.constant 16 : index
        %get3A_100 = tpu.vector_load %arg14[%get3A_98, %get3A_99] {strides = array<i32>} : memref<320x128xf32, #tpu.memory_space<vmem>>, vector<16xf32>,
        %get3A_101 = arith.index_cast %scan3A_84 : i32 to index
        %get3A_102 = arith.constant 16 : index
        %get3A_103 = tpu.vector_load %arg13[%get3A_101, %get3A_102] {strides = array<i32>} : memref<128x128xf32, #tpu.memory_space<vmem>>, vector<16xf32>,
        %add3A_104 = arith.addf %get3A_100, %get3A_103 : vector<16xf32>
        %swap3A_105 = arith.index_cast %squeeze3A_88 : i32 to index
        %swap3A_106 = arith.constant 16 : index
        %swap3A_107 = tpu.vector_load %arg14[%swap3A_105, %swap3A_106] {strides = array<i32>} : memref<320x128xf32, #tpu.memory_space<vmem>>, vector<16xf32>,
        tpu.vector_store %arg14[%swap3A_105, %swap3A_106], %add3A_104 {strides = array<i32>} : memref<320x128xf32, #tpu.memory_space<vmem>>, vector<16xf32>,
        %get3A_108 = arith.index_cast %squeeze3A_88 : i32 to index
        %get3A_109 = arith.constant 32 : index
        %get3A_110 = tpu.vector_load %arg14[%get3A_108, %get3A_109] {strides = array<i32>} : memref<320x128xf32, #tpu.memory_space<vmem>>, vector<16xf32>,
        %get3A_111 = arith.index_cast %scan3A_84 : i32 to index
        %get3A_112 = arith.constant 32 : index
        %get3A_113 = tpu.vector_load %arg13[%get3A_111, %get3A_112] {strides = array<i32>} : memref<128x128xf32, #tpu.memory_space<vmem>>, vector<16xf32>,
        %add3A_114 = arith.addf %get3A_110, %get3A_113 : vector<16xf32>
        %swap3A_115 = arith.index_cast %squeeze3A_88 : i32 to index
        %swap3A_116 = arith.constant 32 : index
        %swap3A_117 = tpu.vector_load %arg14[%swap3A_115, %swap3A_116] {strides = array<i32>} : memref<320x128xf32, #tpu.memory_space<vmem>>, vector<16xf32>,
        tpu.vector_store %arg14[%swap3A_115, %swap3A_116], %add3A_114 {strides = array<i32>} : memref<320x128xf32, #tpu.memory_space<vmem>>, vector<16xf32>,
        %get3A_118 = arith.index_cast %squeeze3A_88 : i32 to index
        %get3A_119 = arith.constant 48 : index
        %get3A_120 = tpu.vector_load %arg14[%get3A_118, %get3A_119] {strides = array<i32>} : memref<320x128xf32, #tpu.memory_space<vmem>>, vector<16xf32>,
        %get3A_121 = arith.index_cast %scan3A_84 : i32 to index
        %get3A_122 = arith.constant 48 : index
        %get3A_123 = tpu.vector_load %arg13[%get3A_121, %get3A_122] {strides = array<i32>} : memref<128x128xf32, #tpu.memory_space<vmem>>, vector<16xf32>,
        %add3A_124 = arith.addf %get3A_120, %get3A_123 : vector<16xf32>
        %swap3A_125 = arith.index_cast %squeeze3A_88 : i32 to index
        %swap3A_126 = arith.constant 48 : index
        %swap3A_127 = tpu.vector_load %arg14[%swap3A_125, %swap3A_126] {strides = array<i32>} : memref<320x128xf32, #tpu.memory_space<vmem>>, vector<16xf32>,
        tpu.vector_store %arg14[%swap3A_125, %swap3A_126], %add3A_124 {strides = array<i32>} : memref<320x128xf32, #tpu.memory_space<vmem>>, vector<16xf32>,
        %get3A_128 = arith.index_cast %squeeze3A_88 : i32 to index
        %get3A_129 = arith.constant 64 : index
        %get3A_130 = tpu.vector_load %arg14[%get3A_128, %get3A_129] {strides = array<i32>} : memref<320x128xf32, #tpu.memory_space<vmem>>, vector<16xf32>,
        %get3A_131 = arith.index_cast %scan3A_84 : i32 to index
        %get3A_132 = arith.constant 64 : index
        %get3A_133 = tpu.vector_load %arg13[%get3A_131, %get3A_132] {strides = array<i32>} : memref<128x128xf32, #tpu.memory_space<vmem>>, vector<16xf32>,
        %add3A_134 = arith.addf %get3A_130, %get3A_133 : vector<16xf32>
        %swap3A_135 = arith.index_cast %squeeze3A_88 : i32 to index
        %swap3A_136 = arith.constant 64 : index
        %swap3A_137 = tpu.vector_load %arg14[%swap3A_135, %swap3A_136] {strides = array<i32>} : memref<320x128xf32, #tpu.memory_space<vmem>>, vector<16xf32>,
        tpu.vector_store %arg14[%swap3A_135, %swap3A_136], %add3A_134 {strides = array<i32>} : memref<320x128xf32, #tpu.memory_space<vmem>>, vector<16xf32>,
        %get3A_138 = arith.index_cast %squeeze3A_88 : i32 to index
        %get3A_139 = arith.constant 80 : index
        %get3A_140 = tpu.vector_load %arg14[%get3A_138, %get3A_139] {strides = array<i32>} : memref<320x128xf32, #tpu.memory_space<vmem>>, vector<16xf32>,
        %get3A_141 = arith.index_cast %scan3A_84 : i32 to index
        %get3A_142 = arith.constant 80 : index
        %get3A_143 = tpu.vector_load %arg13[%get3A_141, %get3A_142] {strides = array<i32>} : memref<128x128xf32, #tpu.memory_space<vmem>>, vector<16xf32>,
        %add3A_144 = arith.addf %get3A_140, %get3A_143 : vector<16xf32>
        %swap3A_145 = arith.index_cast %squeeze3A_88 : i32 to index
        %swap3A_146 = arith.constant 80 : index
        %swap3A_147 = tpu.vector_load %arg14[%swap3A_145, %swap3A_146] {strides = array<i32>} : memref<320x128xf32, #tpu.memory_space<vmem>>, vector<16xf32>,
        tpu.vector_store %arg14[%swap3A_145, %swap3A_146], %add3A_144 {strides = array<i32>} : memref<320x128xf32, #tpu.memory_space<vmem>>, vector<16xf32>,
        %get3A_148 = arith.index_cast %squeeze3A_88 : i32 to index
        %get3A_149 = arith.constant 96 : index
        %get3A_150 = tpu.vector_load %arg14[%get3A_148, %get3A_149] {strides = array<i32>} : memref<320x128xf32, #tpu.memory_space<vmem>>, vector<16xf32>,
        %get3A_151 = arith.index_cast %scan3A_84 : i32 to index
        %get3A_152 = arith.constant 96 : index
        %get3A_153 = tpu.vector_load %arg13[%get3A_151, %get3A_152] {strides = array<i32>} : memref<128x128xf32, #tpu.memory_space<vmem>>, vector<16xf32>,
        %add3A_154 = arith.addf %get3A_150, %get3A_153 : vector<16xf32>
        %swap3A_155 = arith.index_cast %squeeze3A_88 : i32 to index
        %swap3A_156 = arith.constant 96 : index
        %swap3A_157 = tpu.vector_load %arg14[%swap3A_155, %swap3A_156] {strides = array<i32>} : memref<320x128xf32, #tpu.memory_space<vmem>>, vector<16xf32>,
        tpu.vector_store %arg14[%swap3A_155, %swap3A_156], %add3A_154 {strides = array<i32>} : memref<320x128xf32, #tpu.memory_space<vmem>>, vector<16xf32>,
        %get3A_158 = arith.index_cast %squeeze3A_88 : i32 to index
        %get3A_159 = arith.constant 112 : index
        %get3A_160 = tpu.vector_load %arg14[%get3A_158, %get3A_159] {strides = array<i32>} : memref<320x128xf32, #tpu.memory_space<vmem>>, vector<16xf32>,
        %get3A_161 = arith.index_cast %scan3A_84 : i32 to index
        %get3A_162 = arith.constant 112 : index
        %get3A_163 = tpu.vector_load %arg13[%get3A_161, %get3A_162] {strides = array<i32>} : memref<128x128xf32, #tpu.memory_space<vmem>>, vector<16xf32>,
        %add3A_164 = arith.addf %get3A_160, %get3A_163 : vector<16xf32>
        %swap3A_165 = arith.index_cast %squeeze3A_88 : i32 to index
        %swap3A_166 = arith.constant 112 : index
        %swap3A_167 = tpu.vector_load %arg14[%swap3A_165, %swap3A_166] {strides = array<i32>} : memref<320x128xf32, #tpu.memory_space<vmem>>, vector<16xf32>,
        tpu.vector_store %arg14[%swap3A_165, %swap3A_166], %add3A_164 {strides = array<i32>} : memref<320x128xf32, #tpu.memory_space<vmem>>, vector<16xf32>,
      }
      %scan3A_83 = arith.constant 128 : i32
    }
    %jit3A_31 = arith.constant 2 : i32
    %eq3A = arith.constant 0 : i32
    %eq3A_32 = arith.cmpi eq, %jit3A_31, %eq3A : i32
    %jit3A_33 = arith.constant 1 : i32
    %select_n3A_34 = arith.select %eq3A_32, %jit3A_33, %jit3A_31 : i32
    %rem3A_35 = arith.remsi %squeeze3A, %select_n3A_34 : i32
    %ne3A_36 = arith.constant 0 : i32
    %ne3A_37 = arith.cmpi ne, %rem3A_35, %ne3A_36 : i32
    %lt3A = arith.constant 0 : i32
    %lt3A_38 = arith.cmpi slt, %rem3A_35, %lt3A : i32
    %lt3A_39 = arith.constant 0 : i32
    %lt3A_40 = arith.cmpi slt, %select_n3A_34, %lt3A_39 : i32
    %ne3A_41 = arith.xori %lt3A_38, %lt3A_40 : i1
    %and3A_42 = arith.andi %ne3A_41, %ne3A_37 : i1
    %add3A_43 = arith.addi %rem3A_35, %select_n3A_34 : i32
    %select_n3A_44 = arith.select %and3A_42, %add3A_43, %rem3A_35 : i32
    %eq3A_45 = arith.constant 1 : i32
    %eq3A_46 = arith.cmpi eq, %select_n3A_44, %eq3A_45 : i32
    %convert_element_type3A = arith.extui %eq3A_46 : i1 to i32
    %cond3A = arith.constant 0 : i32
    %cond3A_47 = arith.cmpi ne, %convert_element_type3A, %cond3A : i32
    scf.if %cond3A_47 {
      %sub3A_50 = arith.constant 1 : i32
      %sub3A_51 = arith.subi %squeeze3A, %sub3A_50 : i32
      %mul3A_52 = arith.constant 128 : i32
      %mul3A_53 = arith.muli %sub3A_51, %mul3A_52 : i32
      %add3A_54 = arith.addi %mul3A_2, %mul3A_53 : i32
      "tpu.region"() ({
        %run_scoped3A = tpu.sem_alloc : memref<!tpu.dma_semaphore, #tpu.memory_space<semaphore_mem>>
        %dma_start3A_64 = tpu.memref_slice %arg3[%add3A_54] : memref<385024xi32, #tpu.memory_space<hbm>> -> memref<128xi32, #tpu.memory_space<hbm>>
        %dma_start3A_65 = tpu.memref_slice %arg3[%add3A_54] : memref<385024xi32, #tpu.memory_space<hbm>> -> memref<128xi32, #tpu.memory_space<hbm>>
        tpu.enqueue_dma source(%dma_start3A_65 : memref<128xi32, #tpu.memory_space<hbm>>) target(%arg8 : memref<128xi32, #tpu.memory_space<vmem>>) target_semaphore(%run_scoped3A : memref<!tpu.dma_semaphore, #tpu.memory_space<semaphore_mem>>)
        %dma_wait3A_66 = tpu.memref_slice %arg3[%add3A_54] : memref<385024xi32, #tpu.memory_space<hbm>> -> memref<128xi32, #tpu.memory_space<hbm>>
        %dma_wait3A_67 = tpu.memref_slice %arg3[%add3A_54] : memref<385024xi32, #tpu.memory_space<hbm>> -> memref<128xi32, #tpu.memory_space<hbm>>
        tpu.wait_dma2 semaphore(%run_scoped3A : memref<!tpu.dma_semaphore, #tpu.memory_space<semaphore_mem>>) src(%dma_wait3A_67 : memref<128xi32, #tpu.memory_space<hbm>>) dst(%arg8 : memref<128xi32, #tpu.memory_space<vmem>>)
        tpu.yield
      }) : () -> ()
      "tpu.region"() ({
        %run_scoped3A = tpu.sem_alloc : memref<!tpu.dma_semaphore, #tpu.memory_space<semaphore_mem>>
        %dma_start3A_64 = arith.constant 0 : i32
        %dma_start3A_65 = tpu.memref_slice %arg9[%dma_start3A_64] : memref<144xi32, #tpu.memory_space<vmem>> -> memref<128xi32, #tpu.memory_space<vmem>>
        %dma_start3A_66 = tpu.memref_slice %arg4[%add3A_54] : memref<385024xi32, #tpu.memory_space<hbm>> -> memref<128xi32, #tpu.memory_space<hbm>>
        %dma_start3A_67 = arith.constant 0 : i32
        %dma_start3A_68 = tpu.memref_slice %arg9[%dma_start3A_67] : memref<144xi32, #tpu.memory_space<vmem>> -> memref<128xi32, #tpu.memory_space<vmem>>
        %dma_start3A_69 = tpu.memref_slice %arg4[%add3A_54] : memref<385024xi32, #tpu.memory_space<hbm>> -> memref<128xi32, #tpu.memory_space<hbm>>
        tpu.enqueue_dma source(%dma_start3A_69 : memref<128xi32, #tpu.memory_space<hbm>>) target(%dma_start3A_68 : memref<128xi32, #tpu.memory_space<vmem>>) target_semaphore(%run_scoped3A : memref<!tpu.dma_semaphore, #tpu.memory_space<semaphore_mem>>)
        %dma_wait3A_70 = arith.constant 0 : i32
        %dma_wait3A_71 = tpu.memref_slice %arg9[%dma_wait3A_70] : memref<144xi32, #tpu.memory_space<vmem>> -> memref<128xi32, #tpu.memory_space<vmem>>
        %dma_wait3A_72 = tpu.memref_slice %arg4[%add3A_54] : memref<385024xi32, #tpu.memory_space<hbm>> -> memref<128xi32, #tpu.memory_space<hbm>>
        %dma_wait3A_73 = arith.constant 0 : i32
        %dma_wait3A_74 = tpu.memref_slice %arg9[%dma_wait3A_73] : memref<144xi32, #tpu.memory_space<vmem>> -> memref<128xi32, #tpu.memory_space<vmem>>
        %dma_wait3A_75 = tpu.memref_slice %arg4[%add3A_54] : memref<385024xi32, #tpu.memory_space<hbm>> -> memref<128xi32, #tpu.memory_space<hbm>>
        tpu.wait_dma2 semaphore(%run_scoped3A : memref<!tpu.dma_semaphore, #tpu.memory_space<semaphore_mem>>) src(%dma_wait3A_75 : memref<128xi32, #tpu.memory_space<hbm>>) dst(%dma_wait3A_74 : memref<128xi32, #tpu.memory_space<vmem>>)
        tpu.yield
      }) : () -> ()
      %dma_start3A = arith.constant 0 : i32
      %dma_start3A_55 = arith.constant 0 : i32
      %dma_start3A_56 = tpu.memref_slice %arg2[%dma_start3A, %dma_start3A_55] : memref<11000x128xf32, #tpu.memory_space<hbm>> -> memref<11000x128xf32, #tpu.memory_space<hbm>>
      tpu.enqueue_indirect_dma source(%dma_start3A_56 : memref<11000x128xf32, #tpu.memory_space<hbm>>) target(%arg10 : memref<128x128xf32, #tpu.memory_space<vmem>>) offsets(%arg8 : memref<128xi32, #tpu.memory_space<vmem>>) semaphore(%arg16 : memref<!tpu.dma_semaphore, #tpu.memory_space<semaphore_mem>>)
      %dma_wait3A = arith.constant 0 : i32
      %dma_wait3A_57 = arith.constant 0 : i32
      %dma_wait3A_58 = tpu.memref_slice %arg2[%dma_wait3A, %dma_wait3A_57] : memref<11000x128xf32, #tpu.memory_space<hbm>> -> memref<11000x128xf32, #tpu.memory_space<hbm>>
      tpu.wait_indirect_dma semaphore(%arg16 : memref<!tpu.dma_semaphore, #tpu.memory_space<semaphore_mem>>) src(%dma_wait3A_58 : memref<11000x128xf32, #tpu.memory_space<hbm>>) dst(%arg10 : memref<128x128xf32, #tpu.memory_space<vmem>>)
      %scan3A = arith.constant 0 : i32
      %scan3A_59 = arith.constant 0 : i32
      %scan3A_60 = arith.constant 128 : i32
      %scan3A_61 = arith.addi %scan3A_59, %scan3A_60 : i32
      %scan3A_62 = arith.constant 1 : i32
      scf.for %scan3A_64 = %scan3A_59 to %scan3A_61 step %scan3A_62  : i32 {
        %get3A_65 = arith.index_cast %scan3A_64 : i32 to index
        %get3A_66 = tpu.vector_load %arg9[%get3A_65] {strides = array<i32>} : memref<144xi32, #tpu.memory_space<vmem>>, vector<16xi32>,
        %slice3A_67 = vector.extract_strided_slice %get3A_66 {offsets = [0], sizes = [1], strides = [1]} : vector<16xi32> to vector<1xi32>
        %squeeze3A_68 = vector.extract %slice3A_67[0] : i32 from vector<1xi32>
        %get3A_69 = arith.index_cast %squeeze3A_68 : i32 to index
        %get3A_70 = arith.constant 0 : index
        %get3A_71 = tpu.vector_load %arg14[%get3A_69, %get3A_70] {strides = array<i32>} : memref<320x128xf32, #tpu.memory_space<vmem>>, vector<16xf32>,
        %get3A_72 = arith.index_cast %scan3A_64 : i32 to index
        %get3A_73 = arith.constant 0 : index
        %get3A_74 = tpu.vector_load %arg10[%get3A_72, %get3A_73] {strides = array<i32>} : memref<128x128xf32, #tpu.memory_space<vmem>>, vector<16xf32>,
        %add3A_75 = arith.addf %get3A_71, %get3A_74 : vector<16xf32>
        %swap3A = arith.index_cast %squeeze3A_68 : i32 to index
        %swap3A_76 = arith.constant 0 : index
        %swap3A_77 = tpu.vector_load %arg14[%swap3A, %swap3A_76] {strides = array<i32>} : memref<320x128xf32, #tpu.memory_space<vmem>>, vector<16xf32>,
        tpu.vector_store %arg14[%swap3A, %swap3A_76], %add3A_75 {strides = array<i32>} : memref<320x128xf32, #tpu.memory_space<vmem>>, vector<16xf32>,
        %get3A_78 = arith.index_cast %squeeze3A_68 : i32 to index
        %get3A_79 = arith.constant 16 : index
        %get3A_80 = tpu.vector_load %arg14[%get3A_78, %get3A_79] {strides = array<i32>} : memref<320x128xf32, #tpu.memory_space<vmem>>, vector<16xf32>,
        %get3A_81 = arith.index_cast %scan3A_64 : i32 to index
        %get3A_82 = arith.constant 16 : index
        %get3A_83 = tpu.vector_load %arg10[%get3A_81, %get3A_82] {strides = array<i32>} : memref<128x128xf32, #tpu.memory_space<vmem>>, vector<16xf32>,
        %add3A_84 = arith.addf %get3A_80, %get3A_83 : vector<16xf32>
        %swap3A_85 = arith.index_cast %squeeze3A_68 : i32 to index
        %swap3A_86 = arith.constant 16 : index
        %swap3A_87 = tpu.vector_load %arg14[%swap3A_85, %swap3A_86] {strides = array<i32>} : memref<320x128xf32, #tpu.memory_space<vmem>>, vector<16xf32>,
        tpu.vector_store %arg14[%swap3A_85, %swap3A_86], %add3A_84 {strides = array<i32>} : memref<320x128xf32, #tpu.memory_space<vmem>>, vector<16xf32>,
        %get3A_88 = arith.index_cast %squeeze3A_68 : i32 to index
        %get3A_89 = arith.constant 32 : index
        %get3A_90 = tpu.vector_load %arg14[%get3A_88, %get3A_89] {strides = array<i32>} : memref<320x128xf32, #tpu.memory_space<vmem>>, vector<16xf32>,
        %get3A_91 = arith.index_cast %scan3A_64 : i32 to index
        %get3A_92 = arith.constant 32 : index
        %get3A_93 = tpu.vector_load %arg10[%get3A_91, %get3A_92] {strides = array<i32>} : memref<128x128xf32, #tpu.memory_space<vmem>>, vector<16xf32>,
        %add3A_94 = arith.addf %get3A_90, %get3A_93 : vector<16xf32>
        %swap3A_95 = arith.index_cast %squeeze3A_68 : i32 to index
        %swap3A_96 = arith.constant 32 : index
        %swap3A_97 = tpu.vector_load %arg14[%swap3A_95, %swap3A_96] {strides = array<i32>} : memref<320x128xf32, #tpu.memory_space<vmem>>, vector<16xf32>,
        tpu.vector_store %arg14[%swap3A_95, %swap3A_96], %add3A_94 {strides = array<i32>} : memref<320x128xf32, #tpu.memory_space<vmem>>, vector<16xf32>,
        %get3A_98 = arith.index_cast %squeeze3A_68 : i32 to index
        %get3A_99 = arith.constant 48 : index
        %get3A_100 = tpu.vector_load %arg14[%get3A_98, %get3A_99] {strides = array<i32>} : memref<320x128xf32, #tpu.memory_space<vmem>>, vector<16xf32>,
        %get3A_101 = arith.index_cast %scan3A_64 : i32 to index
        %get3A_102 = arith.constant 48 : index
        %get3A_103 = tpu.vector_load %arg10[%get3A_101, %get3A_102] {strides = array<i32>} : memref<128x128xf32, #tpu.memory_space<vmem>>, vector<16xf32>,
        %add3A_104 = arith.addf %get3A_100, %get3A_103 : vector<16xf32>
        %swap3A_105 = arith.index_cast %squeeze3A_68 : i32 to index
        %swap3A_106 = arith.constant 48 : index
        %swap3A_107 = tpu.vector_load %arg14[%swap3A_105, %swap3A_106] {strides = array<i32>} : memref<320x128xf32, #tpu.memory_space<vmem>>, vector<16xf32>,
        tpu.vector_store %arg14[%swap3A_105, %swap3A_106], %add3A_104 {strides = array<i32>} : memref<320x128xf32, #tpu.memory_space<vmem>>, vector<16xf32>,
        %get3A_108 = arith.index_cast %squeeze3A_68 : i32 to index
        %get3A_109 = arith.constant 64 : index
        %get3A_110 = tpu.vector_load %arg14[%get3A_108, %get3A_109] {strides = array<i32>} : memref<320x128xf32, #tpu.memory_space<vmem>>, vector<16xf32>,
        %get3A_111 = arith.index_cast %scan3A_64 : i32 to index
        %get3A_112 = arith.constant 64 : index
        %get3A_113 = tpu.vector_load %arg10[%get3A_111, %get3A_112] {strides = array<i32>} : memref<128x128xf32, #tpu.memory_space<vmem>>, vector<16xf32>,
        %add3A_114 = arith.addf %get3A_110, %get3A_113 : vector<16xf32>
        %swap3A_115 = arith.index_cast %squeeze3A_68 : i32 to index
        %swap3A_116 = arith.constant 64 : index
        %swap3A_117 = tpu.vector_load %arg14[%swap3A_115, %swap3A_116] {strides = array<i32>} : memref<320x128xf32, #tpu.memory_space<vmem>>, vector<16xf32>,
        tpu.vector_store %arg14[%swap3A_115, %swap3A_116], %add3A_114 {strides = array<i32>} : memref<320x128xf32, #tpu.memory_space<vmem>>, vector<16xf32>,
        %get3A_118 = arith.index_cast %squeeze3A_68 : i32 to index
        %get3A_119 = arith.constant 80 : index
        %get3A_120 = tpu.vector_load %arg14[%get3A_118, %get3A_119] {strides = array<i32>} : memref<320x128xf32, #tpu.memory_space<vmem>>, vector<16xf32>,
        %get3A_121 = arith.index_cast %scan3A_64 : i32 to index
        %get3A_122 = arith.constant 80 : index
        %get3A_123 = tpu.vector_load %arg10[%get3A_121, %get3A_122] {strides = array<i32>} : memref<128x128xf32, #tpu.memory_space<vmem>>, vector<16xf32>,
        %add3A_124 = arith.addf %get3A_120, %get3A_123 : vector<16xf32>
        %swap3A_125 = arith.index_cast %squeeze3A_68 : i32 to index
        %swap3A_126 = arith.constant 80 : index
        %swap3A_127 = tpu.vector_load %arg14[%swap3A_125, %swap3A_126] {strides = array<i32>} : memref<320x128xf32, #tpu.memory_space<vmem>>, vector<16xf32>,
        tpu.vector_store %arg14[%swap3A_125, %swap3A_126], %add3A_124 {strides = array<i32>} : memref<320x128xf32, #tpu.memory_space<vmem>>, vector<16xf32>,
        %get3A_128 = arith.index_cast %squeeze3A_68 : i32 to index
        %get3A_129 = arith.constant 96 : index
        %get3A_130 = tpu.vector_load %arg14[%get3A_128, %get3A_129] {strides = array<i32>} : memref<320x128xf32, #tpu.memory_space<vmem>>, vector<16xf32>,
        %get3A_131 = arith.index_cast %scan3A_64 : i32 to index
        %get3A_132 = arith.constant 96 : index
        %get3A_133 = tpu.vector_load %arg10[%get3A_131, %get3A_132] {strides = array<i32>} : memref<128x128xf32, #tpu.memory_space<vmem>>, vector<16xf32>,
        %add3A_134 = arith.addf %get3A_130, %get3A_133 : vector<16xf32>
        %swap3A_135 = arith.index_cast %squeeze3A_68 : i32 to index
        %swap3A_136 = arith.constant 96 : index
        %swap3A_137 = tpu.vector_load %arg14[%swap3A_135, %swap3A_136] {strides = array<i32>} : memref<320x128xf32, #tpu.memory_space<vmem>>, vector<16xf32>,
        tpu.vector_store %arg14[%swap3A_135, %swap3A_136], %add3A_134 {strides = array<i32>} : memref<320x128xf32, #tpu.memory_space<vmem>>, vector<16xf32>,
        %get3A_138 = arith.index_cast %squeeze3A_68 : i32 to index
        %get3A_139 = arith.constant 112 : index
        %get3A_140 = tpu.vector_load %arg14[%get3A_138, %get3A_139] {strides = array<i32>} : memref<320x128xf32, #tpu.memory_space<vmem>>, vector<16xf32>,
        %get3A_141 = arith.index_cast %scan3A_64 : i32 to index
        %get3A_142 = arith.constant 112 : index
        %get3A_143 = tpu.vector_load %arg10[%get3A_141, %get3A_142] {strides = array<i32>} : memref<128x128xf32, #tpu.memory_space<vmem>>, vector<16xf32>,
        %add3A_144 = arith.addf %get3A_140, %get3A_143 : vector<16xf32>
        %swap3A_145 = arith.index_cast %squeeze3A_68 : i32 to index
        %swap3A_146 = arith.constant 112 : index
        %swap3A_147 = tpu.vector_load %arg14[%swap3A_145, %swap3A_146] {strides = array<i32>} : memref<320x128xf32, #tpu.memory_space<vmem>>, vector<16xf32>,
        tpu.vector_store %arg14[%swap3A_145, %swap3A_146], %add3A_144 {strides = array<i32>} : memref<320x128xf32, #tpu.memory_space<vmem>>, vector<16xf32>,
      }
      %scan3A_63 = arith.constant 128 : i32
    } else {
    }
    %mul3A_48 = arith.constant 320 : i32
    %mul3A_49 = arith.muli %add3A, %mul3A_48 : i32
    "tpu.region"() ({
      %run_scoped3A = tpu.sem_alloc : memref<!tpu.dma_semaphore, #tpu.memory_space<semaphore_mem>>
      %dma_start3A = arith.constant 0 : i32
      %dma_start3A_50 = tpu.memref_slice %arg7[%mul3A_49, %dma_start3A] : memref<10240x128xf32, #tpu.memory_space<hbm>> -> memref<320x128xf32, #tpu.memory_space<hbm>>
      %dma_start3A_51 = arith.constant 0 : i32
      %dma_start3A_52 = tpu.memref_slice %arg7[%mul3A_49, %dma_start3A_51] : memref<10240x128xf32, #tpu.memory_space<hbm>> -> memref<320x128xf32, #tpu.memory_space<hbm>>
      tpu.enqueue_dma source(%arg14 : memref<320x128xf32, #tpu.memory_space<vmem>>) target(%dma_start3A_52 : memref<320x128xf32, #tpu.memory_space<hbm>>) target_semaphore(%run_scoped3A : memref<!tpu.dma_semaphore, #tpu.memory_space<semaphore_mem>>)
      %dma_wait3A = arith.constant 0 : i32
      %dma_wait3A_53 = tpu.memref_slice %arg7[%mul3A_49, %dma_wait3A] : memref<10240x128xf32, #tpu.memory_space<hbm>> -> memref<320x128xf32, #tpu.memory_space<hbm>>
      %dma_wait3A_54 = arith.constant 0 : i32
      %dma_wait3A_55 = tpu.memref_slice %arg7[%mul3A_49, %dma_wait3A_54] : memref<10240x128xf32, #tpu.memory_space<hbm>> -> memref<320x128xf32, #tpu.memory_space<hbm>>
      tpu.wait_dma2 semaphore(%run_scoped3A : memref<!tpu.dma_semaphore, #tpu.memory_space<semaphore_mem>>) src(%arg14 : memref<320x128xf32, #tpu.memory_space<vmem>>) dst(%dma_wait3A_55 : memref<320x128xf32, #tpu.memory_space<hbm>>)
      tpu.yield
    }) : () -> ()
    return
  }
}

#map = affine_map<(d0, d1) -> (0, 0)>
#map1 = affine_map<(d0, d1) -> (0)>
module attributes {stable_mosaic.version = 14 : i64} {
  func.func @_sc_scatter(%arg0: i32, %arg1: i32, %arg2: memref<11000x128xf32, #tpu.memory_space<hbm>>, %arg3: memref<385024xi32, #tpu.memory_space<hbm>>, %arg4: memref<385024xi32, #tpu.memory_space<hbm>>, %arg5: memref<512xi32, #tpu.memory_space<hbm>>, %arg6: memref<320x128xf32, #tpu.memory_space<hbm>>, %arg7: memref<10240x128xf32, #tpu.memory_space<hbm>>, %arg8: memref<128xi32, #tpu.memory_space<vmem>>, %arg9: memref<144xi32, #tpu.memory_space<vmem>>, %arg10: memref<128x128xf32, #tpu.memory_space<vmem>>, %arg11: memref<128xi32, #tpu.memory_space<vmem>>, %arg12: memref<144xi32, #tpu.memory_space<vmem>>, %arg13: memref<128x128xf32, #tpu.memory_space<vmem>>, %arg14: memref<320x128xf32, #tpu.memory_space<vmem>>, %arg15: memref<16xi32, #tpu.memory_space<vmem>>, %arg16: memref<!tpu.dma_semaphore, #tpu.memory_space<semaphore_mem>>, %arg17: memref<!tpu.dma_semaphore, #tpu.memory_space<semaphore_mem>>) attributes {dimension_semantics = [#tpu.dimension_semantics<core_parallel>, #tpu.dimension_semantics<subcore_parallel>], iteration_bounds = array<i64: 2, 16>, scalar_prefetch = 0 : i64, scratch_operands = 10 : i64, tpu.core_type = #tpu.core_type<sc_vector_subcore>, window_params = [{transform_indices = #map}, {transform_indices = #map1}, {transform_indices = #map1}, {transform_indices = #map1}, {transform_indices = #map}, {transform_indices = #map}]} {
    %mul3A = arith.constant 2 : i32
    %mul3A_0 = arith.muli %arg1, %mul3A : i32
    %add3A = arith.addi %mul3A_0, %arg0 : i32
    %mul3A_1 = arith.constant 12032 : i32
    %mul3A_2 = arith.muli %add3A, %mul3A_1 : i32
    "tpu.region"() ({
      %run_scoped3A = tpu.sem_alloc : memref<!tpu.dma_semaphore, #tpu.memory_space<semaphore_mem>>
      tpu.enqueue_dma source(%arg6 : memref<320x128xf32, #tpu.memory_space<hbm>>) target(%arg14 : memref<320x128xf32, #tpu.memory_space<vmem>>) target_semaphore(%run_scoped3A : memref<!tpu.dma_semaphore, #tpu.memory_space<semaphore_mem>>)
      tpu.wait_dma2 semaphore(%run_scoped3A : memref<!tpu.dma_semaphore, #tpu.memory_space<semaphore_mem>>) src(%arg6 : memref<320x128xf32, #tpu.memory_space<hbm>>) dst(%arg14 : memref<320x128xf32, #tpu.memory_space<vmem>>)
      tpu.yield
    }) : () -> ()
    %mul3A_3 = arith.constant 16 : i32
    %mul3A_4 = arith.muli %add3A, %mul3A_3 : i32
    "tpu.region"() ({
      %run_scoped3A = tpu.sem_alloc : memref<!tpu.dma_semaphore, #tpu.memory_space<semaphore_mem>>
      %dma_start3A = tpu.memref_slice %arg5[%mul3A_4] : memref<512xi32, #tpu.memory_space<hbm>> -> memref<16xi32, #tpu.memory_space<hbm>>
      %dma_start3A_50 = tpu.memref_slice %arg5[%mul3A_4] : memref<512xi32, #tpu.memory_space<hbm>> -> memref<16xi32, #tpu.memory_space<hbm>>
      tpu.enqueue_dma source(%dma_start3A_50 : memref<16xi32, #tpu.memory_space<hbm>>) target(%arg15 : memref<16xi32, #tpu.memory_space<vmem>>) target_semaphore(%run_scoped3A : memref<!tpu.dma_semaphore, #tpu.memory_space<semaphore_mem>>)
      %dma_wait3A = tpu.memref_slice %arg5[%mul3A_4] : memref<512xi32, #tpu.memory_space<hbm>> -> memref<16xi32, #tpu.memory_space<hbm>>
      %dma_wait3A_51 = tpu.memref_slice %arg5[%mul3A_4] : memref<512xi32, #tpu.memory_space<hbm>> -> memref<16xi32, #tpu.memory_space<hbm>>
      tpu.wait_dma2 semaphore(%run_scoped3A : memref<!tpu.dma_semaphore, #tpu.memory_space<semaphore_mem>>) src(%dma_wait3A_51 : memref<16xi32, #tpu.memory_space<hbm>>) dst(%arg15 : memref<16xi32, #tpu.memory_space<vmem>>)
      tpu.yield
    }) : () -> ()
    %get3A = arith.constant 0 : index
    %get3A_5 = tpu.vector_load %arg15[%get3A] {strides = array<i32>} : memref<16xi32, #tpu.memory_space<vmem>>, vector<16xi32>,
    %slice3A = vector.extract_strided_slice %get3A_5 {offsets = [0], sizes = [1], strides = [1]} : vector<16xi32> to vector<1xi32>
    %squeeze3A = vector.extract %slice3A[0] : i32 from vector<1xi32>
    %jit3A = arith.constant 2 : i32
    %div3A = arith.divsi %squeeze3A, %jit3A : i32
    %sign3A = arith.constant 0 : i32
    %sign3A_6 = arith.cmpi sgt, %squeeze3A, %sign3A : i32
    %sign3A_7 = arith.extui %sign3A_6 : i1 to i32
    %sign3A_8 = arith.constant 0 : i32
    %sign3A_9 = arith.cmpi slt, %squeeze3A, %sign3A_8 : i32
    %sign3A_10 = arith.extui %sign3A_9 : i1 to i32
    %sign3A_11 = arith.subi %sign3A_7, %sign3A_10 : i32
    %sign3A_12 = arith.constant 0 : i32
    %sign3A_13 = arith.cmpi sgt, %jit3A, %sign3A_12 : i32
    %sign3A_14 = arith.extui %sign3A_13 : i1 to i32
    %sign3A_15 = arith.constant 0 : i32
    %sign3A_16 = arith.cmpi slt, %jit3A, %sign3A_15 : i32
    %sign3A_17 = arith.extui %sign3A_16 : i1 to i32
    %sign3A_18 = arith.subi %sign3A_14, %sign3A_17 : i32
    %ne3A = arith.cmpi ne, %sign3A_11, %sign3A_18 : i32
    %rem3A = arith.remsi %squeeze3A, %jit3A : i32
    %ne3A_19 = arith.constant 0 : i32
    %ne3A_20 = arith.cmpi ne, %rem3A, %ne3A_19 : i32
    %and3A = arith.andi %ne3A, %ne3A_20 : i1
    %sub3A = arith.constant 1 : i32
    %sub3A_21 = arith.subi %div3A, %sub3A : i32
    %select_n3A = arith.select %and3A, %sub3A_21, %div3A : i32
    %while3A = arith.constant 0 : i32
    %while3A_22 = arith.constant 0 : i32
    %while3A_23 = arith.subi %select_n3A, %while3A_22 : i32
    %while3A_24 = arith.addi %while3A_22, %while3A_23 : i32
    %while3A_25 = arith.constant 1 : i32
    %while3A_26 = arith.divsi %while3A_23, %while3A_25 : i32
    %while3A_27 = arith.muli %while3A_26, %while3A_25 : i32
    %while3A_28 = arith.addi %while3A_22, %while3A_27 : i32
    %while3A_29 = arith.constant 1 : i32
    scf.for %while3A_50 = %while3A_22 to %while3A_28 step %while3A_29  : i32 {
      %mul3A_51 = arith.constant 2 : i32
      %mul3A_52 = arith.muli %while3A_50, %mul3A_51 : i32
      %mul3A_53 = arith.constant 128 : i32
      %mul3A_54 = arith.muli %mul3A_52, %mul3A_53 : i32
      %add3A_55 = arith.addi %mul3A_2, %mul3A_54 : i32
      "tpu.region"() ({
        %run_scoped3A = tpu.sem_alloc : memref<!tpu.dma_semaphore, #tpu.memory_space<semaphore_mem>>
        %dma_start3A_84 = tpu.memref_slice %arg3[%add3A_55] : memref<385024xi32, #tpu.memory_space<hbm>> -> memref<128xi32, #tpu.memory_space<hbm>>
        %dma_start3A_85 = tpu.memref_slice %arg3[%add3A_55] : memref<385024xi32, #tpu.memory_space<hbm>> -> memref<128xi32, #tpu.memory_space<hbm>>
        tpu.enqueue_dma source(%dma_start3A_85 : memref<128xi32, #tpu.memory_space<hbm>>) target(%arg8 : memref<128xi32, #tpu.memory_space<vmem>>) target_semaphore(%run_scoped3A : memref<!tpu.dma_semaphore, #tpu.memory_space<semaphore_mem>>)
        %dma_wait3A_86 = tpu.memref_slice %arg3[%add3A_55] : memref<385024xi32, #tpu.memory_space<hbm>> -> memref<128xi32, #tpu.memory_space<hbm>>
        %dma_wait3A_87 = tpu.memref_slice %arg3[%add3A_55] : memref<385024xi32, #tpu.memory_space<hbm>> -> memref<128xi32, #tpu.memory_space<hbm>>
        tpu.wait_dma2 semaphore(%run_scoped3A : memref<!tpu.dma_semaphore, #tpu.memory_space<semaphore_mem>>) src(%dma_wait3A_87 : memref<128xi32, #tpu.memory_space<hbm>>) dst(%arg8 : memref<128xi32, #tpu.memory_space<vmem>>)
        tpu.yield
      }) : () -> ()
      "tpu.region"() ({
        %run_scoped3A = tpu.sem_alloc : memref<!tpu.dma_semaphore, #tpu.memory_space<semaphore_mem>>
        %dma_start3A_84 = arith.constant 0 : i32
        %dma_start3A_85 = tpu.memref_slice %arg9[%dma_start3A_84] : memref<144xi32, #tpu.memory_space<vmem>> -> memref<128xi32, #tpu.memory_space<vmem>>
        %dma_start3A_86 = tpu.memref_slice %arg4[%add3A_55] : memref<385024xi32, #tpu.memory_space<hbm>> -> memref<128xi32, #tpu.memory_space<hbm>>
        %dma_start3A_87 = arith.constant 0 : i32
        %dma_start3A_88 = tpu.memref_slice %arg9[%dma_start3A_87] : memref<144xi32, #tpu.memory_space<vmem>> -> memref<128xi32, #tpu.memory_space<vmem>>
        %dma_start3A_89 = tpu.memref_slice %arg4[%add3A_55] : memref<385024xi32, #tpu.memory_space<hbm>> -> memref<128xi32, #tpu.memory_space<hbm>>
        tpu.enqueue_dma source(%dma_start3A_89 : memref<128xi32, #tpu.memory_space<hbm>>) target(%dma_start3A_88 : memref<128xi32, #tpu.memory_space<vmem>>) target_semaphore(%run_scoped3A : memref<!tpu.dma_semaphore, #tpu.memory_space<semaphore_mem>>)
        %dma_wait3A_90 = arith.constant 0 : i32
        %dma_wait3A_91 = tpu.memref_slice %arg9[%dma_wait3A_90] : memref<144xi32, #tpu.memory_space<vmem>> -> memref<128xi32, #tpu.memory_space<vmem>>
        %dma_wait3A_92 = tpu.memref_slice %arg4[%add3A_55] : memref<385024xi32, #tpu.memory_space<hbm>> -> memref<128xi32, #tpu.memory_space<hbm>>
        %dma_wait3A_93 = arith.constant 0 : i32
        %dma_wait3A_94 = tpu.memref_slice %arg9[%dma_wait3A_93] : memref<144xi32, #tpu.memory_space<vmem>> -> memref<128xi32, #tpu.memory_space<vmem>>
        %dma_wait3A_95 = tpu.memref_slice %arg4[%add3A_55] : memref<385024xi32, #tpu.memory_space<hbm>> -> memref<128xi32, #tpu.memory_space<hbm>>
        tpu.wait_dma2 semaphore(%run_scoped3A : memref<!tpu.dma_semaphore, #tpu.memory_space<semaphore_mem>>) src(%dma_wait3A_95 : memref<128xi32, #tpu.memory_space<hbm>>) dst(%dma_wait3A_94 : memref<128xi32, #tpu.memory_space<vmem>>)
        tpu.yield
      }) : () -> ()
      %dma_start3A = arith.constant 0 : i32
      %dma_start3A_56 = arith.constant 0 : i32
      %dma_start3A_57 = tpu.memref_slice %arg2[%dma_start3A, %dma_start3A_56] : memref<11000x128xf32, #tpu.memory_space<hbm>> -> memref<11000x128xf32, #tpu.memory_space<hbm>>
      tpu.enqueue_indirect_dma source(%dma_start3A_57 : memref<11000x128xf32, #tpu.memory_space<hbm>>) target(%arg10 : memref<128x128xf32, #tpu.memory_space<vmem>>) offsets(%arg8 : memref<128xi32, #tpu.memory_space<vmem>>) semaphore(%arg16 : memref<!tpu.dma_semaphore, #tpu.memory_space<semaphore_mem>>)
      %mul3A_58 = arith.constant 2 : i32
      %mul3A_59 = arith.muli %while3A_50, %mul3A_58 : i32
      %add3A_60 = arith.constant 1 : i32
      %add3A_61 = arith.addi %mul3A_59, %add3A_60 : i32
      %mul3A_62 = arith.constant 128 : i32
      %mul3A_63 = arith.muli %add3A_61, %mul3A_62 : i32
      %add3A_64 = arith.addi %mul3A_2, %mul3A_63 : i32
      "tpu.region"() ({
        %run_scoped3A = tpu.sem_alloc : memref<!tpu.dma_semaphore, #tpu.memory_space<semaphore_mem>>
        %dma_start3A_84 = tpu.memref_slice %arg3[%add3A_64] : memref<385024xi32, #tpu.memory_space<hbm>> -> memref<128xi32, #tpu.memory_space<hbm>>
        %dma_start3A_85 = tpu.memref_slice %arg3[%add3A_64] : memref<385024xi32, #tpu.memory_space<hbm>> -> memref<128xi32, #tpu.memory_space<hbm>>
        tpu.enqueue_dma source(%dma_start3A_85 : memref<128xi32, #tpu.memory_space<hbm>>) target(%arg11 : memref<128xi32, #tpu.memory_space<vmem>>) target_semaphore(%run_scoped3A : memref<!tpu.dma_semaphore, #tpu.memory_space<semaphore_mem>>)
        %dma_wait3A_86 = tpu.memref_slice %arg3[%add3A_64] : memref<385024xi32, #tpu.memory_space<hbm>> -> memref<128xi32, #tpu.memory_space<hbm>>
        %dma_wait3A_87 = tpu.memref_slice %arg3[%add3A_64] : memref<385024xi32, #tpu.memory_space<hbm>> -> memref<128xi32, #tpu.memory_space<hbm>>
        tpu.wait_dma2 semaphore(%run_scoped3A : memref<!tpu.dma_semaphore, #tpu.memory_space<semaphore_mem>>) src(%dma_wait3A_87 : memref<128xi32, #tpu.memory_space<hbm>>) dst(%arg11 : memref<128xi32, #tpu.memory_space<vmem>>)
        tpu.yield
      }) : () -> ()
      "tpu.region"() ({
        %run_scoped3A = tpu.sem_alloc : memref<!tpu.dma_semaphore, #tpu.memory_space<semaphore_mem>>
        %dma_start3A_84 = arith.constant 0 : i32
        %dma_start3A_85 = tpu.memref_slice %arg12[%dma_start3A_84] : memref<144xi32, #tpu.memory_space<vmem>> -> memref<128xi32, #tpu.memory_space<vmem>>
        %dma_start3A_86 = tpu.memref_slice %arg4[%add3A_64] : memref<385024xi32, #tpu.memory_space<hbm>> -> memref<128xi32, #tpu.memory_space<hbm>>
        %dma_start3A_87 = arith.constant 0 : i32
        %dma_start3A_88 = tpu.memref_slice %arg12[%dma_start3A_87] : memref<144xi32, #tpu.memory_space<vmem>> -> memref<128xi32, #tpu.memory_space<vmem>>
        %dma_start3A_89 = tpu.memref_slice %arg4[%add3A_64] : memref<385024xi32, #tpu.memory_space<hbm>> -> memref<128xi32, #tpu.memory_space<hbm>>
        tpu.enqueue_dma source(%dma_start3A_89 : memref<128xi32, #tpu.memory_space<hbm>>) target(%dma_start3A_88 : memref<128xi32, #tpu.memory_space<vmem>>) target_semaphore(%run_scoped3A : memref<!tpu.dma_semaphore, #tpu.memory_space<semaphore_mem>>)
        %dma_wait3A_90 = arith.constant 0 : i32
        %dma_wait3A_91 = tpu.memref_slice %arg12[%dma_wait3A_90] : memref<144xi32, #tpu.memory_space<vmem>> -> memref<128xi32, #tpu.memory_space<vmem>>
        %dma_wait3A_92 = tpu.memref_slice %arg4[%add3A_64] : memref<385024xi32, #tpu.memory_space<hbm>> -> memref<128xi32, #tpu.memory_space<hbm>>
        %dma_wait3A_93 = arith.constant 0 : i32
        %dma_wait3A_94 = tpu.memref_slice %arg12[%dma_wait3A_93] : memref<144xi32, #tpu.memory_space<vmem>> -> memref<128xi32, #tpu.memory_space<vmem>>
        %dma_wait3A_95 = tpu.memref_slice %arg4[%add3A_64] : memref<385024xi32, #tpu.memory_space<hbm>> -> memref<128xi32, #tpu.memory_space<hbm>>
        tpu.wait_dma2 semaphore(%run_scoped3A : memref<!tpu.dma_semaphore, #tpu.memory_space<semaphore_mem>>) src(%dma_wait3A_95 : memref<128xi32, #tpu.memory_space<hbm>>) dst(%dma_wait3A_94 : memref<128xi32, #tpu.memory_space<vmem>>)
        tpu.yield
      }) : () -> ()
      %dma_start3A_65 = arith.constant 0 : i32
      %dma_start3A_66 = arith.constant 0 : i32
      %dma_start3A_67 = tpu.memref_slice %arg2[%dma_start3A_65, %dma_start3A_66] : memref<11000x128xf32, #tpu.memory_space<hbm>> -> memref<11000x128xf32, #tpu.memory_space<hbm>>
      tpu.enqueue_indirect_dma source(%dma_start3A_67 : memref<11000x128xf32, #tpu.memory_space<hbm>>) target(%arg13 : memref<128x128xf32, #tpu.memory_space<vmem>>) offsets(%arg11 : memref<128xi32, #tpu.memory_space<vmem>>) semaphore(%arg17 : memref<!tpu.dma_semaphore, #tpu.memory_space<semaphore_mem>>)
      %dma_wait3A = arith.constant 0 : i32
      %dma_wait3A_68 = arith.constant 0 : i32
      %dma_wait3A_69 = tpu.memref_slice %arg2[%dma_wait3A, %dma_wait3A_68] : memref<11000x128xf32, #tpu.memory_space<hbm>> -> memref<11000x128xf32, #tpu.memory_space<hbm>>
      tpu.wait_indirect_dma semaphore(%arg16 : memref<!tpu.dma_semaphore, #tpu.memory_space<semaphore_mem>>) src(%dma_wait3A_69 : memref<11000x128xf32, #tpu.memory_space<hbm>>) dst(%arg10 : memref<128x128xf32, #tpu.memory_space<vmem>>)
      %scan3A = arith.constant 0 : i32
      %scan3A_70 = arith.constant 0 : i32
      %scan3A_71 = arith.constant 128 : i32
      %scan3A_72 = arith.addi %scan3A_70, %scan3A_71 : i32
      %scan3A_73 = arith.constant 1 : i32
      scf.for %scan3A_84 = %scan3A_70 to %scan3A_72 step %scan3A_73  : i32 {
        %get3A_85 = arith.index_cast %scan3A_84 : i32 to index
        %get3A_86 = tpu.vector_load %arg9[%get3A_85] {strides = array<i32>} : memref<144xi32, #tpu.memory_space<vmem>>, vector<16xi32>,
        %slice3A_87 = vector.extract_strided_slice %get3A_86 {offsets = [0], sizes = [1], strides = [1]} : vector<16xi32> to vector<1xi32>
        %squeeze3A_88 = vector.extract %slice3A_87[0] : i32 from vector<1xi32>
        %get3A_89 = arith.index_cast %squeeze3A_88 : i32 to index
        %get3A_90 = arith.constant 0 : index
        %get3A_91 = tpu.vector_load %arg14[%get3A_89, %get3A_90] {strides = array<i32>} : memref<320x128xf32, #tpu.memory_space<vmem>>, vector<16xf32>,
        %get3A_92 = arith.index_cast %scan3A_84 : i32 to index
        %get3A_93 = arith.constant 0 : index
        %get3A_94 = tpu.vector_load %arg10[%get3A_92, %get3A_93] {strides = array<i32>} : memref<128x128xf32, #tpu.memory_space<vmem>>, vector<16xf32>,
        %add3A_95 = arith.addf %get3A_91, %get3A_94 : vector<16xf32>
        %swap3A = arith.index_cast %squeeze3A_88 : i32 to index
        %swap3A_96 = arith.constant 0 : index
        %swap3A_97 = tpu.vector_load %arg14[%swap3A, %swap3A_96] {strides = array<i32>} : memref<320x128xf32, #tpu.memory_space<vmem>>, vector<16xf32>,
        tpu.vector_store %arg14[%swap3A, %swap3A_96], %add3A_95 {strides = array<i32>} : memref<320x128xf32, #tpu.memory_space<vmem>>, vector<16xf32>,
        %get3A_98 = arith.index_cast %squeeze3A_88 : i32 to index
        %get3A_99 = arith.constant 16 : index
        %get3A_100 = tpu.vector_load %arg14[%get3A_98, %get3A_99] {strides = array<i32>} : memref<320x128xf32, #tpu.memory_space<vmem>>, vector<16xf32>,
        %get3A_101 = arith.index_cast %scan3A_84 : i32 to index
        %get3A_102 = arith.constant 16 : index
        %get3A_103 = tpu.vector_load %arg10[%get3A_101, %get3A_102] {strides = array<i32>} : memref<128x128xf32, #tpu.memory_space<vmem>>, vector<16xf32>,
        %add3A_104 = arith.addf %get3A_100, %get3A_103 : vector<16xf32>
        %swap3A_105 = arith.index_cast %squeeze3A_88 : i32 to index
        %swap3A_106 = arith.constant 16 : index
        %swap3A_107 = tpu.vector_load %arg14[%swap3A_105, %swap3A_106] {strides = array<i32>} : memref<320x128xf32, #tpu.memory_space<vmem>>, vector<16xf32>,
        tpu.vector_store %arg14[%swap3A_105, %swap3A_106], %add3A_104 {strides = array<i32>} : memref<320x128xf32, #tpu.memory_space<vmem>>, vector<16xf32>,
        %get3A_108 = arith.index_cast %squeeze3A_88 : i32 to index
        %get3A_109 = arith.constant 32 : index
        %get3A_110 = tpu.vector_load %arg14[%get3A_108, %get3A_109] {strides = array<i32>} : memref<320x128xf32, #tpu.memory_space<vmem>>, vector<16xf32>,
        %get3A_111 = arith.index_cast %scan3A_84 : i32 to index
        %get3A_112 = arith.constant 32 : index
        %get3A_113 = tpu.vector_load %arg10[%get3A_111, %get3A_112] {strides = array<i32>} : memref<128x128xf32, #tpu.memory_space<vmem>>, vector<16xf32>,
        %add3A_114 = arith.addf %get3A_110, %get3A_113 : vector<16xf32>
        %swap3A_115 = arith.index_cast %squeeze3A_88 : i32 to index
        %swap3A_116 = arith.constant 32 : index
        %swap3A_117 = tpu.vector_load %arg14[%swap3A_115, %swap3A_116] {strides = array<i32>} : memref<320x128xf32, #tpu.memory_space<vmem>>, vector<16xf32>,
        tpu.vector_store %arg14[%swap3A_115, %swap3A_116], %add3A_114 {strides = array<i32>} : memref<320x128xf32, #tpu.memory_space<vmem>>, vector<16xf32>,
        %get3A_118 = arith.index_cast %squeeze3A_88 : i32 to index
        %get3A_119 = arith.constant 48 : index
        %get3A_120 = tpu.vector_load %arg14[%get3A_118, %get3A_119] {strides = array<i32>} : memref<320x128xf32, #tpu.memory_space<vmem>>, vector<16xf32>,
        %get3A_121 = arith.index_cast %scan3A_84 : i32 to index
        %get3A_122 = arith.constant 48 : index
        %get3A_123 = tpu.vector_load %arg10[%get3A_121, %get3A_122] {strides = array<i32>} : memref<128x128xf32, #tpu.memory_space<vmem>>, vector<16xf32>,
        %add3A_124 = arith.addf %get3A_120, %get3A_123 : vector<16xf32>
        %swap3A_125 = arith.index_cast %squeeze3A_88 : i32 to index
        %swap3A_126 = arith.constant 48 : index
        %swap3A_127 = tpu.vector_load %arg14[%swap3A_125, %swap3A_126] {strides = array<i32>} : memref<320x128xf32, #tpu.memory_space<vmem>>, vector<16xf32>,
        tpu.vector_store %arg14[%swap3A_125, %swap3A_126], %add3A_124 {strides = array<i32>} : memref<320x128xf32, #tpu.memory_space<vmem>>, vector<16xf32>,
        %get3A_128 = arith.index_cast %squeeze3A_88 : i32 to index
        %get3A_129 = arith.constant 64 : index
        %get3A_130 = tpu.vector_load %arg14[%get3A_128, %get3A_129] {strides = array<i32>} : memref<320x128xf32, #tpu.memory_space<vmem>>, vector<16xf32>,
        %get3A_131 = arith.index_cast %scan3A_84 : i32 to index
        %get3A_132 = arith.constant 64 : index
        %get3A_133 = tpu.vector_load %arg10[%get3A_131, %get3A_132] {strides = array<i32>} : memref<128x128xf32, #tpu.memory_space<vmem>>, vector<16xf32>,
        %add3A_134 = arith.addf %get3A_130, %get3A_133 : vector<16xf32>
        %swap3A_135 = arith.index_cast %squeeze3A_88 : i32 to index
        %swap3A_136 = arith.constant 64 : index
        %swap3A_137 = tpu.vector_load %arg14[%swap3A_135, %swap3A_136] {strides = array<i32>} : memref<320x128xf32, #tpu.memory_space<vmem>>, vector<16xf32>,
        tpu.vector_store %arg14[%swap3A_135, %swap3A_136], %add3A_134 {strides = array<i32>} : memref<320x128xf32, #tpu.memory_space<vmem>>, vector<16xf32>,
        %get3A_138 = arith.index_cast %squeeze3A_88 : i32 to index
        %get3A_139 = arith.constant 80 : index
        %get3A_140 = tpu.vector_load %arg14[%get3A_138, %get3A_139] {strides = array<i32>} : memref<320x128xf32, #tpu.memory_space<vmem>>, vector<16xf32>,
        %get3A_141 = arith.index_cast %scan3A_84 : i32 to index
        %get3A_142 = arith.constant 80 : index
        %get3A_143 = tpu.vector_load %arg10[%get3A_141, %get3A_142] {strides = array<i32>} : memref<128x128xf32, #tpu.memory_space<vmem>>, vector<16xf32>,
        %add3A_144 = arith.addf %get3A_140, %get3A_143 : vector<16xf32>
        %swap3A_145 = arith.index_cast %squeeze3A_88 : i32 to index
        %swap3A_146 = arith.constant 80 : index
        %swap3A_147 = tpu.vector_load %arg14[%swap3A_145, %swap3A_146] {strides = array<i32>} : memref<320x128xf32, #tpu.memory_space<vmem>>, vector<16xf32>,
        tpu.vector_store %arg14[%swap3A_145, %swap3A_146], %add3A_144 {strides = array<i32>} : memref<320x128xf32, #tpu.memory_space<vmem>>, vector<16xf32>,
        %get3A_148 = arith.index_cast %squeeze3A_88 : i32 to index
        %get3A_149 = arith.constant 96 : index
        %get3A_150 = tpu.vector_load %arg14[%get3A_148, %get3A_149] {strides = array<i32>} : memref<320x128xf32, #tpu.memory_space<vmem>>, vector<16xf32>,
        %get3A_151 = arith.index_cast %scan3A_84 : i32 to index
        %get3A_152 = arith.constant 96 : index
        %get3A_153 = tpu.vector_load %arg10[%get3A_151, %get3A_152] {strides = array<i32>} : memref<128x128xf32, #tpu.memory_space<vmem>>, vector<16xf32>,
        %add3A_154 = arith.addf %get3A_150, %get3A_153 : vector<16xf32>
        %swap3A_155 = arith.index_cast %squeeze3A_88 : i32 to index
        %swap3A_156 = arith.constant 96 : index
        %swap3A_157 = tpu.vector_load %arg14[%swap3A_155, %swap3A_156] {strides = array<i32>} : memref<320x128xf32, #tpu.memory_space<vmem>>, vector<16xf32>,
        tpu.vector_store %arg14[%swap3A_155, %swap3A_156], %add3A_154 {strides = array<i32>} : memref<320x128xf32, #tpu.memory_space<vmem>>, vector<16xf32>,
        %get3A_158 = arith.index_cast %squeeze3A_88 : i32 to index
        %get3A_159 = arith.constant 112 : index
        %get3A_160 = tpu.vector_load %arg14[%get3A_158, %get3A_159] {strides = array<i32>} : memref<320x128xf32, #tpu.memory_space<vmem>>, vector<16xf32>,
        %get3A_161 = arith.index_cast %scan3A_84 : i32 to index
        %get3A_162 = arith.constant 112 : index
        %get3A_163 = tpu.vector_load %arg10[%get3A_161, %get3A_162] {strides = array<i32>} : memref<128x128xf32, #tpu.memory_space<vmem>>, vector<16xf32>,
        %add3A_164 = arith.addf %get3A_160, %get3A_163 : vector<16xf32>
        %swap3A_165 = arith.index_cast %squeeze3A_88 : i32 to index
        %swap3A_166 = arith.constant 112 : index
        %swap3A_167 = tpu.vector_load %arg14[%swap3A_165, %swap3A_166] {strides = array<i32>} : memref<320x128xf32, #tpu.memory_space<vmem>>, vector<16xf32>,
        tpu.vector_store %arg14[%swap3A_165, %swap3A_166], %add3A_164 {strides = array<i32>} : memref<320x128xf32, #tpu.memory_space<vmem>>, vector<16xf32>,
      }
      %scan3A_74 = arith.constant 128 : i32
      %dma_wait3A_75 = arith.constant 0 : i32
      %dma_wait3A_76 = arith.constant 0 : i32
      %dma_wait3A_77 = tpu.memref_slice %arg2[%dma_wait3A_75, %dma_wait3A_76] : memref<11000x128xf32, #tpu.memory_space<hbm>> -> memref<11000x128xf32, #tpu.memory_space<hbm>>
      tpu.wait_indirect_dma semaphore(%arg17 : memref<!tpu.dma_semaphore, #tpu.memory_space<semaphore_mem>>) src(%dma_wait3A_77 : memref<11000x128xf32, #tpu.memory_space<hbm>>) dst(%arg13 : memref<128x128xf32, #tpu.memory_space<vmem>>)
      %scan3A_78 = arith.constant 0 : i32
      %scan3A_79 = arith.constant 0 : i32
      %scan3A_80 = arith.constant 128 : i32
      %scan3A_81 = arith.addi %scan3A_79, %scan3A_80 : i32
      %scan3A_82 = arith.constant 1 : i32
      scf.for %scan3A_84 = %scan3A_79 to %scan3A_81 step %scan3A_82  : i32 {
        %get3A_85 = arith.index_cast %scan3A_84 : i32 to index
        %get3A_86 = tpu.vector_load %arg12[%get3A_85] {strides = array<i32>} : memref<144xi32, #tpu.memory_space<vmem>>, vector<16xi32>,
        %slice3A_87 = vector.extract_strided_slice %get3A_86 {offsets = [0], sizes = [1], strides = [1]} : vector<16xi32> to vector<1xi32>
        %squeeze3A_88 = vector.extract %slice3A_87[0] : i32 from vector<1xi32>
        %get3A_89 = arith.index_cast %squeeze3A_88 : i32 to index
        %get3A_90 = arith.constant 0 : index
        %get3A_91 = tpu.vector_load %arg14[%get3A_89, %get3A_90] {strides = array<i32>} : memref<320x128xf32, #tpu.memory_space<vmem>>, vector<16xf32>,
        %get3A_92 = arith.index_cast %scan3A_84 : i32 to index
        %get3A_93 = arith.constant 0 : index
        %get3A_94 = tpu.vector_load %arg13[%get3A_92, %get3A_93] {strides = array<i32>} : memref<128x128xf32, #tpu.memory_space<vmem>>, vector<16xf32>,
        %add3A_95 = arith.addf %get3A_91, %get3A_94 : vector<16xf32>
        %swap3A = arith.index_cast %squeeze3A_88 : i32 to index
        %swap3A_96 = arith.constant 0 : index
        %swap3A_97 = tpu.vector_load %arg14[%swap3A, %swap3A_96] {strides = array<i32>} : memref<320x128xf32, #tpu.memory_space<vmem>>, vector<16xf32>,
        tpu.vector_store %arg14[%swap3A, %swap3A_96], %add3A_95 {strides = array<i32>} : memref<320x128xf32, #tpu.memory_space<vmem>>, vector<16xf32>,
        %get3A_98 = arith.index_cast %squeeze3A_88 : i32 to index
        %get3A_99 = arith.constant 16 : index
        %get3A_100 = tpu.vector_load %arg14[%get3A_98, %get3A_99] {strides = array<i32>} : memref<320x128xf32, #tpu.memory_space<vmem>>, vector<16xf32>,
        %get3A_101 = arith.index_cast %scan3A_84 : i32 to index
        %get3A_102 = arith.constant 16 : index
        %get3A_103 = tpu.vector_load %arg13[%get3A_101, %get3A_102] {strides = array<i32>} : memref<128x128xf32, #tpu.memory_space<vmem>>, vector<16xf32>,
        %add3A_104 = arith.addf %get3A_100, %get3A_103 : vector<16xf32>
        %swap3A_105 = arith.index_cast %squeeze3A_88 : i32 to index
        %swap3A_106 = arith.constant 16 : index
        %swap3A_107 = tpu.vector_load %arg14[%swap3A_105, %swap3A_106] {strides = array<i32>} : memref<320x128xf32, #tpu.memory_space<vmem>>, vector<16xf32>,
        tpu.vector_store %arg14[%swap3A_105, %swap3A_106], %add3A_104 {strides = array<i32>} : memref<320x128xf32, #tpu.memory_space<vmem>>, vector<16xf32>,
        %get3A_108 = arith.index_cast %squeeze3A_88 : i32 to index
        %get3A_109 = arith.constant 32 : index
        %get3A_110 = tpu.vector_load %arg14[%get3A_108, %get3A_109] {strides = array<i32>} : memref<320x128xf32, #tpu.memory_space<vmem>>, vector<16xf32>,
        %get3A_111 = arith.index_cast %scan3A_84 : i32 to index
        %get3A_112 = arith.constant 32 : index
        %get3A_113 = tpu.vector_load %arg13[%get3A_111, %get3A_112] {strides = array<i32>} : memref<128x128xf32, #tpu.memory_space<vmem>>, vector<16xf32>,
        %add3A_114 = arith.addf %get3A_110, %get3A_113 : vector<16xf32>
        %swap3A_115 = arith.index_cast %squeeze3A_88 : i32 to index
        %swap3A_116 = arith.constant 32 : index
        %swap3A_117 = tpu.vector_load %arg14[%swap3A_115, %swap3A_116] {strides = array<i32>} : memref<320x128xf32, #tpu.memory_space<vmem>>, vector<16xf32>,
        tpu.vector_store %arg14[%swap3A_115, %swap3A_116], %add3A_114 {strides = array<i32>} : memref<320x128xf32, #tpu.memory_space<vmem>>, vector<16xf32>,
        %get3A_118 = arith.index_cast %squeeze3A_88 : i32 to index
        %get3A_119 = arith.constant 48 : index
        %get3A_120 = tpu.vector_load %arg14[%get3A_118, %get3A_119] {strides = array<i32>} : memref<320x128xf32, #tpu.memory_space<vmem>>, vector<16xf32>,
        %get3A_121 = arith.index_cast %scan3A_84 : i32 to index
        %get3A_122 = arith.constant 48 : index
        %get3A_123 = tpu.vector_load %arg13[%get3A_121, %get3A_122] {strides = array<i32>} : memref<128x128xf32, #tpu.memory_space<vmem>>, vector<16xf32>,
        %add3A_124 = arith.addf %get3A_120, %get3A_123 : vector<16xf32>
        %swap3A_125 = arith.index_cast %squeeze3A_88 : i32 to index
        %swap3A_126 = arith.constant 48 : index
        %swap3A_127 = tpu.vector_load %arg14[%swap3A_125, %swap3A_126] {strides = array<i32>} : memref<320x128xf32, #tpu.memory_space<vmem>>, vector<16xf32>,
        tpu.vector_store %arg14[%swap3A_125, %swap3A_126], %add3A_124 {strides = array<i32>} : memref<320x128xf32, #tpu.memory_space<vmem>>, vector<16xf32>,
        %get3A_128 = arith.index_cast %squeeze3A_88 : i32 to index
        %get3A_129 = arith.constant 64 : index
        %get3A_130 = tpu.vector_load %arg14[%get3A_128, %get3A_129] {strides = array<i32>} : memref<320x128xf32, #tpu.memory_space<vmem>>, vector<16xf32>,
        %get3A_131 = arith.index_cast %scan3A_84 : i32 to index
        %get3A_132 = arith.constant 64 : index
        %get3A_133 = tpu.vector_load %arg13[%get3A_131, %get3A_132] {strides = array<i32>} : memref<128x128xf32, #tpu.memory_space<vmem>>, vector<16xf32>,
        %add3A_134 = arith.addf %get3A_130, %get3A_133 : vector<16xf32>
        %swap3A_135 = arith.index_cast %squeeze3A_88 : i32 to index
        %swap3A_136 = arith.constant 64 : index
        %swap3A_137 = tpu.vector_load %arg14[%swap3A_135, %swap3A_136] {strides = array<i32>} : memref<320x128xf32, #tpu.memory_space<vmem>>, vector<16xf32>,
        tpu.vector_store %arg14[%swap3A_135, %swap3A_136], %add3A_134 {strides = array<i32>} : memref<320x128xf32, #tpu.memory_space<vmem>>, vector<16xf32>,
        %get3A_138 = arith.index_cast %squeeze3A_88 : i32 to index
        %get3A_139 = arith.constant 80 : index
        %get3A_140 = tpu.vector_load %arg14[%get3A_138, %get3A_139] {strides = array<i32>} : memref<320x128xf32, #tpu.memory_space<vmem>>, vector<16xf32>,
        %get3A_141 = arith.index_cast %scan3A_84 : i32 to index
        %get3A_142 = arith.constant 80 : index
        %get3A_143 = tpu.vector_load %arg13[%get3A_141, %get3A_142] {strides = array<i32>} : memref<128x128xf32, #tpu.memory_space<vmem>>, vector<16xf32>,
        %add3A_144 = arith.addf %get3A_140, %get3A_143 : vector<16xf32>
        %swap3A_145 = arith.index_cast %squeeze3A_88 : i32 to index
        %swap3A_146 = arith.constant 80 : index
        %swap3A_147 = tpu.vector_load %arg14[%swap3A_145, %swap3A_146] {strides = array<i32>} : memref<320x128xf32, #tpu.memory_space<vmem>>, vector<16xf32>,
        tpu.vector_store %arg14[%swap3A_145, %swap3A_146], %add3A_144 {strides = array<i32>} : memref<320x128xf32, #tpu.memory_space<vmem>>, vector<16xf32>,
        %get3A_148 = arith.index_cast %squeeze3A_88 : i32 to index
        %get3A_149 = arith.constant 96 : index
        %get3A_150 = tpu.vector_load %arg14[%get3A_148, %get3A_149] {strides = array<i32>} : memref<320x128xf32, #tpu.memory_space<vmem>>, vector<16xf32>,
        %get3A_151 = arith.index_cast %scan3A_84 : i32 to index
        %get3A_152 = arith.constant 96 : index
        %get3A_153 = tpu.vector_load %arg13[%get3A_151, %get3A_152] {strides = array<i32>} : memref<128x128xf32, #tpu.memory_space<vmem>>, vector<16xf32>,
        %add3A_154 = arith.addf %get3A_150, %get3A_153 : vector<16xf32>
        %swap3A_155 = arith.index_cast %squeeze3A_88 : i32 to index
        %swap3A_156 = arith.constant 96 : index
        %swap3A_157 = tpu.vector_load %arg14[%swap3A_155, %swap3A_156] {strides = array<i32>} : memref<320x128xf32, #tpu.memory_space<vmem>>, vector<16xf32>,
        tpu.vector_store %arg14[%swap3A_155, %swap3A_156], %add3A_154 {strides = array<i32>} : memref<320x128xf32, #tpu.memory_space<vmem>>, vector<16xf32>,
        %get3A_158 = arith.index_cast %squeeze3A_88 : i32 to index
        %get3A_159 = arith.constant 112 : index
        %get3A_160 = tpu.vector_load %arg14[%get3A_158, %get3A_159] {strides = array<i32>} : memref<320x128xf32, #tpu.memory_space<vmem>>, vector<16xf32>,
        %get3A_161 = arith.index_cast %scan3A_84 : i32 to index
        %get3A_162 = arith.constant 112 : index
        %get3A_163 = tpu.vector_load %arg13[%get3A_161, %get3A_162] {strides = array<i32>} : memref<128x128xf32, #tpu.memory_space<vmem>>, vector<16xf32>,
        %add3A_164 = arith.addf %get3A_160, %get3A_163 : vector<16xf32>
        %swap3A_165 = arith.index_cast %squeeze3A_88 : i32 to index
        %swap3A_166 = arith.constant 112 : index
        %swap3A_167 = tpu.vector_load %arg14[%swap3A_165, %swap3A_166] {strides = array<i32>} : memref<320x128xf32, #tpu.memory_space<vmem>>, vector<16xf32>,
        tpu.vector_store %arg14[%swap3A_165, %swap3A_166], %add3A_164 {strides = array<i32>} : memref<320x128xf32, #tpu.memory_space<vmem>>, vector<16xf32>,
      }
      %scan3A_83 = arith.constant 128 : i32
    }
    %while3A_30 = arith.constant 1 : i32
    scf.for %while3A_50 = %while3A_28 to %while3A_24 step %while3A_30  : i32 {
      %mul3A_51 = arith.constant 2 : i32
      %mul3A_52 = arith.muli %while3A_50, %mul3A_51 : i32
      %mul3A_53 = arith.constant 128 : i32
      %mul3A_54 = arith.muli %mul3A_52, %mul3A_53 : i32
      %add3A_55 = arith.addi %mul3A_2, %mul3A_54 : i32
      "tpu.region"() ({
        %run_scoped3A = tpu.sem_alloc : memref<!tpu.dma_semaphore, #tpu.memory_space<semaphore_mem>>
        %dma_start3A_84 = tpu.memref_slice %arg3[%add3A_55] : memref<385024xi32, #tpu.memory_space<hbm>> -> memref<128xi32, #tpu.memory_space<hbm>>
        %dma_start3A_85 = tpu.memref_slice %arg3[%add3A_55] : memref<385024xi32, #tpu.memory_space<hbm>> -> memref<128xi32, #tpu.memory_space<hbm>>
        tpu.enqueue_dma source(%dma_start3A_85 : memref<128xi32, #tpu.memory_space<hbm>>) target(%arg8 : memref<128xi32, #tpu.memory_space<vmem>>) target_semaphore(%run_scoped3A : memref<!tpu.dma_semaphore, #tpu.memory_space<semaphore_mem>>)
        %dma_wait3A_86 = tpu.memref_slice %arg3[%add3A_55] : memref<385024xi32, #tpu.memory_space<hbm>> -> memref<128xi32, #tpu.memory_space<hbm>>
        %dma_wait3A_87 = tpu.memref_slice %arg3[%add3A_55] : memref<385024xi32, #tpu.memory_space<hbm>> -> memref<128xi32, #tpu.memory_space<hbm>>
        tpu.wait_dma2 semaphore(%run_scoped3A : memref<!tpu.dma_semaphore, #tpu.memory_space<semaphore_mem>>) src(%dma_wait3A_87 : memref<128xi32, #tpu.memory_space<hbm>>) dst(%arg8 : memref<128xi32, #tpu.memory_space<vmem>>)
        tpu.yield
      }) : () -> ()
      "tpu.region"() ({
        %run_scoped3A = tpu.sem_alloc : memref<!tpu.dma_semaphore, #tpu.memory_space<semaphore_mem>>
        %dma_start3A_84 = arith.constant 0 : i32
        %dma_start3A_85 = tpu.memref_slice %arg9[%dma_start3A_84] : memref<144xi32, #tpu.memory_space<vmem>> -> memref<128xi32, #tpu.memory_space<vmem>>
        %dma_start3A_86 = tpu.memref_slice %arg4[%add3A_55] : memref<385024xi32, #tpu.memory_space<hbm>> -> memref<128xi32, #tpu.memory_space<hbm>>
        %dma_start3A_87 = arith.constant 0 : i32
        %dma_start3A_88 = tpu.memref_slice %arg9[%dma_start3A_87] : memref<144xi32, #tpu.memory_space<vmem>> -> memref<128xi32, #tpu.memory_space<vmem>>
        %dma_start3A_89 = tpu.memref_slice %arg4[%add3A_55] : memref<385024xi32, #tpu.memory_space<hbm>> -> memref<128xi32, #tpu.memory_space<hbm>>
        tpu.enqueue_dma source(%dma_start3A_89 : memref<128xi32, #tpu.memory_space<hbm>>) target(%dma_start3A_88 : memref<128xi32, #tpu.memory_space<vmem>>) target_semaphore(%run_scoped3A : memref<!tpu.dma_semaphore, #tpu.memory_space<semaphore_mem>>)
        %dma_wait3A_90 = arith.constant 0 : i32
        %dma_wait3A_91 = tpu.memref_slice %arg9[%dma_wait3A_90] : memref<144xi32, #tpu.memory_space<vmem>> -> memref<128xi32, #tpu.memory_space<vmem>>
        %dma_wait3A_92 = tpu.memref_slice %arg4[%add3A_55] : memref<385024xi32, #tpu.memory_space<hbm>> -> memref<128xi32, #tpu.memory_space<hbm>>
        %dma_wait3A_93 = arith.constant 0 : i32
        %dma_wait3A_94 = tpu.memref_slice %arg9[%dma_wait3A_93] : memref<144xi32, #tpu.memory_space<vmem>> -> memref<128xi32, #tpu.memory_space<vmem>>
        %dma_wait3A_95 = tpu.memref_slice %arg4[%add3A_55] : memref<385024xi32, #tpu.memory_space<hbm>> -> memref<128xi32, #tpu.memory_space<hbm>>
        tpu.wait_dma2 semaphore(%run_scoped3A : memref<!tpu.dma_semaphore, #tpu.memory_space<semaphore_mem>>) src(%dma_wait3A_95 : memref<128xi32, #tpu.memory_space<hbm>>) dst(%dma_wait3A_94 : memref<128xi32, #tpu.memory_space<vmem>>)
        tpu.yield
      }) : () -> ()
      %dma_start3A = arith.constant 0 : i32
      %dma_start3A_56 = arith.constant 0 : i32
      %dma_start3A_57 = tpu.memref_slice %arg2[%dma_start3A, %dma_start3A_56] : memref<11000x128xf32, #tpu.memory_space<hbm>> -> memref<11000x128xf32, #tpu.memory_space<hbm>>
      tpu.enqueue_indirect_dma source(%dma_start3A_57 : memref<11000x128xf32, #tpu.memory_space<hbm>>) target(%arg10 : memref<128x128xf32, #tpu.memory_space<vmem>>) offsets(%arg8 : memref<128xi32, #tpu.memory_space<vmem>>) semaphore(%arg16 : memref<!tpu.dma_semaphore, #tpu.memory_space<semaphore_mem>>)
      %mul3A_58 = arith.constant 2 : i32
      %mul3A_59 = arith.muli %while3A_50, %mul3A_58 : i32
      %add3A_60 = arith.constant 1 : i32
      %add3A_61 = arith.addi %mul3A_59, %add3A_60 : i32
      %mul3A_62 = arith.constant 128 : i32
      %mul3A_63 = arith.muli %add3A_61, %mul3A_62 : i32
      %add3A_64 = arith.addi %mul3A_2, %mul3A_63 : i32
      "tpu.region"() ({
        %run_scoped3A = tpu.sem_alloc : memref<!tpu.dma_semaphore, #tpu.memory_space<semaphore_mem>>
        %dma_start3A_84 = tpu.memref_slice %arg3[%add3A_64] : memref<385024xi32, #tpu.memory_space<hbm>> -> memref<128xi32, #tpu.memory_space<hbm>>
        %dma_start3A_85 = tpu.memref_slice %arg3[%add3A_64] : memref<385024xi32, #tpu.memory_space<hbm>> -> memref<128xi32, #tpu.memory_space<hbm>>
        tpu.enqueue_dma source(%dma_start3A_85 : memref<128xi32, #tpu.memory_space<hbm>>) target(%arg11 : memref<128xi32, #tpu.memory_space<vmem>>) target_semaphore(%run_scoped3A : memref<!tpu.dma_semaphore, #tpu.memory_space<semaphore_mem>>)
        %dma_wait3A_86 = tpu.memref_slice %arg3[%add3A_64] : memref<385024xi32, #tpu.memory_space<hbm>> -> memref<128xi32, #tpu.memory_space<hbm>>
        %dma_wait3A_87 = tpu.memref_slice %arg3[%add3A_64] : memref<385024xi32, #tpu.memory_space<hbm>> -> memref<128xi32, #tpu.memory_space<hbm>>
        tpu.wait_dma2 semaphore(%run_scoped3A : memref<!tpu.dma_semaphore, #tpu.memory_space<semaphore_mem>>) src(%dma_wait3A_87 : memref<128xi32, #tpu.memory_space<hbm>>) dst(%arg11 : memref<128xi32, #tpu.memory_space<vmem>>)
        tpu.yield
      }) : () -> ()
      "tpu.region"() ({
        %run_scoped3A = tpu.sem_alloc : memref<!tpu.dma_semaphore, #tpu.memory_space<semaphore_mem>>
        %dma_start3A_84 = arith.constant 0 : i32
        %dma_start3A_85 = tpu.memref_slice %arg12[%dma_start3A_84] : memref<144xi32, #tpu.memory_space<vmem>> -> memref<128xi32, #tpu.memory_space<vmem>>
        %dma_start3A_86 = tpu.memref_slice %arg4[%add3A_64] : memref<385024xi32, #tpu.memory_space<hbm>> -> memref<128xi32, #tpu.memory_space<hbm>>
        %dma_start3A_87 = arith.constant 0 : i32
        %dma_start3A_88 = tpu.memref_slice %arg12[%dma_start3A_87] : memref<144xi32, #tpu.memory_space<vmem>> -> memref<128xi32, #tpu.memory_space<vmem>>
        %dma_start3A_89 = tpu.memref_slice %arg4[%add3A_64] : memref<385024xi32, #tpu.memory_space<hbm>> -> memref<128xi32, #tpu.memory_space<hbm>>
        tpu.enqueue_dma source(%dma_start3A_89 : memref<128xi32, #tpu.memory_space<hbm>>) target(%dma_start3A_88 : memref<128xi32, #tpu.memory_space<vmem>>) target_semaphore(%run_scoped3A : memref<!tpu.dma_semaphore, #tpu.memory_space<semaphore_mem>>)
        %dma_wait3A_90 = arith.constant 0 : i32
        %dma_wait3A_91 = tpu.memref_slice %arg12[%dma_wait3A_90] : memref<144xi32, #tpu.memory_space<vmem>> -> memref<128xi32, #tpu.memory_space<vmem>>
        %dma_wait3A_92 = tpu.memref_slice %arg4[%add3A_64] : memref<385024xi32, #tpu.memory_space<hbm>> -> memref<128xi32, #tpu.memory_space<hbm>>
        %dma_wait3A_93 = arith.constant 0 : i32
        %dma_wait3A_94 = tpu.memref_slice %arg12[%dma_wait3A_93] : memref<144xi32, #tpu.memory_space<vmem>> -> memref<128xi32, #tpu.memory_space<vmem>>
        %dma_wait3A_95 = tpu.memref_slice %arg4[%add3A_64] : memref<385024xi32, #tpu.memory_space<hbm>> -> memref<128xi32, #tpu.memory_space<hbm>>
        tpu.wait_dma2 semaphore(%run_scoped3A : memref<!tpu.dma_semaphore, #tpu.memory_space<semaphore_mem>>) src(%dma_wait3A_95 : memref<128xi32, #tpu.memory_space<hbm>>) dst(%dma_wait3A_94 : memref<128xi32, #tpu.memory_space<vmem>>)
        tpu.yield
      }) : () -> ()
      %dma_start3A_65 = arith.constant 0 : i32
      %dma_start3A_66 = arith.constant 0 : i32
      %dma_start3A_67 = tpu.memref_slice %arg2[%dma_start3A_65, %dma_start3A_66] : memref<11000x128xf32, #tpu.memory_space<hbm>> -> memref<11000x128xf32, #tpu.memory_space<hbm>>
      tpu.enqueue_indirect_dma source(%dma_start3A_67 : memref<11000x128xf32, #tpu.memory_space<hbm>>) target(%arg13 : memref<128x128xf32, #tpu.memory_space<vmem>>) offsets(%arg11 : memref<128xi32, #tpu.memory_space<vmem>>) semaphore(%arg17 : memref<!tpu.dma_semaphore, #tpu.memory_space<semaphore_mem>>)
      %dma_wait3A = arith.constant 0 : i32
      %dma_wait3A_68 = arith.constant 0 : i32
      %dma_wait3A_69 = tpu.memref_slice %arg2[%dma_wait3A, %dma_wait3A_68] : memref<11000x128xf32, #tpu.memory_space<hbm>> -> memref<11000x128xf32, #tpu.memory_space<hbm>>
      tpu.wait_indirect_dma semaphore(%arg16 : memref<!tpu.dma_semaphore, #tpu.memory_space<semaphore_mem>>) src(%dma_wait3A_69 : memref<11000x128xf32, #tpu.memory_space<hbm>>) dst(%arg10 : memref<128x128xf32, #tpu.memory_space<vmem>>)
      %scan3A = arith.constant 0 : i32
      %scan3A_70 = arith.constant 0 : i32
      %scan3A_71 = arith.constant 128 : i32
      %scan3A_72 = arith.addi %scan3A_70, %scan3A_71 : i32
      %scan3A_73 = arith.constant 1 : i32
      scf.for %scan3A_84 = %scan3A_70 to %scan3A_72 step %scan3A_73  : i32 {
        %get3A_85 = arith.index_cast %scan3A_84 : i32 to index
        %get3A_86 = tpu.vector_load %arg9[%get3A_85] {strides = array<i32>} : memref<144xi32, #tpu.memory_space<vmem>>, vector<16xi32>,
        %slice3A_87 = vector.extract_strided_slice %get3A_86 {offsets = [0], sizes = [1], strides = [1]} : vector<16xi32> to vector<1xi32>
        %squeeze3A_88 = vector.extract %slice3A_87[0] : i32 from vector<1xi32>
        %get3A_89 = arith.index_cast %squeeze3A_88 : i32 to index
        %get3A_90 = arith.constant 0 : index
        %get3A_91 = tpu.vector_load %arg14[%get3A_89, %get3A_90] {strides = array<i32>} : memref<320x128xf32, #tpu.memory_space<vmem>>, vector<16xf32>,
        %get3A_92 = arith.index_cast %scan3A_84 : i32 to index
        %get3A_93 = arith.constant 0 : index
        %get3A_94 = tpu.vector_load %arg10[%get3A_92, %get3A_93] {strides = array<i32>} : memref<128x128xf32, #tpu.memory_space<vmem>>, vector<16xf32>,
        %add3A_95 = arith.addf %get3A_91, %get3A_94 : vector<16xf32>
        %swap3A = arith.index_cast %squeeze3A_88 : i32 to index
        %swap3A_96 = arith.constant 0 : index
        %swap3A_97 = tpu.vector_load %arg14[%swap3A, %swap3A_96] {strides = array<i32>} : memref<320x128xf32, #tpu.memory_space<vmem>>, vector<16xf32>,
        tpu.vector_store %arg14[%swap3A, %swap3A_96], %add3A_95 {strides = array<i32>} : memref<320x128xf32, #tpu.memory_space<vmem>>, vector<16xf32>,
        %get3A_98 = arith.index_cast %squeeze3A_88 : i32 to index
        %get3A_99 = arith.constant 16 : index
        %get3A_100 = tpu.vector_load %arg14[%get3A_98, %get3A_99] {strides = array<i32>} : memref<320x128xf32, #tpu.memory_space<vmem>>, vector<16xf32>,
        %get3A_101 = arith.index_cast %scan3A_84 : i32 to index
        %get3A_102 = arith.constant 16 : index
        %get3A_103 = tpu.vector_load %arg10[%get3A_101, %get3A_102] {strides = array<i32>} : memref<128x128xf32, #tpu.memory_space<vmem>>, vector<16xf32>,
        %add3A_104 = arith.addf %get3A_100, %get3A_103 : vector<16xf32>
        %swap3A_105 = arith.index_cast %squeeze3A_88 : i32 to index
        %swap3A_106 = arith.constant 16 : index
        %swap3A_107 = tpu.vector_load %arg14[%swap3A_105, %swap3A_106] {strides = array<i32>} : memref<320x128xf32, #tpu.memory_space<vmem>>, vector<16xf32>,
        tpu.vector_store %arg14[%swap3A_105, %swap3A_106], %add3A_104 {strides = array<i32>} : memref<320x128xf32, #tpu.memory_space<vmem>>, vector<16xf32>,
        %get3A_108 = arith.index_cast %squeeze3A_88 : i32 to index
        %get3A_109 = arith.constant 32 : index
        %get3A_110 = tpu.vector_load %arg14[%get3A_108, %get3A_109] {strides = array<i32>} : memref<320x128xf32, #tpu.memory_space<vmem>>, vector<16xf32>,
        %get3A_111 = arith.index_cast %scan3A_84 : i32 to index
        %get3A_112 = arith.constant 32 : index
        %get3A_113 = tpu.vector_load %arg10[%get3A_111, %get3A_112] {strides = array<i32>} : memref<128x128xf32, #tpu.memory_space<vmem>>, vector<16xf32>,
        %add3A_114 = arith.addf %get3A_110, %get3A_113 : vector<16xf32>
        %swap3A_115 = arith.index_cast %squeeze3A_88 : i32 to index
        %swap3A_116 = arith.constant 32 : index
        %swap3A_117 = tpu.vector_load %arg14[%swap3A_115, %swap3A_116] {strides = array<i32>} : memref<320x128xf32, #tpu.memory_space<vmem>>, vector<16xf32>,
        tpu.vector_store %arg14[%swap3A_115, %swap3A_116], %add3A_114 {strides = array<i32>} : memref<320x128xf32, #tpu.memory_space<vmem>>, vector<16xf32>,
        %get3A_118 = arith.index_cast %squeeze3A_88 : i32 to index
        %get3A_119 = arith.constant 48 : index
        %get3A_120 = tpu.vector_load %arg14[%get3A_118, %get3A_119] {strides = array<i32>} : memref<320x128xf32, #tpu.memory_space<vmem>>, vector<16xf32>,
        %get3A_121 = arith.index_cast %scan3A_84 : i32 to index
        %get3A_122 = arith.constant 48 : index
        %get3A_123 = tpu.vector_load %arg10[%get3A_121, %get3A_122] {strides = array<i32>} : memref<128x128xf32, #tpu.memory_space<vmem>>, vector<16xf32>,
        %add3A_124 = arith.addf %get3A_120, %get3A_123 : vector<16xf32>
        %swap3A_125 = arith.index_cast %squeeze3A_88 : i32 to index
        %swap3A_126 = arith.constant 48 : index
        %swap3A_127 = tpu.vector_load %arg14[%swap3A_125, %swap3A_126] {strides = array<i32>} : memref<320x128xf32, #tpu.memory_space<vmem>>, vector<16xf32>,
        tpu.vector_store %arg14[%swap3A_125, %swap3A_126], %add3A_124 {strides = array<i32>} : memref<320x128xf32, #tpu.memory_space<vmem>>, vector<16xf32>,
        %get3A_128 = arith.index_cast %squeeze3A_88 : i32 to index
        %get3A_129 = arith.constant 64 : index
        %get3A_130 = tpu.vector_load %arg14[%get3A_128, %get3A_129] {strides = array<i32>} : memref<320x128xf32, #tpu.memory_space<vmem>>, vector<16xf32>,
        %get3A_131 = arith.index_cast %scan3A_84 : i32 to index
        %get3A_132 = arith.constant 64 : index
        %get3A_133 = tpu.vector_load %arg10[%get3A_131, %get3A_132] {strides = array<i32>} : memref<128x128xf32, #tpu.memory_space<vmem>>, vector<16xf32>,
        %add3A_134 = arith.addf %get3A_130, %get3A_133 : vector<16xf32>
        %swap3A_135 = arith.index_cast %squeeze3A_88 : i32 to index
        %swap3A_136 = arith.constant 64 : index
        %swap3A_137 = tpu.vector_load %arg14[%swap3A_135, %swap3A_136] {strides = array<i32>} : memref<320x128xf32, #tpu.memory_space<vmem>>, vector<16xf32>,
        tpu.vector_store %arg14[%swap3A_135, %swap3A_136], %add3A_134 {strides = array<i32>} : memref<320x128xf32, #tpu.memory_space<vmem>>, vector<16xf32>,
        %get3A_138 = arith.index_cast %squeeze3A_88 : i32 to index
        %get3A_139 = arith.constant 80 : index
        %get3A_140 = tpu.vector_load %arg14[%get3A_138, %get3A_139] {strides = array<i32>} : memref<320x128xf32, #tpu.memory_space<vmem>>, vector<16xf32>,
        %get3A_141 = arith.index_cast %scan3A_84 : i32 to index
        %get3A_142 = arith.constant 80 : index
        %get3A_143 = tpu.vector_load %arg10[%get3A_141, %get3A_142] {strides = array<i32>} : memref<128x128xf32, #tpu.memory_space<vmem>>, vector<16xf32>,
        %add3A_144 = arith.addf %get3A_140, %get3A_143 : vector<16xf32>
        %swap3A_145 = arith.index_cast %squeeze3A_88 : i32 to index
        %swap3A_146 = arith.constant 80 : index
        %swap3A_147 = tpu.vector_load %arg14[%swap3A_145, %swap3A_146] {strides = array<i32>} : memref<320x128xf32, #tpu.memory_space<vmem>>, vector<16xf32>,
        tpu.vector_store %arg14[%swap3A_145, %swap3A_146], %add3A_144 {strides = array<i32>} : memref<320x128xf32, #tpu.memory_space<vmem>>, vector<16xf32>,
        %get3A_148 = arith.index_cast %squeeze3A_88 : i32 to index
        %get3A_149 = arith.constant 96 : index
        %get3A_150 = tpu.vector_load %arg14[%get3A_148, %get3A_149] {strides = array<i32>} : memref<320x128xf32, #tpu.memory_space<vmem>>, vector<16xf32>,
        %get3A_151 = arith.index_cast %scan3A_84 : i32 to index
        %get3A_152 = arith.constant 96 : index
        %get3A_153 = tpu.vector_load %arg10[%get3A_151, %get3A_152] {strides = array<i32>} : memref<128x128xf32, #tpu.memory_space<vmem>>, vector<16xf32>,
        %add3A_154 = arith.addf %get3A_150, %get3A_153 : vector<16xf32>
        %swap3A_155 = arith.index_cast %squeeze3A_88 : i32 to index
        %swap3A_156 = arith.constant 96 : index
        %swap3A_157 = tpu.vector_load %arg14[%swap3A_155, %swap3A_156] {strides = array<i32>} : memref<320x128xf32, #tpu.memory_space<vmem>>, vector<16xf32>,
        tpu.vector_store %arg14[%swap3A_155, %swap3A_156], %add3A_154 {strides = array<i32>} : memref<320x128xf32, #tpu.memory_space<vmem>>, vector<16xf32>,
        %get3A_158 = arith.index_cast %squeeze3A_88 : i32 to index
        %get3A_159 = arith.constant 112 : index
        %get3A_160 = tpu.vector_load %arg14[%get3A_158, %get3A_159] {strides = array<i32>} : memref<320x128xf32, #tpu.memory_space<vmem>>, vector<16xf32>,
        %get3A_161 = arith.index_cast %scan3A_84 : i32 to index
        %get3A_162 = arith.constant 112 : index
        %get3A_163 = tpu.vector_load %arg10[%get3A_161, %get3A_162] {strides = array<i32>} : memref<128x128xf32, #tpu.memory_space<vmem>>, vector<16xf32>,
        %add3A_164 = arith.addf %get3A_160, %get3A_163 : vector<16xf32>
        %swap3A_165 = arith.index_cast %squeeze3A_88 : i32 to index
        %swap3A_166 = arith.constant 112 : index
        %swap3A_167 = tpu.vector_load %arg14[%swap3A_165, %swap3A_166] {strides = array<i32>} : memref<320x128xf32, #tpu.memory_space<vmem>>, vector<16xf32>,
        tpu.vector_store %arg14[%swap3A_165, %swap3A_166], %add3A_164 {strides = array<i32>} : memref<320x128xf32, #tpu.memory_space<vmem>>, vector<16xf32>,
      }
      %scan3A_74 = arith.constant 128 : i32
      %dma_wait3A_75 = arith.constant 0 : i32
      %dma_wait3A_76 = arith.constant 0 : i32
      %dma_wait3A_77 = tpu.memref_slice %arg2[%dma_wait3A_75, %dma_wait3A_76] : memref<11000x128xf32, #tpu.memory_space<hbm>> -> memref<11000x128xf32, #tpu.memory_space<hbm>>
      tpu.wait_indirect_dma semaphore(%arg17 : memref<!tpu.dma_semaphore, #tpu.memory_space<semaphore_mem>>) src(%dma_wait3A_77 : memref<11000x128xf32, #tpu.memory_space<hbm>>) dst(%arg13 : memref<128x128xf32, #tpu.memory_space<vmem>>)
      %scan3A_78 = arith.constant 0 : i32
      %scan3A_79 = arith.constant 0 : i32
      %scan3A_80 = arith.constant 128 : i32
      %scan3A_81 = arith.addi %scan3A_79, %scan3A_80 : i32
      %scan3A_82 = arith.constant 1 : i32
      scf.for %scan3A_84 = %scan3A_79 to %scan3A_81 step %scan3A_82  : i32 {
        %get3A_85 = arith.index_cast %scan3A_84 : i32 to index
        %get3A_86 = tpu.vector_load %arg12[%get3A_85] {strides = array<i32>} : memref<144xi32, #tpu.memory_space<vmem>>, vector<16xi32>,
        %slice3A_87 = vector.extract_strided_slice %get3A_86 {offsets = [0], sizes = [1], strides = [1]} : vector<16xi32> to vector<1xi32>
        %squeeze3A_88 = vector.extract %slice3A_87[0] : i32 from vector<1xi32>
        %get3A_89 = arith.index_cast %squeeze3A_88 : i32 to index
        %get3A_90 = arith.constant 0 : index
        %get3A_91 = tpu.vector_load %arg14[%get3A_89, %get3A_90] {strides = array<i32>} : memref<320x128xf32, #tpu.memory_space<vmem>>, vector<16xf32>,
        %get3A_92 = arith.index_cast %scan3A_84 : i32 to index
        %get3A_93 = arith.constant 0 : index
        %get3A_94 = tpu.vector_load %arg13[%get3A_92, %get3A_93] {strides = array<i32>} : memref<128x128xf32, #tpu.memory_space<vmem>>, vector<16xf32>,
        %add3A_95 = arith.addf %get3A_91, %get3A_94 : vector<16xf32>
        %swap3A = arith.index_cast %squeeze3A_88 : i32 to index
        %swap3A_96 = arith.constant 0 : index
        %swap3A_97 = tpu.vector_load %arg14[%swap3A, %swap3A_96] {strides = array<i32>} : memref<320x128xf32, #tpu.memory_space<vmem>>, vector<16xf32>,
        tpu.vector_store %arg14[%swap3A, %swap3A_96], %add3A_95 {strides = array<i32>} : memref<320x128xf32, #tpu.memory_space<vmem>>, vector<16xf32>,
        %get3A_98 = arith.index_cast %squeeze3A_88 : i32 to index
        %get3A_99 = arith.constant 16 : index
        %get3A_100 = tpu.vector_load %arg14[%get3A_98, %get3A_99] {strides = array<i32>} : memref<320x128xf32, #tpu.memory_space<vmem>>, vector<16xf32>,
        %get3A_101 = arith.index_cast %scan3A_84 : i32 to index
        %get3A_102 = arith.constant 16 : index
        %get3A_103 = tpu.vector_load %arg13[%get3A_101, %get3A_102] {strides = array<i32>} : memref<128x128xf32, #tpu.memory_space<vmem>>, vector<16xf32>,
        %add3A_104 = arith.addf %get3A_100, %get3A_103 : vector<16xf32>
        %swap3A_105 = arith.index_cast %squeeze3A_88 : i32 to index
        %swap3A_106 = arith.constant 16 : index
        %swap3A_107 = tpu.vector_load %arg14[%swap3A_105, %swap3A_106] {strides = array<i32>} : memref<320x128xf32, #tpu.memory_space<vmem>>, vector<16xf32>,
        tpu.vector_store %arg14[%swap3A_105, %swap3A_106], %add3A_104 {strides = array<i32>} : memref<320x128xf32, #tpu.memory_space<vmem>>, vector<16xf32>,
        %get3A_108 = arith.index_cast %squeeze3A_88 : i32 to index
        %get3A_109 = arith.constant 32 : index
        %get3A_110 = tpu.vector_load %arg14[%get3A_108, %get3A_109] {strides = array<i32>} : memref<320x128xf32, #tpu.memory_space<vmem>>, vector<16xf32>,
        %get3A_111 = arith.index_cast %scan3A_84 : i32 to index
        %get3A_112 = arith.constant 32 : index
        %get3A_113 = tpu.vector_load %arg13[%get3A_111, %get3A_112] {strides = array<i32>} : memref<128x128xf32, #tpu.memory_space<vmem>>, vector<16xf32>,
        %add3A_114 = arith.addf %get3A_110, %get3A_113 : vector<16xf32>
        %swap3A_115 = arith.index_cast %squeeze3A_88 : i32 to index
        %swap3A_116 = arith.constant 32 : index
        %swap3A_117 = tpu.vector_load %arg14[%swap3A_115, %swap3A_116] {strides = array<i32>} : memref<320x128xf32, #tpu.memory_space<vmem>>, vector<16xf32>,
        tpu.vector_store %arg14[%swap3A_115, %swap3A_116], %add3A_114 {strides = array<i32>} : memref<320x128xf32, #tpu.memory_space<vmem>>, vector<16xf32>,
        %get3A_118 = arith.index_cast %squeeze3A_88 : i32 to index
        %get3A_119 = arith.constant 48 : index
        %get3A_120 = tpu.vector_load %arg14[%get3A_118, %get3A_119] {strides = array<i32>} : memref<320x128xf32, #tpu.memory_space<vmem>>, vector<16xf32>,
        %get3A_121 = arith.index_cast %scan3A_84 : i32 to index
        %get3A_122 = arith.constant 48 : index
        %get3A_123 = tpu.vector_load %arg13[%get3A_121, %get3A_122] {strides = array<i32>} : memref<128x128xf32, #tpu.memory_space<vmem>>, vector<16xf32>,
        %add3A_124 = arith.addf %get3A_120, %get3A_123 : vector<16xf32>
        %swap3A_125 = arith.index_cast %squeeze3A_88 : i32 to index
        %swap3A_126 = arith.constant 48 : index
        %swap3A_127 = tpu.vector_load %arg14[%swap3A_125, %swap3A_126] {strides = array<i32>} : memref<320x128xf32, #tpu.memory_space<vmem>>, vector<16xf32>,
        tpu.vector_store %arg14[%swap3A_125, %swap3A_126], %add3A_124 {strides = array<i32>} : memref<320x128xf32, #tpu.memory_space<vmem>>, vector<16xf32>,
        %get3A_128 = arith.index_cast %squeeze3A_88 : i32 to index
        %get3A_129 = arith.constant 64 : index
        %get3A_130 = tpu.vector_load %arg14[%get3A_128, %get3A_129] {strides = array<i32>} : memref<320x128xf32, #tpu.memory_space<vmem>>, vector<16xf32>,
        %get3A_131 = arith.index_cast %scan3A_84 : i32 to index
        %get3A_132 = arith.constant 64 : index
        %get3A_133 = tpu.vector_load %arg13[%get3A_131, %get3A_132] {strides = array<i32>} : memref<128x128xf32, #tpu.memory_space<vmem>>, vector<16xf32>,
        %add3A_134 = arith.addf %get3A_130, %get3A_133 : vector<16xf32>
        %swap3A_135 = arith.index_cast %squeeze3A_88 : i32 to index
        %swap3A_136 = arith.constant 64 : index
        %swap3A_137 = tpu.vector_load %arg14[%swap3A_135, %swap3A_136] {strides = array<i32>} : memref<320x128xf32, #tpu.memory_space<vmem>>, vector<16xf32>,
        tpu.vector_store %arg14[%swap3A_135, %swap3A_136], %add3A_134 {strides = array<i32>} : memref<320x128xf32, #tpu.memory_space<vmem>>, vector<16xf32>,
        %get3A_138 = arith.index_cast %squeeze3A_88 : i32 to index
        %get3A_139 = arith.constant 80 : index
        %get3A_140 = tpu.vector_load %arg14[%get3A_138, %get3A_139] {strides = array<i32>} : memref<320x128xf32, #tpu.memory_space<vmem>>, vector<16xf32>,
        %get3A_141 = arith.index_cast %scan3A_84 : i32 to index
        %get3A_142 = arith.constant 80 : index
        %get3A_143 = tpu.vector_load %arg13[%get3A_141, %get3A_142] {strides = array<i32>} : memref<128x128xf32, #tpu.memory_space<vmem>>, vector<16xf32>,
        %add3A_144 = arith.addf %get3A_140, %get3A_143 : vector<16xf32>
        %swap3A_145 = arith.index_cast %squeeze3A_88 : i32 to index
        %swap3A_146 = arith.constant 80 : index
        %swap3A_147 = tpu.vector_load %arg14[%swap3A_145, %swap3A_146] {strides = array<i32>} : memref<320x128xf32, #tpu.memory_space<vmem>>, vector<16xf32>,
        tpu.vector_store %arg14[%swap3A_145, %swap3A_146], %add3A_144 {strides = array<i32>} : memref<320x128xf32, #tpu.memory_space<vmem>>, vector<16xf32>,
        %get3A_148 = arith.index_cast %squeeze3A_88 : i32 to index
        %get3A_149 = arith.constant 96 : index
        %get3A_150 = tpu.vector_load %arg14[%get3A_148, %get3A_149] {strides = array<i32>} : memref<320x128xf32, #tpu.memory_space<vmem>>, vector<16xf32>,
        %get3A_151 = arith.index_cast %scan3A_84 : i32 to index
        %get3A_152 = arith.constant 96 : index
        %get3A_153 = tpu.vector_load %arg13[%get3A_151, %get3A_152] {strides = array<i32>} : memref<128x128xf32, #tpu.memory_space<vmem>>, vector<16xf32>,
        %add3A_154 = arith.addf %get3A_150, %get3A_153 : vector<16xf32>
        %swap3A_155 = arith.index_cast %squeeze3A_88 : i32 to index
        %swap3A_156 = arith.constant 96 : index
        %swap3A_157 = tpu.vector_load %arg14[%swap3A_155, %swap3A_156] {strides = array<i32>} : memref<320x128xf32, #tpu.memory_space<vmem>>, vector<16xf32>,
        tpu.vector_store %arg14[%swap3A_155, %swap3A_156], %add3A_154 {strides = array<i32>} : memref<320x128xf32, #tpu.memory_space<vmem>>, vector<16xf32>,
        %get3A_158 = arith.index_cast %squeeze3A_88 : i32 to index
        %get3A_159 = arith.constant 112 : index
        %get3A_160 = tpu.vector_load %arg14[%get3A_158, %get3A_159] {strides = array<i32>} : memref<320x128xf32, #tpu.memory_space<vmem>>, vector<16xf32>,
        %get3A_161 = arith.index_cast %scan3A_84 : i32 to index
        %get3A_162 = arith.constant 112 : index
        %get3A_163 = tpu.vector_load %arg13[%get3A_161, %get3A_162] {strides = array<i32>} : memref<128x128xf32, #tpu.memory_space<vmem>>, vector<16xf32>,
        %add3A_164 = arith.addf %get3A_160, %get3A_163 : vector<16xf32>
        %swap3A_165 = arith.index_cast %squeeze3A_88 : i32 to index
        %swap3A_166 = arith.constant 112 : index
        %swap3A_167 = tpu.vector_load %arg14[%swap3A_165, %swap3A_166] {strides = array<i32>} : memref<320x128xf32, #tpu.memory_space<vmem>>, vector<16xf32>,
        tpu.vector_store %arg14[%swap3A_165, %swap3A_166], %add3A_164 {strides = array<i32>} : memref<320x128xf32, #tpu.memory_space<vmem>>, vector<16xf32>,
      }
      %scan3A_83 = arith.constant 128 : i32
    }
    %jit3A_31 = arith.constant 2 : i32
    %eq3A = arith.constant 0 : i32
    %eq3A_32 = arith.cmpi eq, %jit3A_31, %eq3A : i32
    %jit3A_33 = arith.constant 1 : i32
    %select_n3A_34 = arith.select %eq3A_32, %jit3A_33, %jit3A_31 : i32
    %rem3A_35 = arith.remsi %squeeze3A, %select_n3A_34 : i32
    %ne3A_36 = arith.constant 0 : i32
    %ne3A_37 = arith.cmpi ne, %rem3A_35, %ne3A_36 : i32
    %lt3A = arith.constant 0 : i32
    %lt3A_38 = arith.cmpi slt, %rem3A_35, %lt3A : i32
    %lt3A_39 = arith.constant 0 : i32
    %lt3A_40 = arith.cmpi slt, %select_n3A_34, %lt3A_39 : i32
    %ne3A_41 = arith.xori %lt3A_38, %lt3A_40 : i1
    %and3A_42 = arith.andi %ne3A_41, %ne3A_37 : i1
    %add3A_43 = arith.addi %rem3A_35, %select_n3A_34 : i32
    %select_n3A_44 = arith.select %and3A_42, %add3A_43, %rem3A_35 : i32
    %eq3A_45 = arith.constant 1 : i32
    %eq3A_46 = arith.cmpi eq, %select_n3A_44, %eq3A_45 : i32
    %convert_element_type3A = arith.extui %eq3A_46 : i1 to i32
    %cond3A = arith.constant 0 : i32
    %cond3A_47 = arith.cmpi ne, %convert_element_type3A, %cond3A : i32
    scf.if %cond3A_47 {
      %sub3A_50 = arith.constant 1 : i32
      %sub3A_51 = arith.subi %squeeze3A, %sub3A_50 : i32
      %mul3A_52 = arith.constant 128 : i32
      %mul3A_53 = arith.muli %sub3A_51, %mul3A_52 : i32
      %add3A_54 = arith.addi %mul3A_2, %mul3A_53 : i32
      "tpu.region"() ({
        %run_scoped3A = tpu.sem_alloc : memref<!tpu.dma_semaphore, #tpu.memory_space<semaphore_mem>>
        %dma_start3A_64 = tpu.memref_slice %arg3[%add3A_54] : memref<385024xi32, #tpu.memory_space<hbm>> -> memref<128xi32, #tpu.memory_space<hbm>>
        %dma_start3A_65 = tpu.memref_slice %arg3[%add3A_54] : memref<385024xi32, #tpu.memory_space<hbm>> -> memref<128xi32, #tpu.memory_space<hbm>>
        tpu.enqueue_dma source(%dma_start3A_65 : memref<128xi32, #tpu.memory_space<hbm>>) target(%arg8 : memref<128xi32, #tpu.memory_space<vmem>>) target_semaphore(%run_scoped3A : memref<!tpu.dma_semaphore, #tpu.memory_space<semaphore_mem>>)
        %dma_wait3A_66 = tpu.memref_slice %arg3[%add3A_54] : memref<385024xi32, #tpu.memory_space<hbm>> -> memref<128xi32, #tpu.memory_space<hbm>>
        %dma_wait3A_67 = tpu.memref_slice %arg3[%add3A_54] : memref<385024xi32, #tpu.memory_space<hbm>> -> memref<128xi32, #tpu.memory_space<hbm>>
        tpu.wait_dma2 semaphore(%run_scoped3A : memref<!tpu.dma_semaphore, #tpu.memory_space<semaphore_mem>>) src(%dma_wait3A_67 : memref<128xi32, #tpu.memory_space<hbm>>) dst(%arg8 : memref<128xi32, #tpu.memory_space<vmem>>)
        tpu.yield
      }) : () -> ()
      "tpu.region"() ({
        %run_scoped3A = tpu.sem_alloc : memref<!tpu.dma_semaphore, #tpu.memory_space<semaphore_mem>>
        %dma_start3A_64 = arith.constant 0 : i32
        %dma_start3A_65 = tpu.memref_slice %arg9[%dma_start3A_64] : memref<144xi32, #tpu.memory_space<vmem>> -> memref<128xi32, #tpu.memory_space<vmem>>
        %dma_start3A_66 = tpu.memref_slice %arg4[%add3A_54] : memref<385024xi32, #tpu.memory_space<hbm>> -> memref<128xi32, #tpu.memory_space<hbm>>
        %dma_start3A_67 = arith.constant 0 : i32
        %dma_start3A_68 = tpu.memref_slice %arg9[%dma_start3A_67] : memref<144xi32, #tpu.memory_space<vmem>> -> memref<128xi32, #tpu.memory_space<vmem>>
        %dma_start3A_69 = tpu.memref_slice %arg4[%add3A_54] : memref<385024xi32, #tpu.memory_space<hbm>> -> memref<128xi32, #tpu.memory_space<hbm>>
        tpu.enqueue_dma source(%dma_start3A_69 : memref<128xi32, #tpu.memory_space<hbm>>) target(%dma_start3A_68 : memref<128xi32, #tpu.memory_space<vmem>>) target_semaphore(%run_scoped3A : memref<!tpu.dma_semaphore, #tpu.memory_space<semaphore_mem>>)
        %dma_wait3A_70 = arith.constant 0 : i32
        %dma_wait3A_71 = tpu.memref_slice %arg9[%dma_wait3A_70] : memref<144xi32, #tpu.memory_space<vmem>> -> memref<128xi32, #tpu.memory_space<vmem>>
        %dma_wait3A_72 = tpu.memref_slice %arg4[%add3A_54] : memref<385024xi32, #tpu.memory_space<hbm>> -> memref<128xi32, #tpu.memory_space<hbm>>
        %dma_wait3A_73 = arith.constant 0 : i32
        %dma_wait3A_74 = tpu.memref_slice %arg9[%dma_wait3A_73] : memref<144xi32, #tpu.memory_space<vmem>> -> memref<128xi32, #tpu.memory_space<vmem>>
        %dma_wait3A_75 = tpu.memref_slice %arg4[%add3A_54] : memref<385024xi32, #tpu.memory_space<hbm>> -> memref<128xi32, #tpu.memory_space<hbm>>
        tpu.wait_dma2 semaphore(%run_scoped3A : memref<!tpu.dma_semaphore, #tpu.memory_space<semaphore_mem>>) src(%dma_wait3A_75 : memref<128xi32, #tpu.memory_space<hbm>>) dst(%dma_wait3A_74 : memref<128xi32, #tpu.memory_space<vmem>>)
        tpu.yield
      }) : () -> ()
      %dma_start3A = arith.constant 0 : i32
      %dma_start3A_55 = arith.constant 0 : i32
      %dma_start3A_56 = tpu.memref_slice %arg2[%dma_start3A, %dma_start3A_55] : memref<11000x128xf32, #tpu.memory_space<hbm>> -> memref<11000x128xf32, #tpu.memory_space<hbm>>
      tpu.enqueue_indirect_dma source(%dma_start3A_56 : memref<11000x128xf32, #tpu.memory_space<hbm>>) target(%arg10 : memref<128x128xf32, #tpu.memory_space<vmem>>) offsets(%arg8 : memref<128xi32, #tpu.memory_space<vmem>>) semaphore(%arg16 : memref<!tpu.dma_semaphore, #tpu.memory_space<semaphore_mem>>)
      %dma_wait3A = arith.constant 0 : i32
      %dma_wait3A_57 = arith.constant 0 : i32
      %dma_wait3A_58 = tpu.memref_slice %arg2[%dma_wait3A, %dma_wait3A_57] : memref<11000x128xf32, #tpu.memory_space<hbm>> -> memref<11000x128xf32, #tpu.memory_space<hbm>>
      tpu.wait_indirect_dma semaphore(%arg16 : memref<!tpu.dma_semaphore, #tpu.memory_space<semaphore_mem>>) src(%dma_wait3A_58 : memref<11000x128xf32, #tpu.memory_space<hbm>>) dst(%arg10 : memref<128x128xf32, #tpu.memory_space<vmem>>)
      %scan3A = arith.constant 0 : i32
      %scan3A_59 = arith.constant 0 : i32
      %scan3A_60 = arith.constant 128 : i32
      %scan3A_61 = arith.addi %scan3A_59, %scan3A_60 : i32
      %scan3A_62 = arith.constant 1 : i32
      scf.for %scan3A_64 = %scan3A_59 to %scan3A_61 step %scan3A_62  : i32 {
        %get3A_65 = arith.index_cast %scan3A_64 : i32 to index
        %get3A_66 = tpu.vector_load %arg9[%get3A_65] {strides = array<i32>} : memref<144xi32, #tpu.memory_space<vmem>>, vector<16xi32>,
        %slice3A_67 = vector.extract_strided_slice %get3A_66 {offsets = [0], sizes = [1], strides = [1]} : vector<16xi32> to vector<1xi32>
        %squeeze3A_68 = vector.extract %slice3A_67[0] : i32 from vector<1xi32>
        %get3A_69 = arith.index_cast %squeeze3A_68 : i32 to index
        %get3A_70 = arith.constant 0 : index
        %get3A_71 = tpu.vector_load %arg14[%get3A_69, %get3A_70] {strides = array<i32>} : memref<320x128xf32, #tpu.memory_space<vmem>>, vector<16xf32>,
        %get3A_72 = arith.index_cast %scan3A_64 : i32 to index
        %get3A_73 = arith.constant 0 : index
        %get3A_74 = tpu.vector_load %arg10[%get3A_72, %get3A_73] {strides = array<i32>} : memref<128x128xf32, #tpu.memory_space<vmem>>, vector<16xf32>,
        %add3A_75 = arith.addf %get3A_71, %get3A_74 : vector<16xf32>
        %swap3A = arith.index_cast %squeeze3A_68 : i32 to index
        %swap3A_76 = arith.constant 0 : index
        %swap3A_77 = tpu.vector_load %arg14[%swap3A, %swap3A_76] {strides = array<i32>} : memref<320x128xf32, #tpu.memory_space<vmem>>, vector<16xf32>,
        tpu.vector_store %arg14[%swap3A, %swap3A_76], %add3A_75 {strides = array<i32>} : memref<320x128xf32, #tpu.memory_space<vmem>>, vector<16xf32>,
        %get3A_78 = arith.index_cast %squeeze3A_68 : i32 to index
        %get3A_79 = arith.constant 16 : index
        %get3A_80 = tpu.vector_load %arg14[%get3A_78, %get3A_79] {strides = array<i32>} : memref<320x128xf32, #tpu.memory_space<vmem>>, vector<16xf32>,
        %get3A_81 = arith.index_cast %scan3A_64 : i32 to index
        %get3A_82 = arith.constant 16 : index
        %get3A_83 = tpu.vector_load %arg10[%get3A_81, %get3A_82] {strides = array<i32>} : memref<128x128xf32, #tpu.memory_space<vmem>>, vector<16xf32>,
        %add3A_84 = arith.addf %get3A_80, %get3A_83 : vector<16xf32>
        %swap3A_85 = arith.index_cast %squeeze3A_68 : i32 to index
        %swap3A_86 = arith.constant 16 : index
        %swap3A_87 = tpu.vector_load %arg14[%swap3A_85, %swap3A_86] {strides = array<i32>} : memref<320x128xf32, #tpu.memory_space<vmem>>, vector<16xf32>,
        tpu.vector_store %arg14[%swap3A_85, %swap3A_86], %add3A_84 {strides = array<i32>} : memref<320x128xf32, #tpu.memory_space<vmem>>, vector<16xf32>,
        %get3A_88 = arith.index_cast %squeeze3A_68 : i32 to index
        %get3A_89 = arith.constant 32 : index
        %get3A_90 = tpu.vector_load %arg14[%get3A_88, %get3A_89] {strides = array<i32>} : memref<320x128xf32, #tpu.memory_space<vmem>>, vector<16xf32>,
        %get3A_91 = arith.index_cast %scan3A_64 : i32 to index
        %get3A_92 = arith.constant 32 : index
        %get3A_93 = tpu.vector_load %arg10[%get3A_91, %get3A_92] {strides = array<i32>} : memref<128x128xf32, #tpu.memory_space<vmem>>, vector<16xf32>,
        %add3A_94 = arith.addf %get3A_90, %get3A_93 : vector<16xf32>
        %swap3A_95 = arith.index_cast %squeeze3A_68 : i32 to index
        %swap3A_96 = arith.constant 32 : index
        %swap3A_97 = tpu.vector_load %arg14[%swap3A_95, %swap3A_96] {strides = array<i32>} : memref<320x128xf32, #tpu.memory_space<vmem>>, vector<16xf32>,
        tpu.vector_store %arg14[%swap3A_95, %swap3A_96], %add3A_94 {strides = array<i32>} : memref<320x128xf32, #tpu.memory_space<vmem>>, vector<16xf32>,
        %get3A_98 = arith.index_cast %squeeze3A_68 : i32 to index
        %get3A_99 = arith.constant 48 : index
        %get3A_100 = tpu.vector_load %arg14[%get3A_98, %get3A_99] {strides = array<i32>} : memref<320x128xf32, #tpu.memory_space<vmem>>, vector<16xf32>,
        %get3A_101 = arith.index_cast %scan3A_64 : i32 to index
        %get3A_102 = arith.constant 48 : index
        %get3A_103 = tpu.vector_load %arg10[%get3A_101, %get3A_102] {strides = array<i32>} : memref<128x128xf32, #tpu.memory_space<vmem>>, vector<16xf32>,
        %add3A_104 = arith.addf %get3A_100, %get3A_103 : vector<16xf32>
        %swap3A_105 = arith.index_cast %squeeze3A_68 : i32 to index
        %swap3A_106 = arith.constant 48 : index
        %swap3A_107 = tpu.vector_load %arg14[%swap3A_105, %swap3A_106] {strides = array<i32>} : memref<320x128xf32, #tpu.memory_space<vmem>>, vector<16xf32>,
        tpu.vector_store %arg14[%swap3A_105, %swap3A_106], %add3A_104 {strides = array<i32>} : memref<320x128xf32, #tpu.memory_space<vmem>>, vector<16xf32>,
        %get3A_108 = arith.index_cast %squeeze3A_68 : i32 to index
        %get3A_109 = arith.constant 64 : index
        %get3A_110 = tpu.vector_load %arg14[%get3A_108, %get3A_109] {strides = array<i32>} : memref<320x128xf32, #tpu.memory_space<vmem>>, vector<16xf32>,
        %get3A_111 = arith.index_cast %scan3A_64 : i32 to index
        %get3A_112 = arith.constant 64 : index
        %get3A_113 = tpu.vector_load %arg10[%get3A_111, %get3A_112] {strides = array<i32>} : memref<128x128xf32, #tpu.memory_space<vmem>>, vector<16xf32>,
        %add3A_114 = arith.addf %get3A_110, %get3A_113 : vector<16xf32>
        %swap3A_115 = arith.index_cast %squeeze3A_68 : i32 to index
        %swap3A_116 = arith.constant 64 : index
        %swap3A_117 = tpu.vector_load %arg14[%swap3A_115, %swap3A_116] {strides = array<i32>} : memref<320x128xf32, #tpu.memory_space<vmem>>, vector<16xf32>,
        tpu.vector_store %arg14[%swap3A_115, %swap3A_116], %add3A_114 {strides = array<i32>} : memref<320x128xf32, #tpu.memory_space<vmem>>, vector<16xf32>,
        %get3A_118 = arith.index_cast %squeeze3A_68 : i32 to index
        %get3A_119 = arith.constant 80 : index
        %get3A_120 = tpu.vector_load %arg14[%get3A_118, %get3A_119] {strides = array<i32>} : memref<320x128xf32, #tpu.memory_space<vmem>>, vector<16xf32>,
        %get3A_121 = arith.index_cast %scan3A_64 : i32 to index
        %get3A_122 = arith.constant 80 : index
        %get3A_123 = tpu.vector_load %arg10[%get3A_121, %get3A_122] {strides = array<i32>} : memref<128x128xf32, #tpu.memory_space<vmem>>, vector<16xf32>,
        %add3A_124 = arith.addf %get3A_120, %get3A_123 : vector<16xf32>
        %swap3A_125 = arith.index_cast %squeeze3A_68 : i32 to index
        %swap3A_126 = arith.constant 80 : index
        %swap3A_127 = tpu.vector_load %arg14[%swap3A_125, %swap3A_126] {strides = array<i32>} : memref<320x128xf32, #tpu.memory_space<vmem>>, vector<16xf32>,
        tpu.vector_store %arg14[%swap3A_125, %swap3A_126], %add3A_124 {strides = array<i32>} : memref<320x128xf32, #tpu.memory_space<vmem>>, vector<16xf32>,
        %get3A_128 = arith.index_cast %squeeze3A_68 : i32 to index
        %get3A_129 = arith.constant 96 : index
        %get3A_130 = tpu.vector_load %arg14[%get3A_128, %get3A_129] {strides = array<i32>} : memref<320x128xf32, #tpu.memory_space<vmem>>, vector<16xf32>,
        %get3A_131 = arith.index_cast %scan3A_64 : i32 to index
        %get3A_132 = arith.constant 96 : index
        %get3A_133 = tpu.vector_load %arg10[%get3A_131, %get3A_132] {strides = array<i32>} : memref<128x128xf32, #tpu.memory_space<vmem>>, vector<16xf32>,
        %add3A_134 = arith.addf %get3A_130, %get3A_133 : vector<16xf32>
        %swap3A_135 = arith.index_cast %squeeze3A_68 : i32 to index
        %swap3A_136 = arith.constant 96 : index
        %swap3A_137 = tpu.vector_load %arg14[%swap3A_135, %swap3A_136] {strides = array<i32>} : memref<320x128xf32, #tpu.memory_space<vmem>>, vector<16xf32>,
        tpu.vector_store %arg14[%swap3A_135, %swap3A_136], %add3A_134 {strides = array<i32>} : memref<320x128xf32, #tpu.memory_space<vmem>>, vector<16xf32>,
        %get3A_138 = arith.index_cast %squeeze3A_68 : i32 to index
        %get3A_139 = arith.constant 112 : index
        %get3A_140 = tpu.vector_load %arg14[%get3A_138, %get3A_139] {strides = array<i32>} : memref<320x128xf32, #tpu.memory_space<vmem>>, vector<16xf32>,
        %get3A_141 = arith.index_cast %scan3A_64 : i32 to index
        %get3A_142 = arith.constant 112 : index
        %get3A_143 = tpu.vector_load %arg10[%get3A_141, %get3A_142] {strides = array<i32>} : memref<128x128xf32, #tpu.memory_space<vmem>>, vector<16xf32>,
        %add3A_144 = arith.addf %get3A_140, %get3A_143 : vector<16xf32>
        %swap3A_145 = arith.index_cast %squeeze3A_68 : i32 to index
        %swap3A_146 = arith.constant 112 : index
        %swap3A_147 = tpu.vector_load %arg14[%swap3A_145, %swap3A_146] {strides = array<i32>} : memref<320x128xf32, #tpu.memory_space<vmem>>, vector<16xf32>,
        tpu.vector_store %arg14[%swap3A_145, %swap3A_146], %add3A_144 {strides = array<i32>} : memref<320x128xf32, #tpu.memory_space<vmem>>, vector<16xf32>,
      }
      %scan3A_63 = arith.constant 128 : i32
    } else {
    }
    %mul3A_48 = arith.constant 320 : i32
    %mul3A_49 = arith.muli %add3A, %mul3A_48 : i32
    "tpu.region"() ({
      %run_scoped3A = tpu.sem_alloc : memref<!tpu.dma_semaphore, #tpu.memory_space<semaphore_mem>>
      %dma_start3A = arith.constant 0 : i32
      %dma_start3A_50 = tpu.memref_slice %arg7[%mul3A_49, %dma_start3A] : memref<10240x128xf32, #tpu.memory_space<hbm>> -> memref<320x128xf32, #tpu.memory_space<hbm>>
      %dma_start3A_51 = arith.constant 0 : i32
      %dma_start3A_52 = tpu.memref_slice %arg7[%mul3A_49, %dma_start3A_51] : memref<10240x128xf32, #tpu.memory_space<hbm>> -> memref<320x128xf32, #tpu.memory_space<hbm>>
      tpu.enqueue_dma source(%arg14 : memref<320x128xf32, #tpu.memory_space<vmem>>) target(%dma_start3A_52 : memref<320x128xf32, #tpu.memory_space<hbm>>) target_semaphore(%run_scoped3A : memref<!tpu.dma_semaphore, #tpu.memory_space<semaphore_mem>>)
      %dma_wait3A = arith.constant 0 : i32
      %dma_wait3A_53 = tpu.memref_slice %arg7[%mul3A_49, %dma_wait3A] : memref<10240x128xf32, #tpu.memory_space<hbm>> -> memref<320x128xf32, #tpu.memory_space<hbm>>
      %dma_wait3A_54 = arith.constant 0 : i32
      %dma_wait3A_55 = tpu.memref_slice %arg7[%mul3A_49, %dma_wait3A_54] : memref<10240x128xf32, #tpu.memory_space<hbm>> -> memref<320x128xf32, #tpu.memory_space<hbm>>
      tpu.wait_dma2 semaphore(%run_scoped3A : memref<!tpu.dma_semaphore, #tpu.memory_space<semaphore_mem>>) src(%arg14 : memref<320x128xf32, #tpu.memory_space<vmem>>) dst(%dma_wait3A_55 : memref<320x128xf32, #tpu.memory_space<hbm>>)
      tpu.yield
    }) : () -> ()
    return
  }
}

module attributes {stable_mosaic.version = 14 : i64} {
  func.func @_stats_body(%arg0: i32, %arg1: memref<1000x128xf32, #tpu.memory_space<vmem>>, %arg2: memref<1x128xf32, #tpu.memory_space<vmem>>, %arg3: memref<1x128xf32, #tpu.memory_space<vmem>>, %arg4: memref<1x128xf32, #tpu.memory_space<vmem>>, %arg5: memref<1x128xf32, #tpu.memory_space<vmem>>, %arg6: memref<1x128xf32, #tpu.memory_space<vmem>>, %arg7: memref<1x128xf32, #tpu.memory_space<vmem>>) attributes {dimension_semantics = [#tpu.dimension_semantics<arbitrary>], iteration_bounds = array<i64: 10>, scalar_prefetch = 0 : i64, scratch_operands = 2 : i64, tpu.core_type = #tpu.core_type<tc>, window_params = [{transform_indices = @transform_0, window_bounds = array<i64: 1000, 128>}, {pipeline_mode = #tpu.pipeline_mode<synchronous>, transform_indices = @transform_1, window_bounds = array<i64: 1, 128>}, {pipeline_mode = #tpu.pipeline_mode<synchronous>, transform_indices = @transform_2, window_bounds = array<i64: 1, 128>}, {pipeline_mode = #tpu.pipeline_mode<synchronous>, transform_indices = @transform_3, window_bounds = array<i64: 1, 128>}, {pipeline_mode = #tpu.pipeline_mode<synchronous>, transform_indices = @transform_4, window_bounds = array<i64: 1, 128>}]} {
    %get3A = arith.constant 0 : index
    %get3A_0 = arith.constant 0 : index
    %get3A_1 = vector.load %arg1[%get3A, %get3A_0] : memref<1000x128xf32, #tpu.memory_space<vmem>>, vector<1000x128xf32>
    %reduce_sum3A = arith.constant dense<0.000000e+00> : vector<128xf32>
    %reduce_sum3A_2 = vector.multi_reduction <add>, %get3A_1, %reduce_sum3A [0] : vector<1000x128xf32> to vector<128xf32>
    %broadcast_in_dim3A = vector.shape_cast %reduce_sum3A_2 : vector<128xf32> to vector<1x128xf32>
    %mul3A = arith.mulf %get3A_1, %get3A_1 : vector<1000x128xf32>
    %reduce_sum3A_3 = arith.constant dense<0.000000e+00> : vector<128xf32>
    %reduce_sum3A_4 = vector.multi_reduction <add>, %mul3A, %reduce_sum3A_3 [0] : vector<1000x128xf32> to vector<128xf32>
    %broadcast_in_dim3A_5 = vector.shape_cast %reduce_sum3A_4 : vector<128xf32> to vector<1x128xf32>
    %eq3A = arith.constant 0 : i32
    %eq3A_6 = arith.cmpi eq, %arg0, %eq3A : i32
    %convert_element_type3A = arith.extui %eq3A_6 : i1 to i32
    %cond3A = arith.constant 0 : i32
    %cond3A_7 = arith.cmpi ne, %convert_element_type3A, %cond3A : i32
    scf.if %cond3A_7 {
      %swap3A = arith.constant 0 : index
      %swap3A_17 = arith.constant 0 : index
      %swap3A_18 = vector.load %arg6[%swap3A, %swap3A_17] : memref<1x128xf32, #tpu.memory_space<vmem>>, vector<1x128xf32>
      tpu.vector_store %arg6[%swap3A, %swap3A_17], %broadcast_in_dim3A {strides = array<i32>} : memref<1x128xf32, #tpu.memory_space<vmem>>, vector<1x128xf32>,
      %swap3A_19 = arith.constant 0 : index
      %swap3A_20 = arith.constant 0 : index
      %swap3A_21 = vector.load %arg7[%swap3A_19, %swap3A_20] : memref<1x128xf32, #tpu.memory_space<vmem>>, vector<1x128xf32>
      tpu.vector_store %arg7[%swap3A_19, %swap3A_20], %broadcast_in_dim3A_5 {strides = array<i32>} : memref<1x128xf32, #tpu.memory_space<vmem>>, vector<1x128xf32>,
    } else {
    }
    %gt3A = arith.constant 0 : i32
    %gt3A_8 = arith.cmpi sgt, %arg0, %gt3A : i32
    %convert_element_type3A_9 = arith.extui %gt3A_8 : i1 to i32
    %cond3A_10 = arith.constant 0 : i32
    %cond3A_11 = arith.cmpi ne, %convert_element_type3A_9, %cond3A_10 : i32
    scf.if %cond3A_11 {
      %get3A_17 = arith.constant 0 : index
      %get3A_18 = arith.constant 0 : index
      %get3A_19 = vector.load %arg6[%get3A_17, %get3A_18] : memref<1x128xf32, #tpu.memory_space<vmem>>, vector<1x128xf32>
      %add3A = arith.addf %get3A_19, %broadcast_in_dim3A : vector<1x128xf32>
      %swap3A = arith.constant 0 : index
      %swap3A_20 = arith.constant 0 : index
      %swap3A_21 = vector.load %arg6[%swap3A, %swap3A_20] : memref<1x128xf32, #tpu.memory_space<vmem>>, vector<1x128xf32>
      tpu.vector_store %arg6[%swap3A, %swap3A_20], %add3A {strides = array<i32>} : memref<1x128xf32, #tpu.memory_space<vmem>>, vector<1x128xf32>,
      %get3A_22 = arith.constant 0 : index
      %get3A_23 = arith.constant 0 : index
      %get3A_24 = vector.load %arg7[%get3A_22, %get3A_23] : memref<1x128xf32, #tpu.memory_space<vmem>>, vector<1x128xf32>
      %add3A_25 = arith.addf %get3A_24, %broadcast_in_dim3A_5 : vector<1x128xf32>
      %swap3A_26 = arith.constant 0 : index
      %swap3A_27 = arith.constant 0 : index
      %swap3A_28 = vector.load %arg7[%swap3A_26, %swap3A_27] : memref<1x128xf32, #tpu.memory_space<vmem>>, vector<1x128xf32>
      tpu.vector_store %arg7[%swap3A_26, %swap3A_27], %add3A_25 {strides = array<i32>} : memref<1x128xf32, #tpu.memory_space<vmem>>, vector<1x128xf32>,
    } else {
    }
    %eq3A_12 = arith.constant 9 : i32
    %eq3A_13 = arith.cmpi eq, %arg0, %eq3A_12 : i32
    %convert_element_type3A_14 = arith.extui %eq3A_13 : i1 to i32
    %cond3A_15 = arith.constant 0 : i32
    %cond3A_16 = arith.cmpi ne, %convert_element_type3A_14, %cond3A_15 : i32
    scf.if %cond3A_16 {
      %get3A_17 = arith.constant 0 : index
      %get3A_18 = arith.constant 0 : index
      %get3A_19 = vector.load %arg6[%get3A_17, %get3A_18] : memref<1x128xf32, #tpu.memory_space<vmem>>, vector<1x128xf32>
      %mul3A_20 = arith.constant 9.99999974E-5 : f32
      %mul3A_21 = vector.broadcast %mul3A_20 : f32 to vector<1x128xf32>
      %mul3A_22 = arith.mulf %get3A_19, %mul3A_21 : vector<1x128xf32>
      %get3A_23 = arith.constant 0 : index
      %get3A_24 = arith.constant 0 : index
      %get3A_25 = vector.load %arg7[%get3A_23, %get3A_24] : memref<1x128xf32, #tpu.memory_space<vmem>>, vector<1x128xf32>
      %mul3A_26 = arith.constant 9.99999974E-5 : f32
      %mul3A_27 = vector.broadcast %mul3A_26 : f32 to vector<1x128xf32>
      %mul3A_28 = arith.mulf %get3A_25, %mul3A_27 : vector<1x128xf32>
      %mul3A_29 = arith.mulf %mul3A_22, %mul3A_22 : vector<1x128xf32>
      %sub3A = arith.subf %mul3A_28, %mul3A_29 : vector<1x128xf32>
      %get3A_30 = arith.constant 0 : index
      %get3A_31 = arith.constant 0 : index
      %get3A_32 = vector.load %arg2[%get3A_30, %get3A_31] : memref<1x128xf32, #tpu.memory_space<vmem>>, vector<1x128xf32>
      %add3A = arith.constant 9.99999974E-6 : f32
      %add3A_33 = vector.broadcast %add3A : f32 to vector<1x128xf32>
      %add3A_34 = arith.addf %sub3A, %add3A_33 : vector<1x128xf32>
      %rsqrt3A = math.rsqrt %add3A_34 : vector<1x128xf32>
      %mul3A_35 = arith.mulf %get3A_32, %rsqrt3A : vector<1x128xf32>
      %swap3A = arith.constant 0 : index
      %swap3A_36 = arith.constant 0 : index
      %swap3A_37 = vector.load %arg4[%swap3A, %swap3A_36] : memref<1x128xf32, #tpu.memory_space<vmem>>, vector<1x128xf32>
      tpu.vector_store %arg4[%swap3A, %swap3A_36], %mul3A_35 {strides = array<i32>} : memref<1x128xf32, #tpu.memory_space<vmem>>, vector<1x128xf32>,
      %get3A_38 = arith.constant 0 : index
      %get3A_39 = arith.constant 0 : index
      %get3A_40 = vector.load %arg3[%get3A_38, %get3A_39] : memref<1x128xf32, #tpu.memory_space<vmem>>, vector<1x128xf32>
      %mul3A_41 = arith.mulf %mul3A_22, %mul3A_35 : vector<1x128xf32>
      %sub3A_42 = arith.subf %get3A_40, %mul3A_41 : vector<1x128xf32>
      %swap3A_43 = arith.constant 0 : index
      %swap3A_44 = arith.constant 0 : index
      %swap3A_45 = vector.load %arg5[%swap3A_43, %swap3A_44] : memref<1x128xf32, #tpu.memory_space<vmem>>, vector<1x128xf32>
      tpu.vector_store %arg5[%swap3A_43, %swap3A_44], %sub3A_42 {strides = array<i32>} : memref<1x128xf32, #tpu.memory_space<vmem>>, vector<1x128xf32>,
    } else {
    }
    return
  }
  func.func @transform_0(%arg0: i32) -> (i32, i32) {
    %c0_i32 = arith.constant 0 : i32
    %c0_i32_0 = arith.constant 0 : i32
    return %arg0, %c0_i32 : i32, i32
  }
  func.func @transform_1(%arg0: i32) -> (i32, i32) {
    %c0_i32 = arith.constant 0 : i32
    %c0_i32_0 = arith.constant 0 : i32
    %c0_i32_1 = arith.constant 0 : i32
    return %c0_i32, %c0_i32_0 : i32, i32
  }
  func.func @transform_2(%arg0: i32) -> (i32, i32) {
    %c0_i32 = arith.constant 0 : i32
    %c0_i32_0 = arith.constant 0 : i32
    %c0_i32_1 = arith.constant 0 : i32
    return %c0_i32, %c0_i32_0 : i32, i32
  }
  func.func @transform_3(%arg0: i32) -> (i32, i32) {
    %c0_i32 = arith.constant 0 : i32
    %c0_i32_0 = arith.constant 0 : i32
    %c0_i32_1 = arith.constant 0 : i32
    return %c0_i32, %c0_i32_0 : i32, i32
  }
  func.func @transform_4(%arg0: i32) -> (i32, i32) {
    %c0_i32 = arith.constant 0 : i32
    %c0_i32_0 = arith.constant 0 : i32
    %c0_i32_1 = arith.constant 0 : i32
    return %c0_i32, %c0_i32_0 : i32, i32
  }
}

module attributes {stable_mosaic.version = 14 : i64} {
  func.func @_mm_relu_body(%arg0: i32, %arg1: memref<1000x128xf32, #tpu.memory_space<vmem>>, %arg2: memref<1x128xf32, #tpu.memory_space<vmem>>, %arg3: memref<1x128xf32, #tpu.memory_space<vmem>>, %arg4: memref<128x128xf32, #tpu.memory_space<vmem>>, %arg5: memref<1000x128xf32, #tpu.memory_space<vmem>>) attributes {dimension_semantics = [#tpu.dimension_semantics<arbitrary>], iteration_bounds = array<i64: 10>, scalar_prefetch = 0 : i64, scratch_operands = 0 : i64, tpu.core_type = #tpu.core_type<tc>, window_params = [{transform_indices = @transform_0, window_bounds = array<i64: 1000, 128>}, {pipeline_mode = #tpu.pipeline_mode<synchronous>, transform_indices = @transform_1, window_bounds = array<i64: 1, 128>}, {pipeline_mode = #tpu.pipeline_mode<synchronous>, transform_indices = @transform_2, window_bounds = array<i64: 1, 128>}, {pipeline_mode = #tpu.pipeline_mode<synchronous>, transform_indices = @transform_3, window_bounds = array<i64: 128, 128>}, {transform_indices = @transform_4, window_bounds = array<i64: 1000, 128>}]} {
    %get3A = arith.constant 0 : index
    %get3A_0 = arith.constant 0 : index
    %get3A_1 = vector.load %arg1[%get3A, %get3A_0] : memref<1000x128xf32, #tpu.memory_space<vmem>>, vector<1000x128xf32>
    %get3A_2 = arith.constant 0 : index
    %get3A_3 = arith.constant 0 : index
    %get3A_4 = vector.load %arg2[%get3A_2, %get3A_3] : memref<1x128xf32, #tpu.memory_space<vmem>>, vector<1x128xf32>
    %mul3A = vector.broadcast %get3A_4 : vector<1x128xf32> to vector<1000x128xf32>
    %mul3A_5 = arith.mulf %get3A_1, %mul3A : vector<1000x128xf32>
    %get3A_6 = arith.constant 0 : index
    %get3A_7 = arith.constant 0 : index
    %get3A_8 = vector.load %arg3[%get3A_6, %get3A_7] : memref<1x128xf32, #tpu.memory_space<vmem>>, vector<1x128xf32>
    %add3A = vector.broadcast %get3A_8 : vector<1x128xf32> to vector<1000x128xf32>
    %add3A_9 = arith.addf %mul3A_5, %add3A : vector<1000x128xf32>
    %get3A_10 = arith.constant 0 : index
    %get3A_11 = arith.constant 0 : index
    %get3A_12 = vector.load %arg4[%get3A_10, %get3A_11] : memref<128x128xf32, #tpu.memory_space<vmem>>, vector<128x128xf32>
    %dot_general3A = arith.constant dense<0.000000e+00> : vector<1000x128xf32>
    %dot_general3A_13 = tpu.matmul %add3A_9, %get3A_12, %dot_general3A {dimension_numbers = #tpu.dot_dimension_numbers<[1], [0], [0], [1], [0, 0, 1, 1], [], []>, transpose_lhs_hint = false} : vector<1000x128xf32>, vector<128x128xf32>, vector<1000x128xf32> -> vector<1000x128xf32>
    %max3A = arith.constant 0.000000e+00 : f32
    %max3A_14 = vector.broadcast %max3A : f32 to vector<1000x128xf32>
    %max3A_15 = arith.maximumf %dot_general3A_13, %max3A_14 : vector<1000x128xf32>
    %swap3A = arith.constant 0 : index
    %swap3A_16 = arith.constant 0 : index
    %swap3A_17 = vector.load %arg5[%swap3A, %swap3A_16] : memref<1000x128xf32, #tpu.memory_space<vmem>>, vector<1000x128xf32>
    tpu.vector_store %arg5[%swap3A, %swap3A_16], %max3A_15 {strides = array<i32>} : memref<1000x128xf32, #tpu.memory_space<vmem>>, vector<1000x128xf32>,
    return
  }
  func.func @transform_0(%arg0: i32) -> (i32, i32) {
    %c0_i32 = arith.constant 0 : i32
    %c0_i32_0 = arith.constant 0 : i32
    return %arg0, %c0_i32 : i32, i32
  }
  func.func @transform_1(%arg0: i32) -> (i32, i32) {
    %c0_i32 = arith.constant 0 : i32
    %c0_i32_0 = arith.constant 0 : i32
    %c0_i32_1 = arith.constant 0 : i32
    return %c0_i32, %c0_i32_0 : i32, i32
  }
  func.func @transform_2(%arg0: i32) -> (i32, i32) {
    %c0_i32 = arith.constant 0 : i32
    %c0_i32_0 = arith.constant 0 : i32
    %c0_i32_1 = arith.constant 0 : i32
    return %c0_i32, %c0_i32_0 : i32, i32
  }
  func.func @transform_3(%arg0: i32) -> (i32, i32) {
    %c0_i32 = arith.constant 0 : i32
    %c0_i32_0 = arith.constant 0 : i32
    %c0_i32_1 = arith.constant 0 : i32
    return %c0_i32, %c0_i32_0 : i32, i32
  }
  func.func @transform_4(%arg0: i32) -> (i32, i32) {
    %c0_i32 = arith.constant 0 : i32
    %c0_i32_0 = arith.constant 0 : i32
    return %arg0, %c0_i32 : i32, i32
  }
}

module attributes {stable_mosaic.version = 14 : i64} {
  func.func @_dis_body(%arg0: i32, %arg1: memref<1000x32xf32, #tpu.memory_space<vmem>>, %arg2: memref<1000x1xf32, #tpu.memory_space<vmem>>) attributes {dimension_semantics = [#tpu.dimension_semantics<arbitrary>], iteration_bounds = array<i64: 10>, scalar_prefetch = 0 : i64, scratch_operands = 0 : i64, tpu.core_type = #tpu.core_type<tc>, window_params = [{transform_indices = @transform_0, window_bounds = array<i64: 1000, 32>}, {transform_indices = @transform_1, window_bounds = array<i64: 1000, 1>}]} {
    %get3A = arith.constant 0 : index
    %get3A_0 = arith.constant 0 : index
    %get3A_1 = vector.load %arg1[%get3A, %get3A_0] : memref<1000x32xf32, #tpu.memory_space<vmem>>, vector<1000x32xf32>
    %reduce_sum3A = arith.constant dense<0.000000e+00> : vector<1000xf32>
    %reduce_sum3A_2 = vector.multi_reduction <add>, %get3A_1, %reduce_sum3A [1] : vector<1000x32xf32> to vector<1000xf32>
    %broadcast_in_dim3A = vector.shape_cast %reduce_sum3A_2 : vector<1000xf32> to vector<1000x1xf32>
    %add3A = arith.constant 1.000000e+00 : f32
    %add3A_3 = vector.broadcast %add3A : f32 to vector<1000x1xf32>
    %add3A_4 = arith.addf %add3A_3, %broadcast_in_dim3A : vector<1000x1xf32>
    %rsqrt3A = math.rsqrt %add3A_4 : vector<1000x1xf32>
    %swap3A = arith.constant 0 : index
    %swap3A_5 = arith.constant 0 : index
    %swap3A_6 = vector.load %arg2[%swap3A, %swap3A_5] : memref<1000x1xf32, #tpu.memory_space<vmem>>, vector<1000x1xf32>
    tpu.vector_store %arg2[%swap3A, %swap3A_5], %rsqrt3A {strides = array<i32>} : memref<1000x1xf32, #tpu.memory_space<vmem>>, vector<1000x1xf32>,
    return
  }
  func.func @transform_0(%arg0: i32) -> (i32, i32) {
    %c0_i32 = arith.constant 0 : i32
    %c0_i32_0 = arith.constant 0 : i32
    return %arg0, %c0_i32 : i32, i32
  }
  func.func @transform_1(%arg0: i32) -> (i32, i32) {
    %c0_i32 = arith.constant 0 : i32
    %c0_i32_0 = arith.constant 0 : i32
    return %arg0, %c0_i32 : i32, i32
  }
}

module attributes {stable_mosaic.version = 14 : i64} {
  func.func @_mm_dis_body(%arg0: i32, %arg1: memref<1000x128xf32, #tpu.memory_space<vmem>>, %arg2: memref<1x128xf32, #tpu.memory_space<vmem>>, %arg3: memref<1x128xf32, #tpu.memory_space<vmem>>, %arg4: memref<128x128xf32, #tpu.memory_space<vmem>>, %arg5: memref<1000x1xf32, #tpu.memory_space<vmem>>, %arg6: memref<1000x128xf32, #tpu.memory_space<vmem>>) attributes {dimension_semantics = [#tpu.dimension_semantics<arbitrary>], iteration_bounds = array<i64: 11>, scalar_prefetch = 0 : i64, scratch_operands = 0 : i64, tpu.core_type = #tpu.core_type<tc>, window_params = [{transform_indices = @transform_0, window_bounds = array<i64: 1000, 128>}, {pipeline_mode = #tpu.pipeline_mode<synchronous>, transform_indices = @transform_1, window_bounds = array<i64: 1, 128>}, {pipeline_mode = #tpu.pipeline_mode<synchronous>, transform_indices = @transform_2, window_bounds = array<i64: 1, 128>}, {pipeline_mode = #tpu.pipeline_mode<synchronous>, transform_indices = @transform_3, window_bounds = array<i64: 128, 128>}, {transform_indices = @transform_4, window_bounds = array<i64: 1000, 1>}, {transform_indices = @transform_5, window_bounds = array<i64: 1000, 128>}]} {
    %get3A = arith.constant 0 : index
    %get3A_0 = arith.constant 0 : index
    %get3A_1 = vector.load %arg1[%get3A, %get3A_0] : memref<1000x128xf32, #tpu.memory_space<vmem>>, vector<1000x128xf32>
    %get3A_2 = arith.constant 0 : index
    %get3A_3 = arith.constant 0 : index
    %get3A_4 = vector.load %arg2[%get3A_2, %get3A_3] : memref<1x128xf32, #tpu.memory_space<vmem>>, vector<1x128xf32>
    %mul3A = vector.broadcast %get3A_4 : vector<1x128xf32> to vector<1000x128xf32>
    %mul3A_5 = arith.mulf %get3A_1, %mul3A : vector<1000x128xf32>
    %get3A_6 = arith.constant 0 : index
    %get3A_7 = arith.constant 0 : index
    %get3A_8 = vector.load %arg3[%get3A_6, %get3A_7] : memref<1x128xf32, #tpu.memory_space<vmem>>, vector<1x128xf32>
    %add3A = vector.broadcast %get3A_8 : vector<1x128xf32> to vector<1000x128xf32>
    %add3A_9 = arith.addf %mul3A_5, %add3A : vector<1000x128xf32>
    %get3A_10 = arith.constant 0 : index
    %get3A_11 = arith.constant 0 : index
    %get3A_12 = vector.load %arg4[%get3A_10, %get3A_11] : memref<128x128xf32, #tpu.memory_space<vmem>>, vector<128x128xf32>
    %dot_general3A = arith.constant dense<0.000000e+00> : vector<1000x128xf32>
    %dot_general3A_13 = tpu.matmul %add3A_9, %get3A_12, %dot_general3A {dimension_numbers = #tpu.dot_dimension_numbers<[1], [0], [0], [1], [0, 0, 1, 1], [], []>, transpose_lhs_hint = false} : vector<1000x128xf32>, vector<128x128xf32>, vector<1000x128xf32> -> vector<1000x128xf32>
    %get3A_14 = arith.constant 0 : index
    %get3A_15 = arith.constant 0 : index
    %get3A_16 = vector.load %arg5[%get3A_14, %get3A_15] : memref<1000x1xf32, #tpu.memory_space<vmem>>, vector<1000x1xf32>
    %mul3A_17 = vector.broadcast %get3A_16 : vector<1000x1xf32> to vector<1000x128xf32>
    %mul3A_18 = arith.mulf %dot_general3A_13, %mul3A_17 : vector<1000x128xf32>
    %lt3A = arith.constant 10 : i32
    %lt3A_19 = arith.cmpi slt, %arg0, %lt3A : i32
    %jit3A = arith.constant 0.000000e+00 : f32
    %broadcast_in_dim3A = vector.broadcast %jit3A : f32 to vector<1000x128xf32>
    %select_n3A = arith.select %lt3A_19, %mul3A_18, %broadcast_in_dim3A : vector<1000x128xf32>
    %swap3A = arith.constant 0 : index
    %swap3A_20 = arith.constant 0 : index
    %swap3A_21 = vector.load %arg6[%swap3A, %swap3A_20] : memref<1000x128xf32, #tpu.memory_space<vmem>>, vector<1000x128xf32>
    tpu.vector_store %arg6[%swap3A, %swap3A_20], %select_n3A {strides = array<i32>} : memref<1000x128xf32, #tpu.memory_space<vmem>>, vector<1000x128xf32>,
    return
  }
  func.func @transform_0(%arg0: i32) -> (i32, i32) {
    %min3A = arith.constant 9 : i32
    %min3A_0 = arith.minsi %arg0, %min3A : i32
    %c0_i32 = arith.constant 0 : i32
    %c0_i32_1 = arith.constant 0 : i32
    return %min3A_0, %c0_i32 : i32, i32
  }
  func.func @transform_1(%arg0: i32) -> (i32, i32) {
    %c0_i32 = arith.constant 0 : i32
    %c0_i32_0 = arith.constant 0 : i32
    %c0_i32_1 = arith.constant 0 : i32
    return %c0_i32, %c0_i32_0 : i32, i32
  }
  func.func @transform_2(%arg0: i32) -> (i32, i32) {
    %c0_i32 = arith.constant 0 : i32
    %c0_i32_0 = arith.constant 0 : i32
    %c0_i32_1 = arith.constant 0 : i32
    return %c0_i32, %c0_i32_0 : i32, i32
  }
  func.func @transform_3(%arg0: i32) -> (i32, i32) {
    %c0_i32 = arith.constant 0 : i32
    %c0_i32_0 = arith.constant 0 : i32
    %c0_i32_1 = arith.constant 0 : i32
    return %c0_i32, %c0_i32_0 : i32, i32
  }
  func.func @transform_4(%arg0: i32) -> (i32, i32) {
    %min3A = arith.constant 9 : i32
    %min3A_0 = arith.minsi %arg0, %min3A : i32
    %c0_i32 = arith.constant 0 : i32
    %c0_i32_1 = arith.constant 0 : i32
    return %min3A_0, %c0_i32 : i32, i32
  }
  func.func @transform_5(%arg0: i32) -> (i32, i32) {
    %c0_i32 = arith.constant 0 : i32
    %c0_i32_0 = arith.constant 0 : i32
    return %arg0, %c0_i32 : i32, i32
  }
}

module attributes {stable_mosaic.version = 14 : i64} {
  func.func @_epi_body(%arg0: i32, %arg1: memref<1000x128xf32, #tpu.memory_space<vmem>>, %arg2: memref<1000x128xf32, #tpu.memory_space<vmem>>, %arg3: memref<1000x1xf32, #tpu.memory_space<vmem>>, %arg4: memref<1x128xf32, #tpu.memory_space<vmem>>, %arg5: memref<1000x128xf32, #tpu.memory_space<vmem>>) attributes {dimension_semantics = [#tpu.dimension_semantics<arbitrary>], iteration_bounds = array<i64: 10>, scalar_prefetch = 0 : i64, scratch_operands = 0 : i64, tpu.core_type = #tpu.core_type<tc>, window_params = [{transform_indices = @transform_0, window_bounds = array<i64: 1000, 128>}, {transform_indices = @transform_1, window_bounds = array<i64: 1000, 128>}, {transform_indices = @transform_2, window_bounds = array<i64: 1000, 1>}, {pipeline_mode = #tpu.pipeline_mode<synchronous>, transform_indices = @transform_3, window_bounds = array<i64: 1, 128>}, {transform_indices = @transform_4, window_bounds = array<i64: 1000, 128>}]} {
    %get3A = arith.constant 0 : index
    %get3A_0 = arith.constant 0 : index
    %get3A_1 = vector.load %arg1[%get3A, %get3A_0] : memref<1000x128xf32, #tpu.memory_space<vmem>>, vector<1000x128xf32>
    %get3A_2 = arith.constant 0 : index
    %get3A_3 = arith.constant 0 : index
    %get3A_4 = vector.load %arg2[%get3A_2, %get3A_3] : memref<1000x128xf32, #tpu.memory_space<vmem>>, vector<1000x128xf32>
    %add3A = arith.addf %get3A_1, %get3A_4 : vector<1000x128xf32>
    %get3A_5 = arith.constant 0 : index
    %get3A_6 = arith.constant 0 : index
    %get3A_7 = vector.load %arg3[%get3A_5, %get3A_6] : memref<1000x1xf32, #tpu.memory_space<vmem>>, vector<1000x1xf32>
    %mul3A = vector.broadcast %get3A_7 : vector<1000x1xf32> to vector<1000x128xf32>
    %mul3A_8 = arith.mulf %add3A, %mul3A : vector<1000x128xf32>
    %get3A_9 = arith.constant 0 : index
    %get3A_10 = arith.constant 0 : index
    %get3A_11 = vector.load %arg4[%get3A_9, %get3A_10] : memref<1x128xf32, #tpu.memory_space<vmem>>, vector<1x128xf32>
    %add3A_12 = vector.broadcast %get3A_11 : vector<1x128xf32> to vector<1000x128xf32>
    %add3A_13 = arith.addf %mul3A_8, %add3A_12 : vector<1000x128xf32>
    %max3A = arith.constant 0.000000e+00 : f32
    %max3A_14 = vector.broadcast %max3A : f32 to vector<1000x128xf32>
    %max3A_15 = arith.maximumf %add3A_13, %max3A_14 : vector<1000x128xf32>
    %swap3A = arith.constant 0 : index
    %swap3A_16 = arith.constant 0 : index
    %swap3A_17 = vector.load %arg5[%swap3A, %swap3A_16] : memref<1000x128xf32, #tpu.memory_space<vmem>>, vector<1000x128xf32>
    tpu.vector_store %arg5[%swap3A, %swap3A_16], %max3A_15 {strides = array<i32>} : memref<1000x128xf32, #tpu.memory_space<vmem>>, vector<1000x128xf32>,
    return
  }
  func.func @transform_0(%arg0: i32) -> (i32, i32) {
    %c0_i32 = arith.constant 0 : i32
    %c0_i32_0 = arith.constant 0 : i32
    return %arg0, %c0_i32 : i32, i32
  }
  func.func @transform_1(%arg0: i32) -> (i32, i32) {
    %c0_i32 = arith.constant 0 : i32
    %c0_i32_0 = arith.constant 0 : i32
    return %arg0, %c0_i32 : i32, i32
  }
  func.func @transform_2(%arg0: i32) -> (i32, i32) {
    %c0_i32 = arith.constant 0 : i32
    %c0_i32_0 = arith.constant 0 : i32
    return %arg0, %c0_i32 : i32, i32
  }
  func.func @transform_3(%arg0: i32) -> (i32, i32) {
    %c0_i32 = arith.constant 0 : i32
    %c0_i32_0 = arith.constant 0 : i32
    %c0_i32_1 = arith.constant 0 : i32
    return %c0_i32, %c0_i32_0 : i32, i32
  }
  func.func @transform_4(%arg0: i32) -> (i32, i32) {
    %c0_i32 = arith.constant 0 : i32
    %c0_i32_0 = arith.constant 0 : i32
    return %arg0, %c0_i32 : i32, i32
  }
}

module attributes {stable_mosaic.version = 14 : i64} {
  func.func @_pool_body(%arg0: i32, %arg1: memref<1x1x1000xi32, #tpu.memory_space<vmem>>, %arg2: memref<1000x128xf32, #tpu.memory_space<vmem>>, %arg3: memref<128x128xf32, #tpu.memory_space<vmem>>) attributes {dimension_semantics = [#tpu.dimension_semantics<arbitrary>], iteration_bounds = array<i64: 10>, scalar_prefetch = 0 : i64, scratch_operands = 0 : i64, tpu.core_type = #tpu.core_type<tc>, window_params = [{transform_indices = @transform_0, window_bounds = array<i64: 1, 1, 1000>}, {transform_indices = @transform_1, window_bounds = array<i64: 1000, 128>}, {pipeline_mode = #tpu.pipeline_mode<synchronous>, transform_indices = @transform_2, window_bounds = array<i64: 128, 128>}]} {
    %get3A = arith.constant 0 : index
    %get3A_0 = arith.constant 0 : index
    %get3A_1 = arith.constant 0 : index
    %get3A_2 = vector.load %arg1[%get3A, %get3A_0, %get3A_1] : memref<1x1x1000xi32, #tpu.memory_space<vmem>>, vector<1x1x1000xi32>
    %squeeze3A = vector.shape_cast %get3A_2 : vector<1x1x1000xi32> to vector<1x1000xi32>
    %iota3A = tpu.iota {dimensions = array<i32: 0>} : vector<128x1xi32>
    %eq3A = vector.broadcast %squeeze3A : vector<1x1000xi32> to vector<128x1000xi32>
    %eq3A_3 = vector.broadcast %iota3A : vector<128x1xi32> to vector<128x1000xi32>
    %eq3A_4 = arith.cmpi eq, %eq3A, %eq3A_3 : vector<128x1000xi32>
    %convert_element_type3A = arith.extui %eq3A_4 : vector<128x1000xi1> to vector<128x1000xi32>
    %convert_element_type3A_5 = arith.sitofp %convert_element_type3A : vector<128x1000xi32> to vector<128x1000xf32>
    %get3A_6 = arith.constant 0 : index
    %get3A_7 = arith.constant 0 : index
    %get3A_8 = vector.load %arg2[%get3A_6, %get3A_7] : memref<1000x128xf32, #tpu.memory_space<vmem>>, vector<1000x128xf32>
    %dot_general3A = arith.constant dense<0.000000e+00> : vector<128x128xf32>
    %dot_general3A_9 = tpu.matmul %convert_element_type3A_5, %get3A_8, %dot_general3A {dimension_numbers = #tpu.dot_dimension_numbers<[1], [0], [0], [1], [0, 0, 1, 1], [], []>, transpose_lhs_hint = false} : vector<128x1000xf32>, vector<1000x128xf32>, vector<128x128xf32> -> vector<128x128xf32>
    %eq3A_10 = arith.constant 0 : i32
    %eq3A_11 = arith.cmpi eq, %arg0, %eq3A_10 : i32
    %convert_element_type3A_12 = arith.extui %eq3A_11 : i1 to i32
    %cond3A = arith.constant 0 : i32
    %cond3A_13 = arith.cmpi ne, %convert_element_type3A_12, %cond3A : i32
    scf.if %cond3A_13 {
      %swap3A = arith.constant 0 : index
      %swap3A_18 = arith.constant 0 : index
      %swap3A_19 = vector.load %arg3[%swap3A, %swap3A_18] : memref<128x128xf32, #tpu.memory_space<vmem>>, vector<128x128xf32>
      tpu.vector_store %arg3[%swap3A, %swap3A_18], %dot_general3A_9 {strides = array<i32>} : memref<128x128xf32, #tpu.memory_space<vmem>>, vector<128x128xf32>,
    } else {
    }
    %gt3A = arith.constant 0 : i32
    %gt3A_14 = arith.cmpi sgt, %arg0, %gt3A : i32
    %convert_element_type3A_15 = arith.extui %gt3A_14 : i1 to i32
    %cond3A_16 = arith.constant 0 : i32
    %cond3A_17 = arith.cmpi ne, %convert_element_type3A_15, %cond3A_16 : i32
    scf.if %cond3A_17 {
      %get3A_18 = arith.constant 0 : index
      %get3A_19 = arith.constant 0 : index
      %get3A_20 = vector.load %arg3[%get3A_18, %get3A_19] : memref<128x128xf32, #tpu.memory_space<vmem>>, vector<128x128xf32>
      %add3A = arith.addf %get3A_20, %dot_general3A_9 : vector<128x128xf32>
      %swap3A = arith.constant 0 : index
      %swap3A_21 = arith.constant 0 : index
      %swap3A_22 = vector.load %arg3[%swap3A, %swap3A_21] : memref<128x128xf32, #tpu.memory_space<vmem>>, vector<128x128xf32>
      tpu.vector_store %arg3[%swap3A, %swap3A_21], %add3A {strides = array<i32>} : memref<128x128xf32, #tpu.memory_space<vmem>>, vector<128x128xf32>,
    } else {
    }
    return
  }
  func.func @transform_0(%arg0: i32) -> (i32, i32, i32) {
    %c0_i32 = arith.constant 0 : i32
    %c0_i32_0 = arith.constant 0 : i32
    %c0_i32_1 = arith.constant 0 : i32
    return %arg0, %c0_i32, %c0_i32_0 : i32, i32, i32
  }
  func.func @transform_1(%arg0: i32) -> (i32, i32) {
    %c0_i32 = arith.constant 0 : i32
    %c0_i32_0 = arith.constant 0 : i32
    return %arg0, %c0_i32 : i32, i32
  }
  func.func @transform_2(%arg0: i32) -> (i32, i32) {
    %c0_i32 = arith.constant 0 : i32
    %c0_i32_0 = arith.constant 0 : i32
    %c0_i32_1 = arith.constant 0 : i32
    return %c0_i32, %c0_i32_0 : i32, i32
  }
}

module attributes {stable_mosaic.version = 14 : i64} {
  func.func @_head_body(%arg0: memref<128x128xf32, #tpu.memory_space<vmem>>, %arg1: memref<1x128xf32, #tpu.memory_space<vmem>>, %arg2: memref<1x128xf32, #tpu.memory_space<vmem>>, %arg3: memref<128x128xf32, #tpu.memory_space<vmem>>, %arg4: memref<1x128xf32, #tpu.memory_space<vmem>>, %arg5: memref<1x128xf32, #tpu.memory_space<vmem>>, %arg6: memref<1x128xf32, #tpu.memory_space<vmem>>, %arg7: memref<128x128xf32, #tpu.memory_space<vmem>>, %arg8: memref<1x128xf32, #tpu.memory_space<vmem>>, %arg9: memref<128x128xf32, #tpu.memory_space<vmem>>) attributes {dimension_semantics = [], scalar_prefetch = 0 : i64, scratch_operands = 0 : i64, tpu.core_type = #tpu.core_type<tc>} {
    %get3A = arith.constant 0 : index
    %get3A_0 = arith.constant 0 : index
    %get3A_1 = vector.load %arg0[%get3A, %get3A_0] : memref<128x128xf32, #tpu.memory_space<vmem>>, vector<128x128xf32>
    %reduce_sum3A = arith.constant dense<0.000000e+00> : vector<128xf32>
    %reduce_sum3A_2 = vector.multi_reduction <add>, %get3A_1, %reduce_sum3A [0] : vector<128x128xf32> to vector<128xf32>
    %broadcast_in_dim3A = vector.shape_cast %reduce_sum3A_2 : vector<128xf32> to vector<1x128xf32>
    %div3A = arith.constant 1.280000e+02 : f32
    %div3A_3 = vector.broadcast %div3A : f32 to vector<1x128xf32>
    %div3A_4 = arith.divf %broadcast_in_dim3A, %div3A_3 : vector<1x128xf32>
    %mul3A = arith.mulf %get3A_1, %get3A_1 : vector<128x128xf32>
    %reduce_sum3A_5 = arith.constant dense<0.000000e+00> : vector<128xf32>
    %reduce_sum3A_6 = vector.multi_reduction <add>, %mul3A, %reduce_sum3A_5 [0] : vector<128x128xf32> to vector<128xf32>
    %broadcast_in_dim3A_7 = vector.shape_cast %reduce_sum3A_6 : vector<128xf32> to vector<1x128xf32>
    %div3A_8 = arith.constant 1.280000e+02 : f32
    %div3A_9 = vector.broadcast %div3A_8 : f32 to vector<1x128xf32>
    %div3A_10 = arith.divf %broadcast_in_dim3A_7, %div3A_9 : vector<1x128xf32>
    %mul3A_11 = arith.mulf %div3A_4, %div3A_4 : vector<1x128xf32>
    %sub3A = arith.subf %div3A_10, %mul3A_11 : vector<1x128xf32>
    %get3A_12 = arith.constant 0 : index
    %get3A_13 = arith.constant 0 : index
    %get3A_14 = vector.load %arg1[%get3A_12, %get3A_13] : memref<1x128xf32, #tpu.memory_space<vmem>>, vector<1x128xf32>
    %sub3A_15 = vector.broadcast %div3A_4 : vector<1x128xf32> to vector<128x128xf32>
    %sub3A_16 = arith.subf %get3A_1, %sub3A_15 : vector<128x128xf32>
    %mul3A_17 = vector.broadcast %get3A_14 : vector<1x128xf32> to vector<128x128xf32>
    %mul3A_18 = arith.mulf %mul3A_17, %sub3A_16 : vector<128x128xf32>
    %add3A = arith.constant 9.99999974E-6 : f32
    %add3A_19 = vector.broadcast %add3A : f32 to vector<1x128xf32>
    %add3A_20 = arith.addf %sub3A, %add3A_19 : vector<1x128xf32>
    %rsqrt3A = math.rsqrt %add3A_20 : vector<1x128xf32>
    %mul3A_21 = vector.broadcast %rsqrt3A : vector<1x128xf32> to vector<128x128xf32>
    %mul3A_22 = arith.mulf %mul3A_18, %mul3A_21 : vector<128x128xf32>
    %get3A_23 = arith.constant 0 : index
    %get3A_24 = arith.constant 0 : index
    %get3A_25 = vector.load %arg2[%get3A_23, %get3A_24] : memref<1x128xf32, #tpu.memory_space<vmem>>, vector<1x128xf32>
    %add3A_26 = vector.broadcast %get3A_25 : vector<1x128xf32> to vector<128x128xf32>
    %add3A_27 = arith.addf %mul3A_22, %add3A_26 : vector<128x128xf32>
    %get3A_28 = arith.constant 0 : index
    %get3A_29 = arith.constant 0 : index
    %get3A_30 = vector.load %arg3[%get3A_28, %get3A_29] : memref<128x128xf32, #tpu.memory_space<vmem>>, vector<128x128xf32>
    %dot_general3A = arith.constant dense<0.000000e+00> : vector<128x128xf32>
    %dot_general3A_31 = tpu.matmul %add3A_27, %get3A_30, %dot_general3A {dimension_numbers = #tpu.dot_dimension_numbers<[1], [0], [0], [1], [0, 0, 1, 1], [], []>, transpose_lhs_hint = false} : vector<128x128xf32>, vector<128x128xf32>, vector<128x128xf32> -> vector<128x128xf32>
    %get3A_32 = arith.constant 0 : index
    %get3A_33 = arith.constant 0 : index
    %get3A_34 = vector.load %arg4[%get3A_32, %get3A_33] : memref<1x128xf32, #tpu.memory_space<vmem>>, vector<1x128xf32>
    %add3A_35 = vector.broadcast %get3A_34 : vector<1x128xf32> to vector<128x128xf32>
    %add3A_36 = arith.addf %dot_general3A_31, %add3A_35 : vector<128x128xf32>
    %max3A = arith.constant 0.000000e+00 : f32
    %max3A_37 = vector.broadcast %max3A : f32 to vector<128x128xf32>
    %max3A_38 = arith.maximumf %add3A_36, %max3A_37 : vector<128x128xf32>
    %reduce_sum3A_39 = arith.constant dense<0.000000e+00> : vector<128xf32>
    %reduce_sum3A_40 = vector.multi_reduction <add>, %max3A_38, %reduce_sum3A_39 [0] : vector<128x128xf32> to vector<128xf32>
    %broadcast_in_dim3A_41 = vector.shape_cast %reduce_sum3A_40 : vector<128xf32> to vector<1x128xf32>
    %div3A_42 = arith.constant 1.280000e+02 : f32
    %div3A_43 = vector.broadcast %div3A_42 : f32 to vector<1x128xf32>
    %div3A_44 = arith.divf %broadcast_in_dim3A_41, %div3A_43 : vector<1x128xf32>
    %mul3A_45 = arith.mulf %max3A_38, %max3A_38 : vector<128x128xf32>
    %reduce_sum3A_46 = arith.constant dense<0.000000e+00> : vector<128xf32>
    %reduce_sum3A_47 = vector.multi_reduction <add>, %mul3A_45, %reduce_sum3A_46 [0] : vector<128x128xf32> to vector<128xf32>
    %broadcast_in_dim3A_48 = vector.shape_cast %reduce_sum3A_47 : vector<128xf32> to vector<1x128xf32>
    %div3A_49 = arith.constant 1.280000e+02 : f32
    %div3A_50 = vector.broadcast %div3A_49 : f32 to vector<1x128xf32>
    %div3A_51 = arith.divf %broadcast_in_dim3A_48, %div3A_50 : vector<1x128xf32>
    %mul3A_52 = arith.mulf %div3A_44, %div3A_44 : vector<1x128xf32>
    %sub3A_53 = arith.subf %div3A_51, %mul3A_52 : vector<1x128xf32>
    %get3A_54 = arith.constant 0 : index
    %get3A_55 = arith.constant 0 : index
    %get3A_56 = vector.load %arg5[%get3A_54, %get3A_55] : memref<1x128xf32, #tpu.memory_space<vmem>>, vector<1x128xf32>
    %sub3A_57 = vector.broadcast %div3A_44 : vector<1x128xf32> to vector<128x128xf32>
    %sub3A_58 = arith.subf %max3A_38, %sub3A_57 : vector<128x128xf32>
    %mul3A_59 = vector.broadcast %get3A_56 : vector<1x128xf32> to vector<128x128xf32>
    %mul3A_60 = arith.mulf %mul3A_59, %sub3A_58 : vector<128x128xf32>
    %add3A_61 = arith.constant 9.99999974E-6 : f32
    %add3A_62 = vector.broadcast %add3A_61 : f32 to vector<1x128xf32>
    %add3A_63 = arith.addf %sub3A_53, %add3A_62 : vector<1x128xf32>
    %rsqrt3A_64 = math.rsqrt %add3A_63 : vector<1x128xf32>
    %mul3A_65 = vector.broadcast %rsqrt3A_64 : vector<1x128xf32> to vector<128x128xf32>
    %mul3A_66 = arith.mulf %mul3A_60, %mul3A_65 : vector<128x128xf32>
    %get3A_67 = arith.constant 0 : index
    %get3A_68 = arith.constant 0 : index
    %get3A_69 = vector.load %arg6[%get3A_67, %get3A_68] : memref<1x128xf32, #tpu.memory_space<vmem>>, vector<1x128xf32>
    %add3A_70 = vector.broadcast %get3A_69 : vector<1x128xf32> to vector<128x128xf32>
    %add3A_71 = arith.addf %mul3A_66, %add3A_70 : vector<128x128xf32>
    %get3A_72 = arith.constant 0 : index
    %get3A_73 = arith.constant 0 : index
    %get3A_74 = vector.load %arg7[%get3A_72, %get3A_73] : memref<128x128xf32, #tpu.memory_space<vmem>>, vector<128x128xf32>
    %dot_general3A_75 = arith.constant dense<0.000000e+00> : vector<128x128xf32>
    %dot_general3A_76 = tpu.matmul %add3A_71, %get3A_74, %dot_general3A_75 {dimension_numbers = #tpu.dot_dimension_numbers<[1], [0], [0], [1], [0, 0, 1, 1], [], []>, transpose_lhs_hint = false} : vector<128x128xf32>, vector<128x128xf32>, vector<128x128xf32> -> vector<128x128xf32>
    %get3A_77 = arith.constant 0 : index
    %get3A_78 = arith.constant 0 : index
    %get3A_79 = vector.load %arg8[%get3A_77, %get3A_78] : memref<1x128xf32, #tpu.memory_space<vmem>>, vector<1x128xf32>
    %add3A_80 = vector.broadcast %get3A_79 : vector<1x128xf32> to vector<128x128xf32>
    %add3A_81 = arith.addf %dot_general3A_76, %add3A_80 : vector<128x128xf32>
    %swap3A = arith.constant 0 : index
    %swap3A_82 = arith.constant 0 : index
    %swap3A_83 = vector.load %arg9[%swap3A, %swap3A_82] : memref<128x128xf32, #tpu.memory_space<vmem>>, vector<128x128xf32>
    tpu.vector_store %arg9[%swap3A, %swap3A_82], %add3A_81 {strides = array<i32>} : memref<128x128xf32, #tpu.memory_space<vmem>>, vector<128x128xf32>,
    return
  }
}

</mosaic_0001>

<sc_bundles>
// kernel: kernel.20.cloned.1.call-start
scs
__scs_entry_jumppad:
0x0: {  	(pc) =	sbr.rel $0x88, $3  }
0x1: {  	(tag) =	ssettag $0x0;
	lr =	simm.s32 $0x1  }
0x2: {  	[smem:$0x3F87] =	sst lr;
	_ =	strace $0xD0000000  }
0x3: {  	_ = 	snop  }
0x4: {  	_ = 	snop  }
0x5: {  	_ = 	snop  }
0x6: {  	_ = 	snop  }
0x7: {  	_ = 	snop  }
__scs_overlays_trampoline_lowered:
0x8: {  	[smem:$0x3F96] =	sst s0  }
0x9: {  	[smem:$0x3F97] =	sst s1  }
0xa: {  	[smem:$0x3F98] =	sst s2  }
0xb: {  	[smem:$0x3F99] =	sst s3  }
0xc: {  	[smem:$0x3F9A] =	sst s4  }
0xd: {  	[smem:$0x3F9B] =	sst s5  }
0xe: {  	[smem:$0x3F9C] =	sst s6  }
0xf: {  	[smem:$0x3F9D] =	sst s7  }
0x10: {  	[smem:$0x3F9E] =	sst s8  }
0x11: {  	[smem:$0x3F9F] =	sst s9;
	s0 =	simm.s32 @!p0 $0x0  }
0x12: {  	s1 =	sld [smem:$0x3F85];
	s0 =	simm.s32 @p0 $0x1  }
0x13: {  	[smem:$0x3FA0] =	sst s0;
	s0 =	simm.s32 @!p1 $0x0  }
0x14: {  	s2 =	sld [smem:$0x3F84];
	s0 =	simm.s32 @p1 $0x1  }
0x15: {  	[smem:$0x3FA1] =	sst s0;
	s0 =	simm.s32 @!p2 $0x0  }
0x16: {  	s3 =	sld [smem:$0x3FDB];
	s0 =	simm.s32 @p2 $0x1  }
0x17: {  	s4 =	simm.s32 $0x1BF5;
	[smem:$0x3FA3] =	sst s0  }
0x18: {  	s0 =	sld [smem:$0x3F86];
	_ =	swait.ge [sflag:s4], $0x0  }
0x19: {  	s7 =	sld [smem:$0x3F87]  }
0x1a: {  	s8 =	sadd.s32 $0xFFFFE003, lr  }
0x1b: {  	s9 =	sadd.s32 $0xFFFFFEF7, lr;
	s5 =	simm.s32 $0xFFFFFFFF;
	p2 =	slt.u32 s8, $0xFFFFF086  }
0x1c: {  	p1 =	slt.u32 s9, $0xF7A;
	s5 =	simm.s32 @!p2 $0x0  }
0x1d: {  	s5 =	simm.s32 @p1 $0x1;
	p0 =	seq.s32 s7, s2  }
0x1e: {  	s7 =	smul.u32 @!p0 $0xF7A, s2;
	p2 =	seq.s32 @!p0 s5, $0x0  }
0x1f: {  	s9 =	smul.u32 $0xF7A, s1;
	s8 =	simm.s32 @!p0 $0x1BF5;
	p2 =	por !p2, p0  }
0x20: {  	[sflag:s8] =	ssyncset.s32 @!p0 $0xFFFFF086;
	s6 =	sadd.s32 @!p0 s3, s7;
	s7 =	simm.s32 @!p0 $0x108  }
0x21: {  	s3 =	sadd.s32 s3, s9;
	s6 =	sadd.s32 @!p0 $0x88, s6;
	s7 =	simm.s32 @p2 $0x1082  }
0x22: {  	[simem:s7], [sflag:s8] =	dma.local @!p0 [hbm:s6], $0xF7A  }
0x23: {  	s9 =	sor.u32 $0xD0000000, s2;
	s6 =	simm.s32 $0x108;
	_ =	swait.ge @!p0 [sflag:s8], $0x0  }
0x24: {  	s3 =	sadd.s32 $0x88, s3;
	s6 =	simm.s32 @!p1 $0x1082;
	[sflag:s4] =	ssyncset.s32 $0xFFFFF086  }
0x25: {  	[simem:s6], [sflag:s4] =	dma.local [hbm:s3], $0xF7A  }
0x26: {  	[smem:$0x3F87] =	sst s1;
	(tag) =	ssettag s2;
	_ =	strace s9  }
0x27: {  	s1 =	sld [smem:$0x3F97]  }
0x28: {  	s2 =	sld [smem:$0x3F98]  }
0x29: {  	s4 =	sld [smem:$0x3F9A]  }
0x2a: {  	p0 =	seq.s32 s5, $0x0;
	s5 =	sld [smem:$0x3F9B]  }
0x2b: {  	s6 =	sld [smem:$0x3F9C]  }
0x2c: {  	s7 =	sld [smem:$0x3F9D]  }
0x2d: {  	s3 =	simm.s32 $0x108;
	s8 =	sld [smem:$0x3F9E]  }
0x2e: {  	s3 =	simm.s32 @!p0 $0x1082;
	s9 =	sld [smem:$0x3F9F]  }
0x2f: {  	lr =	sadd.s32 s0, s3;
	s0 =	sld [smem:$0x3F96]  }
0x30: {  	s3 =	sld [smem:$0x3F99]  }
0x31: {  	[smem:$0x3FA2] =	sst s10  }
0x32: {  	s10 =	sld [smem:$0x3FA0];
	_ =	sdelay $0x3  }
0x33: {  	p0 =	seq.s32 s10, $0x1;
	s10 =	sld [smem:$0x3FA2];
	_ =	sdelay $0x3  }
0x34: {  	[smem:$0x3FA2] =	sst s10  }
0x35: {  	s10 =	sld [smem:$0x3FA1];
	_ =	sdelay $0x3  }
0x36: {  	p1 =	seq.s32 s10, $0x1;
	s10 =	sld [smem:$0x3FA2];
	_ =	sdelay $0x3  }
0x37: {  	[smem:$0x3FA2] =	sst s10  }
0x38: {  	s10 =	sld [smem:$0x3FA3]  }
0x39: {  	_ = 	snop;
	(pc) =	sbr.ind lr, $3  }
0x3a: {  	_ = 	snop  }
0x3b: {  	_ = 	snop  }
0x3c: {  	p2 =	seq.s32 s10, $0x1;
	s10 =	sld [smem:$0x3FA2]  }
0x3d: {  	_ =	shalt  }
0x3e: {  	_ =	shalt  }
0x3f: {  	_ =	shalt  }
0x40: {  	_ =	shalt  }
0x41: {  	_ =	shalt  }
0x42: {  	_ =	shalt  }
0x43: {  	_ =	shalt  }
0x44: {  	_ =	shalt  }
0x45: {  	_ =	shalt  }
0x46: {  	_ =	shalt  }
0x47: {  	_ =	shalt  }
0x48: {  	_ =	shalt  }
0x49: {  	_ =	shalt  }
0x4a: {  	_ =	shalt  }
0x4b: {  	_ =	shalt  }
0x4c: {  	_ =	shalt  }
0x4d: {  	_ =	shalt  }
0x4e: {  	_ =	shalt  }
0x4f: {  	_ =	shalt  }
0x50: {  	_ =	shalt  }
0x51: {  	_ =	shalt  }
0x52: {  	_ =	shalt  }
0x53: {  	_ =	shalt  }
0x54: {  	_ =	shalt  }
0x55: {  	_ =	shalt  }
0x56: {  	_ =	shalt  }
0x57: {  	_ =	shalt  }
0x58: {  	_ =	shalt  }
0x59: {  	_ =	shalt  }
0x5a: {  	_ =	shalt  }
0x5b: {  	_ =	shalt  }
0x5c: {  	_ =	shalt  }
0x5d: {  	_ =	shalt  }
0x5e: {  	_ =	shalt  }
0x5f: {  	_ =	shalt  }
0x60: {  	_ =	shalt  }
0x61: {  	_ =	shalt  }
0x62: {  	_ =	shalt  }
0x63: {  	_ =	shalt  }
0x64: {  	_ =	shalt  }
0x65: {  	_ =	shalt  }
0x66: {  	_ =	shalt  }
0x67: {  	_ =	shalt  }
0x68: {  	_ =	shalt  }
0x69: {  	_ =	shalt  }
0x6a: {  	_ =	shalt  }
0x6b: {  	_ =	shalt  }
0x6c: {  	_ =	shalt  }
0x6d: {  	_ =	shalt  }
0x6e: {  	_ =	shalt  }
0x6f: {  	_ =	shalt  }
0x70: {  	_ =	shalt  }
0x71: {  	_ =	shalt  }
0x72: {  	_ =	shalt  }
0x73: {  	_ =	shalt  }
0x74: {  	_ =	shalt  }
0x75: {  	_ =	shalt  }
0x76: {  	_ =	shalt  }
0x77: {  	_ =	shalt  }
0x78: {  	_ =	shalt  }
0x79: {  	_ =	shalt  }
0x7a: {  	_ =	shalt  }
0x7b: {  	_ =	shalt  }
0x7c: {  	_ =	shalt  }
0x7d: {  	_ =	shalt  }
0x7e: {  	_ =	shalt  }
0x7f: {  	_ =	shalt  }
0x80: {  	_ =	shalt  }
0x81: {  	_ =	shalt  }
0x82: {  	_ =	shalt  }
0x83: {  	_ =	shalt  }
0x84: {  	_ =	shalt  }
0x85: {  	_ =	shalt  }
0x86: {  	_ =	shalt  }
0x87: {  	_ =	shalt  }
.Lfunc_end0:
.L_simem_size_0:
called_computation_lowered:
.L_overlay_start_0:
0x88: {  	s2 =	sld [smem:$0x3FD9]  }
0x89: {  	s3 =	sld [smem:$0x3FFE];
	_ =	sdelay $0x1  }
0x8a: {  	s1 =	srdreg.scid  }
0x8b: {  	s0 =	sand.u32 $0x1, s1  }
0x8c: {  	s17 =	sshll.u32 s0, $0xA;
	s2 =	sadd.s32 s3, s2  }
0x8d: {  	s2 =	sadd.s32 s2, s17  }
0x8e: {  	[smem:$0x3FAE] =	sst s2  }
0x8f: {  	_ = 	snop  }
0x90: {  	s2 =	sld [smem:$0x3FD0];
	(tm) =	ssettm $0x1  }
0x91: {  	s18 =	sld [smem:$0x3FFB];
	_ =	sdelay $0x3  }
0x92: {  	_ =	strace s18  }
0x93: {  	s3 =	sld [smem:$0x3FFC];
	_ =	sdelay $0x3  }
0x94: {  	_ =	strace s3  }
0x95: {  	s3 =	sld [smem:$0x3FFD];
	_ =	sdelay $0x3  }
0x96: {  	_ =	strace s3  }
0x97: {  	_ =	strace $0x8FFFFFFF  }
0x98: {  	s19 =	sld [smem:$0x3FDB];
	_ =	sdelay $0x1  }
0x99: {  	s4 =	simm.s32 $_scs_section_size  }
0x9a: {  	s5 =	simm.s32 $_size__tile_overlayer_lowered;
	s6 =	simm.s32 $_tile_overlayer_lowered  }
0x9b: {  	s22 =	simm.s32 $0x1BFF;
	s21 =	sshll.u32 s6, $0x1;
	s3 =	sadd.s32 s4, s19  }
0x9c: {  	s7 =	simm.s32 $0x0;
	s20 =	sshll.u32 s5, $0x1;
	s5 =	sadd.s32 s21, s3  }
0x9d: {  	[timem:s7], [sflag:s22] =	dma.local [hbm:s5], s20  }
0x9e: {  	_ =	swait.ge [sflag:s22], s20  }
0x9f: {  	s4 =	ssub.s32 $0x0, s20;
	[sflag:s22] =	ssyncset.done $0x0  }
0xa0: {  	[sflag:s22] =	ssyncadd.s32 s4;
	_ =	sdelay $0x1  }
0xa1: {  	s23 =	simm.s32 $0x1B8B  }
0xa2: {  	_ =	swait.ge [sflag:s23], $0x1  }
0xa3: {  	[sflag:s23] =	ssyncset.done $0x0  }
0xa4: {  	s25 =	simm.s32 $0x1B8E;
	s24 =	sld [smem:$0x3FFE];
	[sflag:s23] =	ssyncadd.s32 $0xFFFFFFFF  }
0xa5: {  	s26 =	simm.s32 $execute0_lowered;
	[smem:$0x3FD2] =	sst s25  }
0xa6: {  	s5 =	sshll.u32 s26, $0x1;
	_ =	strace $0x80000046;
	[dreg:$0x1] =	wrdreg $0xFFFFFFFF  }
0xa7: {  	s28 =	simm.s32 $_size_execute0_lowered;
	s3 =	sadd.s32 s3, s5;
	[dreg:$0x0] =	wrdreg $0x0  }
0xa8: {  	s5 =	sshll.u32 s28, $0x1;
	[dreg:$0x2] =	wrdreg s3  }
0xa9: {  	[dreg:$0x3] =	wrdreg s5  }
0xaa: {  	[dreg:$0x4] =	wrdreg $0xC0  }
0xab: {  	_ =	task [dreg:s7], $0x5FFFF  }
0xac: {  	[dreg:$0x1] =	wrdreg $0xFFFFFFFF  }
0xad: {  	[dreg:$0x0] =	wrdreg $0x60  }
0xae: {  	[dreg:$0x2] =	wrdreg s24  }
0xaf: {  	[dreg:$0x3] =	wrdreg s2  }
0xb0: {  	[dreg:$0x4] =	wrdreg $0x9  }
0xb1: {  	_ =	task.clear_ibuf [dreg:s7], $0x5FFFF;
	_ =	strace $0x90000046  }
0xb2: {  	s29 =	simm.s32 $0x9;
	_ =	strace $0x80000048  }
0xb3: {  	_ =	swait.ge [sflag:s29], $0x1  }
0xb4: {  	[sflag:s29] =	ssyncadd.s32 $0xFFFFFFFF  }
0xb5: {  	_ =	strace $0x90000048  }
0xb6: {  	_ =	sfence  }
0xb7: {  	s30 =	sld [smem:$0x0];
	_ =	sdelay $0x2  }
0xb8: {  	s31 =	sshll.u32 s1, $0xD;
	s1 =	sshrl.u32 s1, $0x2  }
0xb9: {  	s3 =	sand.u32 $0x4000, s31;
	s1 =	sadd.s32 s1, s30  }
0xba: {  	s0 =	sor.u32 s3, s0;
	s1 =	sshll.u32 s1, $0x11  }
0xbb: {  	s0 =	sor.u32 s1, s0  }
0xbc: {  	s0 =	sadd.s32 $0x8F2B, s0  }
0xbd: {  	[sflag:s0] =	ssyncadd.remote.s32 $0x1  }
0xbe: {  	_ =	sfence.sel $0xFFFF  }
0xbf: {  	[dreg:$0x0] =	wrdreg $0xFFFFFFFF;
	(pc) =	sbr.abs _section_cstart, $3  }
0xc0: {  	[dreg:$0x1] =	wrdreg $0xFFFFFFFF  }
0xc1: {  	_ =	task.clear_ibuf [dreg:s7], $0x2FFFF;
	_ =	strace $0x9FFFFFFF  }
0xc2: {  	(tm) =	ssettm $0x7FFFFFFF  }
0xc3: {  	_ =	shalt  }
tec
execute0_lowered:
.L_overlay_start_1:
0x0: {  	(tag) =	ssettag $0x1  }
0x1: {  	s9 =	rddreg [dreg:$0x0]  }
0x2: {  	s13 =	rddreg [dreg:$0x1]  }
0x3: {  	s0 =	rddreg [dreg:$0x2]  }
0x4: {  	s2 =	simm.s32 $0x0;
	s3 =	srdreg.scid;
	s1 =	stileid.u32  }
0x5: {  	s18 =	simm.s32 $0x6F00;
	s20 =	simm.s32 $0x9680;
	s21 =	simm.s32 $0x0  }
0x6: {  	[smem:$0x7FF] =	sst s2;
	s7 =	sand.u32 $0x1, s3;
	s4 =	sshll.u32 s1, $0x1  }
0x7: {  	s3 =	sadd.s32 $0xFC00, s9;
	s5 =	sadd.s32 $0x1A000, s9;
	s14 =	sor.u32 s7, s4  }
0x8: {  	s6 =	sadd.s32 $0x19A00, s9;
	_ =	strace $0x80000047;
	s10 =	smul.u32 $0x5E0, s14  }
0x9: {  	s4 =	sadd.s32 $0x5E00, s9;
	s12 =	ssub.s32 $0x2, s7;
	s11 =	smul.u32 $0x4E4, s14  }
0xa: {  	s7 =	sadd.s32 $0x1A600, s9;
	s15 =	sshrl.u32 s12, $0x1;
	s8 =	smul.u32 $0x5, s14  }
0xb: {  	s19 =	smul.u32 $0xFFFFFEC0, s14;
	s14 =	sshll.u32 s14, $0x1;
	s15 =	ssub.s32 s12, s15  }
0xc: {  	s13 =	sadd.s32 s13, s14;
	s16 =	sadd.s32 s10, s9;
	s17 =	sadd.s32 s11, s9  }
0xd: {  	s9 =	sadd.s32 $0x5, s8;
	s14 =	smax.u32 s15, $0x1;
	s15 =	simm.s32 $0x1000  }
0xe: {  	v0 =	vmov s19;
	s19 =	simm.s32 $0x800;
	s10 =	sadd.s32 $0x24A00, s16;
	s11 =	sadd.s32 $0x30600, s16  }
0xf: {  	v1 =	vimm.f32 $1.000000000e+00;
	v2 =	vimm.s32 $0x0;
	s12 =	sadd.s32 $0x1AC00, s17;
	s16 =	simm.s32 $0x1;
	s17 =	simm.s32 $0x3F80  }
.LBB2_1:
0x10: {  	[tilespmem:s15], [sflag:$0x1] =	stream.linear.gather [hbm4b:s5+s2], $0x2F80, $0x38;
	[tilespmem:$0x9700] =	vst v63  }
0x11: {  	_ =	swait.ge [sflag:s16], $0x2F80  }
0x12: {  	[sflag:s16] =	ssyncset.done $0x0  }
0x13: {  	[sflag:s16] =	ssyncadd.s32 $0xFFFFD080  }
0x14: {  	[tilespmem:s17], [sflag:$0x1] =	stream.linear.gather [hbm4b:s6+s2], $0x2F80, $0x38;
	[tilespmem:$0x9700] =	vst v63  }
0x15: {  	_ =	swait.ge [sflag:s16], $0x2F80  }
0x16: {  	[sflag:s16] =	ssyncset.done $0x0  }
0x17: {  	[sflag:s16] =	ssyncadd.s32 $0xFFFFD080  }
0x18: {  	[tilespmem:s18], [sflag:$0x1] =	stream.linear.gather [hbm4b:s7+s2], $0x2780, $0x38;
	[tilespmem:$0x9700] =	vst v63  }
0x19: {  	_ =	swait.ge [sflag:s16], $0x2780  }
0x1a: {  	[sflag:s16] =	ssyncset.done $0x0  }
0x1b: {  	s22 =	simm.s32 $0x0;
	s23 =	simm.s32 $0x0;
	[sflag:s16] =	ssyncadd.s32 $0xFFFFD880  }
.LBB2_2:
0x1c: {  	s25 =	smul.u32 $0xFA, s23;
	_ =	sdelay $0x1  }
0x1d: {  	s24 =	simm.s32 $0x0;
	p0 =	slt.u32 s23, s8;
	s26 =	sadd.s32 s3, s25  }
0x1e: {  	[tilespmem:s24], [sflag:$0x1] =	stream.linear.gather [hbm4b:s26+s24], $0x7D0, $0x38;
	[tilespmem:$0x9700] =	vst v63  }
0x1f: {  	p1 =	sge.u32 @!p0 s23, s9;
	_ =	swait.ge [sflag:s16], $0x7D0  }
0x20: {  	p0 =	por p0, p1;
	[sflag:s16] =	ssyncset.done $0x0  }
.Ltmp0:
0x21: {  	s25 =	sadd.s32 s4, s25;
	[sflag:s16] =	ssyncadd.s32 $0xFFFFF830;
	(pc) =	sbr.rel @p0 .LBB2_6-.Ltmp0, $4  }
0x22: {  	[tilespmem:s19], [sflag:$0x1] =	stream.linear.gather [hbm4b:s25+s24], $0x7D0, $0x38;
	[tilespmem:$0x9700] =	vst v63  }
0x23: {  	_ =	swait.ge [sflag:s16], $0x7D0  }
0x24: {  	[sflag:s16] =	ssyncset.done $0x0  }
0x25: {  	[sflag:s16] =	ssyncadd.s32 $0xFFFFF830  }
0x26: {  	s25 =	sshra.s32 s24, $0x2  }
0x27: {  	s24 =	sadd.s32 $0x40, s24;
	v3 =	vld [tilespmem:s25+$0x800]  }
.LBB2_4:
0x28: {  	p0 =	sne.s32 s24, $0x1F00;
	v4 =	vld [tilespmem:s25+$0x0];
	_ =	sdelay $0x4  }
0x29: {  	vm0 =	veq.s32 v4, v3  }
0x2a: {  	v3 =	vsel vm0, $0x2710, v4;
	_ =	sdelay $0x1  }
.Ltmp1:
0x2b: {  	(pc) =	sbr.rel @p0 .LBB2_4-.Ltmp1, $3  }
0x2c: {  	_ =	sdelay $0x1  }
0x2d: {  	s25 =	sshra.s32 s24, $0x2;
	[tilespmem:v3+s18+$0x0] =	vst.idx.add.f32.msk $0xffff, v1  }
0x2e: {  	s24 =	sadd.s32 $0x40, s24;
	v3 =	vld [tilespmem:s25+$0x800]  }
0x2f: {  	v4 =	vld [tilespmem:s25+$0x0];
	_ =	sdelay $0x4  }
0x30: {  	vm0 =	veq.s32 v4, v3  }
0x31: {  	v3 =	vsel vm0, $0x2710, v4;
	_ =	sdelay $0x4  }
0x32: {  	[tilespmem:v3+s18+$0x0] =	vst.idx.add.f32.msk $0xffff, v1  }
.LBB2_6:
0x33: {  	s24 =	simm.s32 $0x0  }
0x34: {  	v3 =	vld [tilespmem:s24+$0x800]  }
0x35: {  	v4 =	vld [tilespmem:s24+$0x0];
	_ =	sdelay $0x3  }
0x36: {  	v5 =	vadd.s32 v0, v3  }
0x37: {  	vm0 =	vne.s32 v4, v3;
	vm1 =	vlt.u32 v5, $0x140  }
0x38: {  	vm0 =	vmand vm0, vm1  }
0x39: {  	v3 =	vsel vm0, $0x1, v2  }
0x3a: {  	(xrf0) =	vadd.scan.msk.s32 $0xffff, v3;
	_ =	sdelay $0x5  }
0x3b: {  	v3, _, _ =	vpop (xrf0)  }
0x3c: {  	(v2sf) =	vpush v3, $0xF  }
0x3d: {  	[tilespmem:s22+$0x1000] =	vst.msk vm0, v4  }
0x3e: {  	s25 =	simm.s32 $0x10;
	s24 =	simm.s32 $0x80;
	[tilespmem:s22+$0x3F80] =	vst.msk vm0, v5  }
.LBB2_7:
0x3f: {  	p0 =	sne.s32 s24, $0x1F00;
	v3 =	vld [tilespmem:s25+$0x800]  }
0x40: {  	v4 =	vld [tilespmem:s25+$0x0];
	_ =	sdelay $0x3  }
0x41: {  	v5 =	vadd.s32 v0, v3  }
0x42: {  	vm0 =	vne.s32 v4, v3;
	vm1 =	vlt.u32 v5, $0x140  }
0x43: {  	vm0 =	vmand vm0, vm1  }
0x44: {  	v3 =	vsel vm0, $0x1, v2  }
0x45: {  	(xrf0) =	vadd.scan.msk.s32 $0xffff, v3;
	_ =	sdelay $0x2  }
0x46: {  	s25 =	spop (v2sf)  }
0x47: {  	s22 =	sadd.s32 s22, s25  }
.Ltmp2:
0x48: {  	p1 =	slt.s32 s22, $0x2F00;
	(pc) =	sbr.rel @p0 .LBB2_7-.Ltmp2, $4  }
0x49: {  	v3, _, _ =	vpop (xrf0);
	s22 =	simm.s32 @!p1 $0x2F00  }
0x4a: {  	[tilespmem:s22+$0x1000] =	vst.msk vm0, v4;
	(v2sf) =	vpush v3, $0xF  }
0x4b: {  	[tilespmem:s22+$0x3F80] =	vst.msk vm0, v5  }
0x4c: {  	s25 =	sshra.s32 s24, $0x2;
	s24 =	sadd.s32 $0x40, s24  }
0x4d: {  	v3 =	vld [tilespmem:s25+$0x800]  }
0x4e: {  	v4 =	vld [tilespmem:s25+$0x0];
	_ =	sdelay $0x3  }
0x4f: {  	v5 =	vadd.s32 v0, v3  }
0x50: {  	vm0 =	vne.s32 v4, v3;
	vm1 =	vlt.u32 v5, $0x140  }
0x51: {  	vm0 =	vmand vm0, vm1  }
0x52: {  	v3 =	vsel vm0, $0x1, v2  }
0x53: {  	(xrf0) =	vadd.scan.msk.s32 $0xffff, v3;
	_ =	sdelay $0x5  }
0x54: {  	v3, _, _ =	vpop (xrf0)  }
0x55: {  	(v2sf) =	vpush v3, $0xF;
	_ =	sdelay $0xb  }
0x56: {  	s23 =	sadd.s32 $0x1, s23;
	s24 =	spop (v2sf)  }
0x57: {  	p1 =	sne.s32 s23, $0xA0;
	s25 =	sadd.s32 s22, s24  }
.Ltmp3:
0x58: {  	p0 =	slt.s32 s25, $0x2F00;
	(pc) =	sbr.rel @p1 .LBB2_2-.Ltmp3, $4  }
0x59: {  	s25 =	simm.s32 @!p0 $0x2F00;
	s31 =	spop (v2sf)  }
0x5a: {  	s24 =	sadd.s32 s25, s31  }
0x5b: {  	[tilespmem:s25+$0x1000] =	vst.msk vm0, v4;
	p0 =	slt.s32 s24, $0x2F00;
	s22 =	smov.u32 s24  }
0x5c: {  	[tilespmem:s25+$0x3F80] =	vst.msk vm0, v5;
	s22 =	simm.s32 @!p0 $0x2F00  }
0x5d: {  	[hbm4b:s10+s2] =	stream.linear.scatter [tilespmem:s15], [sflag:$0x1], $0x2F00, $0x38;
	[tilespmem:$0x9700] =	vst v63  }
0x5e: {  	_ =	swait.ge [sflag:s16], $0x2F00  }
0x5f: {  	s22 =	sadd.s32 $0x7F, s22;
	p0 =	slt.s32 s24, $0xFFFFFF82;
	[sflag:s16] =	ssyncset.done $0x0  }
0x60: {  	s23 =	sand.u32 $0x7F, s22;
	s30 =	sshra.s32 s22, $0x1F;
	[sflag:s16] =	ssyncadd.s32 $0xFFFFD100  }
0x61: {  	[hbm4b:s11+s2] =	stream.linear.scatter [tilespmem:s17], [sflag:$0x1], $0x2F00, $0x38;
	[tilespmem:$0x9700] =	vst v63  }
0x62: {  	p1 =	sne.s32 s23, $0x0;
	s31 =	sshrl.u32 s30, $0x19;
	_ =	swait.ge [sflag:s16], $0x2F00  }
0x63: {  	s23 =	simm.s32 $0x1;
	p0 =	por !p0, !p1;
	[sflag:s16] =	ssyncset.done $0x0  }
0x64: {  	s22 =	sadd.s32 s31, s22;
	p0 =	por !p0, !p0;
	[sflag:s16] =	ssyncadd.s32 $0xFFFFD100  }
0x65: {  	[hbm4b:s12+s2] =	stream.linear.scatter [tilespmem:s18], [sflag:$0x1], $0x2720, $0x38;
	[tilespmem:$0x9700] =	vst v63  }
0x66: {  	s22 =	sshra.s32 s22, $0x7;
	s23 =	simm.s32 @!p0 $0x0;
	_ =	swait.ge [sflag:s16], $0x2720  }
0x67: {  	s21 =	sadd.s32 $0x1, s21;
	s22 =	ssub.s32 s22, s23;
	[sflag:s16] =	ssyncset.done $0x0  }
0x68: {  	p0 =	sne.s32 s21, s14;
	v3 =	vmov s22;
	[sflag:s16] =	ssyncadd.s32 $0xFFFFD8E0  }
.Ltmp4:
0x69: {  	[tilespmem:$0x9680] =	vst v3;
	(pc) =	sbr.rel @p0 .LBB2_1-.Ltmp4, $4  }
0x6a: {  	[hbm4b:s13+s2] =	stream.linear.scatter [tilespmem:s20], [sflag:$0x1], $0x10, $0x38;
	[tilespmem:$0x9700] =	vst v63  }
0x6b: {  	_ =	swait.ge [sflag:s16], $0x10  }
0x6c: {  	[sflag:s16] =	ssyncset.done $0x0  }
0x6d: {  	[sflag:s16] =	ssyncadd.s32 $0xFFFFFFF0  }
0x6e: {  	_ =	sfence.sel $0x180000  }
0x6f: {  	[bflag:$0x0] =	sbarrier.arrive $0xFFFF  }
0x70: {  	p0 =	sne.s32 s1, $0x0;
	_ =	strace $0x90000047  }
0x71: {  	s0 =	sadd.s32 @!p0 $0x100000, s0;
	[bflag:$0x2] =	sbarrier.arrive $0xFFFF  }
0x72: {  	[sflag:s0] =	ssyncadd.tile.s32 @!p0 $0x1;
	_ =	shalt  }
.Lfunc_end2:
_tile_overlayer_lowered:
.L_overlay_start_2:
0x73: {  	(tag) =	ssettag $0x2  }
0x74: {  	s0 =	rddreg [dreg:$0x0];
	s2 =	stileid.u32  }
0x75: {  	s1 =	rddreg [dreg:$0x1];
	p0 =	sne.s32 s2, $0x0  }
0x76: {  	s3 =	rddreg [dreg:$0x2];
	[bflag:$0x3] =	sbarrier.arrive $0xFFFF;
	s2 =	simm.s32 @!p0 $0x1C01  }
0x77: {  	[timem:s3], [sflag:s2] =	dma.local @!p0 [hbm:s0], s1  }
0x78: {  	s0 =	simm.s32 @!p0 $0x1  }
0x79: {  	_ =	swait.ge @!p0 [sflag:s0], s1  }
0x7a: {  	s1 =	ssub.s32 @!p0 $0x0, s1;
	[sflag:s0] =	ssyncset.done @!p0 $0x0  }
0x7b: {  	[sflag:s0] =	ssyncadd.s32 @!p0 s1  }
0x7c: {  	[bflag:$0x3] =	sbarrier.arrive $0xFFFF  }
0x7d: {  	_ =	shalt  }

// kernel: kernel.23.cloned.1.call-start
scs
__scs_entry_jumppad:
0x0: {  	(pc) =	sbr.rel $0x88, $3  }
0x1: {  	(tag) =	ssettag $0x0;
	lr =	simm.s32 $0x1  }
0x2: {  	[smem:$0x3F87] =	sst lr;
	_ =	strace $0xD0000000  }
0x3: {  	_ = 	snop  }
0x4: {  	_ = 	snop  }
0x5: {  	_ = 	snop  }
0x6: {  	_ = 	snop  }
0x7: {  	_ = 	snop  }
__scs_overlays_trampoline_lowered:
0x8: {  	[smem:$0x3F96] =	sst s0  }
0x9: {  	[smem:$0x3F97] =	sst s1  }
0xa: {  	[smem:$0x3F98] =	sst s2  }
0xb: {  	[smem:$0x3F99] =	sst s3  }
0xc: {  	[smem:$0x3F9A] =	sst s4  }
0xd: {  	[smem:$0x3F9B] =	sst s5  }
0xe: {  	[smem:$0x3F9C] =	sst s6  }
0xf: {  	[smem:$0x3F9D] =	sst s7  }
0x10: {  	[smem:$0x3F9E] =	sst s8  }
0x11: {  	[smem:$0x3F9F] =	sst s9;
	s0 =	simm.s32 @!p0 $0x0  }
0x12: {  	s1 =	sld [smem:$0x3F85];
	s0 =	simm.s32 @p0 $0x1  }
0x13: {  	[smem:$0x3FA0] =	sst s0;
	s0 =	simm.s32 @!p1 $0x0  }
0x14: {  	s2 =	sld [smem:$0x3F84];
	s0 =	simm.s32 @p1 $0x1  }
0x15: {  	[smem:$0x3FA1] =	sst s0;
	s0 =	simm.s32 @!p2 $0x0  }
0x16: {  	s3 =	sld [smem:$0x3FDB];
	s0 =	simm.s32 @p2 $0x1  }
0x17: {  	s4 =	simm.s32 $0x1BF5;
	[smem:$0x3FA3] =	sst s0  }
0x18: {  	s0 =	sld [smem:$0x3F86];
	_ =	swait.ge [sflag:s4], $0x0  }
0x19: {  	s7 =	sld [smem:$0x3F87]  }
0x1a: {  	s8 =	sadd.s32 $0xFFFFE003, lr  }
0x1b: {  	s9 =	sadd.s32 $0xFFFFFEF7, lr;
	s5 =	simm.s32 $0xFFFFFFFF;
	p2 =	slt.u32 s8, $0xFFFFF086  }
0x1c: {  	p1 =	slt.u32 s9, $0xF7A;
	s5 =	simm.s32 @!p2 $0x0  }
0x1d: {  	s5 =	simm.s32 @p1 $0x1;
	p0 =	seq.s32 s7, s2  }
0x1e: {  	s7 =	smul.u32 @!p0 $0xF7A, s2;
	p2 =	seq.s32 @!p0 s5, $0x0  }
0x1f: {  	s9 =	smul.u32 $0xF7A, s1;
	s8 =	simm.s32 @!p0 $0x1BF5;
	p2 =	por !p2, p0  }
0x20: {  	[sflag:s8] =	ssyncset.s32 @!p0 $0xFFFFF086;
	s6 =	sadd.s32 @!p0 s3, s7;
	s7 =	simm.s32 @!p0 $0x108  }
0x21: {  	s3 =	sadd.s32 s3, s9;
	s6 =	sadd.s32 @!p0 $0x88, s6;
	s7 =	simm.s32 @p2 $0x1082  }
0x22: {  	[simem:s7], [sflag:s8] =	dma.local @!p0 [hbm:s6], $0xF7A  }
0x23: {  	s9 =	sor.u32 $0xD0000000, s2;
	s6 =	simm.s32 $0x108;
	_ =	swait.ge @!p0 [sflag:s8], $0x0  }
0x24: {  	s3 =	sadd.s32 $0x88, s3;
	s6 =	simm.s32 @!p1 $0x1082;
	[sflag:s4] =	ssyncset.s32 $0xFFFFF086  }
0x25: {  	[simem:s6], [sflag:s4] =	dma.local [hbm:s3], $0xF7A  }
0x26: {  	[smem:$0x3F87] =	sst s1;
	(tag) =	ssettag s2;
	_ =	strace s9  }
0x27: {  	s1 =	sld [smem:$0x3F97]  }
0x28: {  	s2 =	sld [smem:$0x3F98]  }
0x29: {  	s4 =	sld [smem:$0x3F9A]  }
0x2a: {  	p0 =	seq.s32 s5, $0x0;
	s5 =	sld [smem:$0x3F9B]  }
0x2b: {  	s6 =	sld [smem:$0x3F9C]  }
0x2c: {  	s7 =	sld [smem:$0x3F9D]  }
0x2d: {  	s3 =	simm.s32 $0x108;
	s8 =	sld [smem:$0x3F9E]  }
0x2e: {  	s3 =	simm.s32 @!p0 $0x1082;
	s9 =	sld [smem:$0x3F9F]  }
0x2f: {  	lr =	sadd.s32 s0, s3;
	s0 =	sld [smem:$0x3F96]  }
0x30: {  	s3 =	sld [smem:$0x3F99]  }
0x31: {  	[smem:$0x3FA2] =	sst s10  }
0x32: {  	s10 =	sld [smem:$0x3FA0];
	_ =	sdelay $0x3  }
0x33: {  	p0 =	seq.s32 s10, $0x1;
	s10 =	sld [smem:$0x3FA2];
	_ =	sdelay $0x3  }
0x34: {  	[smem:$0x3FA2] =	sst s10  }
0x35: {  	s10 =	sld [smem:$0x3FA1];
	_ =	sdelay $0x3  }
0x36: {  	p1 =	seq.s32 s10, $0x1;
	s10 =	sld [smem:$0x3FA2];
	_ =	sdelay $0x3  }
0x37: {  	[smem:$0x3FA2] =	sst s10  }
0x38: {  	s10 =	sld [smem:$0x3FA3]  }
0x39: {  	_ = 	snop;
	(pc) =	sbr.ind lr, $3  }
0x3a: {  	_ = 	snop  }
0x3b: {  	_ = 	snop  }
0x3c: {  	p2 =	seq.s32 s10, $0x1;
	s10 =	sld [smem:$0x3FA2]  }
0x3d: {  	_ =	shalt  }
0x3e: {  	_ =	shalt  }
0x3f: {  	_ =	shalt  }
0x40: {  	_ =	shalt  }
0x41: {  	_ =	shalt  }
0x42: {  	_ =	shalt  }
0x43: {  	_ =	shalt  }
0x44: {  	_ =	shalt  }
0x45: {  	_ =	shalt  }
0x46: {  	_ =	shalt  }
0x47: {  	_ =	shalt  }
0x48: {  	_ =	shalt  }
0x49: {  	_ =	shalt  }
0x4a: {  	_ =	shalt  }
0x4b: {  	_ =	shalt  }
0x4c: {  	_ =	shalt  }
0x4d: {  	_ =	shalt  }
0x4e: {  	_ =	shalt  }
0x4f: {  	_ =	shalt  }
0x50: {  	_ =	shalt  }
0x51: {  	_ =	shalt  }
0x52: {  	_ =	shalt  }
0x53: {  	_ =	shalt  }
0x54: {  	_ =	shalt  }
0x55: {  	_ =	shalt  }
0x56: {  	_ =	shalt  }
0x57: {  	_ =	shalt  }
0x58: {  	_ =	shalt  }
0x59: {  	_ =	shalt  }
0x5a: {  	_ =	shalt  }
0x5b: {  	_ =	shalt  }
0x5c: {  	_ =	shalt  }
0x5d: {  	_ =	shalt  }
0x5e: {  	_ =	shalt  }
0x5f: {  	_ =	shalt  }
0x60: {  	_ =	shalt  }
0x61: {  	_ =	shalt  }
0x62: {  	_ =	shalt  }
0x63: {  	_ =	shalt  }
0x64: {  	_ =	shalt  }
0x65: {  	_ =	shalt  }
0x66: {  	_ =	shalt  }
0x67: {  	_ =	shalt  }
0x68: {  	_ =	shalt  }
0x69: {  	_ =	shalt  }
0x6a: {  	_ =	shalt  }
0x6b: {  	_ =	shalt  }
0x6c: {  	_ =	shalt  }
0x6d: {  	_ =	shalt  }
0x6e: {  	_ =	shalt  }
0x6f: {  	_ =	shalt  }
0x70: {  	_ =	shalt  }
0x71: {  	_ =	shalt  }
0x72: {  	_ =	shalt  }
0x73: {  	_ =	shalt  }
0x74: {  	_ =	shalt  }
0x75: {  	_ =	shalt  }
0x76: {  	_ =	shalt  }
0x77: {  	_ =	shalt  }
0x78: {  	_ =	shalt  }
0x79: {  	_ =	shalt  }
0x7a: {  	_ =	shalt  }
0x7b: {  	_ =	shalt  }
0x7c: {  	_ =	shalt  }
0x7d: {  	_ =	shalt  }
0x7e: {  	_ =	shalt  }
0x7f: {  	_ =	shalt  }
0x80: {  	_ =	shalt  }
0x81: {  	_ =	shalt  }
0x82: {  	_ =	shalt  }
0x83: {  	_ =	shalt  }
0x84: {  	_ =	shalt  }
0x85: {  	_ =	shalt  }
0x86: {  	_ =	shalt  }
0x87: {  	_ =	shalt  }
.Lfunc_end0:
.L_simem_size_0:
called_computation.1_lowered:
.L_overlay_start_0:
0x88: {  	s2 =	sld [smem:$0x3FD9]  }
0x89: {  	s3 =	sld [smem:$0x3FFE];
	_ =	sdelay $0x1  }
0x8a: {  	s1 =	srdreg.scid  }
0x8b: {  	s0 =	sand.u32 $0x1, s1  }
0x8c: {  	s17 =	sshll.u32 s0, $0xA;
	s2 =	sadd.s32 s3, s2  }
0x8d: {  	s2 =	sadd.s32 s2, s17  }
0x8e: {  	[smem:$0x3FAE] =	sst s2  }
0x8f: {  	_ = 	snop  }
0x90: {  	s2 =	sld [smem:$0x3FD0];
	(tm) =	ssettm $0x1  }
0x91: {  	s18 =	sld [smem:$0x3FFB];
	_ =	sdelay $0x3  }
0x92: {  	_ =	strace s18  }
0x93: {  	s3 =	sld [smem:$0x3FFC];
	_ =	sdelay $0x3  }
0x94: {  	_ =	strace s3  }
0x95: {  	s3 =	sld [smem:$0x3FFD];
	_ =	sdelay $0x3  }
0x96: {  	_ =	strace s3  }
0x97: {  	_ =	strace $0x8FFFFFFF  }
0x98: {  	s19 =	sld [smem:$0x3FDB];
	_ =	sdelay $0x1  }
0x99: {  	s4 =	simm.s32 $_scs_section_size  }
0x9a: {  	s5 =	simm.s32 $_size__tile_overlayer_lowered;
	s6 =	simm.s32 $_tile_overlayer_lowered  }
0x9b: {  	s22 =	simm.s32 $0x1BFF;
	s21 =	sshll.u32 s6, $0x1;
	s3 =	sadd.s32 s4, s19  }
0x9c: {  	s7 =	simm.s32 $0x0;
	s20 =	sshll.u32 s5, $0x1;
	s5 =	sadd.s32 s21, s3  }
0x9d: {  	[timem:s7], [sflag:s22] =	dma.local [hbm:s5], s20  }
0x9e: {  	_ =	swait.ge [sflag:s22], s20  }
0x9f: {  	s4 =	ssub.s32 $0x0, s20;
	[sflag:s22] =	ssyncset.done $0x0  }
0xa0: {  	[sflag:s22] =	ssyncadd.s32 s4;
	_ =	sdelay $0x1  }
0xa1: {  	s23 =	simm.s32 $0x1B8B  }
0xa2: {  	_ =	swait.ge [sflag:s23], $0x1  }
0xa3: {  	[sflag:s23] =	ssyncset.done $0x0  }
0xa4: {  	s25 =	simm.s32 $0x1B8E;
	s24 =	sld [smem:$0x3FFE];
	[sflag:s23] =	ssyncadd.s32 $0xFFFFFFFF  }
0xa5: {  	s26 =	simm.s32 $execute0_lowered;
	[smem:$0x3FD2] =	sst s25  }
0xa6: {  	s5 =	sshll.u32 s26, $0x1;
	_ =	strace $0x80000049;
	[dreg:$0x1] =	wrdreg $0xFFFFFFFF  }
0xa7: {  	s28 =	simm.s32 $_size_execute0_lowered;
	s3 =	sadd.s32 s3, s5;
	[dreg:$0x0] =	wrdreg $0x0  }
0xa8: {  	s5 =	sshll.u32 s28, $0x1;
	[dreg:$0x2] =	wrdreg s3  }
0xa9: {  	[dreg:$0x3] =	wrdreg s5  }
0xaa: {  	[dreg:$0x4] =	wrdreg $0xC0  }
0xab: {  	_ =	task [dreg:s7], $0x5FFFF  }
0xac: {  	[dreg:$0x1] =	wrdreg $0xFFFFFFFF  }
0xad: {  	[dreg:$0x0] =	wrdreg $0x60  }
0xae: {  	[dreg:$0x2] =	wrdreg s24  }
0xaf: {  	[dreg:$0x3] =	wrdreg s2  }
0xb0: {  	[dreg:$0x4] =	wrdreg $0x9  }
0xb1: {  	_ =	task.clear_ibuf [dreg:s7], $0x5FFFF;
	_ =	strace $0x90000049  }
0xb2: {  	s29 =	simm.s32 $0x9;
	_ =	strace $0x8000004B  }
0xb3: {  	_ =	swait.ge [sflag:s29], $0x1  }
0xb4: {  	[sflag:s29] =	ssyncadd.s32 $0xFFFFFFFF  }
0xb5: {  	_ =	strace $0x9000004B  }
0xb6: {  	_ =	sfence  }
0xb7: {  	s30 =	sld [smem:$0x0];
	_ =	sdelay $0x2  }
0xb8: {  	s31 =	sshll.u32 s1, $0xD;
	s1 =	sshrl.u32 s1, $0x2  }
0xb9: {  	s3 =	sand.u32 $0x4000, s31;
	s1 =	sadd.s32 s1, s30  }
0xba: {  	s0 =	sor.u32 s3, s0;
	s1 =	sshll.u32 s1, $0x11  }
0xbb: {  	s0 =	sor.u32 s1, s0  }
0xbc: {  	s0 =	sadd.s32 $0x8F2B, s0  }
0xbd: {  	[sflag:s0] =	ssyncadd.remote.s32 $0x1  }
0xbe: {  	_ =	sfence.sel $0xFFFF  }
0xbf: {  	[dreg:$0x0] =	wrdreg $0xFFFFFFFF;
	(pc) =	sbr.abs _section_cstart, $3  }
0xc0: {  	[dreg:$0x1] =	wrdreg $0xFFFFFFFF  }
0xc1: {  	_ =	task.clear_ibuf [dreg:s7], $0x2FFFF;
	_ =	strace $0x9FFFFFFF  }
0xc2: {  	(tm) =	ssettm $0x7FFFFFFF  }
0xc3: {  	_ =	shalt  }
tec
execute0_lowered:
.L_overlay_start_1:
0x0: {  	(tag) =	ssettag $0x1  }
0x1: {  	s0 =	rddreg [dreg:$0x0]  }
0x2: {  	s8 =	rddreg [dreg:$0x1]  }
0x3: {  	s2 =	simm.s32 $0x0;
	s4 =	srdreg.scid;
	s1 =	stileid.u32  }
0x4: {  	s13 =	simm.s32 $0x8300;
	s14 =	simm.s32 $0x3;
	s15 =	simm.s32 $0x12300  }
0x5: {  	s16 =	simm.s32 $0x1;
	s17 =	simm.s32 $0x80;
	s18 =	simm.s32 $0x180  }
0x6: {  	s19 =	simm.s32 $0x4180;
	s20 =	simm.s32 $0x4200;
	s21 =	simm.s32 $0x4300  }
0x7: {  	s22 =	simm.s32 $0x2;
	s7 =	sand.u32 $0x1, s4;
	s6 =	sshll.u32 s1, $0x1  }
0x8: {  	s23 =	simm.s32 $0x0;
	[smem:$0x7FF] =	sst s2;
	s9 =	sor.u32 s7, s6  }
0x9: {  	s3 =	sadd.s32 $0x3C200, s0;
	s4 =	sadd.s32 $0x24A00, s0;
	s10 =	smul.u32 $0x1400, s9  }
.Ltmp0:
0xa: {  	s5 =	sadd.s32 $0x30600, s0;
	s11 =	ssub.s32 $0x2, s7;
	(pc) =	sbr.rel .LBB2_1-.Ltmp0, $4  }
0xb: {  	_ =	strace $0x8000004A;
	s12 =	sshrl.u32 s11, $0x1;
	s7 =	smul.u32 $0x2F00, s9  }
0xc: {  	s6 =	sadd.s32 $0x5E00, s0;
	s9 =	sshll.u32 s9, $0x1;
	s12 =	ssub.s32 s11, s12  }
0xd: {  	s8 =	sadd.s32 s8, s9;
	s0 =	sadd.s32 s10, s0;
	s9 =	sor.u32 $0x80, s7  }
0xe: {  	s10 =	sadd.s32 $0xFFFFFF80, s7;
	s12 =	smax.u32 s12, $0x1;
	s11 =	sadd.s32 $0x67200, s0  }
.LBB2_11:
0xf: {  	s23 =	sadd.s32 $0x1, s23  }
0x10: {  	p0 =	sne.s32 s23, s12  }
.Ltmp1:
0x11: {  	_ = 	snop;
	(pc) =	sbr.rel @!p0 .LBB2_12-.Ltmp1, $4  }
0x12: {  	[hbm4b:s11+s2] =	stream.linear.scatter [tilespmem:s13], [sflag:$0x3], $0xA000, $0x38;
	[tilespmem:$0x12380] =	vst v63  }
0x13: {  	_ =	swait.ge [sflag:s14], $0xA000  }
0x14: {  	[sflag:s14] =	ssyncset.done $0x0  }
0x15: {  	[sflag:s14] =	ssyncadd.s32 $0xFFFF6000  }
.LBB2_1:
0x16: {  	[tilespmem:s13], [sflag:$0x3] =	stream.linear.gather [hbm4b:s6+s2], $0xA000, $0x38;
	[tilespmem:$0x12380] =	vst v63  }
0x17: {  	_ =	swait.ge [sflag:s14], $0xA000  }
0x18: {  	[sflag:s14] =	ssyncset.done $0x0  }
0x19: {  	[sflag:s14] =	ssyncadd.s32 $0xFFFF6000  }
0x1a: {  	[tilespmem:s15], [sflag:$0x3] =	stream.linear.gather [hbm4b:s8+s2], $0x10, $0x38;
	[tilespmem:$0x12380] =	vst v63  }
0x1b: {  	_ =	swait.ge [sflag:s14], $0x10  }
0x1c: {  	[sflag:s14] =	ssyncset.done $0x0  }
0x1d: {  	[sflag:s14] =	ssyncadd.s32 $0xFFFFFFF0  }
0x1e: {  	v0 =	vld [tilespmem:$0x12300];
	_ =	sdelay $0x4  }
0x1f: {  	(v2sf) =	vpush v0, $0x0;
	_ =	sdelay $0xe  }
0x20: {  	s24 =	spop (v2sf)  }
0x21: {  	s0 =	sshrl.u32 s24, $0x1F  }
0x22: {  	s0 =	sadd.s32 s0, s24  }
0x23: {  	s25 =	sand.u32 $0xFFFFFFFE, s0  }
0x24: {  	p0 =	slt.s32 s24, $0x1;
	p1 =	sne.s32 s24, s25  }
0x25: {  	p0 =	por !p0, !p1  }
0x26: {  	s25 =	simm.s32 $0x1;
	p0 =	por !p0, !p0  }
0x27: {  	s0 =	sshra.s32 s0, $0x1;
	s25 =	simm.s32 @!p0 $0x0  }
0x28: {  	s25 =	ssub.s32 s0, s25  }
0x29: {  	p0 =	slt.s32 s25, $0x1  }
.Ltmp2:
0x2a: {  	_ = 	snop;
	(pc) =	sbr.rel @p0 .LBB2_7-.Ltmp2, $2  }
0x2b: {  	_ =	sdelay $0x2  }
0x2c: {  	s26 =	simm.s32 $0x0  }
.LBB2_2:
0x2d: {  	s0 =	sshll.u32 s26, $0x8  }
0x2e: {  	s28 =	sadd.s32 s7, s0  }
0x2f: {  	s28 =	sshrl.u32 s28, $0x3  }
0x30: {  	s30 =	simm.s32 $0x0;
	s29 =	sadd.s32 s4, s28  }
0x31: {  	[tilespmem:s30], [sflag:$0x3] =	stream.linear.gather [hbm4b:s29+s30], $0x80, $0x38;
	[tilespmem:$0x12380] =	vst v63  }
0x32: {  	_ =	swait.ge [sflag:s14], $0x80  }
0x33: {  	[sflag:s14] =	ssyncset.done $0x0  }
0x34: {  	s28 =	sadd.s32 s5, s28;
	[sflag:s14] =	ssyncadd.s32 $0xFFFFFF80  }
0x35: {  	[tilespmem:s17], [sflag:$0x3] =	stream.linear.gather [hbm4b:s28+s30], $0x80, $0x38;
	[tilespmem:$0x12380] =	vst v63  }
0x36: {  	_ =	swait.ge [sflag:s14], $0x80  }
0x37: {  	s0 =	sadd.s32 s0, s9;
	[sflag:s14] =	ssyncset.done $0x0  }
0x38: {  	s0 =	sshrl.u32 s0, $0x3;
	[sflag:s14] =	ssyncadd.s32 $0xFFFFFF80  }
0x39: {  	[tilespmem:s18], [sflag:$0x1] =	stream.indirect.gather [hbm4b:s3+s17], $0x80, s30, s17, $0xb8;
	[tilespmem:$0x12380] =	vst v63  }
0x3a: {  	s28 =	sadd.s32 s4, s0  }
0x3b: {  	[tilespmem:s19], [sflag:$0x3] =	stream.linear.gather [hbm4b:s28+s30], $0x80, $0x38;
	[tilespmem:$0x12380] =	vst v63  }
0x3c: {  	_ =	swait.ge [sflag:s14], $0x80  }
0x3d: {  	[sflag:s14] =	ssyncset.done $0x0  }
0x3e: {  	s0 =	sadd.s32 s5, s0;
	[sflag:s14] =	ssyncadd.s32 $0xFFFFFF80  }
0x3f: {  	[tilespmem:s20], [sflag:$0x3] =	stream.linear.gather [hbm4b:s0+s30], $0x80, $0x38;
	[tilespmem:$0x12380] =	vst v63  }
0x40: {  	_ =	swait.ge [sflag:s14], $0x80  }
0x41: {  	[sflag:s14] =	ssyncset.done $0x0  }
0x42: {  	[sflag:s14] =	ssyncadd.s32 $0xFFFFFF80  }
0x43: {  	[tilespmem:s21], [sflag:$0x2] =	stream.indirect.gather [hbm4b:s3+s17], $0x80, s19, s17, $0xb8;
	[tilespmem:$0x12380] =	vst v63  }
0x44: {  	_ =	swait.ge [sflag:s16], $0x4000  }
0x45: {  	[sflag:s16] =	ssyncset.done $0x0  }
0x46: {  	s1 =	simm.s32 $0x0;
	[sflag:s16] =	ssyncadd.s32 $0xFFFFC000  }
0x47: {  	v0 =	vld [tilespmem:s1+$0x80];
	_ =	sdelay $0x4  }
0x48: {  	(v2sf) =	vpush v0, $0x0;
	_ =	sdelay $0xe  }
0x49: {  	s1 =	spop (v2sf)  }
0x4a: {  	s28 =	simm.s32 $0x1C0;
	s0 =	sshll.u32 s1, $0x9  }
0x4b: {  	v0 =	vld [tilespmem:s28+$0xFFFFFFC0];
	s29 =	sshra.s32 s0, $0x2  }
0x4c: {  	v1 =	vld [tilespmem:s29+$0x8300];
	_ =	sdelay $0x4  }
0x4d: {  	v0 =	vadd.f32 v0, v1;
	_ =	sdelay $0x1  }
0x4e: {  	[tilespmem:s29+$0x8300] =	vst v0;
	v0 =	vld [tilespmem:s29+$0x8310]  }
0x4f: {  	v1 =	vld [tilespmem:s28+$0xFFFFFFD0];
	_ =	sdelay $0x4  }
0x50: {  	v0 =	vadd.f32 v1, v0;
	_ =	sdelay $0x1  }
0x51: {  	[tilespmem:s29+$0x8310] =	vst v0;
	v0 =	vld [tilespmem:s29+$0x8320]  }
0x52: {  	v1 =	vld [tilespmem:s28+$0xFFFFFFE0];
	_ =	sdelay $0x4  }
0x53: {  	v0 =	vadd.f32 v1, v0;
	_ =	sdelay $0x1  }
0x54: {  	[tilespmem:s29+$0x8320] =	vst v0;
	v0 =	vld [tilespmem:s29+$0x8330]  }
0x55: {  	v1 =	vld [tilespmem:s28+$0xFFFFFFF0];
	_ =	sdelay $0x4  }
0x56: {  	v0 =	vadd.f32 v1, v0;
	_ =	sdelay $0x1  }
0x57: {  	[tilespmem:s29+$0x8330] =	vst v0;
	v0 =	vld [tilespmem:s29+$0x8340]  }
0x58: {  	v1 =	vld [tilespmem:s28+$0x0];
	_ =	sdelay $0x4  }
0x59: {  	v0 =	vadd.f32 v1, v0;
	_ =	sdelay $0x1  }
0x5a: {  	[tilespmem:s29+$0x8340] =	vst v0;
	v0 =	vld [tilespmem:s29+$0x8350]  }
0x5b: {  	v1 =	vld [tilespmem:s28+$0x10];
	_ =	sdelay $0x4  }
0x5c: {  	v0 =	vadd.f32 v1, v0;
	_ =	sdelay $0x1  }
0x5d: {  	[tilespmem:s29+$0x8350] =	vst v0;
	v0 =	vld [tilespmem:s29+$0x8360]  }
0x5e: {  	v1 =	vld [tilespmem:s28+$0x20];
	_ =	sdelay $0x4  }
0x5f: {  	v0 =	vadd.f32 v1, v0;
	_ =	sdelay $0x1  }
0x60: {  	[tilespmem:s29+$0x8360] =	vst v0;
	v0 =	vld [tilespmem:s29+$0x8370]  }
0x61: {  	v1 =	vld [tilespmem:s28+$0x30];
	_ =	sdelay $0x4  }
0x62: {  	s31 =	simm.s32 $0x8;
	s30 =	simm.s32 $0x4;
	v0 =	vadd.f32 v1, v0  }
.LBB2_3:
0x63: {  	s1 =	sshra.s32 s30, $0x2  }
0x64: {  	s28 =	sadd.s32 $0x80, s28;
	s30 =	smov.u32 s31;
	s0 =	sadd.s32 $0x4, s31;
	[tilespmem:s29+$0x8370] =	vst v0  }
0x65: {  	p0 =	sne.s32 s31, $0x1FC;
	v0 =	vld [tilespmem:s1+$0x80];
	_ =	sdelay $0x4  }
0x66: {  	(v2sf) =	vpush v0, $0x0;
	_ =	sdelay $0xe  }
0x67: {  	s1 =	spop (v2sf)  }
0x68: {  	s1 =	sshll.u32 s1, $0x9  }
0x69: {  	s29 =	sshra.s32 s1, $0x2;
	v0 =	vld [tilespmem:s28+$0xFFFFFFC0]  }
0x6a: {  	v1 =	vld [tilespmem:s29+$0x8300];
	_ =	sdelay $0x4  }
0x6b: {  	v0 =	vadd.f32 v0, v1;
	_ =	sdelay $0x1  }
0x6c: {  	[tilespmem:s29+$0x8300] =	vst v0;
	v0 =	vld [tilespmem:s29+$0x8310]  }
0x6d: {  	v1 =	vld [tilespmem:s28+$0xFFFFFFD0];
	_ =	sdelay $0x4  }
0x6e: {  	v0 =	vadd.f32 v1, v0;
	_ =	sdelay $0x1  }
0x6f: {  	[tilespmem:s29+$0x8310] =	vst v0;
	v0 =	vld [tilespmem:s29+$0x8320]  }
0x70: {  	v1 =	vld [tilespmem:s28+$0xFFFFFFE0];
	_ =	sdelay $0x4  }
0x71: {  	v0 =	vadd.f32 v1, v0;
	_ =	sdelay $0x1  }
0x72: {  	[tilespmem:s29+$0x8320] =	vst v0;
	v0 =	vld [tilespmem:s29+$0x8330]  }
0x73: {  	v1 =	vld [tilespmem:s28+$0xFFFFFFF0];
	_ =	sdelay $0x4  }
0x74: {  	v0 =	vadd.f32 v1, v0;
	_ =	sdelay $0x1  }
0x75: {  	[tilespmem:s29+$0x8330] =	vst v0;
	v0 =	vld [tilespmem:s29+$0x8340]  }
0x76: {  	v1 =	vld [tilespmem:s28+$0x0];
	_ =	sdelay $0x4  }
0x77: {  	v0 =	vadd.f32 v1, v0;
	_ =	sdelay $0x1  }
0x78: {  	[tilespmem:s29+$0x8340] =	vst v0;
	v0 =	vld [tilespmem:s29+$0x8350]  }
0x79: {  	v1 =	vld [tilespmem:s28+$0x10];
	_ =	sdelay $0x4  }
0x7a: {  	v0 =	vadd.f32 v1, v0;
	_ =	sdelay $0x1  }
0x7b: {  	[tilespmem:s29+$0x8350] =	vst v0;
	v0 =	vld [tilespmem:s29+$0x8360]  }
0x7c: {  	v1 =	vld [tilespmem:s28+$0x20];
	_ =	sdelay $0x4  }
0x7d: {  	v0 =	vadd.f32 v1, v0;
	_ =	sdelay $0x1  }
0x7e: {  	[tilespmem:s29+$0x8360] =	vst v0;
	v0 =	vld [tilespmem:s29+$0x8370]  }
0x7f: {  	v1 =	vld [tilespmem:s28+$0x30]  }
.Ltmp3:
0x80: {  	(pc) =	sbr.rel @p0 .LBB2_3-.Ltmp3, $2  }
0x81: {  	_ =	sdelay $0x2  }
0x82: {  	s31 =	smov.u32 s0;
	v0 =	vadd.f32 v1, v0  }
0x83: {  	_ = 	snop  }
0x84: {  	s0 =	sshra.s32 s30, $0x2;
	[tilespmem:s29+$0x8370] =	vst v0  }
0x85: {  	v0 =	vld [tilespmem:s0+$0x80];
	_ =	sdelay $0x4  }
0x86: {  	(v2sf) =	vpush v0, $0x0;
	_ =	sdelay $0xe  }
0x87: {  	s31 =	spop (v2sf)  }
0x88: {  	s1 =	sadd.s32 $0x80, s28;
	s0 =	sshll.u32 s31, $0x9  }
0x89: {  	v0 =	vld [tilespmem:s1+$0xFFFFFFC0];
	s0 =	sshra.s32 s0, $0x2  }
0x8a: {  	v1 =	vld [tilespmem:s0+$0x8300];
	_ =	sdelay $0x4  }
0x8b: {  	v0 =	vadd.f32 v0, v1;
	_ =	sdelay $0x1  }
0x8c: {  	[tilespmem:s0+$0x8300] =	vst v0;
	v0 =	vld [tilespmem:s0+$0x8310]  }
0x8d: {  	v1 =	vld [tilespmem:s1+$0xFFFFFFD0];
	_ =	sdelay $0x4  }
0x8e: {  	v0 =	vadd.f32 v1, v0;
	_ =	sdelay $0x1  }
0x8f: {  	[tilespmem:s0+$0x8310] =	vst v0;
	v0 =	vld [tilespmem:s0+$0x8320]  }
0x90: {  	v1 =	vld [tilespmem:s1+$0xFFFFFFE0];
	_ =	sdelay $0x4  }
0x91: {  	v0 =	vadd.f32 v1, v0;
	_ =	sdelay $0x1  }
0x92: {  	[tilespmem:s0+$0x8320] =	vst v0;
	v0 =	vld [tilespmem:s0+$0x8330]  }
0x93: {  	v1 =	vld [tilespmem:s1+$0xFFFFFFF0];
	_ =	sdelay $0x4  }
0x94: {  	v0 =	vadd.f32 v1, v0;
	_ =	sdelay $0x1  }
0x95: {  	[tilespmem:s0+$0x8330] =	vst v0;
	v0 =	vld [tilespmem:s0+$0x8340]  }
0x96: {  	v1 =	vld [tilespmem:s1+$0x0];
	_ =	sdelay $0x4  }
0x97: {  	v0 =	vadd.f32 v1, v0;
	_ =	sdelay $0x1  }
0x98: {  	[tilespmem:s0+$0x8340] =	vst v0;
	v0 =	vld [tilespmem:s0+$0x8350]  }
0x99: {  	v1 =	vld [tilespmem:s1+$0x10];
	_ =	sdelay $0x4  }
0x9a: {  	v0 =	vadd.f32 v1, v0;
	_ =	sdelay $0x1  }
0x9b: {  	[tilespmem:s0+$0x8350] =	vst v0;
	v0 =	vld [tilespmem:s0+$0x8360]  }
0x9c: {  	v1 =	vld [tilespmem:s1+$0x20];
	_ =	sdelay $0x4  }
0x9d: {  	v0 =	vadd.f32 v1, v0;
	_ =	sdelay $0x1  }
0x9e: {  	[tilespmem:s0+$0x8360] =	vst v0;
	v0 =	vld [tilespmem:s0+$0x8370]  }
0x9f: {  	v1 =	vld [tilespmem:s1+$0x30];
	_ =	sdelay $0x4  }
0xa0: {  	v0 =	vadd.f32 v1, v0;
	_ =	sdelay $0x1  }
0xa1: {  	[tilespmem:s0+$0x8370] =	vst v0  }
0xa2: {  	_ =	swait.ge [sflag:s22], $0x4000  }
0xa3: {  	[sflag:s22] =	ssyncset.done $0x0  }
0xa4: {  	s1 =	simm.s32 $0x0;
	[sflag:s22] =	ssyncadd.s32 $0xFFFFC000  }
0xa5: {  	v0 =	vld [tilespmem:s1+$0x4200];
	_ =	sdelay $0x4  }
0xa6: {  	(v2sf) =	vpush v0, $0x0;
	_ =	sdelay $0xe  }
0xa7: {  	s31 =	spop (v2sf)  }
0xa8: {  	s28 =	simm.s32 $0x4340;
	s0 =	sshll.u32 s31, $0x9  }
0xa9: {  	v0 =	vld [tilespmem:s28+$0xFFFFFFC0];
	s29 =	sshra.s32 s0, $0x2  }
0xaa: {  	v1 =	vld [tilespmem:s29+$0x8300];
	_ =	sdelay $0x4  }
0xab: {  	v0 =	vadd.f32 v0, v1;
	_ =	sdelay $0x1  }
0xac: {  	[tilespmem:s29+$0x8300] =	vst v0;
	v0 =	vld [tilespmem:s29+$0x8310]  }
0xad: {  	v1 =	vld [tilespmem:s28+$0xFFFFFFD0];
	_ =	sdelay $0x4  }
0xae: {  	v0 =	vadd.f32 v1, v0;
	_ =	sdelay $0x1  }
0xaf: {  	[tilespmem:s29+$0x8310] =	vst v0;
	v0 =	vld [tilespmem:s29+$0x8320]  }
0xb0: {  	v1 =	vld [tilespmem:s28+$0xFFFFFFE0];
	_ =	sdelay $0x4  }
0xb1: {  	v0 =	vadd.f32 v1, v0;
	_ =	sdelay $0x1  }
0xb2: {  	[tilespmem:s29+$0x8320] =	vst v0;
	v0 =	vld [tilespmem:s29+$0x8330]  }
0xb3: {  	v1 =	vld [tilespmem:s28+$0xFFFFFFF0];
	_ =	sdelay $0x4  }
0xb4: {  	v0 =	vadd.f32 v1, v0;
	_ =	sdelay $0x1  }
0xb5: {  	[tilespmem:s29+$0x8330] =	vst v0;
	v0 =	vld [tilespmem:s29+$0x8340]  }
0xb6: {  	v1 =	vld [tilespmem:s28+$0x0];
	_ =	sdelay $0x4  }
0xb7: {  	v0 =	vadd.f32 v1, v0;
	_ =	sdelay $0x1  }
0xb8: {  	[tilespmem:s29+$0x8340] =	vst v0;
	v0 =	vld [tilespmem:s29+$0x8350]  }
0xb9: {  	v1 =	vld [tilespmem:s28+$0x10];
	_ =	sdelay $0x4  }
0xba: {  	v0 =	vadd.f32 v1, v0;
	_ =	sdelay $0x1  }
0xbb: {  	[tilespmem:s29+$0x8350] =	vst v0;
	v0 =	vld [tilespmem:s29+$0x8360]  }
0xbc: {  	v1 =	vld [tilespmem:s28+$0x20];
	_ =	sdelay $0x4  }
0xbd: {  	v0 =	vadd.f32 v1, v0;
	_ =	sdelay $0x1  }
0xbe: {  	[tilespmem:s29+$0x8360] =	vst v0;
	v0 =	vld [tilespmem:s29+$0x8370]  }
0xbf: {  	v1 =	vld [tilespmem:s28+$0x30];
	_ =	sdelay $0x4  }
0xc0: {  	s30 =	simm.s32 $0x4;
	s0 =	simm.s32 $0x8;
	v0 =	vadd.f32 v1, v0  }
.LBB2_5:
0xc1: {  	s1 =	sshra.s32 s30, $0x2  }
0xc2: {  	s28 =	sadd.s32 $0x80, s28;
	s30 =	smov.u32 s0;
	s31 =	sadd.s32 $0x4, s0;
	[tilespmem:s29+$0x8370] =	vst v0  }
0xc3: {  	p0 =	sne.s32 s0, $0x1FC;
	v0 =	vld [tilespmem:s1+$0x4200];
	_ =	sdelay $0x4  }
0xc4: {  	(v2sf) =	vpush v0, $0x0;
	_ =	sdelay $0xe  }
0xc5: {  	s0 =	spop (v2sf)  }
0xc6: {  	s0 =	sshll.u32 s0, $0x9  }
0xc7: {  	s29 =	sshra.s32 s0, $0x2;
	v0 =	vld [tilespmem:s28+$0xFFFFFFC0]  }
0xc8: {  	v1 =	vld [tilespmem:s29+$0x8300];
	_ =	sdelay $0x4  }
0xc9: {  	v0 =	vadd.f32 v0, v1;
	_ =	sdelay $0x1  }
0xca: {  	[tilespmem:s29+$0x8300] =	vst v0;
	v0 =	vld [tilespmem:s29+$0x8310]  }
0xcb: {  	v1 =	vld [tilespmem:s28+$0xFFFFFFD0];
	_ =	sdelay $0x4  }
0xcc: {  	v0 =	vadd.f32 v1, v0;
	_ =	sdelay $0x1  }
0xcd: {  	[tilespmem:s29+$0x8310] =	vst v0;
	v0 =	vld [tilespmem:s29+$0x8320]  }
0xce: {  	v1 =	vld [tilespmem:s28+$0xFFFFFFE0];
	_ =	sdelay $0x4  }
0xcf: {  	v0 =	vadd.f32 v1, v0;
	_ =	sdelay $0x1  }
0xd0: {  	[tilespmem:s29+$0x8320] =	vst v0;
	v0 =	vld [tilespmem:s29+$0x8330]  }
0xd1: {  	v1 =	vld [tilespmem:s28+$0xFFFFFFF0];
	_ =	sdelay $0x4  }
0xd2: {  	v0 =	vadd.f32 v1, v0;
	_ =	sdelay $0x1  }
0xd3: {  	[tilespmem:s29+$0x8330] =	vst v0;
	v0 =	vld [tilespmem:s29+$0x8340]  }
0xd4: {  	v1 =	vld [tilespmem:s28+$0x0];
	_ =	sdelay $0x4  }
0xd5: {  	v0 =	vadd.f32 v1, v0;
	_ =	sdelay $0x1  }
0xd6: {  	[tilespmem:s29+$0x8340] =	vst v0;
	v0 =	vld [tilespmem:s29+$0x8350]  }
0xd7: {  	v1 =	vld [tilespmem:s28+$0x10];
	_ =	sdelay $0x4  }
0xd8: {  	v0 =	vadd.f32 v1, v0;
	_ =	sdelay $0x1  }
0xd9: {  	[tilespmem:s29+$0x8350] =	vst v0;
	v0 =	vld [tilespmem:s29+$0x8360]  }
0xda: {  	v1 =	vld [tilespmem:s28+$0x20];
	_ =	sdelay $0x4  }
0xdb: {  	v0 =	vadd.f32 v1, v0;
	_ =	sdelay $0x1  }
0xdc: {  	[tilespmem:s29+$0x8360] =	vst v0;
	v0 =	vld [tilespmem:s29+$0x8370]  }
0xdd: {  	v1 =	vld [tilespmem:s28+$0x30]  }
.Ltmp4:
0xde: {  	(pc) =	sbr.rel @p0 .LBB2_5-.Ltmp4, $2  }
0xdf: {  	_ =	sdelay $0x2  }
0xe0: {  	s0 =	smov.u32 s31;
	v0 =	vadd.f32 v1, v0  }
0xe1: {  	_ = 	snop  }
0xe2: {  	s0 =	sshra.s32 s30, $0x2;
	[tilespmem:s29+$0x8370] =	vst v0  }
0xe3: {  	v0 =	vld [tilespmem:s0+$0x4200];
	_ =	sdelay $0x4  }
0xe4: {  	(v2sf) =	vpush v0, $0x0;
	_ =	sdelay $0xe  }
0xe5: {  	s31 =	spop (v2sf)  }
0xe6: {  	s1 =	sadd.s32 $0x80, s28;
	s0 =	sshll.u32 s31, $0x9  }
0xe7: {  	v49 =	vld [tilespmem:s1+$0xFFFFFFC0];
	s0 =	sshra.s32 s0, $0x2  }
0xe8: {  	v1 =	vld [tilespmem:s0+$0x8300];
	_ =	sdelay $0x4  }
0xe9: {  	v0 =	vadd.f32 v49, v1;
	_ =	sdelay $0x1  }
0xea: {  	v50 =	vld [tilespmem:s0+$0x8310];
	[tilespmem:s0+$0x8300] =	vst v0  }
0xeb: {  	v51 =	vld [tilespmem:s1+$0xFFFFFFD0];
	_ =	sdelay $0x4  }
0xec: {  	v0 =	vadd.f32 v51, v50;
	_ =	sdelay $0x1  }
0xed: {  	v52 =	vld [tilespmem:s0+$0x8320];
	[tilespmem:s0+$0x8310] =	vst v0  }
0xee: {  	v53 =	vld [tilespmem:s1+$0xFFFFFFE0];
	_ =	sdelay $0x4  }
0xef: {  	v0 =	vadd.f32 v53, v52;
	_ =	sdelay $0x1  }
0xf0: {  	v54 =	vld [tilespmem:s0+$0x8330];
	[tilespmem:s0+$0x8320] =	vst v0  }
0xf1: {  	v55 =	vld [tilespmem:s1+$0xFFFFFFF0];
	_ =	sdelay $0x4  }
0xf2: {  	v0 =	vadd.f32 v55, v54;
	_ =	sdelay $0x1  }
0xf3: {  	v56 =	vld [tilespmem:s0+$0x8340];
	[tilespmem:s0+$0x8330] =	vst v0  }
0xf4: {  	v57 =	vld [tilespmem:s1+$0x0];
	_ =	sdelay $0x4  }
0xf5: {  	v0 =	vadd.f32 v57, v56;
	_ =	sdelay $0x1  }
0xf6: {  	v58 =	vld [tilespmem:s0+$0x8350];
	[tilespmem:s0+$0x8340] =	vst v0  }
0xf7: {  	v59 =	vld [tilespmem:s1+$0x10];
	_ =	sdelay $0x4  }
0xf8: {  	v0 =	vadd.f32 v59, v58;
	_ =	sdelay $0x1  }
0xf9: {  	v60 =	vld [tilespmem:s0+$0x8360];
	[tilespmem:s0+$0x8350] =	vst v0  }
0xfa: {  	v61 =	vld [tilespmem:s1+$0x20];
	_ =	sdelay $0x4  }
0xfb: {  	v0 =	vadd.f32 v61, v60;
	_ =	sdelay $0x1  }
0xfc: {  	v62 =	vld [tilespmem:s0+$0x8370];
	[tilespmem:s0+$0x8360] =	vst v0  }
0xfd: {  	v63 =	vld [tilespmem:s1+$0x30]  }
0xfe: {  	s26 =	sadd.s32 $0x1, s26  }
0xff: {  	p0 =	sne.s32 s26, s25  }
.Ltmp5:
0x100: {  	_ = 	snop;
	(pc) =	sbr.rel @p0 .LBB2_2-.Ltmp5, $3  }
0x101: {  	_ = 	snop  }
0x102: {  	v0 =	vadd.f32 v63, v62;
	_ =	sdelay $0x1  }
0x103: {  	[tilespmem:s0+$0x8370] =	vst v0  }
.LBB2_7:
0x104: {  	s0 =	sand.u32 $0x1, s24  }
0x105: {  	p0 =	seq.s32 s0, $0x0  }
.Ltmp6:
0x106: {  	_ = 	snop;
	(pc) =	sbr.rel @p0 .LBB2_11-.Ltmp6, $1  }
0x107: {  	_ =	sdelay $0x3  }
0x108: {  	s0 =	sshll.u32 s24, $0x7  }
0x109: {  	s0 =	sadd.s32 s0, s10  }
0x10a: {  	s0 =	sshrl.u32 s0, $0x3  }
0x10b: {  	s29 =	simm.s32 $0x0;
	s1 =	sadd.s32 s4, s0  }
0x10c: {  	[tilespmem:s29], [sflag:$0x3] =	stream.linear.gather [hbm4b:s1+s29], $0x80, $0x38;
	[tilespmem:$0x12380] =	vst v63  }
0x10d: {  	_ =	swait.ge [sflag:s14], $0x80  }
0x10e: {  	[sflag:s14] =	ssyncset.done $0x0  }
0x10f: {  	s0 =	sadd.s32 s5, s0;
	[sflag:s14] =	ssyncadd.s32 $0xFFFFFF80  }
0x110: {  	[tilespmem:s17], [sflag:$0x3] =	stream.linear.gather [hbm4b:s0+s29], $0x80, $0x38;
	[tilespmem:$0x12380] =	vst v63  }
0x111: {  	_ =	swait.ge [sflag:s14], $0x80  }
0x112: {  	[sflag:s14] =	ssyncset.done $0x0  }
0x113: {  	[sflag:s14] =	ssyncadd.s32 $0xFFFFFF80  }
0x114: {  	[tilespmem:s18], [sflag:$0x1] =	stream.indirect.gather [hbm4b:s3+s17], $0x80, s29, s17, $0xb8;
	[tilespmem:$0x12380] =	vst v63  }
0x115: {  	_ =	swait.ge [sflag:s16], $0x4000  }
0x116: {  	[sflag:s16] =	ssyncset.done $0x0  }
0x117: {  	s30 =	simm.s32 $0x0;
	[sflag:s16] =	ssyncadd.s32 $0xFFFFC000  }
0x118: {  	v0 =	vld [tilespmem:s30+$0x80];
	_ =	sdelay $0x4  }
0x119: {  	(v2sf) =	vpush v0, $0x0;
	_ =	sdelay $0xe  }
0x11a: {  	s31 =	spop (v2sf)  }
0x11b: {  	s24 =	simm.s32 $0x1C0;
	s0 =	sshll.u32 s31, $0x9  }
0x11c: {  	v0 =	vld [tilespmem:s24+$0xFFFFFFC0];
	s25 =	sshra.s32 s0, $0x2  }
0x11d: {  	v1 =	vld [tilespmem:s25+$0x8300];
	_ =	sdelay $0x4  }
0x11e: {  	v0 =	vadd.f32 v0, v1;
	_ =	sdelay $0x1  }
0x11f: {  	[tilespmem:s25+$0x8300] =	vst v0;
	v0 =	vld [tilespmem:s25+$0x8310]  }
0x120: {  	v1 =	vld [tilespmem:s24+$0xFFFFFFD0];
	_ =	sdelay $0x4  }
0x121: {  	v0 =	vadd.f32 v1, v0;
	_ =	sdelay $0x1  }
0x122: {  	[tilespmem:s25+$0x8310] =	vst v0;
	v0 =	vld [tilespmem:s25+$0x8320]  }
0x123: {  	v1 =	vld [tilespmem:s24+$0xFFFFFFE0];
	_ =	sdelay $0x4  }
0x124: {  	v0 =	vadd.f32 v1, v0;
	_ =	sdelay $0x1  }
0x125: {  	[tilespmem:s25+$0x8320] =	vst v0;
	v0 =	vld [tilespmem:s25+$0x8330]  }
0x126: {  	v1 =	vld [tilespmem:s24+$0xFFFFFFF0];
	_ =	sdelay $0x4  }
0x127: {  	v0 =	vadd.f32 v1, v0;
	_ =	sdelay $0x1  }
0x128: {  	[tilespmem:s25+$0x8330] =	vst v0;
	v0 =	vld [tilespmem:s25+$0x8340]  }
0x129: {  	v1 =	vld [tilespmem:s24+$0x0];
	_ =	sdelay $0x4  }
0x12a: {  	v0 =	vadd.f32 v1, v0;
	_ =	sdelay $0x1  }
0x12b: {  	[tilespmem:s25+$0x8340] =	vst v0;
	v0 =	vld [tilespmem:s25+$0x8350]  }
0x12c: {  	v1 =	vld [tilespmem:s24+$0x10];
	_ =	sdelay $0x4  }
0x12d: {  	v0 =	vadd.f32 v1, v0;
	_ =	sdelay $0x1  }
0x12e: {  	[tilespmem:s25+$0x8350] =	vst v0;
	v0 =	vld [tilespmem:s25+$0x8360]  }
0x12f: {  	v1 =	vld [tilespmem:s24+$0x20];
	_ =	sdelay $0x4  }
0x130: {  	v0 =	vadd.f32 v1, v0;
	_ =	sdelay $0x1  }
0x131: {  	[tilespmem:s25+$0x8360] =	vst v0;
	v0 =	vld [tilespmem:s25+$0x8370]  }
0x132: {  	v1 =	vld [tilespmem:s24+$0x30];
	_ =	sdelay $0x4  }
0x133: {  	s26 =	simm.s32 $0x4;
	s0 =	simm.s32 $0x8;
	v0 =	vadd.f32 v1, v0  }
.LBB2_9:
0x134: {  	s1 =	sshra.s32 s26, $0x2  }
0x135: {  	s24 =	sadd.s32 $0x80, s24;
	s26 =	smov.u32 s0;
	s28 =	sadd.s32 $0x4, s0;
	[tilespmem:s25+$0x8370] =	vst v0  }
0x136: {  	p0 =	sne.s32 s0, $0x1FC;
	v0 =	vld [tilespmem:s1+$0x80];
	_ =	sdelay $0x4  }
0x137: {  	(v2sf) =	vpush v0, $0x0;
	_ =	sdelay $0xe  }
0x138: {  	s0 =	spop (v2sf)  }
0x139: {  	s0 =	sshll.u32 s0, $0x9  }
0x13a: {  	s25 =	sshra.s32 s0, $0x2;
	v0 =	vld [tilespmem:s24+$0xFFFFFFC0]  }
0x13b: {  	v1 =	vld [tilespmem:s25+$0x8300];
	_ =	sdelay $0x4  }
0x13c: {  	v0 =	vadd.f32 v0, v1;
	_ =	sdelay $0x1  }
0x13d: {  	[tilespmem:s25+$0x8300] =	vst v0;
	v0 =	vld [tilespmem:s25+$0x8310]  }
0x13e: {  	v1 =	vld [tilespmem:s24+$0xFFFFFFD0];
	_ =	sdelay $0x4  }
0x13f: {  	v0 =	vadd.f32 v1, v0;
	_ =	sdelay $0x1  }
0x140: {  	[tilespmem:s25+$0x8310] =	vst v0;
	v0 =	vld [tilespmem:s25+$0x8320]  }
0x141: {  	v1 =	vld [tilespmem:s24+$0xFFFFFFE0];
	_ =	sdelay $0x4  }
0x142: {  	v0 =	vadd.f32 v1, v0;
	_ =	sdelay $0x1  }
0x143: {  	[tilespmem:s25+$0x8320] =	vst v0;
	v0 =	vld [tilespmem:s25+$0x8330]  }
0x144: {  	v1 =	vld [tilespmem:s24+$0xFFFFFFF0];
	_ =	sdelay $0x4  }
0x145: {  	v0 =	vadd.f32 v1, v0;
	_ =	sdelay $0x1  }
0x146: {  	[tilespmem:s25+$0x8330] =	vst v0;
	v0 =	vld [tilespmem:s25+$0x8340]  }
0x147: {  	v1 =	vld [tilespmem:s24+$0x0];
	_ =	sdelay $0x4  }
0x148: {  	v0 =	vadd.f32 v1, v0;
	_ =	sdelay $0x1  }
0x149: {  	[tilespmem:s25+$0x8340] =	vst v0;
	v0 =	vld [tilespmem:s25+$0x8350]  }
0x14a: {  	v1 =	vld [tilespmem:s24+$0x10];
	_ =	sdelay $0x4  }
0x14b: {  	v0 =	vadd.f32 v1, v0;
	_ =	sdelay $0x1  }
0x14c: {  	[tilespmem:s25+$0x8350] =	vst v0;
	v0 =	vld [tilespmem:s25+$0x8360]  }
0x14d: {  	v1 =	vld [tilespmem:s24+$0x20];
	_ =	sdelay $0x4  }
0x14e: {  	v0 =	vadd.f32 v1, v0;
	_ =	sdelay $0x1  }
0x14f: {  	[tilespmem:s25+$0x8360] =	vst v0;
	v0 =	vld [tilespmem:s25+$0x8370]  }
0x150: {  	v1 =	vld [tilespmem:s24+$0x30]  }
.Ltmp7:
0x151: {  	(pc) =	sbr.rel @p0 .LBB2_9-.Ltmp7, $2  }
0x152: {  	_ =	sdelay $0x2  }
0x153: {  	s0 =	smov.u32 s28;
	v0 =	vadd.f32 v1, v0  }
0x154: {  	_ = 	snop  }
0x155: {  	s0 =	sshra.s32 s26, $0x2;
	[tilespmem:s25+$0x8370] =	vst v0  }
0x156: {  	v0 =	vld [tilespmem:s0+$0x80];
	_ =	sdelay $0x4  }
0x157: {  	(v2sf) =	vpush v0, $0x0;
	_ =	sdelay $0xe  }
0x158: {  	s31 =	spop (v2sf)  }
0x159: {  	s1 =	sadd.s32 $0x80, s24;
	s0 =	sshll.u32 s31, $0x9  }
0x15a: {  	v49 =	vld [tilespmem:s1+$0xFFFFFFC0];
	s0 =	sshra.s32 s0, $0x2  }
0x15b: {  	v1 =	vld [tilespmem:s0+$0x8300];
	_ =	sdelay $0x4  }
0x15c: {  	v0 =	vadd.f32 v49, v1;
	_ =	sdelay $0x1  }
0x15d: {  	v50 =	vld [tilespmem:s0+$0x8310];
	[tilespmem:s0+$0x8300] =	vst v0  }
0x15e: {  	v51 =	vld [tilespmem:s1+$0xFFFFFFD0];
	_ =	sdelay $0x4  }
0x15f: {  	v0 =	vadd.f32 v51, v50;
	_ =	sdelay $0x1  }
0x160: {  	v52 =	vld [tilespmem:s0+$0x8320];
	[tilespmem:s0+$0x8310] =	vst v0  }
0x161: {  	v53 =	vld [tilespmem:s1+$0xFFFFFFE0];
	_ =	sdelay $0x4  }
0x162: {  	v0 =	vadd.f32 v53, v52;
	_ =	sdelay $0x1  }
0x163: {  	v54 =	vld [tilespmem:s0+$0x8330];
	[tilespmem:s0+$0x8320] =	vst v0  }
0x164: {  	v55 =	vld [tilespmem:s1+$0xFFFFFFF0];
	_ =	sdelay $0x4  }
0x165: {  	v0 =	vadd.f32 v55, v54;
	_ =	sdelay $0x1  }
0x166: {  	v56 =	vld [tilespmem:s0+$0x8340];
	[tilespmem:s0+$0x8330] =	vst v0  }
0x167: {  	v57 =	vld [tilespmem:s1+$0x0];
	_ =	sdelay $0x4  }
0x168: {  	v0 =	vadd.f32 v57, v56;
	_ =	sdelay $0x1  }
0x169: {  	v58 =	vld [tilespmem:s0+$0x8350];
	[tilespmem:s0+$0x8340] =	vst v0  }
0x16a: {  	v59 =	vld [tilespmem:s1+$0x10];
	_ =	sdelay $0x4  }
0x16b: {  	v0 =	vadd.f32 v59, v58;
	_ =	sdelay $0x1  }
0x16c: {  	v60 =	vld [tilespmem:s0+$0x8360];
	[tilespmem:s0+$0x8350] =	vst v0  }
0x16d: {  	v61 =	vld [tilespmem:s1+$0x20];
	_ =	sdelay $0x4  }
0x16e: {  	v0 =	vadd.f32 v61, v60;
	_ =	sdelay $0x1  }
0x16f: {  	v62 =	vld [tilespmem:s0+$0x8370];
	[tilespmem:s0+$0x8360] =	vst v0  }
0x170: {  	v63 =	vld [tilespmem:s1+$0x30];
	_ =	sdelay $0x2  }
.Ltmp8:
0x171: {  	_ = 	snop;
	(pc) =	sbr.rel .LBB2_11-.Ltmp8, $3  }
0x172: {  	_ = 	snop  }
0x173: {  	v0 =	vadd.f32 v63, v62;
	_ =	sdelay $0x1  }
0x174: {  	[tilespmem:s0+$0x8370] =	vst v0  }
.LBB2_12:
0x175: {  	_ =	sfence.sel $0x180000  }
0x176: {  	[bflag:$0x0] =	sbarrier.arrive $0xFFFF  }
0x177: {  	_ =	strace $0x9000004A  }
0x178: {  	s0 =	stileid.u32;
	[bflag:$0x2] =	sbarrier.arrive $0xFFFF  }
0x179: {  	p0 =	sne.s32 s0, $0x0;
	s0 =	rddreg [dreg:$0x2]  }
0x17a: {  	s0 =	sadd.s32 @!p0 $0x100000, s0  }
0x17b: {  	[sflag:s0] =	ssyncadd.tile.s32 @!p0 $0x1;
	_ =	shalt  }
.Lfunc_end2:
_tile_overlayer_lowered:
.L_overlay_start_2:
0x17c: {  	(tag) =	ssettag $0x2  }
0x17d: {  	s0 =	rddreg [dreg:$0x0];
	s2 =	stileid.u32  }
0x17e: {  	s1 =	rddreg [dreg:$0x1];
	p0 =	sne.s32 s2, $0x0  }
0x17f: {  	s3 =	rddreg [dreg:$0x2];
	[bflag:$0x3] =	sbarrier.arrive $0xFFFF;
	s2 =	simm.s32 @!p0 $0x1C03  }
0x180: {  	[timem:s3], [sflag:s2] =	dma.local @!p0 [hbm:s0], s1  }
0x181: {  	s0 =	simm.s32 @!p0 $0x3  }
0x182: {  	_ =	swait.ge @!p0 [sflag:s0], s1  }
0x183: {  	s1 =	ssub.s32 @!p0 $0x0, s1;
	[sflag:s0] =	ssyncset.done @!p0 $0x0  }
0x184: {  	[sflag:s0] =	ssyncadd.s32 @!p0 s1  }
0x185: {  	[bflag:$0x3] =	sbarrier.arrive $0xFFFF  }
0x186: {  	_ =	shalt  }

// kernel: kernel.26.cloned.1.call-start
scs
__scs_entry_jumppad:
0x0: {  	(pc) =	sbr.rel $0x88, $3  }
0x1: {  	(tag) =	ssettag $0x0;
	lr =	simm.s32 $0x1  }
0x2: {  	[smem:$0x3F87] =	sst lr;
	_ =	strace $0xD0000000  }
0x3: {  	_ = 	snop  }
0x4: {  	_ = 	snop  }
0x5: {  	_ = 	snop  }
0x6: {  	_ = 	snop  }
0x7: {  	_ = 	snop  }
__scs_overlays_trampoline_lowered:
0x8: {  	[smem:$0x3F96] =	sst s0  }
0x9: {  	[smem:$0x3F97] =	sst s1  }
0xa: {  	[smem:$0x3F98] =	sst s2  }
0xb: {  	[smem:$0x3F99] =	sst s3  }
0xc: {  	[smem:$0x3F9A] =	sst s4  }
0xd: {  	[smem:$0x3F9B] =	sst s5  }
0xe: {  	[smem:$0x3F9C] =	sst s6  }
0xf: {  	[smem:$0x3F9D] =	sst s7  }
0x10: {  	[smem:$0x3F9E] =	sst s8  }
0x11: {  	[smem:$0x3F9F] =	sst s9;
	s0 =	simm.s32 @!p0 $0x0  }
0x12: {  	s1 =	sld [smem:$0x3F85];
	s0 =	simm.s32 @p0 $0x1  }
0x13: {  	[smem:$0x3FA0] =	sst s0;
	s0 =	simm.s32 @!p1 $0x0  }
0x14: {  	s2 =	sld [smem:$0x3F84];
	s0 =	simm.s32 @p1 $0x1  }
0x15: {  	[smem:$0x3FA1] =	sst s0;
	s0 =	simm.s32 @!p2 $0x0  }
0x16: {  	s3 =	sld [smem:$0x3FDB];
	s0 =	simm.s32 @p2 $0x1  }
0x17: {  	s4 =	simm.s32 $0x1BF5;
	[smem:$0x3FA3] =	sst s0  }
0x18: {  	s0 =	sld [smem:$0x3F86];
	_ =	swait.ge [sflag:s4], $0x0  }
0x19: {  	s7 =	sld [smem:$0x3F87]  }
0x1a: {  	s8 =	sadd.s32 $0xFFFFE003, lr  }
0x1b: {  	s9 =	sadd.s32 $0xFFFFFEF7, lr;
	s5 =	simm.s32 $0xFFFFFFFF;
	p2 =	slt.u32 s8, $0xFFFFF086  }
0x1c: {  	p1 =	slt.u32 s9, $0xF7A;
	s5 =	simm.s32 @!p2 $0x0  }
0x1d: {  	s5 =	simm.s32 @p1 $0x1;
	p0 =	seq.s32 s7, s2  }
0x1e: {  	s7 =	smul.u32 @!p0 $0xF7A, s2;
	p2 =	seq.s32 @!p0 s5, $0x0  }
0x1f: {  	s9 =	smul.u32 $0xF7A, s1;
	s8 =	simm.s32 @!p0 $0x1BF5;
	p2 =	por !p2, p0  }
0x20: {  	[sflag:s8] =	ssyncset.s32 @!p0 $0xFFFFF086;
	s6 =	sadd.s32 @!p0 s3, s7;
	s7 =	simm.s32 @!p0 $0x108  }
0x21: {  	s3 =	sadd.s32 s3, s9;
	s6 =	sadd.s32 @!p0 $0x88, s6;
	s7 =	simm.s32 @p2 $0x1082  }
0x22: {  	[simem:s7], [sflag:s8] =	dma.local @!p0 [hbm:s6], $0xF7A  }
0x23: {  	s9 =	sor.u32 $0xD0000000, s2;
	s6 =	simm.s32 $0x108;
	_ =	swait.ge @!p0 [sflag:s8], $0x0  }
0x24: {  	s3 =	sadd.s32 $0x88, s3;
	s6 =	simm.s32 @!p1 $0x1082;
	[sflag:s4] =	ssyncset.s32 $0xFFFFF086  }
0x25: {  	[simem:s6], [sflag:s4] =	dma.local [hbm:s3], $0xF7A  }
0x26: {  	[smem:$0x3F87] =	sst s1;
	(tag) =	ssettag s2;
	_ =	strace s9  }
0x27: {  	s1 =	sld [smem:$0x3F97]  }
0x28: {  	s2 =	sld [smem:$0x3F98]  }
0x29: {  	s4 =	sld [smem:$0x3F9A]  }
0x2a: {  	p0 =	seq.s32 s5, $0x0;
	s5 =	sld [smem:$0x3F9B]  }
0x2b: {  	s6 =	sld [smem:$0x3F9C]  }
0x2c: {  	s7 =	sld [smem:$0x3F9D]  }
0x2d: {  	s3 =	simm.s32 $0x108;
	s8 =	sld [smem:$0x3F9E]  }
0x2e: {  	s3 =	simm.s32 @!p0 $0x1082;
	s9 =	sld [smem:$0x3F9F]  }
0x2f: {  	lr =	sadd.s32 s0, s3;
	s0 =	sld [smem:$0x3F96]  }
0x30: {  	s3 =	sld [smem:$0x3F99]  }
0x31: {  	[smem:$0x3FA2] =	sst s10  }
0x32: {  	s10 =	sld [smem:$0x3FA0];
	_ =	sdelay $0x3  }
0x33: {  	p0 =	seq.s32 s10, $0x1;
	s10 =	sld [smem:$0x3FA2];
	_ =	sdelay $0x3  }
0x34: {  	[smem:$0x3FA2] =	sst s10  }
0x35: {  	s10 =	sld [smem:$0x3FA1];
	_ =	sdelay $0x3  }
0x36: {  	p1 =	seq.s32 s10, $0x1;
	s10 =	sld [smem:$0x3FA2];
	_ =	sdelay $0x3  }
0x37: {  	[smem:$0x3FA2] =	sst s10  }
0x38: {  	s10 =	sld [smem:$0x3FA3]  }
0x39: {  	_ = 	snop;
	(pc) =	sbr.ind lr, $3  }
0x3a: {  	_ = 	snop  }
0x3b: {  	_ = 	snop  }
0x3c: {  	p2 =	seq.s32 s10, $0x1;
	s10 =	sld [smem:$0x3FA2]  }
0x3d: {  	_ =	shalt  }
0x3e: {  	_ =	shalt  }
0x3f: {  	_ =	shalt  }
0x40: {  	_ =	shalt  }
0x41: {  	_ =	shalt  }
0x42: {  	_ =	shalt  }
0x43: {  	_ =	shalt  }
0x44: {  	_ =	shalt  }
0x45: {  	_ =	shalt  }
0x46: {  	_ =	shalt  }
0x47: {  	_ =	shalt  }
0x48: {  	_ =	shalt  }
0x49: {  	_ =	shalt  }
0x4a: {  	_ =	shalt  }
0x4b: {  	_ =	shalt  }
0x4c: {  	_ =	shalt  }
0x4d: {  	_ =	shalt  }
0x4e: {  	_ =	shalt  }
0x4f: {  	_ =	shalt  }
0x50: {  	_ =	shalt  }
0x51: {  	_ =	shalt  }
0x52: {  	_ =	shalt  }
0x53: {  	_ =	shalt  }
0x54: {  	_ =	shalt  }
0x55: {  	_ =	shalt  }
0x56: {  	_ =	shalt  }
0x57: {  	_ =	shalt  }
0x58: {  	_ =	shalt  }
0x59: {  	_ =	shalt  }
0x5a: {  	_ =	shalt  }
0x5b: {  	_ =	shalt  }
0x5c: {  	_ =	shalt  }
0x5d: {  	_ =	shalt  }
0x5e: {  	_ =	shalt  }
0x5f: {  	_ =	shalt  }
0x60: {  	_ =	shalt  }
0x61: {  	_ =	shalt  }
0x62: {  	_ =	shalt  }
0x63: {  	_ =	shalt  }
0x64: {  	_ =	shalt  }
0x65: {  	_ =	shalt  }
0x66: {  	_ =	shalt  }
0x67: {  	_ =	shalt  }
0x68: {  	_ =	shalt  }
0x69: {  	_ =	shalt  }
0x6a: {  	_ =	shalt  }
0x6b: {  	_ =	shalt  }
0x6c: {  	_ =	shalt  }
0x6d: {  	_ =	shalt  }
0x6e: {  	_ =	shalt  }
0x6f: {  	_ =	shalt  }
0x70: {  	_ =	shalt  }
0x71: {  	_ =	shalt  }
0x72: {  	_ =	shalt  }
0x73: {  	_ =	shalt  }
0x74: {  	_ =	shalt  }
0x75: {  	_ =	shalt  }
0x76: {  	_ =	shalt  }
0x77: {  	_ =	shalt  }
0x78: {  	_ =	shalt  }
0x79: {  	_ =	shalt  }
0x7a: {  	_ =	shalt  }
0x7b: {  	_ =	shalt  }
0x7c: {  	_ =	shalt  }
0x7d: {  	_ =	shalt  }
0x7e: {  	_ =	shalt  }
0x7f: {  	_ =	shalt  }
0x80: {  	_ =	shalt  }
0x81: {  	_ =	shalt  }
0x82: {  	_ =	shalt  }
0x83: {  	_ =	shalt  }
0x84: {  	_ =	shalt  }
0x85: {  	_ =	shalt  }
0x86: {  	_ =	shalt  }
0x87: {  	_ =	shalt  }
.Lfunc_end0:
.L_simem_size_0:
called_computation.2_lowered:
.L_overlay_start_0:
0x88: {  	s2 =	sld [smem:$0x3FD9]  }
0x89: {  	s3 =	sld [smem:$0x3FFE];
	_ =	sdelay $0x1  }
0x8a: {  	s1 =	srdreg.scid  }
0x8b: {  	s0 =	sand.u32 $0x1, s1  }
0x8c: {  	s17 =	sshll.u32 s0, $0xA;
	s2 =	sadd.s32 s3, s2  }
0x8d: {  	s2 =	sadd.s32 s2, s17  }
0x8e: {  	[smem:$0x3FAE] =	sst s2  }
0x8f: {  	_ = 	snop  }
0x90: {  	s2 =	sld [smem:$0x3FD0];
	(tm) =	ssettm $0x1  }
0x91: {  	s18 =	sld [smem:$0x3FFB];
	_ =	sdelay $0x3  }
0x92: {  	_ =	strace s18  }
0x93: {  	s3 =	sld [smem:$0x3FFC];
	_ =	sdelay $0x3  }
0x94: {  	_ =	strace s3  }
0x95: {  	s3 =	sld [smem:$0x3FFD];
	_ =	sdelay $0x3  }
0x96: {  	_ =	strace s3  }
0x97: {  	_ =	strace $0x8FFFFFFF  }
0x98: {  	s19 =	sld [smem:$0x3FDB];
	_ =	sdelay $0x1  }
0x99: {  	s4 =	simm.s32 $_scs_section_size  }
0x9a: {  	s5 =	simm.s32 $_size__tile_overlayer_lowered;
	s6 =	simm.s32 $_tile_overlayer_lowered  }
0x9b: {  	s22 =	simm.s32 $0x1BFF;
	s21 =	sshll.u32 s6, $0x1;
	s3 =	sadd.s32 s4, s19  }
0x9c: {  	s7 =	simm.s32 $0x0;
	s20 =	sshll.u32 s5, $0x1;
	s5 =	sadd.s32 s21, s3  }
0x9d: {  	[timem:s7], [sflag:s22] =	dma.local [hbm:s5], s20  }
0x9e: {  	_ =	swait.ge [sflag:s22], s20  }
0x9f: {  	s4 =	ssub.s32 $0x0, s20;
	[sflag:s22] =	ssyncset.done $0x0  }
0xa0: {  	[sflag:s22] =	ssyncadd.s32 s4;
	_ =	sdelay $0x1  }
0xa1: {  	s23 =	simm.s32 $0x1B8B  }
0xa2: {  	_ =	swait.ge [sflag:s23], $0x1  }
0xa3: {  	[sflag:s23] =	ssyncset.done $0x0  }
0xa4: {  	s25 =	simm.s32 $0x1B8E;
	s24 =	sld [smem:$0x3FFE];
	[sflag:s23] =	ssyncadd.s32 $0xFFFFFFFF  }
0xa5: {  	s26 =	simm.s32 $execute0_lowered;
	[smem:$0x3FD2] =	sst s25  }
0xa6: {  	s5 =	sshll.u32 s26, $0x1;
	_ =	strace $0x8000004C;
	[dreg:$0x1] =	wrdreg $0xFFFFFFFF  }
0xa7: {  	s28 =	simm.s32 $_size_execute0_lowered;
	s3 =	sadd.s32 s3, s5;
	[dreg:$0x0] =	wrdreg $0x0  }
0xa8: {  	s5 =	sshll.u32 s28, $0x1;
	[dreg:$0x2] =	wrdreg s3  }
0xa9: {  	[dreg:$0x3] =	wrdreg s5  }
0xaa: {  	[dreg:$0x4] =	wrdreg $0xC0  }
0xab: {  	_ =	task [dreg:s7], $0x5FFFF  }
0xac: {  	[dreg:$0x1] =	wrdreg $0xFFFFFFFF  }
0xad: {  	[dreg:$0x0] =	wrdreg $0x60  }
0xae: {  	[dreg:$0x2] =	wrdreg s24  }
0xaf: {  	[dreg:$0x3] =	wrdreg s2  }
0xb0: {  	[dreg:$0x4] =	wrdreg $0x9  }
0xb1: {  	_ =	task.clear_ibuf [dreg:s7], $0x5FFFF;
	_ =	strace $0x9000004C  }
0xb2: {  	s29 =	simm.s32 $0x9;
	_ =	strace $0x8000004E  }
0xb3: {  	_ =	swait.ge [sflag:s29], $0x1  }
0xb4: {  	[sflag:s29] =	ssyncadd.s32 $0xFFFFFFFF  }
0xb5: {  	_ =	strace $0x9000004E  }
0xb6: {  	_ =	sfence  }
0xb7: {  	s30 =	sld [smem:$0x0];
	_ =	sdelay $0x2  }
0xb8: {  	s31 =	sshll.u32 s1, $0xD;
	s1 =	sshrl.u32 s1, $0x2  }
0xb9: {  	s3 =	sand.u32 $0x4000, s31;
	s1 =	sadd.s32 s1, s30  }
0xba: {  	s0 =	sor.u32 s3, s0;
	s1 =	sshll.u32 s1, $0x11  }
0xbb: {  	s0 =	sor.u32 s1, s0  }
0xbc: {  	s0 =	sadd.s32 $0x8F2B, s0  }
0xbd: {  	[sflag:s0] =	ssyncadd.remote.s32 $0x1  }
0xbe: {  	_ =	sfence.sel $0xFFFF  }
0xbf: {  	[dreg:$0x0] =	wrdreg $0xFFFFFFFF;
	(pc) =	sbr.abs _section_cstart, $3  }
0xc0: {  	[dreg:$0x1] =	wrdreg $0xFFFFFFFF  }
0xc1: {  	_ =	task.clear_ibuf [dreg:s7], $0x2FFFF;
	_ =	strace $0x9FFFFFFF  }
0xc2: {  	(tm) =	ssettm $0x7FFFFFFF  }
0xc3: {  	_ =	shalt  }
tec
execute0_lowered:
.L_overlay_start_1:
0x0: {  	(tag) =	ssettag $0x1  }
0x1: {  	s0 =	rddreg [dreg:$0x0]  }
0x2: {  	s8 =	rddreg [dreg:$0x1]  }
0x3: {  	s2 =	simm.s32 $0x0;
	s4 =	srdreg.scid;
	s1 =	stileid.u32  }
0x4: {  	s13 =	simm.s32 $0x8300;
	s14 =	simm.s32 $0x3;
	s15 =	simm.s32 $0x12300  }
0x5: {  	s16 =	simm.s32 $0x1;
	s17 =	simm.s32 $0x80;
	s18 =	simm.s32 $0x180  }
0x6: {  	s19 =	simm.s32 $0x4180;
	s20 =	simm.s32 $0x4200;
	s21 =	simm.s32 $0x4300  }
0x7: {  	s22 =	simm.s32 $0x2;
	s7 =	sand.u32 $0x1, s4;
	s6 =	sshll.u32 s1, $0x1  }
0x8: {  	s23 =	simm.s32 $0x0;
	[smem:$0x7FF] =	sst s2;
	s9 =	sor.u32 s7, s6  }
0x9: {  	s3 =	sadd.s32 $0x3C200, s0;
	s4 =	sadd.s32 $0x24A00, s0;
	s10 =	smul.u32 $0x1400, s9  }
.Ltmp0:
0xa: {  	s5 =	sadd.s32 $0x30600, s0;
	s11 =	ssub.s32 $0x2, s7;
	(pc) =	sbr.rel .LBB2_1-.Ltmp0, $4  }
0xb: {  	_ =	strace $0x8000004D;
	s12 =	sshrl.u32 s11, $0x1;
	s7 =	smul.u32 $0x2F00, s9  }
0xc: {  	s6 =	sadd.s32 $0x5E00, s0;
	s9 =	sshll.u32 s9, $0x1;
	s12 =	ssub.s32 s11, s12  }
0xd: {  	s8 =	sadd.s32 s8, s9;
	s0 =	sadd.s32 s10, s0;
	s9 =	sor.u32 $0x80, s7  }
0xe: {  	s10 =	sadd.s32 $0xFFFFFF80, s7;
	s12 =	smax.u32 s12, $0x1;
	s11 =	sadd.s32 $0x67200, s0  }
.LBB2_11:
0xf: {  	s23 =	sadd.s32 $0x1, s23  }
0x10: {  	p0 =	sne.s32 s23, s12  }
.Ltmp1:
0x11: {  	_ = 	snop;
	(pc) =	sbr.rel @!p0 .LBB2_12-.Ltmp1, $4  }
0x12: {  	[hbm4b:s11+s2] =	stream.linear.scatter [tilespmem:s13], [sflag:$0x3], $0xA000, $0x38;
	[tilespmem:$0x12380] =	vst v63  }
0x13: {  	_ =	swait.ge [sflag:s14], $0xA000  }
0x14: {  	[sflag:s14] =	ssyncset.done $0x0  }
0x15: {  	[sflag:s14] =	ssyncadd.s32 $0xFFFF6000  }
.LBB2_1:
0x16: {  	[tilespmem:s13], [sflag:$0x3] =	stream.linear.gather [hbm4b:s6+s2], $0xA000, $0x38;
	[tilespmem:$0x12380] =	vst v63  }
0x17: {  	_ =	swait.ge [sflag:s14], $0xA000  }
0x18: {  	[sflag:s14] =	ssyncset.done $0x0  }
0x19: {  	[sflag:s14] =	ssyncadd.s32 $0xFFFF6000  }
0x1a: {  	[tilespmem:s15], [sflag:$0x3] =	stream.linear.gather [hbm4b:s8+s2], $0x10, $0x38;
	[tilespmem:$0x12380] =	vst v63  }
0x1b: {  	_ =	swait.ge [sflag:s14], $0x10  }
0x1c: {  	[sflag:s14] =	ssyncset.done $0x0  }
0x1d: {  	[sflag:s14] =	ssyncadd.s32 $0xFFFFFFF0  }
0x1e: {  	v0 =	vld [tilespmem:$0x12300];
	_ =	sdelay $0x4  }
0x1f: {  	(v2sf) =	vpush v0, $0x0;
	_ =	sdelay $0xe  }
0x20: {  	s24 =	spop (v2sf)  }
0x21: {  	s0 =	sshrl.u32 s24, $0x1F  }
0x22: {  	s0 =	sadd.s32 s0, s24  }
0x23: {  	s25 =	sand.u32 $0xFFFFFFFE, s0  }
0x24: {  	p0 =	slt.s32 s24, $0x1;
	p1 =	sne.s32 s24, s25  }
0x25: {  	p0 =	por !p0, !p1  }
0x26: {  	s25 =	simm.s32 $0x1;
	p0 =	por !p0, !p0  }
0x27: {  	s0 =	sshra.s32 s0, $0x1;
	s25 =	simm.s32 @!p0 $0x0  }
0x28: {  	s25 =	ssub.s32 s0, s25  }
0x29: {  	p0 =	slt.s32 s25, $0x1  }
.Ltmp2:
0x2a: {  	_ = 	snop;
	(pc) =	sbr.rel @p0 .LBB2_7-.Ltmp2, $2  }
0x2b: {  	_ =	sdelay $0x2  }
0x2c: {  	s26 =	simm.s32 $0x0  }
.LBB2_2:
0x2d: {  	s0 =	sshll.u32 s26, $0x8  }
0x2e: {  	s28 =	sadd.s32 s7, s0  }
0x2f: {  	s28 =	sshrl.u32 s28, $0x3  }
0x30: {  	s30 =	simm.s32 $0x0;
	s29 =	sadd.s32 s4, s28  }
0x31: {  	[tilespmem:s30], [sflag:$0x3] =	stream.linear.gather [hbm4b:s29+s30], $0x80, $0x38;
	[tilespmem:$0x12380] =	vst v63  }
0x32: {  	_ =	swait.ge [sflag:s14], $0x80  }
0x33: {  	[sflag:s14] =	ssyncset.done $0x0  }
0x34: {  	s28 =	sadd.s32 s5, s28;
	[sflag:s14] =	ssyncadd.s32 $0xFFFFFF80  }
0x35: {  	[tilespmem:s17], [sflag:$0x3] =	stream.linear.gather [hbm4b:s28+s30], $0x80, $0x38;
	[tilespmem:$0x12380] =	vst v63  }
0x36: {  	_ =	swait.ge [sflag:s14], $0x80  }
0x37: {  	s0 =	sadd.s32 s0, s9;
	[sflag:s14] =	ssyncset.done $0x0  }
0x38: {  	s0 =	sshrl.u32 s0, $0x3;
	[sflag:s14] =	ssyncadd.s32 $0xFFFFFF80  }
0x39: {  	[tilespmem:s18], [sflag:$0x1] =	stream.indirect.gather [hbm4b:s3+s17], $0x80, s30, s17, $0xb8;
	[tilespmem:$0x12380] =	vst v63  }
0x3a: {  	s28 =	sadd.s32 s4, s0  }
0x3b: {  	[tilespmem:s19], [sflag:$0x3] =	stream.linear.gather [hbm4b:s28+s30], $0x80, $0x38;
	[tilespmem:$0x12380] =	vst v63  }
0x3c: {  	_ =	swait.ge [sflag:s14], $0x80  }
0x3d: {  	[sflag:s14] =	ssyncset.done $0x0  }
0x3e: {  	s0 =	sadd.s32 s5, s0;
	[sflag:s14] =	ssyncadd.s32 $0xFFFFFF80  }
0x3f: {  	[tilespmem:s20], [sflag:$0x3] =	stream.linear.gather [hbm4b:s0+s30], $0x80, $0x38;
	[tilespmem:$0x12380] =	vst v63  }
0x40: {  	_ =	swait.ge [sflag:s14], $0x80  }
0x41: {  	[sflag:s14] =	ssyncset.done $0x0  }
0x42: {  	[sflag:s14] =	ssyncadd.s32 $0xFFFFFF80  }
0x43: {  	[tilespmem:s21], [sflag:$0x2] =	stream.indirect.gather [hbm4b:s3+s17], $0x80, s19, s17, $0xb8;
	[tilespmem:$0x12380] =	vst v63  }
0x44: {  	_ =	swait.ge [sflag:s16], $0x4000  }
0x45: {  	[sflag:s16] =	ssyncset.done $0x0  }
0x46: {  	s1 =	simm.s32 $0x0;
	[sflag:s16] =	ssyncadd.s32 $0xFFFFC000  }
0x47: {  	v0 =	vld [tilespmem:s1+$0x80];
	_ =	sdelay $0x4  }
0x48: {  	(v2sf) =	vpush v0, $0x0;
	_ =	sdelay $0xe  }
0x49: {  	s1 =	spop (v2sf)  }
0x4a: {  	s28 =	simm.s32 $0x1C0;
	s0 =	sshll.u32 s1, $0x9  }
0x4b: {  	v0 =	vld [tilespmem:s28+$0xFFFFFFC0];
	s29 =	sshra.s32 s0, $0x2  }
0x4c: {  	v1 =	vld [tilespmem:s29+$0x8300];
	_ =	sdelay $0x4  }
0x4d: {  	v0 =	vadd.f32 v0, v1;
	_ =	sdelay $0x1  }
0x4e: {  	[tilespmem:s29+$0x8300] =	vst v0;
	v0 =	vld [tilespmem:s29+$0x8310]  }
0x4f: {  	v1 =	vld [tilespmem:s28+$0xFFFFFFD0];
	_ =	sdelay $0x4  }
0x50: {  	v0 =	vadd.f32 v1, v0;
	_ =	sdelay $0x1  }
0x51: {  	[tilespmem:s29+$0x8310] =	vst v0;
	v0 =	vld [tilespmem:s29+$0x8320]  }
0x52: {  	v1 =	vld [tilespmem:s28+$0xFFFFFFE0];
	_ =	sdelay $0x4  }
0x53: {  	v0 =	vadd.f32 v1, v0;
	_ =	sdelay $0x1  }
0x54: {  	[tilespmem:s29+$0x8320] =	vst v0;
	v0 =	vld [tilespmem:s29+$0x8330]  }
0x55: {  	v1 =	vld [tilespmem:s28+$0xFFFFFFF0];
	_ =	sdelay $0x4  }
0x56: {  	v0 =	vadd.f32 v1, v0;
	_ =	sdelay $0x1  }
0x57: {  	[tilespmem:s29+$0x8330] =	vst v0;
	v0 =	vld [tilespmem:s29+$0x8340]  }
0x58: {  	v1 =	vld [tilespmem:s28+$0x0];
	_ =	sdelay $0x4  }
0x59: {  	v0 =	vadd.f32 v1, v0;
	_ =	sdelay $0x1  }
0x5a: {  	[tilespmem:s29+$0x8340] =	vst v0;
	v0 =	vld [tilespmem:s29+$0x8350]  }
0x5b: {  	v1 =	vld [tilespmem:s28+$0x10];
	_ =	sdelay $0x4  }
0x5c: {  	v0 =	vadd.f32 v1, v0;
	_ =	sdelay $0x1  }
0x5d: {  	[tilespmem:s29+$0x8350] =	vst v0;
	v0 =	vld [tilespmem:s29+$0x8360]  }
0x5e: {  	v1 =	vld [tilespmem:s28+$0x20];
	_ =	sdelay $0x4  }
0x5f: {  	v0 =	vadd.f32 v1, v0;
	_ =	sdelay $0x1  }
0x60: {  	[tilespmem:s29+$0x8360] =	vst v0;
	v0 =	vld [tilespmem:s29+$0x8370]  }
0x61: {  	v1 =	vld [tilespmem:s28+$0x30];
	_ =	sdelay $0x4  }
0x62: {  	s31 =	simm.s32 $0x8;
	s30 =	simm.s32 $0x4;
	v0 =	vadd.f32 v1, v0  }
.LBB2_3:
0x63: {  	s1 =	sshra.s32 s30, $0x2  }
0x64: {  	s28 =	sadd.s32 $0x80, s28;
	s30 =	smov.u32 s31;
	s0 =	sadd.s32 $0x4, s31;
	[tilespmem:s29+$0x8370] =	vst v0  }
0x65: {  	p0 =	sne.s32 s31, $0x1FC;
	v0 =	vld [tilespmem:s1+$0x80];
	_ =	sdelay $0x4  }
0x66: {  	(v2sf) =	vpush v0, $0x0;
	_ =	sdelay $0xe  }
0x67: {  	s1 =	spop (v2sf)  }
0x68: {  	s1 =	sshll.u32 s1, $0x9  }
0x69: {  	s29 =	sshra.s32 s1, $0x2;
	v0 =	vld [tilespmem:s28+$0xFFFFFFC0]  }
0x6a: {  	v1 =	vld [tilespmem:s29+$0x8300];
	_ =	sdelay $0x4  }
0x6b: {  	v0 =	vadd.f32 v0, v1;
	_ =	sdelay $0x1  }
0x6c: {  	[tilespmem:s29+$0x8300] =	vst v0;
	v0 =	vld [tilespmem:s29+$0x8310]  }
0x6d: {  	v1 =	vld [tilespmem:s28+$0xFFFFFFD0];
	_ =	sdelay $0x4  }
0x6e: {  	v0 =	vadd.f32 v1, v0;
	_ =	sdelay $0x1  }
0x6f: {  	[tilespmem:s29+$0x8310] =	vst v0;
	v0 =	vld [tilespmem:s29+$0x8320]  }
0x70: {  	v1 =	vld [tilespmem:s28+$0xFFFFFFE0];
	_ =	sdelay $0x4  }
0x71: {  	v0 =	vadd.f32 v1, v0;
	_ =	sdelay $0x1  }
0x72: {  	[tilespmem:s29+$0x8320] =	vst v0;
	v0 =	vld [tilespmem:s29+$0x8330]  }
0x73: {  	v1 =	vld [tilespmem:s28+$0xFFFFFFF0];
	_ =	sdelay $0x4  }
0x74: {  	v0 =	vadd.f32 v1, v0;
	_ =	sdelay $0x1  }
0x75: {  	[tilespmem:s29+$0x8330] =	vst v0;
	v0 =	vld [tilespmem:s29+$0x8340]  }
0x76: {  	v1 =	vld [tilespmem:s28+$0x0];
	_ =	sdelay $0x4  }
0x77: {  	v0 =	vadd.f32 v1, v0;
	_ =	sdelay $0x1  }
0x78: {  	[tilespmem:s29+$0x8340] =	vst v0;
	v0 =	vld [tilespmem:s29+$0x8350]  }
0x79: {  	v1 =	vld [tilespmem:s28+$0x10];
	_ =	sdelay $0x4  }
0x7a: {  	v0 =	vadd.f32 v1, v0;
	_ =	sdelay $0x1  }
0x7b: {  	[tilespmem:s29+$0x8350] =	vst v0;
	v0 =	vld [tilespmem:s29+$0x8360]  }
0x7c: {  	v1 =	vld [tilespmem:s28+$0x20];
	_ =	sdelay $0x4  }
0x7d: {  	v0 =	vadd.f32 v1, v0;
	_ =	sdelay $0x1  }
0x7e: {  	[tilespmem:s29+$0x8360] =	vst v0;
	v0 =	vld [tilespmem:s29+$0x8370]  }
0x7f: {  	v1 =	vld [tilespmem:s28+$0x30]  }
.Ltmp3:
0x80: {  	(pc) =	sbr.rel @p0 .LBB2_3-.Ltmp3, $2  }
0x81: {  	_ =	sdelay $0x2  }
0x82: {  	s31 =	smov.u32 s0;
	v0 =	vadd.f32 v1, v0  }
0x83: {  	_ = 	snop  }
0x84: {  	s0 =	sshra.s32 s30, $0x2;
	[tilespmem:s29+$0x8370] =	vst v0  }
0x85: {  	v0 =	vld [tilespmem:s0+$0x80];
	_ =	sdelay $0x4  }
0x86: {  	(v2sf) =	vpush v0, $0x0;
	_ =	sdelay $0xe  }
0x87: {  	s31 =	spop (v2sf)  }
0x88: {  	s1 =	sadd.s32 $0x80, s28;
	s0 =	sshll.u32 s31, $0x9  }
0x89: {  	v0 =	vld [tilespmem:s1+$0xFFFFFFC0];
	s0 =	sshra.s32 s0, $0x2  }
0x8a: {  	v1 =	vld [tilespmem:s0+$0x8300];
	_ =	sdelay $0x4  }
0x8b: {  	v0 =	vadd.f32 v0, v1;
	_ =	sdelay $0x1  }
0x8c: {  	[tilespmem:s0+$0x8300] =	vst v0;
	v0 =	vld [tilespmem:s0+$0x8310]  }
0x8d: {  	v1 =	vld [tilespmem:s1+$0xFFFFFFD0];
	_ =	sdelay $0x4  }
0x8e: {  	v0 =	vadd.f32 v1, v0;
	_ =	sdelay $0x1  }
0x8f: {  	[tilespmem:s0+$0x8310] =	vst v0;
	v0 =	vld [tilespmem:s0+$0x8320]  }
0x90: {  	v1 =	vld [tilespmem:s1+$0xFFFFFFE0];
	_ =	sdelay $0x4  }
0x91: {  	v0 =	vadd.f32 v1, v0;
	_ =	sdelay $0x1  }
0x92: {  	[tilespmem:s0+$0x8320] =	vst v0;
	v0 =	vld [tilespmem:s0+$0x8330]  }
0x93: {  	v1 =	vld [tilespmem:s1+$0xFFFFFFF0];
	_ =	sdelay $0x4  }
0x94: {  	v0 =	vadd.f32 v1, v0;
	_ =	sdelay $0x1  }
0x95: {  	[tilespmem:s0+$0x8330] =	vst v0;
	v0 =	vld [tilespmem:s0+$0x8340]  }
0x96: {  	v1 =	vld [tilespmem:s1+$0x0];
	_ =	sdelay $0x4  }
0x97: {  	v0 =	vadd.f32 v1, v0;
	_ =	sdelay $0x1  }
0x98: {  	[tilespmem:s0+$0x8340] =	vst v0;
	v0 =	vld [tilespmem:s0+$0x8350]  }
0x99: {  	v1 =	vld [tilespmem:s1+$0x10];
	_ =	sdelay $0x4  }
0x9a: {  	v0 =	vadd.f32 v1, v0;
	_ =	sdelay $0x1  }
0x9b: {  	[tilespmem:s0+$0x8350] =	vst v0;
	v0 =	vld [tilespmem:s0+$0x8360]  }
0x9c: {  	v1 =	vld [tilespmem:s1+$0x20];
	_ =	sdelay $0x4  }
0x9d: {  	v0 =	vadd.f32 v1, v0;
	_ =	sdelay $0x1  }
0x9e: {  	[tilespmem:s0+$0x8360] =	vst v0;
	v0 =	vld [tilespmem:s0+$0x8370]  }
0x9f: {  	v1 =	vld [tilespmem:s1+$0x30];
	_ =	sdelay $0x4  }
0xa0: {  	v0 =	vadd.f32 v1, v0;
	_ =	sdelay $0x1  }
0xa1: {  	[tilespmem:s0+$0x8370] =	vst v0  }
0xa2: {  	_ =	swait.ge [sflag:s22], $0x4000  }
0xa3: {  	[sflag:s22] =	ssyncset.done $0x0  }
0xa4: {  	s1 =	simm.s32 $0x0;
	[sflag:s22] =	ssyncadd.s32 $0xFFFFC000  }
0xa5: {  	v0 =	vld [tilespmem:s1+$0x4200];
	_ =	sdelay $0x4  }
0xa6: {  	(v2sf) =	vpush v0, $0x0;
	_ =	sdelay $0xe  }
0xa7: {  	s31 =	spop (v2sf)  }
0xa8: {  	s28 =	simm.s32 $0x4340;
	s0 =	sshll.u32 s31, $0x9  }
0xa9: {  	v0 =	vld [tilespmem:s28+$0xFFFFFFC0];
	s29 =	sshra.s32 s0, $0x2  }
0xaa: {  	v1 =	vld [tilespmem:s29+$0x8300];
	_ =	sdelay $0x4  }
0xab: {  	v0 =	vadd.f32 v0, v1;
	_ =	sdelay $0x1  }
0xac: {  	[tilespmem:s29+$0x8300] =	vst v0;
	v0 =	vld [tilespmem:s29+$0x8310]  }
0xad: {  	v1 =	vld [tilespmem:s28+$0xFFFFFFD0];
	_ =	sdelay $0x4  }
0xae: {  	v0 =	vadd.f32 v1, v0;
	_ =	sdelay $0x1  }
0xaf: {  	[tilespmem:s29+$0x8310] =	vst v0;
	v0 =	vld [tilespmem:s29+$0x8320]  }
0xb0: {  	v1 =	vld [tilespmem:s28+$0xFFFFFFE0];
	_ =	sdelay $0x4  }
0xb1: {  	v0 =	vadd.f32 v1, v0;
	_ =	sdelay $0x1  }
0xb2: {  	[tilespmem:s29+$0x8320] =	vst v0;
	v0 =	vld [tilespmem:s29+$0x8330]  }
0xb3: {  	v1 =	vld [tilespmem:s28+$0xFFFFFFF0];
	_ =	sdelay $0x4  }
0xb4: {  	v0 =	vadd.f32 v1, v0;
	_ =	sdelay $0x1  }
0xb5: {  	[tilespmem:s29+$0x8330] =	vst v0;
	v0 =	vld [tilespmem:s29+$0x8340]  }
0xb6: {  	v1 =	vld [tilespmem:s28+$0x0];
	_ =	sdelay $0x4  }
0xb7: {  	v0 =	vadd.f32 v1, v0;
	_ =	sdelay $0x1  }
0xb8: {  	[tilespmem:s29+$0x8340] =	vst v0;
	v0 =	vld [tilespmem:s29+$0x8350]  }
0xb9: {  	v1 =	vld [tilespmem:s28+$0x10];
	_ =	sdelay $0x4  }
0xba: {  	v0 =	vadd.f32 v1, v0;
	_ =	sdelay $0x1  }
0xbb: {  	[tilespmem:s29+$0x8350] =	vst v0;
	v0 =	vld [tilespmem:s29+$0x8360]  }
0xbc: {  	v1 =	vld [tilespmem:s28+$0x20];
	_ =	sdelay $0x4  }
0xbd: {  	v0 =	vadd.f32 v1, v0;
	_ =	sdelay $0x1  }
0xbe: {  	[tilespmem:s29+$0x8360] =	vst v0;
	v0 =	vld [tilespmem:s29+$0x8370]  }
0xbf: {  	v1 =	vld [tilespmem:s28+$0x30];
	_ =	sdelay $0x4  }
0xc0: {  	s30 =	simm.s32 $0x4;
	s0 =	simm.s32 $0x8;
	v0 =	vadd.f32 v1, v0  }
.LBB2_5:
0xc1: {  	s1 =	sshra.s32 s30, $0x2  }
0xc2: {  	s28 =	sadd.s32 $0x80, s28;
	s30 =	smov.u32 s0;
	s31 =	sadd.s32 $0x4, s0;
	[tilespmem:s29+$0x8370] =	vst v0  }
0xc3: {  	p0 =	sne.s32 s0, $0x1FC;
	v0 =	vld [tilespmem:s1+$0x4200];
	_ =	sdelay $0x4  }
0xc4: {  	(v2sf) =	vpush v0, $0x0;
	_ =	sdelay $0xe  }
0xc5: {  	s0 =	spop (v2sf)  }
0xc6: {  	s0 =	sshll.u32 s0, $0x9  }
0xc7: {  	s29 =	sshra.s32 s0, $0x2;
	v0 =	vld [tilespmem:s28+$0xFFFFFFC0]  }
0xc8: {  	v1 =	vld [tilespmem:s29+$0x8300];
	_ =	sdelay $0x4  }
0xc9: {  	v0 =	vadd.f32 v0, v1;
	_ =	sdelay $0x1  }
0xca: {  	[tilespmem:s29+$0x8300] =	vst v0;
	v0 =	vld [tilespmem:s29+$0x8310]  }
0xcb: {  	v1 =	vld [tilespmem:s28+$0xFFFFFFD0];
	_ =	sdelay $0x4  }
0xcc: {  	v0 =	vadd.f32 v1, v0;
	_ =	sdelay $0x1  }
0xcd: {  	[tilespmem:s29+$0x8310] =	vst v0;
	v0 =	vld [tilespmem:s29+$0x8320]  }
0xce: {  	v1 =	vld [tilespmem:s28+$0xFFFFFFE0];
	_ =	sdelay $0x4  }
0xcf: {  	v0 =	vadd.f32 v1, v0;
	_ =	sdelay $0x1  }
0xd0: {  	[tilespmem:s29+$0x8320] =	vst v0;
	v0 =	vld [tilespmem:s29+$0x8330]  }
0xd1: {  	v1 =	vld [tilespmem:s28+$0xFFFFFFF0];
	_ =	sdelay $0x4  }
0xd2: {  	v0 =	vadd.f32 v1, v0;
	_ =	sdelay $0x1  }
0xd3: {  	[tilespmem:s29+$0x8330] =	vst v0;
	v0 =	vld [tilespmem:s29+$0x8340]  }
0xd4: {  	v1 =	vld [tilespmem:s28+$0x0];
	_ =	sdelay $0x4  }
0xd5: {  	v0 =	vadd.f32 v1, v0;
	_ =	sdelay $0x1  }
0xd6: {  	[tilespmem:s29+$0x8340] =	vst v0;
	v0 =	vld [tilespmem:s29+$0x8350]  }
0xd7: {  	v1 =	vld [tilespmem:s28+$0x10];
	_ =	sdelay $0x4  }
0xd8: {  	v0 =	vadd.f32 v1, v0;
	_ =	sdelay $0x1  }
0xd9: {  	[tilespmem:s29+$0x8350] =	vst v0;
	v0 =	vld [tilespmem:s29+$0x8360]  }
0xda: {  	v1 =	vld [tilespmem:s28+$0x20];
	_ =	sdelay $0x4  }
0xdb: {  	v0 =	vadd.f32 v1, v0;
	_ =	sdelay $0x1  }
0xdc: {  	[tilespmem:s29+$0x8360] =	vst v0;
	v0 =	vld [tilespmem:s29+$0x8370]  }
0xdd: {  	v1 =	vld [tilespmem:s28+$0x30]  }
.Ltmp4:
0xde: {  	(pc) =	sbr.rel @p0 .LBB2_5-.Ltmp4, $2  }
0xdf: {  	_ =	sdelay $0x2  }
0xe0: {  	s0 =	smov.u32 s31;
	v0 =	vadd.f32 v1, v0  }
0xe1: {  	_ = 	snop  }
0xe2: {  	s0 =	sshra.s32 s30, $0x2;
	[tilespmem:s29+$0x8370] =	vst v0  }
0xe3: {  	v0 =	vld [tilespmem:s0+$0x4200];
	_ =	sdelay $0x4  }
0xe4: {  	(v2sf) =	vpush v0, $0x0;
	_ =	sdelay $0xe  }
0xe5: {  	s31 =	spop (v2sf)  }
0xe6: {  	s1 =	sadd.s32 $0x80, s28;
	s0 =	sshll.u32 s31, $0x9  }
0xe7: {  	v49 =	vld [tilespmem:s1+$0xFFFFFFC0];
	s0 =	sshra.s32 s0, $0x2  }
0xe8: {  	v1 =	vld [tilespmem:s0+$0x8300];
	_ =	sdelay $0x4  }
0xe9: {  	v0 =	vadd.f32 v49, v1;
	_ =	sdelay $0x1  }
0xea: {  	v50 =	vld [tilespmem:s0+$0x8310];
	[tilespmem:s0+$0x8300] =	vst v0  }
0xeb: {  	v51 =	vld [tilespmem:s1+$0xFFFFFFD0];
	_ =	sdelay $0x4  }
0xec: {  	v0 =	vadd.f32 v51, v50;
	_ =	sdelay $0x1  }
0xed: {  	v52 =	vld [tilespmem:s0+$0x8320];
	[tilespmem:s0+$0x8310] =	vst v0  }
0xee: {  	v53 =	vld [tilespmem:s1+$0xFFFFFFE0];
	_ =	sdelay $0x4  }
0xef: {  	v0 =	vadd.f32 v53, v52;
	_ =	sdelay $0x1  }
0xf0: {  	v54 =	vld [tilespmem:s0+$0x8330];
	[tilespmem:s0+$0x8320] =	vst v0  }
0xf1: {  	v55 =	vld [tilespmem:s1+$0xFFFFFFF0];
	_ =	sdelay $0x4  }
0xf2: {  	v0 =	vadd.f32 v55, v54;
	_ =	sdelay $0x1  }
0xf3: {  	v56 =	vld [tilespmem:s0+$0x8340];
	[tilespmem:s0+$0x8330] =	vst v0  }
0xf4: {  	v57 =	vld [tilespmem:s1+$0x0];
	_ =	sdelay $0x4  }
0xf5: {  	v0 =	vadd.f32 v57, v56;
	_ =	sdelay $0x1  }
0xf6: {  	v58 =	vld [tilespmem:s0+$0x8350];
	[tilespmem:s0+$0x8340] =	vst v0  }
0xf7: {  	v59 =	vld [tilespmem:s1+$0x10];
	_ =	sdelay $0x4  }
0xf8: {  	v0 =	vadd.f32 v59, v58;
	_ =	sdelay $0x1  }
0xf9: {  	v60 =	vld [tilespmem:s0+$0x8360];
	[tilespmem:s0+$0x8350] =	vst v0  }
0xfa: {  	v61 =	vld [tilespmem:s1+$0x20];
	_ =	sdelay $0x4  }
0xfb: {  	v0 =	vadd.f32 v61, v60;
	_ =	sdelay $0x1  }
0xfc: {  	v62 =	vld [tilespmem:s0+$0x8370];
	[tilespmem:s0+$0x8360] =	vst v0  }
0xfd: {  	v63 =	vld [tilespmem:s1+$0x30]  }
0xfe: {  	s26 =	sadd.s32 $0x1, s26  }
0xff: {  	p0 =	sne.s32 s26, s25  }
.Ltmp5:
0x100: {  	_ = 	snop;
	(pc) =	sbr.rel @p0 .LBB2_2-.Ltmp5, $3  }
0x101: {  	_ = 	snop  }
0x102: {  	v0 =	vadd.f32 v63, v62;
	_ =	sdelay $0x1  }
0x103: {  	[tilespmem:s0+$0x8370] =	vst v0  }
.LBB2_7:
0x104: {  	s0 =	sand.u32 $0x1, s24  }
0x105: {  	p0 =	seq.s32 s0, $0x0  }
.Ltmp6:
0x106: {  	_ = 	snop;
	(pc) =	sbr.rel @p0 .LBB2_11-.Ltmp6, $1  }
0x107: {  	_ =	sdelay $0x3  }
0x108: {  	s0 =	sshll.u32 s24, $0x7  }
0x109: {  	s0 =	sadd.s32 s0, s10  }
0x10a: {  	s0 =	sshrl.u32 s0, $0x3  }
0x10b: {  	s29 =	simm.s32 $0x0;
	s1 =	sadd.s32 s4, s0  }
0x10c: {  	[tilespmem:s29], [sflag:$0x3] =	stream.linear.gather [hbm4b:s1+s29], $0x80, $0x38;
	[tilespmem:$0x12380] =	vst v63  }
0x10d: {  	_ =	swait.ge [sflag:s14], $0x80  }
0x10e: {  	[sflag:s14] =	ssyncset.done $0x0  }
0x10f: {  	s0 =	sadd.s32 s5, s0;
	[sflag:s14] =	ssyncadd.s32 $0xFFFFFF80  }
0x110: {  	[tilespmem:s17], [sflag:$0x3] =	stream.linear.gather [hbm4b:s0+s29], $0x80, $0x38;
	[tilespmem:$0x12380] =	vst v63  }
0x111: {  	_ =	swait.ge [sflag:s14], $0x80  }
0x112: {  	[sflag:s14] =	ssyncset.done $0x0  }
0x113: {  	[sflag:s14] =	ssyncadd.s32 $0xFFFFFF80  }
0x114: {  	[tilespmem:s18], [sflag:$0x1] =	stream.indirect.gather [hbm4b:s3+s17], $0x80, s29, s17, $0xb8;
	[tilespmem:$0x12380] =	vst v63  }
0x115: {  	_ =	swait.ge [sflag:s16], $0x4000  }
0x116: {  	[sflag:s16] =	ssyncset.done $0x0  }
0x117: {  	s30 =	simm.s32 $0x0;
	[sflag:s16] =	ssyncadd.s32 $0xFFFFC000  }
0x118: {  	v0 =	vld [tilespmem:s30+$0x80];
	_ =	sdelay $0x4  }
0x119: {  	(v2sf) =	vpush v0, $0x0;
	_ =	sdelay $0xe  }
0x11a: {  	s31 =	spop (v2sf)  }
0x11b: {  	s24 =	simm.s32 $0x1C0;
	s0 =	sshll.u32 s31, $0x9  }
0x11c: {  	v0 =	vld [tilespmem:s24+$0xFFFFFFC0];
	s25 =	sshra.s32 s0, $0x2  }
0x11d: {  	v1 =	vld [tilespmem:s25+$0x8300];
	_ =	sdelay $0x4  }
0x11e: {  	v0 =	vadd.f32 v0, v1;
	_ =	sdelay $0x1  }
0x11f: {  	[tilespmem:s25+$0x8300] =	vst v0;
	v0 =	vld [tilespmem:s25+$0x8310]  }
0x120: {  	v1 =	vld [tilespmem:s24+$0xFFFFFFD0];
	_ =	sdelay $0x4  }
0x121: {  	v0 =	vadd.f32 v1, v0;
	_ =	sdelay $0x1  }
0x122: {  	[tilespmem:s25+$0x8310] =	vst v0;
	v0 =	vld [tilespmem:s25+$0x8320]  }
0x123: {  	v1 =	vld [tilespmem:s24+$0xFFFFFFE0];
	_ =	sdelay $0x4  }
0x124: {  	v0 =	vadd.f32 v1, v0;
	_ =	sdelay $0x1  }
0x125: {  	[tilespmem:s25+$0x8320] =	vst v0;
	v0 =	vld [tilespmem:s25+$0x8330]  }
0x126: {  	v1 =	vld [tilespmem:s24+$0xFFFFFFF0];
	_ =	sdelay $0x4  }
0x127: {  	v0 =	vadd.f32 v1, v0;
	_ =	sdelay $0x1  }
0x128: {  	[tilespmem:s25+$0x8330] =	vst v0;
	v0 =	vld [tilespmem:s25+$0x8340]  }
0x129: {  	v1 =	vld [tilespmem:s24+$0x0];
	_ =	sdelay $0x4  }
0x12a: {  	v0 =	vadd.f32 v1, v0;
	_ =	sdelay $0x1  }
0x12b: {  	[tilespmem:s25+$0x8340] =	vst v0;
	v0 =	vld [tilespmem:s25+$0x8350]  }
0x12c: {  	v1 =	vld [tilespmem:s24+$0x10];
	_ =	sdelay $0x4  }
0x12d: {  	v0 =	vadd.f32 v1, v0;
	_ =	sdelay $0x1  }
0x12e: {  	[tilespmem:s25+$0x8350] =	vst v0;
	v0 =	vld [tilespmem:s25+$0x8360]  }
0x12f: {  	v1 =	vld [tilespmem:s24+$0x20];
	_ =	sdelay $0x4  }
0x130: {  	v0 =	vadd.f32 v1, v0;
	_ =	sdelay $0x1  }
0x131: {  	[tilespmem:s25+$0x8360] =	vst v0;
	v0 =	vld [tilespmem:s25+$0x8370]  }
0x132: {  	v1 =	vld [tilespmem:s24+$0x30];
	_ =	sdelay $0x4  }
0x133: {  	s26 =	simm.s32 $0x4;
	s0 =	simm.s32 $0x8;
	v0 =	vadd.f32 v1, v0  }
.LBB2_9:
0x134: {  	s1 =	sshra.s32 s26, $0x2  }
0x135: {  	s24 =	sadd.s32 $0x80, s24;
	s26 =	smov.u32 s0;
	s28 =	sadd.s32 $0x4, s0;
	[tilespmem:s25+$0x8370] =	vst v0  }
0x136: {  	p0 =	sne.s32 s0, $0x1FC;
	v0 =	vld [tilespmem:s1+$0x80];
	_ =	sdelay $0x4  }
0x137: {  	(v2sf) =	vpush v0, $0x0;
	_ =	sdelay $0xe  }
0x138: {  	s0 =	spop (v2sf)  }
0x139: {  	s0 =	sshll.u32 s0, $0x9  }
0x13a: {  	s25 =	sshra.s32 s0, $0x2;
	v0 =	vld [tilespmem:s24+$0xFFFFFFC0]  }
0x13b: {  	v1 =	vld [tilespmem:s25+$0x8300];
	_ =	sdelay $0x4  }
0x13c: {  	v0 =	vadd.f32 v0, v1;
	_ =	sdelay $0x1  }
0x13d: {  	[tilespmem:s25+$0x8300] =	vst v0;
	v0 =	vld [tilespmem:s25+$0x8310]  }
0x13e: {  	v1 =	vld [tilespmem:s24+$0xFFFFFFD0];
	_ =	sdelay $0x4  }
0x13f: {  	v0 =	vadd.f32 v1, v0;
	_ =	sdelay $0x1  }
0x140: {  	[tilespmem:s25+$0x8310] =	vst v0;
	v0 =	vld [tilespmem:s25+$0x8320]  }
0x141: {  	v1 =	vld [tilespmem:s24+$0xFFFFFFE0];
	_ =	sdelay $0x4  }
0x142: {  	v0 =	vadd.f32 v1, v0;
	_ =	sdelay $0x1  }
0x143: {  	[tilespmem:s25+$0x8320] =	vst v0;
	v0 =	vld [tilespmem:s25+$0x8330]  }
0x144: {  	v1 =	vld [tilespmem:s24+$0xFFFFFFF0];
	_ =	sdelay $0x4  }
0x145: {  	v0 =	vadd.f32 v1, v0;
	_ =	sdelay $0x1  }
0x146: {  	[tilespmem:s25+$0x8330] =	vst v0;
	v0 =	vld [tilespmem:s25+$0x8340]  }
0x147: {  	v1 =	vld [tilespmem:s24+$0x0];
	_ =	sdelay $0x4  }
0x148: {  	v0 =	vadd.f32 v1, v0;
	_ =	sdelay $0x1  }
0x149: {  	[tilespmem:s25+$0x8340] =	vst v0;
	v0 =	vld [tilespmem:s25+$0x8350]  }
0x14a: {  	v1 =	vld [tilespmem:s24+$0x10];
	_ =	sdelay $0x4  }
0x14b: {  	v0 =	vadd.f32 v1, v0;
	_ =	sdelay $0x1  }
0x14c: {  	[tilespmem:s25+$0x8350] =	vst v0;
	v0 =	vld [tilespmem:s25+$0x8360]  }
0x14d: {  	v1 =	vld [tilespmem:s24+$0x20];
	_ =	sdelay $0x4  }
0x14e: {  	v0 =	vadd.f32 v1, v0;
	_ =	sdelay $0x1  }
0x14f: {  	[tilespmem:s25+$0x8360] =	vst v0;
	v0 =	vld [tilespmem:s25+$0x8370]  }
0x150: {  	v1 =	vld [tilespmem:s24+$0x30]  }
.Ltmp7:
0x151: {  	(pc) =	sbr.rel @p0 .LBB2_9-.Ltmp7, $2  }
0x152: {  	_ =	sdelay $0x2  }
0x153: {  	s0 =	smov.u32 s28;
	v0 =	vadd.f32 v1, v0  }
0x154: {  	_ = 	snop  }
0x155: {  	s0 =	sshra.s32 s26, $0x2;
	[tilespmem:s25+$0x8370] =	vst v0  }
0x156: {  	v0 =	vld [tilespmem:s0+$0x80];
	_ =	sdelay $0x4  }
0x157: {  	(v2sf) =	vpush v0, $0x0;
	_ =	sdelay $0xe  }
0x158: {  	s31 =	spop (v2sf)  }
0x159: {  	s1 =	sadd.s32 $0x80, s24;
	s0 =	sshll.u32 s31, $0x9  }
0x15a: {  	v49 =	vld [tilespmem:s1+$0xFFFFFFC0];
	s0 =	sshra.s32 s0, $0x2  }
0x15b: {  	v1 =	vld [tilespmem:s0+$0x8300];
	_ =	sdelay $0x4  }
0x15c: {  	v0 =	vadd.f32 v49, v1;
	_ =	sdelay $0x1  }
0x15d: {  	v50 =	vld [tilespmem:s0+$0x8310];
	[tilespmem:s0+$0x8300] =	vst v0  }
0x15e: {  	v51 =	vld [tilespmem:s1+$0xFFFFFFD0];
	_ =	sdelay $0x4  }
0x15f: {  	v0 =	vadd.f32 v51, v50;
	_ =	sdelay $0x1  }
0x160: {  	v52 =	vld [tilespmem:s0+$0x8320];
	[tilespmem:s0+$0x8310] =	vst v0  }
0x161: {  	v53 =	vld [tilespmem:s1+$0xFFFFFFE0];
	_ =	sdelay $0x4  }
0x162: {  	v0 =	vadd.f32 v53, v52;
	_ =	sdelay $0x1  }
0x163: {  	v54 =	vld [tilespmem:s0+$0x8330];
	[tilespmem:s0+$0x8320] =	vst v0  }
0x164: {  	v55 =	vld [tilespmem:s1+$0xFFFFFFF0];
	_ =	sdelay $0x4  }
0x165: {  	v0 =	vadd.f32 v55, v54;
	_ =	sdelay $0x1  }
0x166: {  	v56 =	vld [tilespmem:s0+$0x8340];
	[tilespmem:s0+$0x8330] =	vst v0  }
0x167: {  	v57 =	vld [tilespmem:s1+$0x0];
	_ =	sdelay $0x4  }
0x168: {  	v0 =	vadd.f32 v57, v56;
	_ =	sdelay $0x1  }
0x169: {  	v58 =	vld [tilespmem:s0+$0x8350];
	[tilespmem:s0+$0x8340] =	vst v0  }
0x16a: {  	v59 =	vld [tilespmem:s1+$0x10];
	_ =	sdelay $0x4  }
0x16b: {  	v0 =	vadd.f32 v59, v58;
	_ =	sdelay $0x1  }
0x16c: {  	v60 =	vld [tilespmem:s0+$0x8360];
	[tilespmem:s0+$0x8350] =	vst v0  }
0x16d: {  	v61 =	vld [tilespmem:s1+$0x20];
	_ =	sdelay $0x4  }
0x16e: {  	v0 =	vadd.f32 v61, v60;
	_ =	sdelay $0x1  }
0x16f: {  	v62 =	vld [tilespmem:s0+$0x8370];
	[tilespmem:s0+$0x8360] =	vst v0  }
0x170: {  	v63 =	vld [tilespmem:s1+$0x30];
	_ =	sdelay $0x2  }
.Ltmp8:
0x171: {  	_ = 	snop;
	(pc) =	sbr.rel .LBB2_11-.Ltmp8, $3  }
0x172: {  	_ = 	snop  }
0x173: {  	v0 =	vadd.f32 v63, v62;
	_ =	sdelay $0x1  }
0x174: {  	[tilespmem:s0+$0x8370] =	vst v0  }
.LBB2_12:
0x175: {  	_ =	sfence.sel $0x180000  }
0x176: {  	[bflag:$0x0] =	sbarrier.arrive $0xFFFF  }
0x177: {  	_ =	strace $0x9000004D  }
0x178: {  	s0 =	stileid.u32;
	[bflag:$0x2] =	sbarrier.arrive $0xFFFF  }
0x179: {  	p0 =	sne.s32 s0, $0x0;
	s0 =	rddreg [dreg:$0x2]  }
0x17a: {  	s0 =	sadd.s32 @!p0 $0x100000, s0  }
0x17b: {  	[sflag:s0] =	ssyncadd.tile.s32 @!p0 $0x1;
	_ =	shalt  }
.Lfunc_end2:
_tile_overlayer_lowered:
.L_overlay_start_2:
0x17c: {  	(tag) =	ssettag $0x2  }
0x17d: {  	s0 =	rddreg [dreg:$0x0];
	s2 =	stileid.u32  }
0x17e: {  	s1 =	rddreg [dreg:$0x1];
	p0 =	sne.s32 s2, $0x0  }
0x17f: {  	s3 =	rddreg [dreg:$0x2];
	[bflag:$0x3] =	sbarrier.arrive $0xFFFF;
	s2 =	simm.s32 @!p0 $0x1C03  }
0x180: {  	[timem:s3], [sflag:s2] =	dma.local @!p0 [hbm:s0], s1  }
0x181: {  	s0 =	simm.s32 @!p0 $0x3  }
0x182: {  	_ =	swait.ge @!p0 [sflag:s0], s1  }
0x183: {  	s1 =	ssub.s32 @!p0 $0x0, s1;
	[sflag:s0] =	ssyncset.done @!p0 $0x0  }
0x184: {  	[sflag:s0] =	ssyncadd.s32 @!p0 s1  }
0x185: {  	[bflag:$0x3] =	sbarrier.arrive $0xFFFF  }
0x186: {  	_ =	shalt  }

// kernel: kernel.29.cloned.1.call-start
scs
__scs_entry_jumppad:
0x0: {  	(pc) =	sbr.rel $0x88, $3  }
0x1: {  	(tag) =	ssettag $0x0;
	lr =	simm.s32 $0x1  }
0x2: {  	[smem:$0x3F87] =	sst lr;
	_ =	strace $0xD0000000  }
0x3: {  	_ = 	snop  }
0x4: {  	_ = 	snop  }
0x5: {  	_ = 	snop  }
0x6: {  	_ = 	snop  }
0x7: {  	_ = 	snop  }
__scs_overlays_trampoline_lowered:
0x8: {  	[smem:$0x3F96] =	sst s0  }
0x9: {  	[smem:$0x3F97] =	sst s1  }
0xa: {  	[smem:$0x3F98] =	sst s2  }
0xb: {  	[smem:$0x3F99] =	sst s3  }
0xc: {  	[smem:$0x3F9A] =	sst s4  }
0xd: {  	[smem:$0x3F9B] =	sst s5  }
0xe: {  	[smem:$0x3F9C] =	sst s6  }
0xf: {  	[smem:$0x3F9D] =	sst s7  }
0x10: {  	[smem:$0x3F9E] =	sst s8  }
0x11: {  	[smem:$0x3F9F] =	sst s9;
	s0 =	simm.s32 @!p0 $0x0  }
0x12: {  	s1 =	sld [smem:$0x3F85];
	s0 =	simm.s32 @p0 $0x1  }
0x13: {  	[smem:$0x3FA0] =	sst s0;
	s0 =	simm.s32 @!p1 $0x0  }
0x14: {  	s2 =	sld [smem:$0x3F84];
	s0 =	simm.s32 @p1 $0x1  }
0x15: {  	[smem:$0x3FA1] =	sst s0;
	s0 =	simm.s32 @!p2 $0x0  }
0x16: {  	s3 =	sld [smem:$0x3FDB];
	s0 =	simm.s32 @p2 $0x1  }
0x17: {  	s4 =	simm.s32 $0x1BF5;
	[smem:$0x3FA3] =	sst s0  }
0x18: {  	s0 =	sld [smem:$0x3F86];
	_ =	swait.ge [sflag:s4], $0x0  }
0x19: {  	s7 =	sld [smem:$0x3F87]  }
0x1a: {  	s8 =	sadd.s32 $0xFFFFE003, lr  }
0x1b: {  	s9 =	sadd.s32 $0xFFFFFEF7, lr;
	s5 =	simm.s32 $0xFFFFFFFF;
	p2 =	slt.u32 s8, $0xFFFFF086  }
0x1c: {  	p1 =	slt.u32 s9, $0xF7A;
	s5 =	simm.s32 @!p2 $0x0  }
0x1d: {  	s5 =	simm.s32 @p1 $0x1;
	p0 =	seq.s32 s7, s2  }
0x1e: {  	s7 =	smul.u32 @!p0 $0xF7A, s2;
	p2 =	seq.s32 @!p0 s5, $0x0  }
0x1f: {  	s9 =	smul.u32 $0xF7A, s1;
	s8 =	simm.s32 @!p0 $0x1BF5;
	p2 =	por !p2, p0  }
0x20: {  	[sflag:s8] =	ssyncset.s32 @!p0 $0xFFFFF086;
	s6 =	sadd.s32 @!p0 s3, s7;
	s7 =	simm.s32 @!p0 $0x108  }
0x21: {  	s3 =	sadd.s32 s3, s9;
	s6 =	sadd.s32 @!p0 $0x88, s6;
	s7 =	simm.s32 @p2 $0x1082  }
0x22: {  	[simem:s7], [sflag:s8] =	dma.local @!p0 [hbm:s6], $0xF7A  }
0x23: {  	s9 =	sor.u32 $0xD0000000, s2;
	s6 =	simm.s32 $0x108;
	_ =	swait.ge @!p0 [sflag:s8], $0x0  }
0x24: {  	s3 =	sadd.s32 $0x88, s3;
	s6 =	simm.s32 @!p1 $0x1082;
	[sflag:s4] =	ssyncset.s32 $0xFFFFF086  }
0x25: {  	[simem:s6], [sflag:s4] =	dma.local [hbm:s3], $0xF7A  }
0x26: {  	[smem:$0x3F87] =	sst s1;
	(tag) =	ssettag s2;
	_ =	strace s9  }
0x27: {  	s1 =	sld [smem:$0x3F97]  }
0x28: {  	s2 =	sld [smem:$0x3F98]  }
0x29: {  	s4 =	sld [smem:$0x3F9A]  }
0x2a: {  	p0 =	seq.s32 s5, $0x0;
	s5 =	sld [smem:$0x3F9B]  }
0x2b: {  	s6 =	sld [smem:$0x3F9C]  }
0x2c: {  	s7 =	sld [smem:$0x3F9D]  }
0x2d: {  	s3 =	simm.s32 $0x108;
	s8 =	sld [smem:$0x3F9E]  }
0x2e: {  	s3 =	simm.s32 @!p0 $0x1082;
	s9 =	sld [smem:$0x3F9F]  }
0x2f: {  	lr =	sadd.s32 s0, s3;
	s0 =	sld [smem:$0x3F96]  }
0x30: {  	s3 =	sld [smem:$0x3F99]  }
0x31: {  	[smem:$0x3FA2] =	sst s10  }
0x32: {  	s10 =	sld [smem:$0x3FA0];
	_ =	sdelay $0x3  }
0x33: {  	p0 =	seq.s32 s10, $0x1;
	s10 =	sld [smem:$0x3FA2];
	_ =	sdelay $0x3  }
0x34: {  	[smem:$0x3FA2] =	sst s10  }
0x35: {  	s10 =	sld [smem:$0x3FA1];
	_ =	sdelay $0x3  }
0x36: {  	p1 =	seq.s32 s10, $0x1;
	s10 =	sld [smem:$0x3FA2];
	_ =	sdelay $0x3  }
0x37: {  	[smem:$0x3FA2] =	sst s10  }
0x38: {  	s10 =	sld [smem:$0x3FA3]  }
0x39: {  	_ = 	snop;
	(pc) =	sbr.ind lr, $3  }
0x3a: {  	_ = 	snop  }
0x3b: {  	_ = 	snop  }
0x3c: {  	p2 =	seq.s32 s10, $0x1;
	s10 =	sld [smem:$0x3FA2]  }
0x3d: {  	_ =	shalt  }
0x3e: {  	_ =	shalt  }
0x3f: {  	_ =	shalt  }
0x40: {  	_ =	shalt  }
0x41: {  	_ =	shalt  }
0x42: {  	_ =	shalt  }
0x43: {  	_ =	shalt  }
0x44: {  	_ =	shalt  }
0x45: {  	_ =	shalt  }
0x46: {  	_ =	shalt  }
0x47: {  	_ =	shalt  }
0x48: {  	_ =	shalt  }
0x49: {  	_ =	shalt  }
0x4a: {  	_ =	shalt  }
0x4b: {  	_ =	shalt  }
0x4c: {  	_ =	shalt  }
0x4d: {  	_ =	shalt  }
0x4e: {  	_ =	shalt  }
0x4f: {  	_ =	shalt  }
0x50: {  	_ =	shalt  }
0x51: {  	_ =	shalt  }
0x52: {  	_ =	shalt  }
0x53: {  	_ =	shalt  }
0x54: {  	_ =	shalt  }
0x55: {  	_ =	shalt  }
0x56: {  	_ =	shalt  }
0x57: {  	_ =	shalt  }
0x58: {  	_ =	shalt  }
0x59: {  	_ =	shalt  }
0x5a: {  	_ =	shalt  }
0x5b: {  	_ =	shalt  }
0x5c: {  	_ =	shalt  }
0x5d: {  	_ =	shalt  }
0x5e: {  	_ =	shalt  }
0x5f: {  	_ =	shalt  }
0x60: {  	_ =	shalt  }
0x61: {  	_ =	shalt  }
0x62: {  	_ =	shalt  }
0x63: {  	_ =	shalt  }
0x64: {  	_ =	shalt  }
0x65: {  	_ =	shalt  }
0x66: {  	_ =	shalt  }
0x67: {  	_ =	shalt  }
0x68: {  	_ =	shalt  }
0x69: {  	_ =	shalt  }
0x6a: {  	_ =	shalt  }
0x6b: {  	_ =	shalt  }
0x6c: {  	_ =	shalt  }
0x6d: {  	_ =	shalt  }
0x6e: {  	_ =	shalt  }
0x6f: {  	_ =	shalt  }
0x70: {  	_ =	shalt  }
0x71: {  	_ =	shalt  }
0x72: {  	_ =	shalt  }
0x73: {  	_ =	shalt  }
0x74: {  	_ =	shalt  }
0x75: {  	_ =	shalt  }
0x76: {  	_ =	shalt  }
0x77: {  	_ =	shalt  }
0x78: {  	_ =	shalt  }
0x79: {  	_ =	shalt  }
0x7a: {  	_ =	shalt  }
0x7b: {  	_ =	shalt  }
0x7c: {  	_ =	shalt  }
0x7d: {  	_ =	shalt  }
0x7e: {  	_ =	shalt  }
0x7f: {  	_ =	shalt  }
0x80: {  	_ =	shalt  }
0x81: {  	_ =	shalt  }
0x82: {  	_ =	shalt  }
0x83: {  	_ =	shalt  }
0x84: {  	_ =	shalt  }
0x85: {  	_ =	shalt  }
0x86: {  	_ =	shalt  }
0x87: {  	_ =	shalt  }
.Lfunc_end0:
.L_simem_size_0:
called_computation.3_lowered:
.L_overlay_start_0:
0x88: {  	s2 =	sld [smem:$0x3FD9]  }
0x89: {  	s3 =	sld [smem:$0x3FFE];
	_ =	sdelay $0x1  }
0x8a: {  	s1 =	srdreg.scid  }
0x8b: {  	s0 =	sand.u32 $0x1, s1  }
0x8c: {  	s17 =	sshll.u32 s0, $0xA;
	s2 =	sadd.s32 s3, s2  }
0x8d: {  	s2 =	sadd.s32 s2, s17  }
0x8e: {  	[smem:$0x3FAE] =	sst s2  }
0x8f: {  	_ = 	snop  }
0x90: {  	s2 =	sld [smem:$0x3FD0];
	(tm) =	ssettm $0x1  }
0x91: {  	s18 =	sld [smem:$0x3FFB];
	_ =	sdelay $0x3  }
0x92: {  	_ =	strace s18  }
0x93: {  	s3 =	sld [smem:$0x3FFC];
	_ =	sdelay $0x3  }
0x94: {  	_ =	strace s3  }
0x95: {  	s3 =	sld [smem:$0x3FFD];
	_ =	sdelay $0x3  }
0x96: {  	_ =	strace s3  }
0x97: {  	_ =	strace $0x8FFFFFFF  }
0x98: {  	s19 =	sld [smem:$0x3FDB];
	_ =	sdelay $0x1  }
0x99: {  	s4 =	simm.s32 $_scs_section_size  }
0x9a: {  	s5 =	simm.s32 $_size__tile_overlayer_lowered;
	s6 =	simm.s32 $_tile_overlayer_lowered  }
0x9b: {  	s22 =	simm.s32 $0x1BFF;
	s21 =	sshll.u32 s6, $0x1;
	s3 =	sadd.s32 s4, s19  }
0x9c: {  	s7 =	simm.s32 $0x0;
	s20 =	sshll.u32 s5, $0x1;
	s5 =	sadd.s32 s21, s3  }
0x9d: {  	[timem:s7], [sflag:s22] =	dma.local [hbm:s5], s20  }
0x9e: {  	_ =	swait.ge [sflag:s22], s20  }
0x9f: {  	s4 =	ssub.s32 $0x0, s20;
	[sflag:s22] =	ssyncset.done $0x0  }
0xa0: {  	[sflag:s22] =	ssyncadd.s32 s4;
	_ =	sdelay $0x1  }
0xa1: {  	s23 =	simm.s32 $0x1B8B  }
0xa2: {  	_ =	swait.ge [sflag:s23], $0x1  }
0xa3: {  	[sflag:s23] =	ssyncset.done $0x0  }
0xa4: {  	s25 =	simm.s32 $0x1B8E;
	s24 =	sld [smem:$0x3FFE];
	[sflag:s23] =	ssyncadd.s32 $0xFFFFFFFF  }
0xa5: {  	s26 =	simm.s32 $execute0_lowered;
	[smem:$0x3FD2] =	sst s25  }
0xa6: {  	s5 =	sshll.u32 s26, $0x1;
	_ =	strace $0x8000004F;
	[dreg:$0x1] =	wrdreg $0xFFFFFFFF  }
0xa7: {  	s28 =	simm.s32 $_size_execute0_lowered;
	s3 =	sadd.s32 s3, s5;
	[dreg:$0x0] =	wrdreg $0x0  }
0xa8: {  	s5 =	sshll.u32 s28, $0x1;
	[dreg:$0x2] =	wrdreg s3  }
0xa9: {  	[dreg:$0x3] =	wrdreg s5  }
0xaa: {  	[dreg:$0x4] =	wrdreg $0xC0  }
0xab: {  	_ =	task [dreg:s7], $0x5FFFF  }
0xac: {  	[dreg:$0x1] =	wrdreg $0xFFFFFFFF  }
0xad: {  	[dreg:$0x0] =	wrdreg $0x60  }
0xae: {  	[dreg:$0x2] =	wrdreg s24  }
0xaf: {  	[dreg:$0x3] =	wrdreg s2  }
0xb0: {  	[dreg:$0x4] =	wrdreg $0x9  }
0xb1: {  	_ =	task.clear_ibuf [dreg:s7], $0x5FFFF;
	_ =	strace $0x9000004F  }
0xb2: {  	s29 =	simm.s32 $0x9;
	_ =	strace $0x80000051  }
0xb3: {  	_ =	swait.ge [sflag:s29], $0x1  }
0xb4: {  	[sflag:s29] =	ssyncadd.s32 $0xFFFFFFFF  }
0xb5: {  	_ =	strace $0x90000051  }
0xb6: {  	_ =	sfence  }
0xb7: {  	s30 =	sld [smem:$0x0];
	_ =	sdelay $0x2  }
0xb8: {  	s31 =	sshll.u32 s1, $0xD;
	s1 =	sshrl.u32 s1, $0x2  }
0xb9: {  	s3 =	sand.u32 $0x4000, s31;
	s1 =	sadd.s32 s1, s30  }
0xba: {  	s0 =	sor.u32 s3, s0;
	s1 =	sshll.u32 s1, $0x11  }
0xbb: {  	s0 =	sor.u32 s1, s0  }
0xbc: {  	s0 =	sadd.s32 $0x8F2B, s0  }
0xbd: {  	[sflag:s0] =	ssyncadd.remote.s32 $0x1  }
0xbe: {  	_ =	sfence.sel $0xFFFF  }
0xbf: {  	[dreg:$0x0] =	wrdreg $0xFFFFFFFF;
	(pc) =	sbr.abs _section_cstart, $3  }
0xc0: {  	[dreg:$0x1] =	wrdreg $0xFFFFFFFF  }
0xc1: {  	_ =	task.clear_ibuf [dreg:s7], $0x2FFFF;
	_ =	strace $0x9FFFFFFF  }
0xc2: {  	(tm) =	ssettm $0x7FFFFFFF  }
0xc3: {  	_ =	shalt  }
tec
execute0_lowered:
.L_overlay_start_1:
0x0: {  	(tag) =	ssettag $0x1  }
0x1: {  	s0 =	rddreg [dreg:$0x0]  }
0x2: {  	s8 =	rddreg [dreg:$0x1]  }
0x3: {  	s2 =	simm.s32 $0x0;
	s4 =	srdreg.scid;
	s1 =	stileid.u32  }
0x4: {  	s13 =	simm.s32 $0x8300;
	s14 =	simm.s32 $0x3;
	s15 =	simm.s32 $0x12300  }
0x5: {  	s16 =	simm.s32 $0x1;
	s17 =	simm.s32 $0x80;
	s18 =	simm.s32 $0x180  }
0x6: {  	s19 =	simm.s32 $0x4180;
	s20 =	simm.s32 $0x4200;
	s21 =	simm.s32 $0x4300  }
0x7: {  	s22 =	simm.s32 $0x2;
	s7 =	sand.u32 $0x1, s4;
	s6 =	sshll.u32 s1, $0x1  }
0x8: {  	s23 =	simm.s32 $0x0;
	[smem:$0x7FF] =	sst s2;
	s9 =	sor.u32 s7, s6  }
0x9: {  	s3 =	sadd.s32 $0x3C200, s0;
	s4 =	sadd.s32 $0x24A00, s0;
	s10 =	smul.u32 $0x1400, s9  }
.Ltmp0:
0xa: {  	s5 =	sadd.s32 $0x30600, s0;
	s11 =	ssub.s32 $0x2, s7;
	(pc) =	sbr.rel .LBB2_1-.Ltmp0, $4  }
0xb: {  	_ =	strace $0x80000050;
	s12 =	sshrl.u32 s11, $0x1;
	s7 =	smul.u32 $0x2F00, s9  }
0xc: {  	s6 =	sadd.s32 $0x5E00, s0;
	s9 =	sshll.u32 s9, $0x1;
	s12 =	ssub.s32 s11, s12  }
0xd: {  	s8 =	sadd.s32 s8, s9;
	s0 =	sadd.s32 s10, s0;
	s9 =	sor.u32 $0x80, s7  }
0xe: {  	s10 =	sadd.s32 $0xFFFFFF80, s7;
	s12 =	smax.u32 s12, $0x1;
	s11 =	sadd.s32 $0x67200, s0  }
.LBB2_11:
0xf: {  	s23 =	sadd.s32 $0x1, s23  }
0x10: {  	p0 =	sne.s32 s23, s12  }
.Ltmp1:
0x11: {  	_ = 	snop;
	(pc) =	sbr.rel @!p0 .LBB2_12-.Ltmp1, $4  }
0x12: {  	[hbm4b:s11+s2] =	stream.linear.scatter [tilespmem:s13], [sflag:$0x3], $0xA000, $0x38;
	[tilespmem:$0x12380] =	vst v63  }
0x13: {  	_ =	swait.ge [sflag:s14], $0xA000  }
0x14: {  	[sflag:s14] =	ssyncset.done $0x0  }
0x15: {  	[sflag:s14] =	ssyncadd.s32 $0xFFFF6000  }
.LBB2_1:
0x16: {  	[tilespmem:s13], [sflag:$0x3] =	stream.linear.gather [hbm4b:s6+s2], $0xA000, $0x38;
	[tilespmem:$0x12380] =	vst v63  }
0x17: {  	_ =	swait.ge [sflag:s14], $0xA000  }
0x18: {  	[sflag:s14] =	ssyncset.done $0x0  }
0x19: {  	[sflag:s14] =	ssyncadd.s32 $0xFFFF6000  }
0x1a: {  	[tilespmem:s15], [sflag:$0x3] =	stream.linear.gather [hbm4b:s8+s2], $0x10, $0x38;
	[tilespmem:$0x12380] =	vst v63  }
0x1b: {  	_ =	swait.ge [sflag:s14], $0x10  }
0x1c: {  	[sflag:s14] =	ssyncset.done $0x0  }
0x1d: {  	[sflag:s14] =	ssyncadd.s32 $0xFFFFFFF0  }
0x1e: {  	v0 =	vld [tilespmem:$0x12300];
	_ =	sdelay $0x4  }
0x1f: {  	(v2sf) =	vpush v0, $0x0;
	_ =	sdelay $0xe  }
0x20: {  	s24 =	spop (v2sf)  }
0x21: {  	s0 =	sshrl.u32 s24, $0x1F  }
0x22: {  	s0 =	sadd.s32 s0, s24  }
0x23: {  	s25 =	sand.u32 $0xFFFFFFFE, s0  }
0x24: {  	p0 =	slt.s32 s24, $0x1;
	p1 =	sne.s32 s24, s25  }
0x25: {  	p0 =	por !p0, !p1  }
0x26: {  	s25 =	simm.s32 $0x1;
	p0 =	por !p0, !p0  }
0x27: {  	s0 =	sshra.s32 s0, $0x1;
	s25 =	simm.s32 @!p0 $0x0  }
0x28: {  	s25 =	ssub.s32 s0, s25  }
0x29: {  	p0 =	slt.s32 s25, $0x1  }
.Ltmp2:
0x2a: {  	_ = 	snop;
	(pc) =	sbr.rel @p0 .LBB2_7-.Ltmp2, $2  }
0x2b: {  	_ =	sdelay $0x2  }
0x2c: {  	s26 =	simm.s32 $0x0  }
.LBB2_2:
0x2d: {  	s0 =	sshll.u32 s26, $0x8  }
0x2e: {  	s28 =	sadd.s32 s7, s0  }
0x2f: {  	s28 =	sshrl.u32 s28, $0x3  }
0x30: {  	s30 =	simm.s32 $0x0;
	s29 =	sadd.s32 s4, s28  }
0x31: {  	[tilespmem:s30], [sflag:$0x3] =	stream.linear.gather [hbm4b:s29+s30], $0x80, $0x38;
	[tilespmem:$0x12380] =	vst v63  }
0x32: {  	_ =	swait.ge [sflag:s14], $0x80  }
0x33: {  	[sflag:s14] =	ssyncset.done $0x0  }
0x34: {  	s28 =	sadd.s32 s5, s28;
	[sflag:s14] =	ssyncadd.s32 $0xFFFFFF80  }
0x35: {  	[tilespmem:s17], [sflag:$0x3] =	stream.linear.gather [hbm4b:s28+s30], $0x80, $0x38;
	[tilespmem:$0x12380] =	vst v63  }
0x36: {  	_ =	swait.ge [sflag:s14], $0x80  }
0x37: {  	s0 =	sadd.s32 s0, s9;
	[sflag:s14] =	ssyncset.done $0x0  }
0x38: {  	s0 =	sshrl.u32 s0, $0x3;
	[sflag:s14] =	ssyncadd.s32 $0xFFFFFF80  }
0x39: {  	[tilespmem:s18], [sflag:$0x1] =	stream.indirect.gather [hbm4b:s3+s17], $0x80, s30, s17, $0xb8;
	[tilespmem:$0x12380] =	vst v63  }
0x3a: {  	s28 =	sadd.s32 s4, s0  }
0x3b: {  	[tilespmem:s19], [sflag:$0x3] =	stream.linear.gather [hbm4b:s28+s30], $0x80, $0x38;
	[tilespmem:$0x12380] =	vst v63  }
0x3c: {  	_ =	swait.ge [sflag:s14], $0x80  }
0x3d: {  	[sflag:s14] =	ssyncset.done $0x0  }
0x3e: {  	s0 =	sadd.s32 s5, s0;
	[sflag:s14] =	ssyncadd.s32 $0xFFFFFF80  }
0x3f: {  	[tilespmem:s20], [sflag:$0x3] =	stream.linear.gather [hbm4b:s0+s30], $0x80, $0x38;
	[tilespmem:$0x12380] =	vst v63  }
0x40: {  	_ =	swait.ge [sflag:s14], $0x80  }
0x41: {  	[sflag:s14] =	ssyncset.done $0x0  }
0x42: {  	[sflag:s14] =	ssyncadd.s32 $0xFFFFFF80  }
0x43: {  	[tilespmem:s21], [sflag:$0x2] =	stream.indirect.gather [hbm4b:s3+s17], $0x80, s19, s17, $0xb8;
	[tilespmem:$0x12380] =	vst v63  }
0x44: {  	_ =	swait.ge [sflag:s16], $0x4000  }
0x45: {  	[sflag:s16] =	ssyncset.done $0x0  }
0x46: {  	s1 =	simm.s32 $0x0;
	[sflag:s16] =	ssyncadd.s32 $0xFFFFC000  }
0x47: {  	v0 =	vld [tilespmem:s1+$0x80];
	_ =	sdelay $0x4  }
0x48: {  	(v2sf) =	vpush v0, $0x0;
	_ =	sdelay $0xe  }
0x49: {  	s1 =	spop (v2sf)  }
0x4a: {  	s28 =	simm.s32 $0x1C0;
	s0 =	sshll.u32 s1, $0x9  }
0x4b: {  	v0 =	vld [tilespmem:s28+$0xFFFFFFC0];
	s29 =	sshra.s32 s0, $0x2  }
0x4c: {  	v1 =	vld [tilespmem:s29+$0x8300];
	_ =	sdelay $0x4  }
0x4d: {  	v0 =	vadd.f32 v0, v1;
	_ =	sdelay $0x1  }
0x4e: {  	[tilespmem:s29+$0x8300] =	vst v0;
	v0 =	vld [tilespmem:s29+$0x8310]  }
0x4f: {  	v1 =	vld [tilespmem:s28+$0xFFFFFFD0];
	_ =	sdelay $0x4  }
0x50: {  	v0 =	vadd.f32 v1, v0;
	_ =	sdelay $0x1  }
0x51: {  	[tilespmem:s29+$0x8310] =	vst v0;
	v0 =	vld [tilespmem:s29+$0x8320]  }
0x52: {  	v1 =	vld [tilespmem:s28+$0xFFFFFFE0];
	_ =	sdelay $0x4  }
0x53: {  	v0 =	vadd.f32 v1, v0;
	_ =	sdelay $0x1  }
0x54: {  	[tilespmem:s29+$0x8320] =	vst v0;
	v0 =	vld [tilespmem:s29+$0x8330]  }
0x55: {  	v1 =	vld [tilespmem:s28+$0xFFFFFFF0];
	_ =	sdelay $0x4  }
0x56: {  	v0 =	vadd.f32 v1, v0;
	_ =	sdelay $0x1  }
0x57: {  	[tilespmem:s29+$0x8330] =	vst v0;
	v0 =	vld [tilespmem:s29+$0x8340]  }
0x58: {  	v1 =	vld [tilespmem:s28+$0x0];
	_ =	sdelay $0x4  }
0x59: {  	v0 =	vadd.f32 v1, v0;
	_ =	sdelay $0x1  }
0x5a: {  	[tilespmem:s29+$0x8340] =	vst v0;
	v0 =	vld [tilespmem:s29+$0x8350]  }
0x5b: {  	v1 =	vld [tilespmem:s28+$0x10];
	_ =	sdelay $0x4  }
0x5c: {  	v0 =	vadd.f32 v1, v0;
	_ =	sdelay $0x1  }
0x5d: {  	[tilespmem:s29+$0x8350] =	vst v0;
	v0 =	vld [tilespmem:s29+$0x8360]  }
0x5e: {  	v1 =	vld [tilespmem:s28+$0x20];
	_ =	sdelay $0x4  }
0x5f: {  	v0 =	vadd.f32 v1, v0;
	_ =	sdelay $0x1  }
0x60: {  	[tilespmem:s29+$0x8360] =	vst v0;
	v0 =	vld [tilespmem:s29+$0x8370]  }
0x61: {  	v1 =	vld [tilespmem:s28+$0x30];
	_ =	sdelay $0x4  }
0x62: {  	s31 =	simm.s32 $0x8;
	s30 =	simm.s32 $0x4;
	v0 =	vadd.f32 v1, v0  }
.LBB2_3:
0x63: {  	s1 =	sshra.s32 s30, $0x2  }
0x64: {  	s28 =	sadd.s32 $0x80, s28;
	s30 =	smov.u32 s31;
	s0 =	sadd.s32 $0x4, s31;
	[tilespmem:s29+$0x8370] =	vst v0  }
0x65: {  	p0 =	sne.s32 s31, $0x1FC;
	v0 =	vld [tilespmem:s1+$0x80];
	_ =	sdelay $0x4  }
0x66: {  	(v2sf) =	vpush v0, $0x0;
	_ =	sdelay $0xe  }
0x67: {  	s1 =	spop (v2sf)  }
0x68: {  	s1 =	sshll.u32 s1, $0x9  }
0x69: {  	s29 =	sshra.s32 s1, $0x2;
	v0 =	vld [tilespmem:s28+$0xFFFFFFC0]  }
0x6a: {  	v1 =	vld [tilespmem:s29+$0x8300];
	_ =	sdelay $0x4  }
0x6b: {  	v0 =	vadd.f32 v0, v1;
	_ =	sdelay $0x1  }
0x6c: {  	[tilespmem:s29+$0x8300] =	vst v0;
	v0 =	vld [tilespmem:s29+$0x8310]  }
0x6d: {  	v1 =	vld [tilespmem:s28+$0xFFFFFFD0];
	_ =	sdelay $0x4  }
0x6e: {  	v0 =	vadd.f32 v1, v0;
	_ =	sdelay $0x1  }
0x6f: {  	[tilespmem:s29+$0x8310] =	vst v0;
	v0 =	vld [tilespmem:s29+$0x8320]  }
0x70: {  	v1 =	vld [tilespmem:s28+$0xFFFFFFE0];
	_ =	sdelay $0x4  }
0x71: {  	v0 =	vadd.f32 v1, v0;
	_ =	sdelay $0x1  }
0x72: {  	[tilespmem:s29+$0x8320] =	vst v0;
	v0 =	vld [tilespmem:s29+$0x8330]  }
0x73: {  	v1 =	vld [tilespmem:s28+$0xFFFFFFF0];
	_ =	sdelay $0x4  }
0x74: {  	v0 =	vadd.f32 v1, v0;
	_ =	sdelay $0x1  }
0x75: {  	[tilespmem:s29+$0x8330] =	vst v0;
	v0 =	vld [tilespmem:s29+$0x8340]  }
0x76: {  	v1 =	vld [tilespmem:s28+$0x0];
	_ =	sdelay $0x4  }
0x77: {  	v0 =	vadd.f32 v1, v0;
	_ =	sdelay $0x1  }
0x78: {  	[tilespmem:s29+$0x8340] =	vst v0;
	v0 =	vld [tilespmem:s29+$0x8350]  }
0x79: {  	v1 =	vld [tilespmem:s28+$0x10];
	_ =	sdelay $0x4  }
0x7a: {  	v0 =	vadd.f32 v1, v0;
	_ =	sdelay $0x1  }
0x7b: {  	[tilespmem:s29+$0x8350] =	vst v0;
	v0 =	vld [tilespmem:s29+$0x8360]  }
0x7c: {  	v1 =	vld [tilespmem:s28+$0x20];
	_ =	sdelay $0x4  }
0x7d: {  	v0 =	vadd.f32 v1, v0;
	_ =	sdelay $0x1  }
0x7e: {  	[tilespmem:s29+$0x8360] =	vst v0;
	v0 =	vld [tilespmem:s29+$0x8370]  }
0x7f: {  	v1 =	vld [tilespmem:s28+$0x30]  }
.Ltmp3:
0x80: {  	(pc) =	sbr.rel @p0 .LBB2_3-.Ltmp3, $2  }
0x81: {  	_ =	sdelay $0x2  }
0x82: {  	s31 =	smov.u32 s0;
	v0 =	vadd.f32 v1, v0  }
0x83: {  	_ = 	snop  }
0x84: {  	s0 =	sshra.s32 s30, $0x2;
	[tilespmem:s29+$0x8370] =	vst v0  }
0x85: {  	v0 =	vld [tilespmem:s0+$0x80];
	_ =	sdelay $0x4  }
0x86: {  	(v2sf) =	vpush v0, $0x0;
	_ =	sdelay $0xe  }
0x87: {  	s31 =	spop (v2sf)  }
0x88: {  	s1 =	sadd.s32 $0x80, s28;
	s0 =	sshll.u32 s31, $0x9  }
0x89: {  	v0 =	vld [tilespmem:s1+$0xFFFFFFC0];
	s0 =	sshra.s32 s0, $0x2  }
0x8a: {  	v1 =	vld [tilespmem:s0+$0x8300];
	_ =	sdelay $0x4  }
0x8b: {  	v0 =	vadd.f32 v0, v1;
	_ =	sdelay $0x1  }
0x8c: {  	[tilespmem:s0+$0x8300] =	vst v0;
	v0 =	vld [tilespmem:s0+$0x8310]  }
0x8d: {  	v1 =	vld [tilespmem:s1+$0xFFFFFFD0];
	_ =	sdelay $0x4  }
0x8e: {  	v0 =	vadd.f32 v1, v0;
	_ =	sdelay $0x1  }
0x8f: {  	[tilespmem:s0+$0x8310] =	vst v0;
	v0 =	vld [tilespmem:s0+$0x8320]  }
0x90: {  	v1 =	vld [tilespmem:s1+$0xFFFFFFE0];
	_ =	sdelay $0x4  }
0x91: {  	v0 =	vadd.f32 v1, v0;
	_ =	sdelay $0x1  }
0x92: {  	[tilespmem:s0+$0x8320] =	vst v0;
	v0 =	vld [tilespmem:s0+$0x8330]  }
0x93: {  	v1 =	vld [tilespmem:s1+$0xFFFFFFF0];
	_ =	sdelay $0x4  }
0x94: {  	v0 =	vadd.f32 v1, v0;
	_ =	sdelay $0x1  }
0x95: {  	[tilespmem:s0+$0x8330] =	vst v0;
	v0 =	vld [tilespmem:s0+$0x8340]  }
0x96: {  	v1 =	vld [tilespmem:s1+$0x0];
	_ =	sdelay $0x4  }
0x97: {  	v0 =	vadd.f32 v1, v0;
	_ =	sdelay $0x1  }
0x98: {  	[tilespmem:s0+$0x8340] =	vst v0;
	v0 =	vld [tilespmem:s0+$0x8350]  }
0x99: {  	v1 =	vld [tilespmem:s1+$0x10];
	_ =	sdelay $0x4  }
0x9a: {  	v0 =	vadd.f32 v1, v0;
	_ =	sdelay $0x1  }
0x9b: {  	[tilespmem:s0+$0x8350] =	vst v0;
	v0 =	vld [tilespmem:s0+$0x8360]  }
0x9c: {  	v1 =	vld [tilespmem:s1+$0x20];
	_ =	sdelay $0x4  }
0x9d: {  	v0 =	vadd.f32 v1, v0;
	_ =	sdelay $0x1  }
0x9e: {  	[tilespmem:s0+$0x8360] =	vst v0;
	v0 =	vld [tilespmem:s0+$0x8370]  }
0x9f: {  	v1 =	vld [tilespmem:s1+$0x30];
	_ =	sdelay $0x4  }
0xa0: {  	v0 =	vadd.f32 v1, v0;
	_ =	sdelay $0x1  }
0xa1: {  	[tilespmem:s0+$0x8370] =	vst v0  }
0xa2: {  	_ =	swait.ge [sflag:s22], $0x4000  }
0xa3: {  	[sflag:s22] =	ssyncset.done $0x0  }
0xa4: {  	s1 =	simm.s32 $0x0;
	[sflag:s22] =	ssyncadd.s32 $0xFFFFC000  }
0xa5: {  	v0 =	vld [tilespmem:s1+$0x4200];
	_ =	sdelay $0x4  }
0xa6: {  	(v2sf) =	vpush v0, $0x0;
	_ =	sdelay $0xe  }
0xa7: {  	s31 =	spop (v2sf)  }
0xa8: {  	s28 =	simm.s32 $0x4340;
	s0 =	sshll.u32 s31, $0x9  }
0xa9: {  	v0 =	vld [tilespmem:s28+$0xFFFFFFC0];
	s29 =	sshra.s32 s0, $0x2  }
0xaa: {  	v1 =	vld [tilespmem:s29+$0x8300];
	_ =	sdelay $0x4  }
0xab: {  	v0 =	vadd.f32 v0, v1;
	_ =	sdelay $0x1  }
0xac: {  	[tilespmem:s29+$0x8300] =	vst v0;
	v0 =	vld [tilespmem:s29+$0x8310]  }
0xad: {  	v1 =	vld [tilespmem:s28+$0xFFFFFFD0];
	_ =	sdelay $0x4  }
0xae: {  	v0 =	vadd.f32 v1, v0;
	_ =	sdelay $0x1  }
0xaf: {  	[tilespmem:s29+$0x8310] =	vst v0;
	v0 =	vld [tilespmem:s29+$0x8320]  }
0xb0: {  	v1 =	vld [tilespmem:s28+$0xFFFFFFE0];
	_ =	sdelay $0x4  }
0xb1: {  	v0 =	vadd.f32 v1, v0;
	_ =	sdelay $0x1  }
0xb2: {  	[tilespmem:s29+$0x8320] =	vst v0;
	v0 =	vld [tilespmem:s29+$0x8330]  }
0xb3: {  	v1 =	vld [tilespmem:s28+$0xFFFFFFF0];
	_ =	sdelay $0x4  }
0xb4: {  	v0 =	vadd.f32 v1, v0;
	_ =	sdelay $0x1  }
0xb5: {  	[tilespmem:s29+$0x8330] =	vst v0;
	v0 =	vld [tilespmem:s29+$0x8340]  }
0xb6: {  	v1 =	vld [tilespmem:s28+$0x0];
	_ =	sdelay $0x4  }
0xb7: {  	v0 =	vadd.f32 v1, v0;
	_ =	sdelay $0x1  }
0xb8: {  	[tilespmem:s29+$0x8340] =	vst v0;
	v0 =	vld [tilespmem:s29+$0x8350]  }
0xb9: {  	v1 =	vld [tilespmem:s28+$0x10];
	_ =	sdelay $0x4  }
0xba: {  	v0 =	vadd.f32 v1, v0;
	_ =	sdelay $0x1  }
0xbb: {  	[tilespmem:s29+$0x8350] =	vst v0;
	v0 =	vld [tilespmem:s29+$0x8360]  }
0xbc: {  	v1 =	vld [tilespmem:s28+$0x20];
	_ =	sdelay $0x4  }
0xbd: {  	v0 =	vadd.f32 v1, v0;
	_ =	sdelay $0x1  }
0xbe: {  	[tilespmem:s29+$0x8360] =	vst v0;
	v0 =	vld [tilespmem:s29+$0x8370]  }
0xbf: {  	v1 =	vld [tilespmem:s28+$0x30];
	_ =	sdelay $0x4  }
0xc0: {  	s30 =	simm.s32 $0x4;
	s0 =	simm.s32 $0x8;
	v0 =	vadd.f32 v1, v0  }
.LBB2_5:
0xc1: {  	s1 =	sshra.s32 s30, $0x2  }
0xc2: {  	s28 =	sadd.s32 $0x80, s28;
	s30 =	smov.u32 s0;
	s31 =	sadd.s32 $0x4, s0;
	[tilespmem:s29+$0x8370] =	vst v0  }
0xc3: {  	p0 =	sne.s32 s0, $0x1FC;
	v0 =	vld [tilespmem:s1+$0x4200];
	_ =	sdelay $0x4  }
0xc4: {  	(v2sf) =	vpush v0, $0x0;
	_ =	sdelay $0xe  }
0xc5: {  	s0 =	spop (v2sf)  }
0xc6: {  	s0 =	sshll.u32 s0, $0x9  }
0xc7: {  	s29 =	sshra.s32 s0, $0x2;
	v0 =	vld [tilespmem:s28+$0xFFFFFFC0]  }
0xc8: {  	v1 =	vld [tilespmem:s29+$0x8300];
	_ =	sdelay $0x4  }
0xc9: {  	v0 =	vadd.f32 v0, v1;
	_ =	sdelay $0x1  }
0xca: {  	[tilespmem:s29+$0x8300] =	vst v0;
	v0 =	vld [tilespmem:s29+$0x8310]  }
0xcb: {  	v1 =	vld [tilespmem:s28+$0xFFFFFFD0];
	_ =	sdelay $0x4  }
0xcc: {  	v0 =	vadd.f32 v1, v0;
	_ =	sdelay $0x1  }
0xcd: {  	[tilespmem:s29+$0x8310] =	vst v0;
	v0 =	vld [tilespmem:s29+$0x8320]  }
0xce: {  	v1 =	vld [tilespmem:s28+$0xFFFFFFE0];
	_ =	sdelay $0x4  }
0xcf: {  	v0 =	vadd.f32 v1, v0;
	_ =	sdelay $0x1  }
0xd0: {  	[tilespmem:s29+$0x8320] =	vst v0;
	v0 =	vld [tilespmem:s29+$0x8330]  }
0xd1: {  	v1 =	vld [tilespmem:s28+$0xFFFFFFF0];
	_ =	sdelay $0x4  }
0xd2: {  	v0 =	vadd.f32 v1, v0;
	_ =	sdelay $0x1  }
0xd3: {  	[tilespmem:s29+$0x8330] =	vst v0;
	v0 =	vld [tilespmem:s29+$0x8340]  }
0xd4: {  	v1 =	vld [tilespmem:s28+$0x0];
	_ =	sdelay $0x4  }
0xd5: {  	v0 =	vadd.f32 v1, v0;
	_ =	sdelay $0x1  }
0xd6: {  	[tilespmem:s29+$0x8340] =	vst v0;
	v0 =	vld [tilespmem:s29+$0x8350]  }
0xd7: {  	v1 =	vld [tilespmem:s28+$0x10];
	_ =	sdelay $0x4  }
0xd8: {  	v0 =	vadd.f32 v1, v0;
	_ =	sdelay $0x1  }
0xd9: {  	[tilespmem:s29+$0x8350] =	vst v0;
	v0 =	vld [tilespmem:s29+$0x8360]  }
0xda: {  	v1 =	vld [tilespmem:s28+$0x20];
	_ =	sdelay $0x4  }
0xdb: {  	v0 =	vadd.f32 v1, v0;
	_ =	sdelay $0x1  }
0xdc: {  	[tilespmem:s29+$0x8360] =	vst v0;
	v0 =	vld [tilespmem:s29+$0x8370]  }
0xdd: {  	v1 =	vld [tilespmem:s28+$0x30]  }
.Ltmp4:
0xde: {  	(pc) =	sbr.rel @p0 .LBB2_5-.Ltmp4, $2  }
0xdf: {  	_ =	sdelay $0x2  }
0xe0: {  	s0 =	smov.u32 s31;
	v0 =	vadd.f32 v1, v0  }
0xe1: {  	_ = 	snop  }
0xe2: {  	s0 =	sshra.s32 s30, $0x2;
	[tilespmem:s29+$0x8370] =	vst v0  }
0xe3: {  	v0 =	vld [tilespmem:s0+$0x4200];
	_ =	sdelay $0x4  }
0xe4: {  	(v2sf) =	vpush v0, $0x0;
	_ =	sdelay $0xe  }
0xe5: {  	s31 =	spop (v2sf)  }
0xe6: {  	s1 =	sadd.s32 $0x80, s28;
	s0 =	sshll.u32 s31, $0x9  }
0xe7: {  	v49 =	vld [tilespmem:s1+$0xFFFFFFC0];
	s0 =	sshra.s32 s0, $0x2  }
0xe8: {  	v1 =	vld [tilespmem:s0+$0x8300];
	_ =	sdelay $0x4  }
0xe9: {  	v0 =	vadd.f32 v49, v1;
	_ =	sdelay $0x1  }
0xea: {  	v50 =	vld [tilespmem:s0+$0x8310];
	[tilespmem:s0+$0x8300] =	vst v0  }
0xeb: {  	v51 =	vld [tilespmem:s1+$0xFFFFFFD0];
	_ =	sdelay $0x4  }
0xec: {  	v0 =	vadd.f32 v51, v50;
	_ =	sdelay $0x1  }
0xed: {  	v52 =	vld [tilespmem:s0+$0x8320];
	[tilespmem:s0+$0x8310] =	vst v0  }
0xee: {  	v53 =	vld [tilespmem:s1+$0xFFFFFFE0];
	_ =	sdelay $0x4  }
0xef: {  	v0 =	vadd.f32 v53, v52;
	_ =	sdelay $0x1  }
0xf0: {  	v54 =	vld [tilespmem:s0+$0x8330];
	[tilespmem:s0+$0x8320] =	vst v0  }
0xf1: {  	v55 =	vld [tilespmem:s1+$0xFFFFFFF0];
	_ =	sdelay $0x4  }
0xf2: {  	v0 =	vadd.f32 v55, v54;
	_ =	sdelay $0x1  }
0xf3: {  	v56 =	vld [tilespmem:s0+$0x8340];
	[tilespmem:s0+$0x8330] =	vst v0  }
0xf4: {  	v57 =	vld [tilespmem:s1+$0x0];
	_ =	sdelay $0x4  }
0xf5: {  	v0 =	vadd.f32 v57, v56;
	_ =	sdelay $0x1  }
0xf6: {  	v58 =	vld [tilespmem:s0+$0x8350];
	[tilespmem:s0+$0x8340] =	vst v0  }
0xf7: {  	v59 =	vld [tilespmem:s1+$0x10];
	_ =	sdelay $0x4  }
0xf8: {  	v0 =	vadd.f32 v59, v58;
	_ =	sdelay $0x1  }
0xf9: {  	v60 =	vld [tilespmem:s0+$0x8360];
	[tilespmem:s0+$0x8350] =	vst v0  }
0xfa: {  	v61 =	vld [tilespmem:s1+$0x20];
	_ =	sdelay $0x4  }
0xfb: {  	v0 =	vadd.f32 v61, v60;
	_ =	sdelay $0x1  }
0xfc: {  	v62 =	vld [tilespmem:s0+$0x8370];
	[tilespmem:s0+$0x8360] =	vst v0  }
0xfd: {  	v63 =	vld [tilespmem:s1+$0x30]  }
0xfe: {  	s26 =	sadd.s32 $0x1, s26  }
0xff: {  	p0 =	sne.s32 s26, s25  }
.Ltmp5:
0x100: {  	_ = 	snop;
	(pc) =	sbr.rel @p0 .LBB2_2-.Ltmp5, $3  }
0x101: {  	_ = 	snop  }
0x102: {  	v0 =	vadd.f32 v63, v62;
	_ =	sdelay $0x1  }
0x103: {  	[tilespmem:s0+$0x8370] =	vst v0  }
.LBB2_7:
0x104: {  	s0 =	sand.u32 $0x1, s24  }
0x105: {  	p0 =	seq.s32 s0, $0x0  }
.Ltmp6:
0x106: {  	_ = 	snop;
	(pc) =	sbr.rel @p0 .LBB2_11-.Ltmp6, $1  }
0x107: {  	_ =	sdelay $0x3  }
0x108: {  	s0 =	sshll.u32 s24, $0x7  }
0x109: {  	s0 =	sadd.s32 s0, s10  }
0x10a: {  	s0 =	sshrl.u32 s0, $0x3  }
0x10b: {  	s29 =	simm.s32 $0x0;
	s1 =	sadd.s32 s4, s0  }
0x10c: {  	[tilespmem:s29], [sflag:$0x3] =	stream.linear.gather [hbm4b:s1+s29], $0x80, $0x38;
	[tilespmem:$0x12380] =	vst v63  }
0x10d: {  	_ =	swait.ge [sflag:s14], $0x80  }
0x10e: {  	[sflag:s14] =	ssyncset.done $0x0  }
0x10f: {  	s0 =	sadd.s32 s5, s0;
	[sflag:s14] =	ssyncadd.s32 $0xFFFFFF80  }
0x110: {  	[tilespmem:s17], [sflag:$0x3] =	stream.linear.gather [hbm4b:s0+s29], $0x80, $0x38;
	[tilespmem:$0x12380] =	vst v63  }
0x111: {  	_ =	swait.ge [sflag:s14], $0x80  }
0x112: {  	[sflag:s14] =	ssyncset.done $0x0  }
0x113: {  	[sflag:s14] =	ssyncadd.s32 $0xFFFFFF80  }
0x114: {  	[tilespmem:s18], [sflag:$0x1] =	stream.indirect.gather [hbm4b:s3+s17], $0x80, s29, s17, $0xb8;
	[tilespmem:$0x12380] =	vst v63  }
0x115: {  	_ =	swait.ge [sflag:s16], $0x4000  }
0x116: {  	[sflag:s16] =	ssyncset.done $0x0  }
0x117: {  	s30 =	simm.s32 $0x0;
	[sflag:s16] =	ssyncadd.s32 $0xFFFFC000  }
0x118: {  	v0 =	vld [tilespmem:s30+$0x80];
	_ =	sdelay $0x4  }
0x119: {  	(v2sf) =	vpush v0, $0x0;
	_ =	sdelay $0xe  }
0x11a: {  	s31 =	spop (v2sf)  }
0x11b: {  	s24 =	simm.s32 $0x1C0;
	s0 =	sshll.u32 s31, $0x9  }
0x11c: {  	v0 =	vld [tilespmem:s24+$0xFFFFFFC0];
	s25 =	sshra.s32 s0, $0x2  }
0x11d: {  	v1 =	vld [tilespmem:s25+$0x8300];
	_ =	sdelay $0x4  }
0x11e: {  	v0 =	vadd.f32 v0, v1;
	_ =	sdelay $0x1  }
0x11f: {  	[tilespmem:s25+$0x8300] =	vst v0;
	v0 =	vld [tilespmem:s25+$0x8310]  }
0x120: {  	v1 =	vld [tilespmem:s24+$0xFFFFFFD0];
	_ =	sdelay $0x4  }
0x121: {  	v0 =	vadd.f32 v1, v0;
	_ =	sdelay $0x1  }
0x122: {  	[tilespmem:s25+$0x8310] =	vst v0;
	v0 =	vld [tilespmem:s25+$0x8320]  }
0x123: {  	v1 =	vld [tilespmem:s24+$0xFFFFFFE0];
	_ =	sdelay $0x4  }
0x124: {  	v0 =	vadd.f32 v1, v0;
	_ =	sdelay $0x1  }
0x125: {  	[tilespmem:s25+$0x8320] =	vst v0;
	v0 =	vld [tilespmem:s25+$0x8330]  }
0x126: {  	v1 =	vld [tilespmem:s24+$0xFFFFFFF0];
	_ =	sdelay $0x4  }
0x127: {  	v0 =	vadd.f32 v1, v0;
	_ =	sdelay $0x1  }
0x128: {  	[tilespmem:s25+$0x8330] =	vst v0;
	v0 =	vld [tilespmem:s25+$0x8340]  }
0x129: {  	v1 =	vld [tilespmem:s24+$0x0];
	_ =	sdelay $0x4  }
0x12a: {  	v0 =	vadd.f32 v1, v0;
	_ =	sdelay $0x1  }
0x12b: {  	[tilespmem:s25+$0x8340] =	vst v0;
	v0 =	vld [tilespmem:s25+$0x8350]  }
0x12c: {  	v1 =	vld [tilespmem:s24+$0x10];
	_ =	sdelay $0x4  }
0x12d: {  	v0 =	vadd.f32 v1, v0;
	_ =	sdelay $0x1  }
0x12e: {  	[tilespmem:s25+$0x8350] =	vst v0;
	v0 =	vld [tilespmem:s25+$0x8360]  }
0x12f: {  	v1 =	vld [tilespmem:s24+$0x20];
	_ =	sdelay $0x4  }
0x130: {  	v0 =	vadd.f32 v1, v0;
	_ =	sdelay $0x1  }
0x131: {  	[tilespmem:s25+$0x8360] =	vst v0;
	v0 =	vld [tilespmem:s25+$0x8370]  }
0x132: {  	v1 =	vld [tilespmem:s24+$0x30];
	_ =	sdelay $0x4  }
0x133: {  	s26 =	simm.s32 $0x4;
	s0 =	simm.s32 $0x8;
	v0 =	vadd.f32 v1, v0  }
.LBB2_9:
0x134: {  	s1 =	sshra.s32 s26, $0x2  }
0x135: {  	s24 =	sadd.s32 $0x80, s24;
	s26 =	smov.u32 s0;
	s28 =	sadd.s32 $0x4, s0;
	[tilespmem:s25+$0x8370] =	vst v0  }
0x136: {  	p0 =	sne.s32 s0, $0x1FC;
	v0 =	vld [tilespmem:s1+$0x80];
	_ =	sdelay $0x4  }
0x137: {  	(v2sf) =	vpush v0, $0x0;
	_ =	sdelay $0xe  }
0x138: {  	s0 =	spop (v2sf)  }
0x139: {  	s0 =	sshll.u32 s0, $0x9  }
0x13a: {  	s25 =	sshra.s32 s0, $0x2;
	v0 =	vld [tilespmem:s24+$0xFFFFFFC0]  }
0x13b: {  	v1 =	vld [tilespmem:s25+$0x8300];
	_ =	sdelay $0x4  }
0x13c: {  	v0 =	vadd.f32 v0, v1;
	_ =	sdelay $0x1  }
0x13d: {  	[tilespmem:s25+$0x8300] =	vst v0;
	v0 =	vld [tilespmem:s25+$0x8310]  }
0x13e: {  	v1 =	vld [tilespmem:s24+$0xFFFFFFD0];
	_ =	sdelay $0x4  }
0x13f: {  	v0 =	vadd.f32 v1, v0;
	_ =	sdelay $0x1  }
0x140: {  	[tilespmem:s25+$0x8310] =	vst v0;
	v0 =	vld [tilespmem:s25+$0x8320]  }
0x141: {  	v1 =	vld [tilespmem:s24+$0xFFFFFFE0];
	_ =	sdelay $0x4  }
0x142: {  	v0 =	vadd.f32 v1, v0;
	_ =	sdelay $0x1  }
0x143: {  	[tilespmem:s25+$0x8320] =	vst v0;
	v0 =	vld [tilespmem:s25+$0x8330]  }
0x144: {  	v1 =	vld [tilespmem:s24+$0xFFFFFFF0];
	_ =	sdelay $0x4  }
0x145: {  	v0 =	vadd.f32 v1, v0;
	_ =	sdelay $0x1  }
0x146: {  	[tilespmem:s25+$0x8330] =	vst v0;
	v0 =	vld [tilespmem:s25+$0x8340]  }
0x147: {  	v1 =	vld [tilespmem:s24+$0x0];
	_ =	sdelay $0x4  }
0x148: {  	v0 =	vadd.f32 v1, v0;
	_ =	sdelay $0x1  }
0x149: {  	[tilespmem:s25+$0x8340] =	vst v0;
	v0 =	vld [tilespmem:s25+$0x8350]  }
0x14a: {  	v1 =	vld [tilespmem:s24+$0x10];
	_ =	sdelay $0x4  }
0x14b: {  	v0 =	vadd.f32 v1, v0;
	_ =	sdelay $0x1  }
0x14c: {  	[tilespmem:s25+$0x8350] =	vst v0;
	v0 =	vld [tilespmem:s25+$0x8360]  }
0x14d: {  	v1 =	vld [tilespmem:s24+$0x20];
	_ =	sdelay $0x4  }
0x14e: {  	v0 =	vadd.f32 v1, v0;
	_ =	sdelay $0x1  }
0x14f: {  	[tilespmem:s25+$0x8360] =	vst v0;
	v0 =	vld [tilespmem:s25+$0x8370]  }
0x150: {  	v1 =	vld [tilespmem:s24+$0x30]  }
.Ltmp7:
0x151: {  	(pc) =	sbr.rel @p0 .LBB2_9-.Ltmp7, $2  }
0x152: {  	_ =	sdelay $0x2  }
0x153: {  	s0 =	smov.u32 s28;
	v0 =	vadd.f32 v1, v0  }
0x154: {  	_ = 	snop  }
0x155: {  	s0 =	sshra.s32 s26, $0x2;
	[tilespmem:s25+$0x8370] =	vst v0  }
0x156: {  	v0 =	vld [tilespmem:s0+$0x80];
	_ =	sdelay $0x4  }
0x157: {  	(v2sf) =	vpush v0, $0x0;
	_ =	sdelay $0xe  }
0x158: {  	s31 =	spop (v2sf)  }
0x159: {  	s1 =	sadd.s32 $0x80, s24;
	s0 =	sshll.u32 s31, $0x9  }
0x15a: {  	v49 =	vld [tilespmem:s1+$0xFFFFFFC0];
	s0 =	sshra.s32 s0, $0x2  }
0x15b: {  	v1 =	vld [tilespmem:s0+$0x8300];
	_ =	sdelay $0x4  }
0x15c: {  	v0 =	vadd.f32 v49, v1;
	_ =	sdelay $0x1  }
0x15d: {  	v50 =	vld [tilespmem:s0+$0x8310];
	[tilespmem:s0+$0x8300] =	vst v0  }
0x15e: {  	v51 =	vld [tilespmem:s1+$0xFFFFFFD0];
	_ =	sdelay $0x4  }
0x15f: {  	v0 =	vadd.f32 v51, v50;
	_ =	sdelay $0x1  }
0x160: {  	v52 =	vld [tilespmem:s0+$0x8320];
	[tilespmem:s0+$0x8310] =	vst v0  }
0x161: {  	v53 =	vld [tilespmem:s1+$0xFFFFFFE0];
	_ =	sdelay $0x4  }
0x162: {  	v0 =	vadd.f32 v53, v52;
	_ =	sdelay $0x1  }
0x163: {  	v54 =	vld [tilespmem:s0+$0x8330];
	[tilespmem:s0+$0x8320] =	vst v0  }
0x164: {  	v55 =	vld [tilespmem:s1+$0xFFFFFFF0];
	_ =	sdelay $0x4  }
0x165: {  	v0 =	vadd.f32 v55, v54;
	_ =	sdelay $0x1  }
0x166: {  	v56 =	vld [tilespmem:s0+$0x8340];
	[tilespmem:s0+$0x8330] =	vst v0  }
0x167: {  	v57 =	vld [tilespmem:s1+$0x0];
	_ =	sdelay $0x4  }
0x168: {  	v0 =	vadd.f32 v57, v56;
	_ =	sdelay $0x1  }
0x169: {  	v58 =	vld [tilespmem:s0+$0x8350];
	[tilespmem:s0+$0x8340] =	vst v0  }
0x16a: {  	v59 =	vld [tilespmem:s1+$0x10];
	_ =	sdelay $0x4  }
0x16b: {  	v0 =	vadd.f32 v59, v58;
	_ =	sdelay $0x1  }
0x16c: {  	v60 =	vld [tilespmem:s0+$0x8360];
	[tilespmem:s0+$0x8350] =	vst v0  }
0x16d: {  	v61 =	vld [tilespmem:s1+$0x20];
	_ =	sdelay $0x4  }
0x16e: {  	v0 =	vadd.f32 v61, v60;
	_ =	sdelay $0x1  }
0x16f: {  	v62 =	vld [tilespmem:s0+$0x8370];
	[tilespmem:s0+$0x8360] =	vst v0  }
0x170: {  	v63 =	vld [tilespmem:s1+$0x30];
	_ =	sdelay $0x2  }
.Ltmp8:
0x171: {  	_ = 	snop;
	(pc) =	sbr.rel .LBB2_11-.Ltmp8, $3  }
0x172: {  	_ = 	snop  }
0x173: {  	v0 =	vadd.f32 v63, v62;
	_ =	sdelay $0x1  }
0x174: {  	[tilespmem:s0+$0x8370] =	vst v0  }
.LBB2_12:
0x175: {  	_ =	sfence.sel $0x180000  }
0x176: {  	[bflag:$0x0] =	sbarrier.arrive $0xFFFF  }
0x177: {  	_ =	strace $0x90000050  }
0x178: {  	s0 =	stileid.u32;
	[bflag:$0x2] =	sbarrier.arrive $0xFFFF  }
0x179: {  	p0 =	sne.s32 s0, $0x0;
	s0 =	rddreg [dreg:$0x2]  }
0x17a: {  	s0 =	sadd.s32 @!p0 $0x100000, s0  }
0x17b: {  	[sflag:s0] =	ssyncadd.tile.s32 @!p0 $0x1;
	_ =	shalt  }
.Lfunc_end2:
_tile_overlayer_lowered:
.L_overlay_start_2:
0x17c: {  	(tag) =	ssettag $0x2  }
0x17d: {  	s0 =	rddreg [dreg:$0x0];
	s2 =	stileid.u32  }
0x17e: {  	s1 =	rddreg [dreg:$0x1];
	p0 =	sne.s32 s2, $0x0  }
0x17f: {  	s3 =	rddreg [dreg:$0x2];
	[bflag:$0x3] =	sbarrier.arrive $0xFFFF;
	s2 =	simm.s32 @!p0 $0x1C03  }
0x180: {  	[timem:s3], [sflag:s2] =	dma.local @!p0 [hbm:s0], s1  }
0x181: {  	s0 =	simm.s32 @!p0 $0x3  }
0x182: {  	_ =	swait.ge @!p0 [sflag:s0], s1  }
0x183: {  	s1 =	ssub.s32 @!p0 $0x0, s1;
	[sflag:s0] =	ssyncset.done @!p0 $0x0  }
0x184: {  	[sflag:s0] =	ssyncadd.s32 @!p0 s1  }
0x185: {  	[bflag:$0x3] =	sbarrier.arrive $0xFFFF  }
0x186: {  	_ =	shalt  }

</sc_bundles>
